<compile_context>
chip_gen: v7x
topology: tpu7x:2x2x1
jax: 0.10.2.dev20260603
libtpu: 0.0.44.dev20260713+nightly
codegen_flags: <defaults>
</compile_context>

<pallas_src>
import functools
import math

import jax
import jax.numpy as jnp
from jax import lax
from jax.experimental import pallas as pl
from jax.experimental.pallas import tpu as pltpu
from jax.experimental.pallas import tpu_sc as plsc

_D = 64
_SCALE = math.sqrt(_D)
_NC = 2
_NS = 16
_NW = _NC * _NS
_LANES = 16
_CHUNK = 640
_SUB = 128


@functools.partial(jax.jit, static_argnames=("n_per_w",))
def _embed(x_flat, table, n_per_w):
    n = x_flat.shape[0]
    n_chunks = n_per_w // _CHUNK
    mesh = plsc.VectorSubcoreMesh(core_axis_name="c", subcore_axis_name="s")

    @functools.partial(
        pl.kernel,
        mesh=mesh,
        compiler_params=pltpu.CompilerParams(
            use_tc_tiling_on_sc=False, needs_layout_passes=False),
        out_type=jax.ShapeDtypeStruct((n, _D), jnp.float32),
        scratch_types=[
            pltpu.VMEM((n_per_w,), jnp.int32),
            pltpu.VMEM((_CHUNK, _D), jnp.float32),
            pltpu.VMEM((_CHUNK, _D), jnp.float32),
            pltpu.SemaphoreType.DMA,
            pltpu.SemaphoreType.DMA,
            pltpu.SemaphoreType.DMA,
            pltpu.SemaphoreType.DMA,
        ],
    )
    def k(x_hbm, table_hbm, out_hbm, idx_v, rows0, rows1, g0, g1, s0, s1):
        wid = lax.axis_index("s") * _NC + lax.axis_index("c")
        base = pl.multiple_of(wid * n_per_w, _CHUNK)
        pltpu.sync_copy(x_hbm.at[pl.ds(base, n_per_w)], idx_v)

        rows = (rows0, rows1)
        gsem = (g0, g1)
        ssem = (s0, s1)

        def fire_gathers(ci, buf):
            descs = []
            for j in range(_CHUNK // _SUB):
                o = ci * _CHUNK + j * _SUB
                descs.append(
                    pltpu.async_copy(
                        table_hbm.at[idx_v.at[pl.ds(o, _SUB)]],
                        rows[buf].at[pl.ds(j * _SUB, _SUB), :],
                        gsem[buf],
                    )
                )
            return descs

        def add_pass(buf):
            def row_body(r, c2):
                for j in range(_D // _LANES):
                    sl = pl.ds(j * _LANES, _LANES)
                    rows[buf][r, sl] = rows[buf][r, sl] + _SCALE
                return c2

            lax.fori_loop(0, _CHUNK, row_body, 0, unroll=4)

        gd = {}
        sd = {}
        for ci in range(n_chunks + 1):
            if ci < n_chunks:
                buf = ci & 1
                if ci >= 2:
                    sd[ci - 2].wait()
                gd[ci] = fire_gathers(ci, buf)
            if ci >= 1:
                pbuf = (ci - 1) & 1
                for d in gd[ci - 1]:
                    d.wait()
                add_pass(pbuf)
                off = pl.multiple_of(base + (ci - 1) * _CHUNK, _CHUNK)
                sd[ci - 1] = pltpu.async_copy(
                    rows[pbuf], out_hbm.at[pl.ds(off, _CHUNK)], ssem[pbuf]
                )
        sd[n_chunks - 2].wait()
        sd[n_chunks - 1].wait()

    return k(x_flat, table)


def kernel(x, table):
    b, l = x.shape
    n = b * l
    n_per_w = n // _NW
    x_flat = x.reshape(n).astype(jnp.int32)
    out = _embed(x_flat, table, n_per_w)
    return out.reshape(b, l, _D)

# --- scband reference (transcript-rebuilt; emitter-appended) ---
"""Pipeline reference for scband-grapheme-embedding-65077344469578 (READ-ONLY COPY).

The authoritative reference and input builder live on the scoring server;
editing this copy changes nothing except your own understanding.
"""

import jax, jax.numpy as jnp
import numpy as np
import math

D_MODEL = 64
VOCAB = 1000000
PAD = 0
B = 4096
L = 50

def setup_inputs(seed: int = 0) -> dict:
    key = jax.random.key(seed)
    k1, k2 = jax.random.split(key)
    x = jax.random.randint(k1, (B, L), 0, VOCAB)
    table = jax.random.normal(k2, (VOCAB, D_MODEL), dtype=jnp.float32)
    # nn.Embedding with padding_idx initializes the padding row to zeros
    table = table.at[PAD].set(0.0)
    return {"x": x, "table": table}

def reference(x, table):
    # GraphemeEmbedding.forward: embed(x) + math.sqrt(d_model)
    # (faithful to the original: scalar ADD of sqrt(d_model), not multiply)
    emb = jnp.take(table, x, axis=0)
    return emb + math.sqrt(D_MODEL)

if __name__ == "__main__":
    import jax
    _d = setup_inputs()
    print(jax.jit(kernel)(*tuple(_d.values())))

</pallas_src>

<mosaic_0001>
#map = affine_map<(d0, d1) -> (0)>
#map1 = affine_map<(d0, d1) -> (0, 0)>
module attributes {stable_mosaic.version = 14 : i64} {
  func.func @k(%arg0: i32, %arg1: i32, %arg2: memref<204800xi32, #tpu.memory_space<hbm>>, %arg3: memref<1000000x64xf32, #tpu.memory_space<hbm>>, %arg4: memref<204800x64xf32, #tpu.memory_space<hbm>>, %arg5: memref<6400xi32, #tpu.memory_space<vmem>>, %arg6: memref<640x64xf32, #tpu.memory_space<vmem>>, %arg7: memref<640x64xf32, #tpu.memory_space<vmem>>, %arg8: memref<!tpu.dma_semaphore, #tpu.memory_space<semaphore_mem>>, %arg9: memref<!tpu.dma_semaphore, #tpu.memory_space<semaphore_mem>>, %arg10: memref<!tpu.dma_semaphore, #tpu.memory_space<semaphore_mem>>, %arg11: memref<!tpu.dma_semaphore, #tpu.memory_space<semaphore_mem>>) attributes {dimension_semantics = [#tpu.dimension_semantics<core_parallel>, #tpu.dimension_semantics<subcore_parallel>], iteration_bounds = array<i64: 2, 16>, scalar_prefetch = 0 : i64, scratch_operands = 7 : i64, tpu.core_type = #tpu.core_type<sc_vector_subcore>, window_params = [{transform_indices = #map}, {transform_indices = #map1}, {transform_indices = #map1}]} {
    %mul3A = arith.constant 2 : i32
    %mul3A_0 = arith.muli %arg1, %mul3A : i32
    %add3A = arith.addi %mul3A_0, %arg0 : i32
    %mul3A_1 = arith.constant 6400 : i32
    %mul3A_2 = arith.muli %add3A, %mul3A_1 : i32
    %multiple_of3A = tpu.assume_multiple %mul3A_2, 640 : i32
    "tpu.region"() ({
      %run_scoped3A = tpu.sem_alloc : memref<!tpu.dma_semaphore, #tpu.memory_space<semaphore_mem>>
      %dma_start3A_970 = tpu.memref_slice %arg2[%multiple_of3A] : memref<204800xi32, #tpu.memory_space<hbm>> -> memref<6400xi32, #tpu.memory_space<hbm>>
      %dma_start3A_971 = tpu.memref_slice %arg2[%multiple_of3A] : memref<204800xi32, #tpu.memory_space<hbm>> -> memref<6400xi32, #tpu.memory_space<hbm>>
      tpu.enqueue_dma source(%dma_start3A_971 : memref<6400xi32, #tpu.memory_space<hbm>>) target(%arg5 : memref<6400xi32, #tpu.memory_space<vmem>>) target_semaphore(%run_scoped3A : memref<!tpu.dma_semaphore, #tpu.memory_space<semaphore_mem>>)
      %dma_wait3A_972 = tpu.memref_slice %arg2[%multiple_of3A] : memref<204800xi32, #tpu.memory_space<hbm>> -> memref<6400xi32, #tpu.memory_space<hbm>>
      %dma_wait3A_973 = tpu.memref_slice %arg2[%multiple_of3A] : memref<204800xi32, #tpu.memory_space<hbm>> -> memref<6400xi32, #tpu.memory_space<hbm>>
      tpu.wait_dma2 semaphore(%run_scoped3A : memref<!tpu.dma_semaphore, #tpu.memory_space<semaphore_mem>>) src(%dma_wait3A_973 : memref<6400xi32, #tpu.memory_space<hbm>>) dst(%arg5 : memref<6400xi32, #tpu.memory_space<vmem>>)
      tpu.yield
    }) : () -> ()
    %dma_start3A = arith.constant 0 : i32
    %dma_start3A_3 = arith.constant 0 : i32
    %dma_start3A_4 = tpu.memref_slice %arg6[%dma_start3A, %dma_start3A_3] : memref<640x64xf32, #tpu.memory_space<vmem>> -> memref<128x64xf32, #tpu.memory_space<vmem>>
    %dma_start3A_5 = arith.constant 0 : i32
    %dma_start3A_6 = tpu.memref_slice %arg5[%dma_start3A_5] : memref<6400xi32, #tpu.memory_space<vmem>> -> memref<128xi32, #tpu.memory_space<vmem>>
    %dma_start3A_7 = arith.constant 0 : i32
    %dma_start3A_8 = arith.constant 0 : i32
    %dma_start3A_9 = tpu.memref_slice %arg3[%dma_start3A_7, %dma_start3A_8] : memref<1000000x64xf32, #tpu.memory_space<hbm>> -> memref<1000000x64xf32, #tpu.memory_space<hbm>>
    tpu.enqueue_indirect_dma source(%dma_start3A_9 : memref<1000000x64xf32, #tpu.memory_space<hbm>>) target(%dma_start3A_4 : memref<128x64xf32, #tpu.memory_space<vmem>>) offsets(%dma_start3A_6 : memref<128xi32, #tpu.memory_space<vmem>>) semaphore(%arg8 : memref<!tpu.dma_semaphore, #tpu.memory_space<semaphore_mem>>)
    %dma_start3A_10 = arith.constant 128 : i32
    %dma_start3A_11 = arith.constant 0 : i32
    %dma_start3A_12 = tpu.memref_slice %arg6[%dma_start3A_10, %dma_start3A_11] : memref<640x64xf32, #tpu.memory_space<vmem>> -> memref<128x64xf32, #tpu.memory_space<vmem>>
    %dma_start3A_13 = arith.constant 128 : i32
    %dma_start3A_14 = tpu.memref_slice %arg5[%dma_start3A_13] : memref<6400xi32, #tpu.memory_space<vmem>> -> memref<128xi32, #tpu.memory_space<vmem>>
    %dma_start3A_15 = arith.constant 0 : i32
    %dma_start3A_16 = arith.constant 0 : i32
    %dma_start3A_17 = tpu.memref_slice %arg3[%dma_start3A_15, %dma_start3A_16] : memref<1000000x64xf32, #tpu.memory_space<hbm>> -> memref<1000000x64xf32, #tpu.memory_space<hbm>>
    tpu.enqueue_indirect_dma source(%dma_start3A_17 : memref<1000000x64xf32, #tpu.memory_space<hbm>>) target(%dma_start3A_12 : memref<128x64xf32, #tpu.memory_space<vmem>>) offsets(%dma_start3A_14 : memref<128xi32, #tpu.memory_space<vmem>>) semaphore(%arg8 : memref<!tpu.dma_semaphore, #tpu.memory_space<semaphore_mem>>)
    %dma_start3A_18 = arith.constant 256 : i32
    %dma_start3A_19 = arith.constant 0 : i32
    %dma_start3A_20 = tpu.memref_slice %arg6[%dma_start3A_18, %dma_start3A_19] : memref<640x64xf32, #tpu.memory_space<vmem>> -> memref<128x64xf32, #tpu.memory_space<vmem>>
    %dma_start3A_21 = arith.constant 256 : i32
    %dma_start3A_22 = tpu.memref_slice %arg5[%dma_start3A_21] : memref<6400xi32, #tpu.memory_space<vmem>> -> memref<128xi32, #tpu.memory_space<vmem>>
    %dma_start3A_23 = arith.constant 0 : i32
    %dma_start3A_24 = arith.constant 0 : i32
    %dma_start3A_25 = tpu.memref_slice %arg3[%dma_start3A_23, %dma_start3A_24] : memref<1000000x64xf32, #tpu.memory_space<hbm>> -> memref<1000000x64xf32, #tpu.memory_space<hbm>>
    tpu.enqueue_indirect_dma source(%dma_start3A_25 : memref<1000000x64xf32, #tpu.memory_space<hbm>>) target(%dma_start3A_20 : memref<128x64xf32, #tpu.memory_space<vmem>>) offsets(%dma_start3A_22 : memref<128xi32, #tpu.memory_space<vmem>>) semaphore(%arg8 : memref<!tpu.dma_semaphore, #tpu.memory_space<semaphore_mem>>)
    %dma_start3A_26 = arith.constant 384 : i32
    %dma_start3A_27 = arith.constant 0 : i32
    %dma_start3A_28 = tpu.memref_slice %arg6[%dma_start3A_26, %dma_start3A_27] : memref<640x64xf32, #tpu.memory_space<vmem>> -> memref<128x64xf32, #tpu.memory_space<vmem>>
    %dma_start3A_29 = arith.constant 384 : i32
    %dma_start3A_30 = tpu.memref_slice %arg5[%dma_start3A_29] : memref<6400xi32, #tpu.memory_space<vmem>> -> memref<128xi32, #tpu.memory_space<vmem>>
    %dma_start3A_31 = arith.constant 0 : i32
    %dma_start3A_32 = arith.constant 0 : i32
    %dma_start3A_33 = tpu.memref_slice %arg3[%dma_start3A_31, %dma_start3A_32] : memref<1000000x64xf32, #tpu.memory_space<hbm>> -> memref<1000000x64xf32, #tpu.memory_space<hbm>>
    tpu.enqueue_indirect_dma source(%dma_start3A_33 : memref<1000000x64xf32, #tpu.memory_space<hbm>>) target(%dma_start3A_28 : memref<128x64xf32, #tpu.memory_space<vmem>>) offsets(%dma_start3A_30 : memref<128xi32, #tpu.memory_space<vmem>>) semaphore(%arg8 : memref<!tpu.dma_semaphore, #tpu.memory_space<semaphore_mem>>)
    %dma_start3A_34 = arith.constant 512 : i32
    %dma_start3A_35 = arith.constant 0 : i32
    %dma_start3A_36 = tpu.memref_slice %arg6[%dma_start3A_34, %dma_start3A_35] : memref<640x64xf32, #tpu.memory_space<vmem>> -> memref<128x64xf32, #tpu.memory_space<vmem>>
    %dma_start3A_37 = arith.constant 512 : i32
    %dma_start3A_38 = tpu.memref_slice %arg5[%dma_start3A_37] : memref<6400xi32, #tpu.memory_space<vmem>> -> memref<128xi32, #tpu.memory_space<vmem>>
    %dma_start3A_39 = arith.constant 0 : i32
    %dma_start3A_40 = arith.constant 0 : i32
    %dma_start3A_41 = tpu.memref_slice %arg3[%dma_start3A_39, %dma_start3A_40] : memref<1000000x64xf32, #tpu.memory_space<hbm>> -> memref<1000000x64xf32, #tpu.memory_space<hbm>>
    tpu.enqueue_indirect_dma source(%dma_start3A_41 : memref<1000000x64xf32, #tpu.memory_space<hbm>>) target(%dma_start3A_36 : memref<128x64xf32, #tpu.memory_space<vmem>>) offsets(%dma_start3A_38 : memref<128xi32, #tpu.memory_space<vmem>>) semaphore(%arg8 : memref<!tpu.dma_semaphore, #tpu.memory_space<semaphore_mem>>)
    %dma_start3A_42 = arith.constant 0 : i32
    %dma_start3A_43 = arith.constant 0 : i32
    %dma_start3A_44 = tpu.memref_slice %arg7[%dma_start3A_42, %dma_start3A_43] : memref<640x64xf32, #tpu.memory_space<vmem>> -> memref<128x64xf32, #tpu.memory_space<vmem>>
    %dma_start3A_45 = arith.constant 640 : i32
    %dma_start3A_46 = tpu.memref_slice %arg5[%dma_start3A_45] : memref<6400xi32, #tpu.memory_space<vmem>> -> memref<128xi32, #tpu.memory_space<vmem>>
    %dma_start3A_47 = arith.constant 0 : i32
    %dma_start3A_48 = arith.constant 0 : i32
    %dma_start3A_49 = tpu.memref_slice %arg3[%dma_start3A_47, %dma_start3A_48] : memref<1000000x64xf32, #tpu.memory_space<hbm>> -> memref<1000000x64xf32, #tpu.memory_space<hbm>>
    tpu.enqueue_indirect_dma source(%dma_start3A_49 : memref<1000000x64xf32, #tpu.memory_space<hbm>>) target(%dma_start3A_44 : memref<128x64xf32, #tpu.memory_space<vmem>>) offsets(%dma_start3A_46 : memref<128xi32, #tpu.memory_space<vmem>>) semaphore(%arg9 : memref<!tpu.dma_semaphore, #tpu.memory_space<semaphore_mem>>)
    %dma_start3A_50 = arith.constant 128 : i32
    %dma_start3A_51 = arith.constant 0 : i32
    %dma_start3A_52 = tpu.memref_slice %arg7[%dma_start3A_50, %dma_start3A_51] : memref<640x64xf32, #tpu.memory_space<vmem>> -> memref<128x64xf32, #tpu.memory_space<vmem>>
    %dma_start3A_53 = arith.constant 768 : i32
    %dma_start3A_54 = tpu.memref_slice %arg5[%dma_start3A_53] : memref<6400xi32, #tpu.memory_space<vmem>> -> memref<128xi32, #tpu.memory_space<vmem>>
    %dma_start3A_55 = arith.constant 0 : i32
    %dma_start3A_56 = arith.constant 0 : i32
    %dma_start3A_57 = tpu.memref_slice %arg3[%dma_start3A_55, %dma_start3A_56] : memref<1000000x64xf32, #tpu.memory_space<hbm>> -> memref<1000000x64xf32, #tpu.memory_space<hbm>>
    tpu.enqueue_indirect_dma source(%dma_start3A_57 : memref<1000000x64xf32, #tpu.memory_space<hbm>>) target(%dma_start3A_52 : memref<128x64xf32, #tpu.memory_space<vmem>>) offsets(%dma_start3A_54 : memref<128xi32, #tpu.memory_space<vmem>>) semaphore(%arg9 : memref<!tpu.dma_semaphore, #tpu.memory_space<semaphore_mem>>)
    %dma_start3A_58 = arith.constant 256 : i32
    %dma_start3A_59 = arith.constant 0 : i32
    %dma_start3A_60 = tpu.memref_slice %arg7[%dma_start3A_58, %dma_start3A_59] : memref<640x64xf32, #tpu.memory_space<vmem>> -> memref<128x64xf32, #tpu.memory_space<vmem>>
    %dma_start3A_61 = arith.constant 896 : i32
    %dma_start3A_62 = tpu.memref_slice %arg5[%dma_start3A_61] : memref<6400xi32, #tpu.memory_space<vmem>> -> memref<128xi32, #tpu.memory_space<vmem>>
    %dma_start3A_63 = arith.constant 0 : i32
    %dma_start3A_64 = arith.constant 0 : i32
    %dma_start3A_65 = tpu.memref_slice %arg3[%dma_start3A_63, %dma_start3A_64] : memref<1000000x64xf32, #tpu.memory_space<hbm>> -> memref<1000000x64xf32, #tpu.memory_space<hbm>>
    tpu.enqueue_indirect_dma source(%dma_start3A_65 : memref<1000000x64xf32, #tpu.memory_space<hbm>>) target(%dma_start3A_60 : memref<128x64xf32, #tpu.memory_space<vmem>>) offsets(%dma_start3A_62 : memref<128xi32, #tpu.memory_space<vmem>>) semaphore(%arg9 : memref<!tpu.dma_semaphore, #tpu.memory_space<semaphore_mem>>)
    %dma_start3A_66 = arith.constant 384 : i32
    %dma_start3A_67 = arith.constant 0 : i32
    %dma_start3A_68 = tpu.memref_slice %arg7[%dma_start3A_66, %dma_start3A_67] : memref<640x64xf32, #tpu.memory_space<vmem>> -> memref<128x64xf32, #tpu.memory_space<vmem>>
    %dma_start3A_69 = arith.constant 1024 : i32
    %dma_start3A_70 = tpu.memref_slice %arg5[%dma_start3A_69] : memref<6400xi32, #tpu.memory_space<vmem>> -> memref<128xi32, #tpu.memory_space<vmem>>
    %dma_start3A_71 = arith.constant 0 : i32
    %dma_start3A_72 = arith.constant 0 : i32
    %dma_start3A_73 = tpu.memref_slice %arg3[%dma_start3A_71, %dma_start3A_72] : memref<1000000x64xf32, #tpu.memory_space<hbm>> -> memref<1000000x64xf32, #tpu.memory_space<hbm>>
    tpu.enqueue_indirect_dma source(%dma_start3A_73 : memref<1000000x64xf32, #tpu.memory_space<hbm>>) target(%dma_start3A_68 : memref<128x64xf32, #tpu.memory_space<vmem>>) offsets(%dma_start3A_70 : memref<128xi32, #tpu.memory_space<vmem>>) semaphore(%arg9 : memref<!tpu.dma_semaphore, #tpu.memory_space<semaphore_mem>>)
    %dma_start3A_74 = arith.constant 512 : i32
    %dma_start3A_75 = arith.constant 0 : i32
    %dma_start3A_76 = tpu.memref_slice %arg7[%dma_start3A_74, %dma_start3A_75] : memref<640x64xf32, #tpu.memory_space<vmem>> -> memref<128x64xf32, #tpu.memory_space<vmem>>
    %dma_start3A_77 = arith.constant 1152 : i32
    %dma_start3A_78 = tpu.memref_slice %arg5[%dma_start3A_77] : memref<6400xi32, #tpu.memory_space<vmem>> -> memref<128xi32, #tpu.memory_space<vmem>>
    %dma_start3A_79 = arith.constant 0 : i32
    %dma_start3A_80 = arith.constant 0 : i32
    %dma_start3A_81 = tpu.memref_slice %arg3[%dma_start3A_79, %dma_start3A_80] : memref<1000000x64xf32, #tpu.memory_space<hbm>> -> memref<1000000x64xf32, #tpu.memory_space<hbm>>
    tpu.enqueue_indirect_dma source(%dma_start3A_81 : memref<1000000x64xf32, #tpu.memory_space<hbm>>) target(%dma_start3A_76 : memref<128x64xf32, #tpu.memory_space<vmem>>) offsets(%dma_start3A_78 : memref<128xi32, #tpu.memory_space<vmem>>) semaphore(%arg9 : memref<!tpu.dma_semaphore, #tpu.memory_space<semaphore_mem>>)
    %dma_wait3A = arith.constant 0 : i32
    %dma_wait3A_82 = arith.constant 0 : i32
    %dma_wait3A_83 = tpu.memref_slice %arg6[%dma_wait3A, %dma_wait3A_82] : memref<640x64xf32, #tpu.memory_space<vmem>> -> memref<128x64xf32, #tpu.memory_space<vmem>>
    %dma_wait3A_84 = arith.constant 0 : i32
    %dma_wait3A_85 = tpu.memref_slice %arg5[%dma_wait3A_84] : memref<6400xi32, #tpu.memory_space<vmem>> -> memref<128xi32, #tpu.memory_space<vmem>>
    %dma_wait3A_86 = arith.constant 0 : i32
    %dma_wait3A_87 = arith.constant 0 : i32
    %dma_wait3A_88 = tpu.memref_slice %arg3[%dma_wait3A_86, %dma_wait3A_87] : memref<1000000x64xf32, #tpu.memory_space<hbm>> -> memref<1000000x64xf32, #tpu.memory_space<hbm>>
    tpu.wait_indirect_dma semaphore(%arg8 : memref<!tpu.dma_semaphore, #tpu.memory_space<semaphore_mem>>) src(%dma_wait3A_88 : memref<1000000x64xf32, #tpu.memory_space<hbm>>) dst(%dma_wait3A_83 : memref<128x64xf32, #tpu.memory_space<vmem>>)
    %dma_wait3A_89 = arith.constant 128 : i32
    %dma_wait3A_90 = arith.constant 0 : i32
    %dma_wait3A_91 = tpu.memref_slice %arg6[%dma_wait3A_89, %dma_wait3A_90] : memref<640x64xf32, #tpu.memory_space<vmem>> -> memref<128x64xf32, #tpu.memory_space<vmem>>
    %dma_wait3A_92 = arith.constant 128 : i32
    %dma_wait3A_93 = tpu.memref_slice %arg5[%dma_wait3A_92] : memref<6400xi32, #tpu.memory_space<vmem>> -> memref<128xi32, #tpu.memory_space<vmem>>
    %dma_wait3A_94 = arith.constant 0 : i32
    %dma_wait3A_95 = arith.constant 0 : i32
    %dma_wait3A_96 = tpu.memref_slice %arg3[%dma_wait3A_94, %dma_wait3A_95] : memref<1000000x64xf32, #tpu.memory_space<hbm>> -> memref<1000000x64xf32, #tpu.memory_space<hbm>>
    tpu.wait_indirect_dma semaphore(%arg8 : memref<!tpu.dma_semaphore, #tpu.memory_space<semaphore_mem>>) src(%dma_wait3A_96 : memref<1000000x64xf32, #tpu.memory_space<hbm>>) dst(%dma_wait3A_91 : memref<128x64xf32, #tpu.memory_space<vmem>>)
    %dma_wait3A_97 = arith.constant 256 : i32
    %dma_wait3A_98 = arith.constant 0 : i32
    %dma_wait3A_99 = tpu.memref_slice %arg6[%dma_wait3A_97, %dma_wait3A_98] : memref<640x64xf32, #tpu.memory_space<vmem>> -> memref<128x64xf32, #tpu.memory_space<vmem>>
    %dma_wait3A_100 = arith.constant 256 : i32
    %dma_wait3A_101 = tpu.memref_slice %arg5[%dma_wait3A_100] : memref<6400xi32, #tpu.memory_space<vmem>> -> memref<128xi32, #tpu.memory_space<vmem>>
    %dma_wait3A_102 = arith.constant 0 : i32
    %dma_wait3A_103 = arith.constant 0 : i32
    %dma_wait3A_104 = tpu.memref_slice %arg3[%dma_wait3A_102, %dma_wait3A_103] : memref<1000000x64xf32, #tpu.memory_space<hbm>> -> memref<1000000x64xf32, #tpu.memory_space<hbm>>
    tpu.wait_indirect_dma semaphore(%arg8 : memref<!tpu.dma_semaphore, #tpu.memory_space<semaphore_mem>>) src(%dma_wait3A_104 : memref<1000000x64xf32, #tpu.memory_space<hbm>>) dst(%dma_wait3A_99 : memref<128x64xf32, #tpu.memory_space<vmem>>)
    %dma_wait3A_105 = arith.constant 384 : i32
    %dma_wait3A_106 = arith.constant 0 : i32
    %dma_wait3A_107 = tpu.memref_slice %arg6[%dma_wait3A_105, %dma_wait3A_106] : memref<640x64xf32, #tpu.memory_space<vmem>> -> memref<128x64xf32, #tpu.memory_space<vmem>>
    %dma_wait3A_108 = arith.constant 384 : i32
    %dma_wait3A_109 = tpu.memref_slice %arg5[%dma_wait3A_108] : memref<6400xi32, #tpu.memory_space<vmem>> -> memref<128xi32, #tpu.memory_space<vmem>>
    %dma_wait3A_110 = arith.constant 0 : i32
    %dma_wait3A_111 = arith.constant 0 : i32
    %dma_wait3A_112 = tpu.memref_slice %arg3[%dma_wait3A_110, %dma_wait3A_111] : memref<1000000x64xf32, #tpu.memory_space<hbm>> -> memref<1000000x64xf32, #tpu.memory_space<hbm>>
    tpu.wait_indirect_dma semaphore(%arg8 : memref<!tpu.dma_semaphore, #tpu.memory_space<semaphore_mem>>) src(%dma_wait3A_112 : memref<1000000x64xf32, #tpu.memory_space<hbm>>) dst(%dma_wait3A_107 : memref<128x64xf32, #tpu.memory_space<vmem>>)
    %dma_wait3A_113 = arith.constant 512 : i32
    %dma_wait3A_114 = arith.constant 0 : i32
    %dma_wait3A_115 = tpu.memref_slice %arg6[%dma_wait3A_113, %dma_wait3A_114] : memref<640x64xf32, #tpu.memory_space<vmem>> -> memref<128x64xf32, #tpu.memory_space<vmem>>
    %dma_wait3A_116 = arith.constant 512 : i32
    %dma_wait3A_117 = tpu.memref_slice %arg5[%dma_wait3A_116] : memref<6400xi32, #tpu.memory_space<vmem>> -> memref<128xi32, #tpu.memory_space<vmem>>
    %dma_wait3A_118 = arith.constant 0 : i32
    %dma_wait3A_119 = arith.constant 0 : i32
    %dma_wait3A_120 = tpu.memref_slice %arg3[%dma_wait3A_118, %dma_wait3A_119] : memref<1000000x64xf32, #tpu.memory_space<hbm>> -> memref<1000000x64xf32, #tpu.memory_space<hbm>>
    tpu.wait_indirect_dma semaphore(%arg8 : memref<!tpu.dma_semaphore, #tpu.memory_space<semaphore_mem>>) src(%dma_wait3A_120 : memref<1000000x64xf32, #tpu.memory_space<hbm>>) dst(%dma_wait3A_115 : memref<128x64xf32, #tpu.memory_space<vmem>>)
    %scan3A = arith.constant 0 : i32
    %scan3A_121 = arith.constant 0 : i32
    %scan3A_122 = arith.constant 640 : i32
    %scan3A_123 = arith.addi %scan3A_121, %scan3A_122 : i32
    %scan3A_124 = arith.constant 4 : i32
    scf.for %scan3A_970 = %scan3A_121 to %scan3A_123 step %scan3A_124  : i32 {
      %get3A = arith.index_cast %scan3A_970 : i32 to index
      %get3A_971 = arith.constant 0 : index
      %get3A_972 = tpu.vector_load %arg6[%get3A, %get3A_971] {strides = array<i32>} : memref<640x64xf32, #tpu.memory_space<vmem>>, vector<16xf32>,
      %add3A_973 = arith.constant 8.000000e+00 : f32
      %add3A_974 = vector.broadcast %add3A_973 : f32 to vector<16xf32>
      %add3A_975 = arith.addf %get3A_972, %add3A_974 : vector<16xf32>
      %swap3A = arith.index_cast %scan3A_970 : i32 to index
      %swap3A_976 = arith.constant 0 : index
      %swap3A_977 = tpu.vector_load %arg6[%swap3A, %swap3A_976] {strides = array<i32>} : memref<640x64xf32, #tpu.memory_space<vmem>>, vector<16xf32>,
      tpu.vector_store %arg6[%swap3A, %swap3A_976], %add3A_975 {strides = array<i32>} : memref<640x64xf32, #tpu.memory_space<vmem>>, vector<16xf32>,
      %get3A_978 = arith.index_cast %scan3A_970 : i32 to index
      %get3A_979 = arith.constant 16 : index
      %get3A_980 = tpu.vector_load %arg6[%get3A_978, %get3A_979] {strides = array<i32>} : memref<640x64xf32, #tpu.memory_space<vmem>>, vector<16xf32>,
      %add3A_981 = arith.constant 8.000000e+00 : f32
      %add3A_982 = vector.broadcast %add3A_981 : f32 to vector<16xf32>
      %add3A_983 = arith.addf %get3A_980, %add3A_982 : vector<16xf32>
      %swap3A_984 = arith.index_cast %scan3A_970 : i32 to index
      %swap3A_985 = arith.constant 16 : index
      %swap3A_986 = tpu.vector_load %arg6[%swap3A_984, %swap3A_985] {strides = array<i32>} : memref<640x64xf32, #tpu.memory_space<vmem>>, vector<16xf32>,
      tpu.vector_store %arg6[%swap3A_984, %swap3A_985], %add3A_983 {strides = array<i32>} : memref<640x64xf32, #tpu.memory_space<vmem>>, vector<16xf32>,
      %get3A_987 = arith.index_cast %scan3A_970 : i32 to index
      %get3A_988 = arith.constant 32 : index
      %get3A_989 = tpu.vector_load %arg6[%get3A_987, %get3A_988] {strides = array<i32>} : memref<640x64xf32, #tpu.memory_space<vmem>>, vector<16xf32>,
      %add3A_990 = arith.constant 8.000000e+00 : f32
      %add3A_991 = vector.broadcast %add3A_990 : f32 to vector<16xf32>
      %add3A_992 = arith.addf %get3A_989, %add3A_991 : vector<16xf32>
      %swap3A_993 = arith.index_cast %scan3A_970 : i32 to index
      %swap3A_994 = arith.constant 32 : index
      %swap3A_995 = tpu.vector_load %arg6[%swap3A_993, %swap3A_994] {strides = array<i32>} : memref<640x64xf32, #tpu.memory_space<vmem>>, vector<16xf32>,
      tpu.vector_store %arg6[%swap3A_993, %swap3A_994], %add3A_992 {strides = array<i32>} : memref<640x64xf32, #tpu.memory_space<vmem>>, vector<16xf32>,
      %get3A_996 = arith.index_cast %scan3A_970 : i32 to index
      %get3A_997 = arith.constant 48 : index
      %get3A_998 = tpu.vector_load %arg6[%get3A_996, %get3A_997] {strides = array<i32>} : memref<640x64xf32, #tpu.memory_space<vmem>>, vector<16xf32>,
      %add3A_999 = arith.constant 8.000000e+00 : f32
      %add3A_1000 = vector.broadcast %add3A_999 : f32 to vector<16xf32>
      %add3A_1001 = arith.addf %get3A_998, %add3A_1000 : vector<16xf32>
      %swap3A_1002 = arith.index_cast %scan3A_970 : i32 to index
      %swap3A_1003 = arith.constant 48 : index
      %swap3A_1004 = tpu.vector_load %arg6[%swap3A_1002, %swap3A_1003] {strides = array<i32>} : memref<640x64xf32, #tpu.memory_space<vmem>>, vector<16xf32>,
      tpu.vector_store %arg6[%swap3A_1002, %swap3A_1003], %add3A_1001 {strides = array<i32>} : memref<640x64xf32, #tpu.memory_space<vmem>>, vector<16xf32>,
      %scan3A_1005 = arith.constant 1 : i32
      %scan3A_1006 = arith.addi %scan3A_970, %scan3A_1005 : i32
      %get3A_1007 = arith.index_cast %scan3A_1006 : i32 to index
      %get3A_1008 = arith.constant 0 : index
      %get3A_1009 = tpu.vector_load %arg6[%get3A_1007, %get3A_1008] {strides = array<i32>} : memref<640x64xf32, #tpu.memory_space<vmem>>, vector<16xf32>,
      %add3A_1010 = arith.constant 8.000000e+00 : f32
      %add3A_1011 = vector.broadcast %add3A_1010 : f32 to vector<16xf32>
      %add3A_1012 = arith.addf %get3A_1009, %add3A_1011 : vector<16xf32>
      %swap3A_1013 = arith.index_cast %scan3A_1006 : i32 to index
      %swap3A_1014 = arith.constant 0 : index
      %swap3A_1015 = tpu.vector_load %arg6[%swap3A_1013, %swap3A_1014] {strides = array<i32>} : memref<640x64xf32, #tpu.memory_space<vmem>>, vector<16xf32>,
      tpu.vector_store %arg6[%swap3A_1013, %swap3A_1014], %add3A_1012 {strides = array<i32>} : memref<640x64xf32, #tpu.memory_space<vmem>>, vector<16xf32>,
      %get3A_1016 = arith.index_cast %scan3A_1006 : i32 to index
      %get3A_1017 = arith.constant 16 : index
      %get3A_1018 = tpu.vector_load %arg6[%get3A_1016, %get3A_1017] {strides = array<i32>} : memref<640x64xf32, #tpu.memory_space<vmem>>, vector<16xf32>,
      %add3A_1019 = arith.constant 8.000000e+00 : f32
      %add3A_1020 = vector.broadcast %add3A_1019 : f32 to vector<16xf32>
      %add3A_1021 = arith.addf %get3A_1018, %add3A_1020 : vector<16xf32>
      %swap3A_1022 = arith.index_cast %scan3A_1006 : i32 to index
      %swap3A_1023 = arith.constant 16 : index
      %swap3A_1024 = tpu.vector_load %arg6[%swap3A_1022, %swap3A_1023] {strides = array<i32>} : memref<640x64xf32, #tpu.memory_space<vmem>>, vector<16xf32>,
      tpu.vector_store %arg6[%swap3A_1022, %swap3A_1023], %add3A_1021 {strides = array<i32>} : memref<640x64xf32, #tpu.memory_space<vmem>>, vector<16xf32>,
      %get3A_1025 = arith.index_cast %scan3A_1006 : i32 to index
      %get3A_1026 = arith.constant 32 : index
      %get3A_1027 = tpu.vector_load %arg6[%get3A_1025, %get3A_1026] {strides = array<i32>} : memref<640x64xf32, #tpu.memory_space<vmem>>, vector<16xf32>,
      %add3A_1028 = arith.constant 8.000000e+00 : f32
      %add3A_1029 = vector.broadcast %add3A_1028 : f32 to vector<16xf32>
      %add3A_1030 = arith.addf %get3A_1027, %add3A_1029 : vector<16xf32>
      %swap3A_1031 = arith.index_cast %scan3A_1006 : i32 to index
      %swap3A_1032 = arith.constant 32 : index
      %swap3A_1033 = tpu.vector_load %arg6[%swap3A_1031, %swap3A_1032] {strides = array<i32>} : memref<640x64xf32, #tpu.memory_space<vmem>>, vector<16xf32>,
      tpu.vector_store %arg6[%swap3A_1031, %swap3A_1032], %add3A_1030 {strides = array<i32>} : memref<640x64xf32, #tpu.memory_space<vmem>>, vector<16xf32>,
      %get3A_1034 = arith.index_cast %scan3A_1006 : i32 to index
      %get3A_1035 = arith.constant 48 : index
      %get3A_1036 = tpu.vector_load %arg6[%get3A_1034, %get3A_1035] {strides = array<i32>} : memref<640x64xf32, #tpu.memory_space<vmem>>, vector<16xf32>,
      %add3A_1037 = arith.constant 8.000000e+00 : f32
      %add3A_1038 = vector.broadcast %add3A_1037 : f32 to vector<16xf32>
      %add3A_1039 = arith.addf %get3A_1036, %add3A_1038 : vector<16xf32>
      %swap3A_1040 = arith.index_cast %scan3A_1006 : i32 to index
      %swap3A_1041 = arith.constant 48 : index
      %swap3A_1042 = tpu.vector_load %arg6[%swap3A_1040, %swap3A_1041] {strides = array<i32>} : memref<640x64xf32, #tpu.memory_space<vmem>>, vector<16xf32>,
      tpu.vector_store %arg6[%swap3A_1040, %swap3A_1041], %add3A_1039 {strides = array<i32>} : memref<640x64xf32, #tpu.memory_space<vmem>>, vector<16xf32>,
      %scan3A_1043 = arith.constant 2 : i32
      %scan3A_1044 = arith.addi %scan3A_970, %scan3A_1043 : i32
      %get3A_1045 = arith.index_cast %scan3A_1044 : i32 to index
      %get3A_1046 = arith.constant 0 : index
      %get3A_1047 = tpu.vector_load %arg6[%get3A_1045, %get3A_1046] {strides = array<i32>} : memref<640x64xf32, #tpu.memory_space<vmem>>, vector<16xf32>,
      %add3A_1048 = arith.constant 8.000000e+00 : f32
      %add3A_1049 = vector.broadcast %add3A_1048 : f32 to vector<16xf32>
      %add3A_1050 = arith.addf %get3A_1047, %add3A_1049 : vector<16xf32>
      %swap3A_1051 = arith.index_cast %scan3A_1044 : i32 to index
      %swap3A_1052 = arith.constant 0 : index
      %swap3A_1053 = tpu.vector_load %arg6[%swap3A_1051, %swap3A_1052] {strides = array<i32>} : memref<640x64xf32, #tpu.memory_space<vmem>>, vector<16xf32>,
      tpu.vector_store %arg6[%swap3A_1051, %swap3A_1052], %add3A_1050 {strides = array<i32>} : memref<640x64xf32, #tpu.memory_space<vmem>>, vector<16xf32>,
      %get3A_1054 = arith.index_cast %scan3A_1044 : i32 to index
      %get3A_1055 = arith.constant 16 : index
      %get3A_1056 = tpu.vector_load %arg6[%get3A_1054, %get3A_1055] {strides = array<i32>} : memref<640x64xf32, #tpu.memory_space<vmem>>, vector<16xf32>,
      %add3A_1057 = arith.constant 8.000000e+00 : f32
      %add3A_1058 = vector.broadcast %add3A_1057 : f32 to vector<16xf32>
      %add3A_1059 = arith.addf %get3A_1056, %add3A_1058 : vector<16xf32>
      %swap3A_1060 = arith.index_cast %scan3A_1044 : i32 to index
      %swap3A_1061 = arith.constant 16 : index
      %swap3A_1062 = tpu.vector_load %arg6[%swap3A_1060, %swap3A_1061] {strides = array<i32>} : memref<640x64xf32, #tpu.memory_space<vmem>>, vector<16xf32>,
      tpu.vector_store %arg6[%swap3A_1060, %swap3A_1061], %add3A_1059 {strides = array<i32>} : memref<640x64xf32, #tpu.memory_space<vmem>>, vector<16xf32>,
      %get3A_1063 = arith.index_cast %scan3A_1044 : i32 to index
      %get3A_1064 = arith.constant 32 : index
      %get3A_1065 = tpu.vector_load %arg6[%get3A_1063, %get3A_1064] {strides = array<i32>} : memref<640x64xf32, #tpu.memory_space<vmem>>, vector<16xf32>,
      %add3A_1066 = arith.constant 8.000000e+00 : f32
      %add3A_1067 = vector.broadcast %add3A_1066 : f32 to vector<16xf32>
      %add3A_1068 = arith.addf %get3A_1065, %add3A_1067 : vector<16xf32>
      %swap3A_1069 = arith.index_cast %scan3A_1044 : i32 to index
      %swap3A_1070 = arith.constant 32 : index
      %swap3A_1071 = tpu.vector_load %arg6[%swap3A_1069, %swap3A_1070] {strides = array<i32>} : memref<640x64xf32, #tpu.memory_space<vmem>>, vector<16xf32>,
      tpu.vector_store %arg6[%swap3A_1069, %swap3A_1070], %add3A_1068 {strides = array<i32>} : memref<640x64xf32, #tpu.memory_space<vmem>>, vector<16xf32>,
      %get3A_1072 = arith.index_cast %scan3A_1044 : i32 to index
      %get3A_1073 = arith.constant 48 : index
      %get3A_1074 = tpu.vector_load %arg6[%get3A_1072, %get3A_1073] {strides = array<i32>} : memref<640x64xf32, #tpu.memory_space<vmem>>, vector<16xf32>,
      %add3A_1075 = arith.constant 8.000000e+00 : f32
      %add3A_1076 = vector.broadcast %add3A_1075 : f32 to vector<16xf32>
      %add3A_1077 = arith.addf %get3A_1074, %add3A_1076 : vector<16xf32>
      %swap3A_1078 = arith.index_cast %scan3A_1044 : i32 to index
      %swap3A_1079 = arith.constant 48 : index
      %swap3A_1080 = tpu.vector_load %arg6[%swap3A_1078, %swap3A_1079] {strides = array<i32>} : memref<640x64xf32, #tpu.memory_space<vmem>>, vector<16xf32>,
      tpu.vector_store %arg6[%swap3A_1078, %swap3A_1079], %add3A_1077 {strides = array<i32>} : memref<640x64xf32, #tpu.memory_space<vmem>>, vector<16xf32>,
      %scan3A_1081 = arith.constant 3 : i32
      %scan3A_1082 = arith.addi %scan3A_970, %scan3A_1081 : i32
      %get3A_1083 = arith.index_cast %scan3A_1082 : i32 to index
      %get3A_1084 = arith.constant 0 : index
      %get3A_1085 = tpu.vector_load %arg6[%get3A_1083, %get3A_1084] {strides = array<i32>} : memref<640x64xf32, #tpu.memory_space<vmem>>, vector<16xf32>,
      %add3A_1086 = arith.constant 8.000000e+00 : f32
      %add3A_1087 = vector.broadcast %add3A_1086 : f32 to vector<16xf32>
      %add3A_1088 = arith.addf %get3A_1085, %add3A_1087 : vector<16xf32>
      %swap3A_1089 = arith.index_cast %scan3A_1082 : i32 to index
      %swap3A_1090 = arith.constant 0 : index
      %swap3A_1091 = tpu.vector_load %arg6[%swap3A_1089, %swap3A_1090] {strides = array<i32>} : memref<640x64xf32, #tpu.memory_space<vmem>>, vector<16xf32>,
      tpu.vector_store %arg6[%swap3A_1089, %swap3A_1090], %add3A_1088 {strides = array<i32>} : memref<640x64xf32, #tpu.memory_space<vmem>>, vector<16xf32>,
      %get3A_1092 = arith.index_cast %scan3A_1082 : i32 to index
      %get3A_1093 = arith.constant 16 : index
      %get3A_1094 = tpu.vector_load %arg6[%get3A_1092, %get3A_1093] {strides = array<i32>} : memref<640x64xf32, #tpu.memory_space<vmem>>, vector<16xf32>,
      %add3A_1095 = arith.constant 8.000000e+00 : f32
      %add3A_1096 = vector.broadcast %add3A_1095 : f32 to vector<16xf32>
      %add3A_1097 = arith.addf %get3A_1094, %add3A_1096 : vector<16xf32>
      %swap3A_1098 = arith.index_cast %scan3A_1082 : i32 to index
      %swap3A_1099 = arith.constant 16 : index
      %swap3A_1100 = tpu.vector_load %arg6[%swap3A_1098, %swap3A_1099] {strides = array<i32>} : memref<640x64xf32, #tpu.memory_space<vmem>>, vector<16xf32>,
      tpu.vector_store %arg6[%swap3A_1098, %swap3A_1099], %add3A_1097 {strides = array<i32>} : memref<640x64xf32, #tpu.memory_space<vmem>>, vector<16xf32>,
      %get3A_1101 = arith.index_cast %scan3A_1082 : i32 to index
      %get3A_1102 = arith.constant 32 : index
      %get3A_1103 = tpu.vector_load %arg6[%get3A_1101, %get3A_1102] {strides = array<i32>} : memref<640x64xf32, #tpu.memory_space<vmem>>, vector<16xf32>,
      %add3A_1104 = arith.constant 8.000000e+00 : f32
      %add3A_1105 = vector.broadcast %add3A_1104 : f32 to vector<16xf32>
      %add3A_1106 = arith.addf %get3A_1103, %add3A_1105 : vector<16xf32>
      %swap3A_1107 = arith.index_cast %scan3A_1082 : i32 to index
      %swap3A_1108 = arith.constant 32 : index
      %swap3A_1109 = tpu.vector_load %arg6[%swap3A_1107, %swap3A_1108] {strides = array<i32>} : memref<640x64xf32, #tpu.memory_space<vmem>>, vector<16xf32>,
      tpu.vector_store %arg6[%swap3A_1107, %swap3A_1108], %add3A_1106 {strides = array<i32>} : memref<640x64xf32, #tpu.memory_space<vmem>>, vector<16xf32>,
      %get3A_1110 = arith.index_cast %scan3A_1082 : i32 to index
      %get3A_1111 = arith.constant 48 : index
      %get3A_1112 = tpu.vector_load %arg6[%get3A_1110, %get3A_1111] {strides = array<i32>} : memref<640x64xf32, #tpu.memory_space<vmem>>, vector<16xf32>,
      %add3A_1113 = arith.constant 8.000000e+00 : f32
      %add3A_1114 = vector.broadcast %add3A_1113 : f32 to vector<16xf32>
      %add3A_1115 = arith.addf %get3A_1112, %add3A_1114 : vector<16xf32>
      %swap3A_1116 = arith.index_cast %scan3A_1082 : i32 to index
      %swap3A_1117 = arith.constant 48 : index
      %swap3A_1118 = tpu.vector_load %arg6[%swap3A_1116, %swap3A_1117] {strides = array<i32>} : memref<640x64xf32, #tpu.memory_space<vmem>>, vector<16xf32>,
      tpu.vector_store %arg6[%swap3A_1116, %swap3A_1117], %add3A_1115 {strides = array<i32>} : memref<640x64xf32, #tpu.memory_space<vmem>>, vector<16xf32>,
    }
    %scan3A_125 = arith.constant 640 : i32
    %add3A_126 = arith.constant 0 : i32
    %add3A_127 = arith.addi %multiple_of3A, %add3A_126 : i32
    %multiple_of3A_128 = tpu.assume_multiple %add3A_127, 640 : i32
    %dma_start3A_129 = arith.constant 0 : i32
    %dma_start3A_130 = tpu.memref_slice %arg4[%multiple_of3A_128, %dma_start3A_129] : memref<204800x64xf32, #tpu.memory_space<hbm>> -> memref<640x64xf32, #tpu.memory_space<hbm>>
    %dma_start3A_131 = arith.constant 0 : i32
    %dma_start3A_132 = tpu.memref_slice %arg4[%multiple_of3A_128, %dma_start3A_131] : memref<204800x64xf32, #tpu.memory_space<hbm>> -> memref<640x64xf32, #tpu.memory_space<hbm>>
    tpu.enqueue_dma source(%arg6 : memref<640x64xf32, #tpu.memory_space<vmem>>) target(%dma_start3A_132 : memref<640x64xf32, #tpu.memory_space<hbm>>) target_semaphore(%arg10 : memref<!tpu.dma_semaphore, #tpu.memory_space<semaphore_mem>>)
    %dma_wait3A_133 = arith.constant 0 : i32
    %dma_wait3A_134 = tpu.memref_slice %arg4[%multiple_of3A_128, %dma_wait3A_133] : memref<204800x64xf32, #tpu.memory_space<hbm>> -> memref<640x64xf32, #tpu.memory_space<hbm>>
    %dma_wait3A_135 = arith.constant 0 : i32
    %dma_wait3A_136 = tpu.memref_slice %arg4[%multiple_of3A_128, %dma_wait3A_135] : memref<204800x64xf32, #tpu.memory_space<hbm>> -> memref<640x64xf32, #tpu.memory_space<hbm>>
    tpu.wait_dma2 semaphore(%arg10 : memref<!tpu.dma_semaphore, #tpu.memory_space<semaphore_mem>>) src(%arg6 : memref<640x64xf32, #tpu.memory_space<vmem>>) dst(%dma_wait3A_136 : memref<640x64xf32, #tpu.memory_space<hbm>>)
    %dma_start3A_137 = arith.constant 0 : i32
    %dma_start3A_138 = arith.constant 0 : i32
    %dma_start3A_139 = tpu.memref_slice %arg6[%dma_start3A_137, %dma_start3A_138] : memref<640x64xf32, #tpu.memory_space<vmem>> -> memref<128x64xf32, #tpu.memory_space<vmem>>
    %dma_start3A_140 = arith.constant 1280 : i32
    %dma_start3A_141 = tpu.memref_slice %arg5[%dma_start3A_140] : memref<6400xi32, #tpu.memory_space<vmem>> -> memref<128xi32, #tpu.memory_space<vmem>>
    %dma_start3A_142 = arith.constant 0 : i32
    %dma_start3A_143 = arith.constant 0 : i32
    %dma_start3A_144 = tpu.memref_slice %arg3[%dma_start3A_142, %dma_start3A_143] : memref<1000000x64xf32, #tpu.memory_space<hbm>> -> memref<1000000x64xf32, #tpu.memory_space<hbm>>
    tpu.enqueue_indirect_dma source(%dma_start3A_144 : memref<1000000x64xf32, #tpu.memory_space<hbm>>) target(%dma_start3A_139 : memref<128x64xf32, #tpu.memory_space<vmem>>) offsets(%dma_start3A_141 : memref<128xi32, #tpu.memory_space<vmem>>) semaphore(%arg8 : memref<!tpu.dma_semaphore, #tpu.memory_space<semaphore_mem>>)
    %dma_start3A_145 = arith.constant 128 : i32
    %dma_start3A_146 = arith.constant 0 : i32
    %dma_start3A_147 = tpu.memref_slice %arg6[%dma_start3A_145, %dma_start3A_146] : memref<640x64xf32, #tpu.memory_space<vmem>> -> memref<128x64xf32, #tpu.memory_space<vmem>>
    %dma_start3A_148 = arith.constant 1408 : i32
    %dma_start3A_149 = tpu.memref_slice %arg5[%dma_start3A_148] : memref<6400xi32, #tpu.memory_space<vmem>> -> memref<128xi32, #tpu.memory_space<vmem>>
    %dma_start3A_150 = arith.constant 0 : i32
    %dma_start3A_151 = arith.constant 0 : i32
    %dma_start3A_152 = tpu.memref_slice %arg3[%dma_start3A_150, %dma_start3A_151] : memref<1000000x64xf32, #tpu.memory_space<hbm>> -> memref<1000000x64xf32, #tpu.memory_space<hbm>>
    tpu.enqueue_indirect_dma source(%dma_start3A_152 : memref<1000000x64xf32, #tpu.memory_space<hbm>>) target(%dma_start3A_147 : memref<128x64xf32, #tpu.memory_space<vmem>>) offsets(%dma_start3A_149 : memref<128xi32, #tpu.memory_space<vmem>>) semaphore(%arg8 : memref<!tpu.dma_semaphore, #tpu.memory_space<semaphore_mem>>)
    %dma_start3A_153 = arith.constant 256 : i32
    %dma_start3A_154 = arith.constant 0 : i32
    %dma_start3A_155 = tpu.memref_slice %arg6[%dma_start3A_153, %dma_start3A_154] : memref<640x64xf32, #tpu.memory_space<vmem>> -> memref<128x64xf32, #tpu.memory_space<vmem>>
    %dma_start3A_156 = arith.constant 1536 : i32
    %dma_start3A_157 = tpu.memref_slice %arg5[%dma_start3A_156] : memref<6400xi32, #tpu.memory_space<vmem>> -> memref<128xi32, #tpu.memory_space<vmem>>
    %dma_start3A_158 = arith.constant 0 : i32
    %dma_start3A_159 = arith.constant 0 : i32
    %dma_start3A_160 = tpu.memref_slice %arg3[%dma_start3A_158, %dma_start3A_159] : memref<1000000x64xf32, #tpu.memory_space<hbm>> -> memref<1000000x64xf32, #tpu.memory_space<hbm>>
    tpu.enqueue_indirect_dma source(%dma_start3A_160 : memref<1000000x64xf32, #tpu.memory_space<hbm>>) target(%dma_start3A_155 : memref<128x64xf32, #tpu.memory_space<vmem>>) offsets(%dma_start3A_157 : memref<128xi32, #tpu.memory_space<vmem>>) semaphore(%arg8 : memref<!tpu.dma_semaphore, #tpu.memory_space<semaphore_mem>>)
    %dma_start3A_161 = arith.constant 384 : i32
    %dma_start3A_162 = arith.constant 0 : i32
    %dma_start3A_163 = tpu.memref_slice %arg6[%dma_start3A_161, %dma_start3A_162] : memref<640x64xf32, #tpu.memory_space<vmem>> -> memref<128x64xf32, #tpu.memory_space<vmem>>
    %dma_start3A_164 = arith.constant 1664 : i32
    %dma_start3A_165 = tpu.memref_slice %arg5[%dma_start3A_164] : memref<6400xi32, #tpu.memory_space<vmem>> -> memref<128xi32, #tpu.memory_space<vmem>>
    %dma_start3A_166 = arith.constant 0 : i32
    %dma_start3A_167 = arith.constant 0 : i32
    %dma_start3A_168 = tpu.memref_slice %arg3[%dma_start3A_166, %dma_start3A_167] : memref<1000000x64xf32, #tpu.memory_space<hbm>> -> memref<1000000x64xf32, #tpu.memory_space<hbm>>
    tpu.enqueue_indirect_dma source(%dma_start3A_168 : memref<1000000x64xf32, #tpu.memory_space<hbm>>) target(%dma_start3A_163 : memref<128x64xf32, #tpu.memory_space<vmem>>) offsets(%dma_start3A_165 : memref<128xi32, #tpu.memory_space<vmem>>) semaphore(%arg8 : memref<!tpu.dma_semaphore, #tpu.memory_space<semaphore_mem>>)
    %dma_start3A_169 = arith.constant 512 : i32
    %dma_start3A_170 = arith.constant 0 : i32
    %dma_start3A_171 = tpu.memref_slice %arg6[%dma_start3A_169, %dma_start3A_170] : memref<640x64xf32, #tpu.memory_space<vmem>> -> memref<128x64xf32, #tpu.memory_space<vmem>>
    %dma_start3A_172 = arith.constant 1792 : i32
    %dma_start3A_173 = tpu.memref_slice %arg5[%dma_start3A_172] : memref<6400xi32, #tpu.memory_space<vmem>> -> memref<128xi32, #tpu.memory_space<vmem>>
    %dma_start3A_174 = arith.constant 0 : i32
    %dma_start3A_175 = arith.constant 0 : i32
    %dma_start3A_176 = tpu.memref_slice %arg3[%dma_start3A_174, %dma_start3A_175] : memref<1000000x64xf32, #tpu.memory_space<hbm>> -> memref<1000000x64xf32, #tpu.memory_space<hbm>>
    tpu.enqueue_indirect_dma source(%dma_start3A_176 : memref<1000000x64xf32, #tpu.memory_space<hbm>>) target(%dma_start3A_171 : memref<128x64xf32, #tpu.memory_space<vmem>>) offsets(%dma_start3A_173 : memref<128xi32, #tpu.memory_space<vmem>>) semaphore(%arg8 : memref<!tpu.dma_semaphore, #tpu.memory_space<semaphore_mem>>)
    %dma_wait3A_177 = arith.constant 0 : i32
    %dma_wait3A_178 = arith.constant 0 : i32
    %dma_wait3A_179 = tpu.memref_slice %arg7[%dma_wait3A_177, %dma_wait3A_178] : memref<640x64xf32, #tpu.memory_space<vmem>> -> memref<128x64xf32, #tpu.memory_space<vmem>>
    %dma_wait3A_180 = arith.constant 640 : i32
    %dma_wait3A_181 = tpu.memref_slice %arg5[%dma_wait3A_180] : memref<6400xi32, #tpu.memory_space<vmem>> -> memref<128xi32, #tpu.memory_space<vmem>>
    %dma_wait3A_182 = arith.constant 0 : i32
    %dma_wait3A_183 = arith.constant 0 : i32
    %dma_wait3A_184 = tpu.memref_slice %arg3[%dma_wait3A_182, %dma_wait3A_183] : memref<1000000x64xf32, #tpu.memory_space<hbm>> -> memref<1000000x64xf32, #tpu.memory_space<hbm>>
    tpu.wait_indirect_dma semaphore(%arg9 : memref<!tpu.dma_semaphore, #tpu.memory_space<semaphore_mem>>) src(%dma_wait3A_184 : memref<1000000x64xf32, #tpu.memory_space<hbm>>) dst(%dma_wait3A_179 : memref<128x64xf32, #tpu.memory_space<vmem>>)
    %dma_wait3A_185 = arith.constant 128 : i32
    %dma_wait3A_186 = arith.constant 0 : i32
    %dma_wait3A_187 = tpu.memref_slice %arg7[%dma_wait3A_185, %dma_wait3A_186] : memref<640x64xf32, #tpu.memory_space<vmem>> -> memref<128x64xf32, #tpu.memory_space<vmem>>
    %dma_wait3A_188 = arith.constant 768 : i32
    %dma_wait3A_189 = tpu.memref_slice %arg5[%dma_wait3A_188] : memref<6400xi32, #tpu.memory_space<vmem>> -> memref<128xi32, #tpu.memory_space<vmem>>
    %dma_wait3A_190 = arith.constant 0 : i32
    %dma_wait3A_191 = arith.constant 0 : i32
    %dma_wait3A_192 = tpu.memref_slice %arg3[%dma_wait3A_190, %dma_wait3A_191] : memref<1000000x64xf32, #tpu.memory_space<hbm>> -> memref<1000000x64xf32, #tpu.memory_space<hbm>>
    tpu.wait_indirect_dma semaphore(%arg9 : memref<!tpu.dma_semaphore, #tpu.memory_space<semaphore_mem>>) src(%dma_wait3A_192 : memref<1000000x64xf32, #tpu.memory_space<hbm>>) dst(%dma_wait3A_187 : memref<128x64xf32, #tpu.memory_space<vmem>>)
    %dma_wait3A_193 = arith.constant 256 : i32
    %dma_wait3A_194 = arith.constant 0 : i32
    %dma_wait3A_195 = tpu.memref_slice %arg7[%dma_wait3A_193, %dma_wait3A_194] : memref<640x64xf32, #tpu.memory_space<vmem>> -> memref<128x64xf32, #tpu.memory_space<vmem>>
    %dma_wait3A_196 = arith.constant 896 : i32
    %dma_wait3A_197 = tpu.memref_slice %arg5[%dma_wait3A_196] : memref<6400xi32, #tpu.memory_space<vmem>> -> memref<128xi32, #tpu.memory_space<vmem>>
    %dma_wait3A_198 = arith.constant 0 : i32
    %dma_wait3A_199 = arith.constant 0 : i32
    %dma_wait3A_200 = tpu.memref_slice %arg3[%dma_wait3A_198, %dma_wait3A_199] : memref<1000000x64xf32, #tpu.memory_space<hbm>> -> memref<1000000x64xf32, #tpu.memory_space<hbm>>
    tpu.wait_indirect_dma semaphore(%arg9 : memref<!tpu.dma_semaphore, #tpu.memory_space<semaphore_mem>>) src(%dma_wait3A_200 : memref<1000000x64xf32, #tpu.memory_space<hbm>>) dst(%dma_wait3A_195 : memref<128x64xf32, #tpu.memory_space<vmem>>)
    %dma_wait3A_201 = arith.constant 384 : i32
    %dma_wait3A_202 = arith.constant 0 : i32
    %dma_wait3A_203 = tpu.memref_slice %arg7[%dma_wait3A_201, %dma_wait3A_202] : memref<640x64xf32, #tpu.memory_space<vmem>> -> memref<128x64xf32, #tpu.memory_space<vmem>>
    %dma_wait3A_204 = arith.constant 1024 : i32
    %dma_wait3A_205 = tpu.memref_slice %arg5[%dma_wait3A_204] : memref<6400xi32, #tpu.memory_space<vmem>> -> memref<128xi32, #tpu.memory_space<vmem>>
    %dma_wait3A_206 = arith.constant 0 : i32
    %dma_wait3A_207 = arith.constant 0 : i32
    %dma_wait3A_208 = tpu.memref_slice %arg3[%dma_wait3A_206, %dma_wait3A_207] : memref<1000000x64xf32, #tpu.memory_space<hbm>> -> memref<1000000x64xf32, #tpu.memory_space<hbm>>
    tpu.wait_indirect_dma semaphore(%arg9 : memref<!tpu.dma_semaphore, #tpu.memory_space<semaphore_mem>>) src(%dma_wait3A_208 : memref<1000000x64xf32, #tpu.memory_space<hbm>>) dst(%dma_wait3A_203 : memref<128x64xf32, #tpu.memory_space<vmem>>)
    %dma_wait3A_209 = arith.constant 512 : i32
    %dma_wait3A_210 = arith.constant 0 : i32
    %dma_wait3A_211 = tpu.memref_slice %arg7[%dma_wait3A_209, %dma_wait3A_210] : memref<640x64xf32, #tpu.memory_space<vmem>> -> memref<128x64xf32, #tpu.memory_space<vmem>>
    %dma_wait3A_212 = arith.constant 1152 : i32
    %dma_wait3A_213 = tpu.memref_slice %arg5[%dma_wait3A_212] : memref<6400xi32, #tpu.memory_space<vmem>> -> memref<128xi32, #tpu.memory_space<vmem>>
    %dma_wait3A_214 = arith.constant 0 : i32
    %dma_wait3A_215 = arith.constant 0 : i32
    %dma_wait3A_216 = tpu.memref_slice %arg3[%dma_wait3A_214, %dma_wait3A_215] : memref<1000000x64xf32, #tpu.memory_space<hbm>> -> memref<1000000x64xf32, #tpu.memory_space<hbm>>
    tpu.wait_indirect_dma semaphore(%arg9 : memref<!tpu.dma_semaphore, #tpu.memory_space<semaphore_mem>>) src(%dma_wait3A_216 : memref<1000000x64xf32, #tpu.memory_space<hbm>>) dst(%dma_wait3A_211 : memref<128x64xf32, #tpu.memory_space<vmem>>)
    %scan3A_217 = arith.constant 0 : i32
    %scan3A_218 = arith.constant 0 : i32
    %scan3A_219 = arith.constant 640 : i32
    %scan3A_220 = arith.addi %scan3A_218, %scan3A_219 : i32
    %scan3A_221 = arith.constant 4 : i32
    scf.for %scan3A_970 = %scan3A_218 to %scan3A_220 step %scan3A_221  : i32 {
      %get3A = arith.index_cast %scan3A_970 : i32 to index
      %get3A_971 = arith.constant 0 : index
      %get3A_972 = tpu.vector_load %arg7[%get3A, %get3A_971] {strides = array<i32>} : memref<640x64xf32, #tpu.memory_space<vmem>>, vector<16xf32>,
      %add3A_973 = arith.constant 8.000000e+00 : f32
      %add3A_974 = vector.broadcast %add3A_973 : f32 to vector<16xf32>
      %add3A_975 = arith.addf %get3A_972, %add3A_974 : vector<16xf32>
      %swap3A = arith.index_cast %scan3A_970 : i32 to index
      %swap3A_976 = arith.constant 0 : index
      %swap3A_977 = tpu.vector_load %arg7[%swap3A, %swap3A_976] {strides = array<i32>} : memref<640x64xf32, #tpu.memory_space<vmem>>, vector<16xf32>,
      tpu.vector_store %arg7[%swap3A, %swap3A_976], %add3A_975 {strides = array<i32>} : memref<640x64xf32, #tpu.memory_space<vmem>>, vector<16xf32>,
      %get3A_978 = arith.index_cast %scan3A_970 : i32 to index
      %get3A_979 = arith.constant 16 : index
      %get3A_980 = tpu.vector_load %arg7[%get3A_978, %get3A_979] {strides = array<i32>} : memref<640x64xf32, #tpu.memory_space<vmem>>, vector<16xf32>,
      %add3A_981 = arith.constant 8.000000e+00 : f32
      %add3A_982 = vector.broadcast %add3A_981 : f32 to vector<16xf32>
      %add3A_983 = arith.addf %get3A_980, %add3A_982 : vector<16xf32>
      %swap3A_984 = arith.index_cast %scan3A_970 : i32 to index
      %swap3A_985 = arith.constant 16 : index
      %swap3A_986 = tpu.vector_load %arg7[%swap3A_984, %swap3A_985] {strides = array<i32>} : memref<640x64xf32, #tpu.memory_space<vmem>>, vector<16xf32>,
      tpu.vector_store %arg7[%swap3A_984, %swap3A_985], %add3A_983 {strides = array<i32>} : memref<640x64xf32, #tpu.memory_space<vmem>>, vector<16xf32>,
      %get3A_987 = arith.index_cast %scan3A_970 : i32 to index
      %get3A_988 = arith.constant 32 : index
      %get3A_989 = tpu.vector_load %arg7[%get3A_987, %get3A_988] {strides = array<i32>} : memref<640x64xf32, #tpu.memory_space<vmem>>, vector<16xf32>,
      %add3A_990 = arith.constant 8.000000e+00 : f32
      %add3A_991 = vector.broadcast %add3A_990 : f32 to vector<16xf32>
      %add3A_992 = arith.addf %get3A_989, %add3A_991 : vector<16xf32>
      %swap3A_993 = arith.index_cast %scan3A_970 : i32 to index
      %swap3A_994 = arith.constant 32 : index
      %swap3A_995 = tpu.vector_load %arg7[%swap3A_993, %swap3A_994] {strides = array<i32>} : memref<640x64xf32, #tpu.memory_space<vmem>>, vector<16xf32>,
      tpu.vector_store %arg7[%swap3A_993, %swap3A_994], %add3A_992 {strides = array<i32>} : memref<640x64xf32, #tpu.memory_space<vmem>>, vector<16xf32>,
      %get3A_996 = arith.index_cast %scan3A_970 : i32 to index
      %get3A_997 = arith.constant 48 : index
      %get3A_998 = tpu.vector_load %arg7[%get3A_996, %get3A_997] {strides = array<i32>} : memref<640x64xf32, #tpu.memory_space<vmem>>, vector<16xf32>,
      %add3A_999 = arith.constant 8.000000e+00 : f32
      %add3A_1000 = vector.broadcast %add3A_999 : f32 to vector<16xf32>
      %add3A_1001 = arith.addf %get3A_998, %add3A_1000 : vector<16xf32>
      %swap3A_1002 = arith.index_cast %scan3A_970 : i32 to index
      %swap3A_1003 = arith.constant 48 : index
      %swap3A_1004 = tpu.vector_load %arg7[%swap3A_1002, %swap3A_1003] {strides = array<i32>} : memref<640x64xf32, #tpu.memory_space<vmem>>, vector<16xf32>,
      tpu.vector_store %arg7[%swap3A_1002, %swap3A_1003], %add3A_1001 {strides = array<i32>} : memref<640x64xf32, #tpu.memory_space<vmem>>, vector<16xf32>,
      %scan3A_1005 = arith.constant 1 : i32
      %scan3A_1006 = arith.addi %scan3A_970, %scan3A_1005 : i32
      %get3A_1007 = arith.index_cast %scan3A_1006 : i32 to index
      %get3A_1008 = arith.constant 0 : index
      %get3A_1009 = tpu.vector_load %arg7[%get3A_1007, %get3A_1008] {strides = array<i32>} : memref<640x64xf32, #tpu.memory_space<vmem>>, vector<16xf32>,
      %add3A_1010 = arith.constant 8.000000e+00 : f32
      %add3A_1011 = vector.broadcast %add3A_1010 : f32 to vector<16xf32>
      %add3A_1012 = arith.addf %get3A_1009, %add3A_1011 : vector<16xf32>
      %swap3A_1013 = arith.index_cast %scan3A_1006 : i32 to index
      %swap3A_1014 = arith.constant 0 : index
      %swap3A_1015 = tpu.vector_load %arg7[%swap3A_1013, %swap3A_1014] {strides = array<i32>} : memref<640x64xf32, #tpu.memory_space<vmem>>, vector<16xf32>,
      tpu.vector_store %arg7[%swap3A_1013, %swap3A_1014], %add3A_1012 {strides = array<i32>} : memref<640x64xf32, #tpu.memory_space<vmem>>, vector<16xf32>,
      %get3A_1016 = arith.index_cast %scan3A_1006 : i32 to index
      %get3A_1017 = arith.constant 16 : index
      %get3A_1018 = tpu.vector_load %arg7[%get3A_1016, %get3A_1017] {strides = array<i32>} : memref<640x64xf32, #tpu.memory_space<vmem>>, vector<16xf32>,
      %add3A_1019 = arith.constant 8.000000e+00 : f32
      %add3A_1020 = vector.broadcast %add3A_1019 : f32 to vector<16xf32>
      %add3A_1021 = arith.addf %get3A_1018, %add3A_1020 : vector<16xf32>
      %swap3A_1022 = arith.index_cast %scan3A_1006 : i32 to index
      %swap3A_1023 = arith.constant 16 : index
      %swap3A_1024 = tpu.vector_load %arg7[%swap3A_1022, %swap3A_1023] {strides = array<i32>} : memref<640x64xf32, #tpu.memory_space<vmem>>, vector<16xf32>,
      tpu.vector_store %arg7[%swap3A_1022, %swap3A_1023], %add3A_1021 {strides = array<i32>} : memref<640x64xf32, #tpu.memory_space<vmem>>, vector<16xf32>,
      %get3A_1025 = arith.index_cast %scan3A_1006 : i32 to index
      %get3A_1026 = arith.constant 32 : index
      %get3A_1027 = tpu.vector_load %arg7[%get3A_1025, %get3A_1026] {strides = array<i32>} : memref<640x64xf32, #tpu.memory_space<vmem>>, vector<16xf32>,
      %add3A_1028 = arith.constant 8.000000e+00 : f32
      %add3A_1029 = vector.broadcast %add3A_1028 : f32 to vector<16xf32>
      %add3A_1030 = arith.addf %get3A_1027, %add3A_1029 : vector<16xf32>
      %swap3A_1031 = arith.index_cast %scan3A_1006 : i32 to index
      %swap3A_1032 = arith.constant 32 : index
      %swap3A_1033 = tpu.vector_load %arg7[%swap3A_1031, %swap3A_1032] {strides = array<i32>} : memref<640x64xf32, #tpu.memory_space<vmem>>, vector<16xf32>,
      tpu.vector_store %arg7[%swap3A_1031, %swap3A_1032], %add3A_1030 {strides = array<i32>} : memref<640x64xf32, #tpu.memory_space<vmem>>, vector<16xf32>,
      %get3A_1034 = arith.index_cast %scan3A_1006 : i32 to index
      %get3A_1035 = arith.constant 48 : index
      %get3A_1036 = tpu.vector_load %arg7[%get3A_1034, %get3A_1035] {strides = array<i32>} : memref<640x64xf32, #tpu.memory_space<vmem>>, vector<16xf32>,
      %add3A_1037 = arith.constant 8.000000e+00 : f32
      %add3A_1038 = vector.broadcast %add3A_1037 : f32 to vector<16xf32>
      %add3A_1039 = arith.addf %get3A_1036, %add3A_1038 : vector<16xf32>
      %swap3A_1040 = arith.index_cast %scan3A_1006 : i32 to index
      %swap3A_1041 = arith.constant 48 : index
      %swap3A_1042 = tpu.vector_load %arg7[%swap3A_1040, %swap3A_1041] {strides = array<i32>} : memref<640x64xf32, #tpu.memory_space<vmem>>, vector<16xf32>,
      tpu.vector_store %arg7[%swap3A_1040, %swap3A_1041], %add3A_1039 {strides = array<i32>} : memref<640x64xf32, #tpu.memory_space<vmem>>, vector<16xf32>,
      %scan3A_1043 = arith.constant 2 : i32
      %scan3A_1044 = arith.addi %scan3A_970, %scan3A_1043 : i32
      %get3A_1045 = arith.index_cast %scan3A_1044 : i32 to index
      %get3A_1046 = arith.constant 0 : index
      %get3A_1047 = tpu.vector_load %arg7[%get3A_1045, %get3A_1046] {strides = array<i32>} : memref<640x64xf32, #tpu.memory_space<vmem>>, vector<16xf32>,
      %add3A_1048 = arith.constant 8.000000e+00 : f32
      %add3A_1049 = vector.broadcast %add3A_1048 : f32 to vector<16xf32>
      %add3A_1050 = arith.addf %get3A_1047, %add3A_1049 : vector<16xf32>
      %swap3A_1051 = arith.index_cast %scan3A_1044 : i32 to index
      %swap3A_1052 = arith.constant 0 : index
      %swap3A_1053 = tpu.vector_load %arg7[%swap3A_1051, %swap3A_1052] {strides = array<i32>} : memref<640x64xf32, #tpu.memory_space<vmem>>, vector<16xf32>,
      tpu.vector_store %arg7[%swap3A_1051, %swap3A_1052], %add3A_1050 {strides = array<i32>} : memref<640x64xf32, #tpu.memory_space<vmem>>, vector<16xf32>,
      %get3A_1054 = arith.index_cast %scan3A_1044 : i32 to index
      %get3A_1055 = arith.constant 16 : index
      %get3A_1056 = tpu.vector_load %arg7[%get3A_1054, %get3A_1055] {strides = array<i32>} : memref<640x64xf32, #tpu.memory_space<vmem>>, vector<16xf32>,
      %add3A_1057 = arith.constant 8.000000e+00 : f32
      %add3A_1058 = vector.broadcast %add3A_1057 : f32 to vector<16xf32>
      %add3A_1059 = arith.addf %get3A_1056, %add3A_1058 : vector<16xf32>
      %swap3A_1060 = arith.index_cast %scan3A_1044 : i32 to index
      %swap3A_1061 = arith.constant 16 : index
      %swap3A_1062 = tpu.vector_load %arg7[%swap3A_1060, %swap3A_1061] {strides = array<i32>} : memref<640x64xf32, #tpu.memory_space<vmem>>, vector<16xf32>,
      tpu.vector_store %arg7[%swap3A_1060, %swap3A_1061], %add3A_1059 {strides = array<i32>} : memref<640x64xf32, #tpu.memory_space<vmem>>, vector<16xf32>,
      %get3A_1063 = arith.index_cast %scan3A_1044 : i32 to index
      %get3A_1064 = arith.constant 32 : index
      %get3A_1065 = tpu.vector_load %arg7[%get3A_1063, %get3A_1064] {strides = array<i32>} : memref<640x64xf32, #tpu.memory_space<vmem>>, vector<16xf32>,
      %add3A_1066 = arith.constant 8.000000e+00 : f32
      %add3A_1067 = vector.broadcast %add3A_1066 : f32 to vector<16xf32>
      %add3A_1068 = arith.addf %get3A_1065, %add3A_1067 : vector<16xf32>
      %swap3A_1069 = arith.index_cast %scan3A_1044 : i32 to index
      %swap3A_1070 = arith.constant 32 : index
      %swap3A_1071 = tpu.vector_load %arg7[%swap3A_1069, %swap3A_1070] {strides = array<i32>} : memref<640x64xf32, #tpu.memory_space<vmem>>, vector<16xf32>,
      tpu.vector_store %arg7[%swap3A_1069, %swap3A_1070], %add3A_1068 {strides = array<i32>} : memref<640x64xf32, #tpu.memory_space<vmem>>, vector<16xf32>,
      %get3A_1072 = arith.index_cast %scan3A_1044 : i32 to index
      %get3A_1073 = arith.constant 48 : index
      %get3A_1074 = tpu.vector_load %arg7[%get3A_1072, %get3A_1073] {strides = array<i32>} : memref<640x64xf32, #tpu.memory_space<vmem>>, vector<16xf32>,
      %add3A_1075 = arith.constant 8.000000e+00 : f32
      %add3A_1076 = vector.broadcast %add3A_1075 : f32 to vector<16xf32>
      %add3A_1077 = arith.addf %get3A_1074, %add3A_1076 : vector<16xf32>
      %swap3A_1078 = arith.index_cast %scan3A_1044 : i32 to index
      %swap3A_1079 = arith.constant 48 : index
      %swap3A_1080 = tpu.vector_load %arg7[%swap3A_1078, %swap3A_1079] {strides = array<i32>} : memref<640x64xf32, #tpu.memory_space<vmem>>, vector<16xf32>,
      tpu.vector_store %arg7[%swap3A_1078, %swap3A_1079], %add3A_1077 {strides = array<i32>} : memref<640x64xf32, #tpu.memory_space<vmem>>, vector<16xf32>,
      %scan3A_1081 = arith.constant 3 : i32
      %scan3A_1082 = arith.addi %scan3A_970, %scan3A_1081 : i32
      %get3A_1083 = arith.index_cast %scan3A_1082 : i32 to index
      %get3A_1084 = arith.constant 0 : index
      %get3A_1085 = tpu.vector_load %arg7[%get3A_1083, %get3A_1084] {strides = array<i32>} : memref<640x64xf32, #tpu.memory_space<vmem>>, vector<16xf32>,
      %add3A_1086 = arith.constant 8.000000e+00 : f32
      %add3A_1087 = vector.broadcast %add3A_1086 : f32 to vector<16xf32>
      %add3A_1088 = arith.addf %get3A_1085, %add3A_1087 : vector<16xf32>
      %swap3A_1089 = arith.index_cast %scan3A_1082 : i32 to index
      %swap3A_1090 = arith.constant 0 : index
      %swap3A_1091 = tpu.vector_load %arg7[%swap3A_1089, %swap3A_1090] {strides = array<i32>} : memref<640x64xf32, #tpu.memory_space<vmem>>, vector<16xf32>,
      tpu.vector_store %arg7[%swap3A_1089, %swap3A_1090], %add3A_1088 {strides = array<i32>} : memref<640x64xf32, #tpu.memory_space<vmem>>, vector<16xf32>,
      %get3A_1092 = arith.index_cast %scan3A_1082 : i32 to index
      %get3A_1093 = arith.constant 16 : index
      %get3A_1094 = tpu.vector_load %arg7[%get3A_1092, %get3A_1093] {strides = array<i32>} : memref<640x64xf32, #tpu.memory_space<vmem>>, vector<16xf32>,
      %add3A_1095 = arith.constant 8.000000e+00 : f32
      %add3A_1096 = vector.broadcast %add3A_1095 : f32 to vector<16xf32>
      %add3A_1097 = arith.addf %get3A_1094, %add3A_1096 : vector<16xf32>
      %swap3A_1098 = arith.index_cast %scan3A_1082 : i32 to index
      %swap3A_1099 = arith.constant 16 : index
      %swap3A_1100 = tpu.vector_load %arg7[%swap3A_1098, %swap3A_1099] {strides = array<i32>} : memref<640x64xf32, #tpu.memory_space<vmem>>, vector<16xf32>,
      tpu.vector_store %arg7[%swap3A_1098, %swap3A_1099], %add3A_1097 {strides = array<i32>} : memref<640x64xf32, #tpu.memory_space<vmem>>, vector<16xf32>,
      %get3A_1101 = arith.index_cast %scan3A_1082 : i32 to index
      %get3A_1102 = arith.constant 32 : index
      %get3A_1103 = tpu.vector_load %arg7[%get3A_1101, %get3A_1102] {strides = array<i32>} : memref<640x64xf32, #tpu.memory_space<vmem>>, vector<16xf32>,
      %add3A_1104 = arith.constant 8.000000e+00 : f32
      %add3A_1105 = vector.broadcast %add3A_1104 : f32 to vector<16xf32>
      %add3A_1106 = arith.addf %get3A_1103, %add3A_1105 : vector<16xf32>
      %swap3A_1107 = arith.index_cast %scan3A_1082 : i32 to index
      %swap3A_1108 = arith.constant 32 : index
      %swap3A_1109 = tpu.vector_load %arg7[%swap3A_1107, %swap3A_1108] {strides = array<i32>} : memref<640x64xf32, #tpu.memory_space<vmem>>, vector<16xf32>,
      tpu.vector_store %arg7[%swap3A_1107, %swap3A_1108], %add3A_1106 {strides = array<i32>} : memref<640x64xf32, #tpu.memory_space<vmem>>, vector<16xf32>,
      %get3A_1110 = arith.index_cast %scan3A_1082 : i32 to index
      %get3A_1111 = arith.constant 48 : index
      %get3A_1112 = tpu.vector_load %arg7[%get3A_1110, %get3A_1111] {strides = array<i32>} : memref<640x64xf32, #tpu.memory_space<vmem>>, vector<16xf32>,
      %add3A_1113 = arith.constant 8.000000e+00 : f32
      %add3A_1114 = vector.broadcast %add3A_1113 : f32 to vector<16xf32>
      %add3A_1115 = arith.addf %get3A_1112, %add3A_1114 : vector<16xf32>
      %swap3A_1116 = arith.index_cast %scan3A_1082 : i32 to index
      %swap3A_1117 = arith.constant 48 : index
      %swap3A_1118 = tpu.vector_load %arg7[%swap3A_1116, %swap3A_1117] {strides = array<i32>} : memref<640x64xf32, #tpu.memory_space<vmem>>, vector<16xf32>,
      tpu.vector_store %arg7[%swap3A_1116, %swap3A_1117], %add3A_1115 {strides = array<i32>} : memref<640x64xf32, #tpu.memory_space<vmem>>, vector<16xf32>,
    }
    %scan3A_222 = arith.constant 640 : i32
    %add3A_223 = arith.constant 640 : i32
    %add3A_224 = arith.addi %multiple_of3A, %add3A_223 : i32
    %multiple_of3A_225 = tpu.assume_multiple %add3A_224, 640 : i32
    %dma_start3A_226 = arith.constant 0 : i32
    %dma_start3A_227 = tpu.memref_slice %arg4[%multiple_of3A_225, %dma_start3A_226] : memref<204800x64xf32, #tpu.memory_space<hbm>> -> memref<640x64xf32, #tpu.memory_space<hbm>>
    %dma_start3A_228 = arith.constant 0 : i32
    %dma_start3A_229 = tpu.memref_slice %arg4[%multiple_of3A_225, %dma_start3A_228] : memref<204800x64xf32, #tpu.memory_space<hbm>> -> memref<640x64xf32, #tpu.memory_space<hbm>>
    tpu.enqueue_dma source(%arg7 : memref<640x64xf32, #tpu.memory_space<vmem>>) target(%dma_start3A_229 : memref<640x64xf32, #tpu.memory_space<hbm>>) target_semaphore(%arg11 : memref<!tpu.dma_semaphore, #tpu.memory_space<semaphore_mem>>)
    %dma_wait3A_230 = arith.constant 0 : i32
    %dma_wait3A_231 = tpu.memref_slice %arg4[%multiple_of3A_225, %dma_wait3A_230] : memref<204800x64xf32, #tpu.memory_space<hbm>> -> memref<640x64xf32, #tpu.memory_space<hbm>>
    %dma_wait3A_232 = arith.constant 0 : i32
    %dma_wait3A_233 = tpu.memref_slice %arg4[%multiple_of3A_225, %dma_wait3A_232] : memref<204800x64xf32, #tpu.memory_space<hbm>> -> memref<640x64xf32, #tpu.memory_space<hbm>>
    tpu.wait_dma2 semaphore(%arg11 : memref<!tpu.dma_semaphore, #tpu.memory_space<semaphore_mem>>) src(%arg7 : memref<640x64xf32, #tpu.memory_space<vmem>>) dst(%dma_wait3A_233 : memref<640x64xf32, #tpu.memory_space<hbm>>)
    %dma_start3A_234 = arith.constant 0 : i32
    %dma_start3A_235 = arith.constant 0 : i32
    %dma_start3A_236 = tpu.memref_slice %arg7[%dma_start3A_234, %dma_start3A_235] : memref<640x64xf32, #tpu.memory_space<vmem>> -> memref<128x64xf32, #tpu.memory_space<vmem>>
    %dma_start3A_237 = arith.constant 1920 : i32
    %dma_start3A_238 = tpu.memref_slice %arg5[%dma_start3A_237] : memref<6400xi32, #tpu.memory_space<vmem>> -> memref<128xi32, #tpu.memory_space<vmem>>
    %dma_start3A_239 = arith.constant 0 : i32
    %dma_start3A_240 = arith.constant 0 : i32
    %dma_start3A_241 = tpu.memref_slice %arg3[%dma_start3A_239, %dma_start3A_240] : memref<1000000x64xf32, #tpu.memory_space<hbm>> -> memref<1000000x64xf32, #tpu.memory_space<hbm>>
    tpu.enqueue_indirect_dma source(%dma_start3A_241 : memref<1000000x64xf32, #tpu.memory_space<hbm>>) target(%dma_start3A_236 : memref<128x64xf32, #tpu.memory_space<vmem>>) offsets(%dma_start3A_238 : memref<128xi32, #tpu.memory_space<vmem>>) semaphore(%arg9 : memref<!tpu.dma_semaphore, #tpu.memory_space<semaphore_mem>>)
    %dma_start3A_242 = arith.constant 128 : i32
    %dma_start3A_243 = arith.constant 0 : i32
    %dma_start3A_244 = tpu.memref_slice %arg7[%dma_start3A_242, %dma_start3A_243] : memref<640x64xf32, #tpu.memory_space<vmem>> -> memref<128x64xf32, #tpu.memory_space<vmem>>
    %dma_start3A_245 = arith.constant 2048 : i32
    %dma_start3A_246 = tpu.memref_slice %arg5[%dma_start3A_245] : memref<6400xi32, #tpu.memory_space<vmem>> -> memref<128xi32, #tpu.memory_space<vmem>>
    %dma_start3A_247 = arith.constant 0 : i32
    %dma_start3A_248 = arith.constant 0 : i32
    %dma_start3A_249 = tpu.memref_slice %arg3[%dma_start3A_247, %dma_start3A_248] : memref<1000000x64xf32, #tpu.memory_space<hbm>> -> memref<1000000x64xf32, #tpu.memory_space<hbm>>
    tpu.enqueue_indirect_dma source(%dma_start3A_249 : memref<1000000x64xf32, #tpu.memory_space<hbm>>) target(%dma_start3A_244 : memref<128x64xf32, #tpu.memory_space<vmem>>) offsets(%dma_start3A_246 : memref<128xi32, #tpu.memory_space<vmem>>) semaphore(%arg9 : memref<!tpu.dma_semaphore, #tpu.memory_space<semaphore_mem>>)
    %dma_start3A_250 = arith.constant 256 : i32
    %dma_start3A_251 = arith.constant 0 : i32
    %dma_start3A_252 = tpu.memref_slice %arg7[%dma_start3A_250, %dma_start3A_251] : memref<640x64xf32, #tpu.memory_space<vmem>> -> memref<128x64xf32, #tpu.memory_space<vmem>>
    %dma_start3A_253 = arith.constant 2176 : i32
    %dma_start3A_254 = tpu.memref_slice %arg5[%dma_start3A_253] : memref<6400xi32, #tpu.memory_space<vmem>> -> memref<128xi32, #tpu.memory_space<vmem>>
    %dma_start3A_255 = arith.constant 0 : i32
    %dma_start3A_256 = arith.constant 0 : i32
    %dma_start3A_257 = tpu.memref_slice %arg3[%dma_start3A_255, %dma_start3A_256] : memref<1000000x64xf32, #tpu.memory_space<hbm>> -> memref<1000000x64xf32, #tpu.memory_space<hbm>>
    tpu.enqueue_indirect_dma source(%dma_start3A_257 : memref<1000000x64xf32, #tpu.memory_space<hbm>>) target(%dma_start3A_252 : memref<128x64xf32, #tpu.memory_space<vmem>>) offsets(%dma_start3A_254 : memref<128xi32, #tpu.memory_space<vmem>>) semaphore(%arg9 : memref<!tpu.dma_semaphore, #tpu.memory_space<semaphore_mem>>)
    %dma_start3A_258 = arith.constant 384 : i32
    %dma_start3A_259 = arith.constant 0 : i32
    %dma_start3A_260 = tpu.memref_slice %arg7[%dma_start3A_258, %dma_start3A_259] : memref<640x64xf32, #tpu.memory_space<vmem>> -> memref<128x64xf32, #tpu.memory_space<vmem>>
    %dma_start3A_261 = arith.constant 2304 : i32
    %dma_start3A_262 = tpu.memref_slice %arg5[%dma_start3A_261] : memref<6400xi32, #tpu.memory_space<vmem>> -> memref<128xi32, #tpu.memory_space<vmem>>
    %dma_start3A_263 = arith.constant 0 : i32
    %dma_start3A_264 = arith.constant 0 : i32
    %dma_start3A_265 = tpu.memref_slice %arg3[%dma_start3A_263, %dma_start3A_264] : memref<1000000x64xf32, #tpu.memory_space<hbm>> -> memref<1000000x64xf32, #tpu.memory_space<hbm>>
    tpu.enqueue_indirect_dma source(%dma_start3A_265 : memref<1000000x64xf32, #tpu.memory_space<hbm>>) target(%dma_start3A_260 : memref<128x64xf32, #tpu.memory_space<vmem>>) offsets(%dma_start3A_262 : memref<128xi32, #tpu.memory_space<vmem>>) semaphore(%arg9 : memref<!tpu.dma_semaphore, #tpu.memory_space<semaphore_mem>>)
    %dma_start3A_266 = arith.constant 512 : i32
    %dma_start3A_267 = arith.constant 0 : i32
    %dma_start3A_268 = tpu.memref_slice %arg7[%dma_start3A_266, %dma_start3A_267] : memref<640x64xf32, #tpu.memory_space<vmem>> -> memref<128x64xf32, #tpu.memory_space<vmem>>
    %dma_start3A_269 = arith.constant 2432 : i32
    %dma_start3A_270 = tpu.memref_slice %arg5[%dma_start3A_269] : memref<6400xi32, #tpu.memory_space<vmem>> -> memref<128xi32, #tpu.memory_space<vmem>>
    %dma_start3A_271 = arith.constant 0 : i32
    %dma_start3A_272 = arith.constant 0 : i32
    %dma_start3A_273 = tpu.memref_slice %arg3[%dma_start3A_271, %dma_start3A_272] : memref<1000000x64xf32, #tpu.memory_space<hbm>> -> memref<1000000x64xf32, #tpu.memory_space<hbm>>
    tpu.enqueue_indirect_dma source(%dma_start3A_273 : memref<1000000x64xf32, #tpu.memory_space<hbm>>) target(%dma_start3A_268 : memref<128x64xf32, #tpu.memory_space<vmem>>) offsets(%dma_start3A_270 : memref<128xi32, #tpu.memory_space<vmem>>) semaphore(%arg9 : memref<!tpu.dma_semaphore, #tpu.memory_space<semaphore_mem>>)
    %dma_wait3A_274 = arith.constant 0 : i32
    %dma_wait3A_275 = arith.constant 0 : i32
    %dma_wait3A_276 = tpu.memref_slice %arg6[%dma_wait3A_274, %dma_wait3A_275] : memref<640x64xf32, #tpu.memory_space<vmem>> -> memref<128x64xf32, #tpu.memory_space<vmem>>
    %dma_wait3A_277 = arith.constant 1280 : i32
    %dma_wait3A_278 = tpu.memref_slice %arg5[%dma_wait3A_277] : memref<6400xi32, #tpu.memory_space<vmem>> -> memref<128xi32, #tpu.memory_space<vmem>>
    %dma_wait3A_279 = arith.constant 0 : i32
    %dma_wait3A_280 = arith.constant 0 : i32
    %dma_wait3A_281 = tpu.memref_slice %arg3[%dma_wait3A_279, %dma_wait3A_280] : memref<1000000x64xf32, #tpu.memory_space<hbm>> -> memref<1000000x64xf32, #tpu.memory_space<hbm>>
    tpu.wait_indirect_dma semaphore(%arg8 : memref<!tpu.dma_semaphore, #tpu.memory_space<semaphore_mem>>) src(%dma_wait3A_281 : memref<1000000x64xf32, #tpu.memory_space<hbm>>) dst(%dma_wait3A_276 : memref<128x64xf32, #tpu.memory_space<vmem>>)
    %dma_wait3A_282 = arith.constant 128 : i32
    %dma_wait3A_283 = arith.constant 0 : i32
    %dma_wait3A_284 = tpu.memref_slice %arg6[%dma_wait3A_282, %dma_wait3A_283] : memref<640x64xf32, #tpu.memory_space<vmem>> -> memref<128x64xf32, #tpu.memory_space<vmem>>
    %dma_wait3A_285 = arith.constant 1408 : i32
    %dma_wait3A_286 = tpu.memref_slice %arg5[%dma_wait3A_285] : memref<6400xi32, #tpu.memory_space<vmem>> -> memref<128xi32, #tpu.memory_space<vmem>>
    %dma_wait3A_287 = arith.constant 0 : i32
    %dma_wait3A_288 = arith.constant 0 : i32
    %dma_wait3A_289 = tpu.memref_slice %arg3[%dma_wait3A_287, %dma_wait3A_288] : memref<1000000x64xf32, #tpu.memory_space<hbm>> -> memref<1000000x64xf32, #tpu.memory_space<hbm>>
    tpu.wait_indirect_dma semaphore(%arg8 : memref<!tpu.dma_semaphore, #tpu.memory_space<semaphore_mem>>) src(%dma_wait3A_289 : memref<1000000x64xf32, #tpu.memory_space<hbm>>) dst(%dma_wait3A_284 : memref<128x64xf32, #tpu.memory_space<vmem>>)
    %dma_wait3A_290 = arith.constant 256 : i32
    %dma_wait3A_291 = arith.constant 0 : i32
    %dma_wait3A_292 = tpu.memref_slice %arg6[%dma_wait3A_290, %dma_wait3A_291] : memref<640x64xf32, #tpu.memory_space<vmem>> -> memref<128x64xf32, #tpu.memory_space<vmem>>
    %dma_wait3A_293 = arith.constant 1536 : i32
    %dma_wait3A_294 = tpu.memref_slice %arg5[%dma_wait3A_293] : memref<6400xi32, #tpu.memory_space<vmem>> -> memref<128xi32, #tpu.memory_space<vmem>>
    %dma_wait3A_295 = arith.constant 0 : i32
    %dma_wait3A_296 = arith.constant 0 : i32
    %dma_wait3A_297 = tpu.memref_slice %arg3[%dma_wait3A_295, %dma_wait3A_296] : memref<1000000x64xf32, #tpu.memory_space<hbm>> -> memref<1000000x64xf32, #tpu.memory_space<hbm>>
    tpu.wait_indirect_dma semaphore(%arg8 : memref<!tpu.dma_semaphore, #tpu.memory_space<semaphore_mem>>) src(%dma_wait3A_297 : memref<1000000x64xf32, #tpu.memory_space<hbm>>) dst(%dma_wait3A_292 : memref<128x64xf32, #tpu.memory_space<vmem>>)
    %dma_wait3A_298 = arith.constant 384 : i32
    %dma_wait3A_299 = arith.constant 0 : i32
    %dma_wait3A_300 = tpu.memref_slice %arg6[%dma_wait3A_298, %dma_wait3A_299] : memref<640x64xf32, #tpu.memory_space<vmem>> -> memref<128x64xf32, #tpu.memory_space<vmem>>
    %dma_wait3A_301 = arith.constant 1664 : i32
    %dma_wait3A_302 = tpu.memref_slice %arg5[%dma_wait3A_301] : memref<6400xi32, #tpu.memory_space<vmem>> -> memref<128xi32, #tpu.memory_space<vmem>>
    %dma_wait3A_303 = arith.constant 0 : i32
    %dma_wait3A_304 = arith.constant 0 : i32
    %dma_wait3A_305 = tpu.memref_slice %arg3[%dma_wait3A_303, %dma_wait3A_304] : memref<1000000x64xf32, #tpu.memory_space<hbm>> -> memref<1000000x64xf32, #tpu.memory_space<hbm>>
    tpu.wait_indirect_dma semaphore(%arg8 : memref<!tpu.dma_semaphore, #tpu.memory_space<semaphore_mem>>) src(%dma_wait3A_305 : memref<1000000x64xf32, #tpu.memory_space<hbm>>) dst(%dma_wait3A_300 : memref<128x64xf32, #tpu.memory_space<vmem>>)
    %dma_wait3A_306 = arith.constant 512 : i32
    %dma_wait3A_307 = arith.constant 0 : i32
    %dma_wait3A_308 = tpu.memref_slice %arg6[%dma_wait3A_306, %dma_wait3A_307] : memref<640x64xf32, #tpu.memory_space<vmem>> -> memref<128x64xf32, #tpu.memory_space<vmem>>
    %dma_wait3A_309 = arith.constant 1792 : i32
    %dma_wait3A_310 = tpu.memref_slice %arg5[%dma_wait3A_309] : memref<6400xi32, #tpu.memory_space<vmem>> -> memref<128xi32, #tpu.memory_space<vmem>>
    %dma_wait3A_311 = arith.constant 0 : i32
    %dma_wait3A_312 = arith.constant 0 : i32
    %dma_wait3A_313 = tpu.memref_slice %arg3[%dma_wait3A_311, %dma_wait3A_312] : memref<1000000x64xf32, #tpu.memory_space<hbm>> -> memref<1000000x64xf32, #tpu.memory_space<hbm>>
    tpu.wait_indirect_dma semaphore(%arg8 : memref<!tpu.dma_semaphore, #tpu.memory_space<semaphore_mem>>) src(%dma_wait3A_313 : memref<1000000x64xf32, #tpu.memory_space<hbm>>) dst(%dma_wait3A_308 : memref<128x64xf32, #tpu.memory_space<vmem>>)
    %scan3A_314 = arith.constant 0 : i32
    %scan3A_315 = arith.constant 0 : i32
    %scan3A_316 = arith.constant 640 : i32
    %scan3A_317 = arith.addi %scan3A_315, %scan3A_316 : i32
    %scan3A_318 = arith.constant 4 : i32
    scf.for %scan3A_970 = %scan3A_315 to %scan3A_317 step %scan3A_318  : i32 {
      %get3A = arith.index_cast %scan3A_970 : i32 to index
      %get3A_971 = arith.constant 0 : index
      %get3A_972 = tpu.vector_load %arg6[%get3A, %get3A_971] {strides = array<i32>} : memref<640x64xf32, #tpu.memory_space<vmem>>, vector<16xf32>,
      %add3A_973 = arith.constant 8.000000e+00 : f32
      %add3A_974 = vector.broadcast %add3A_973 : f32 to vector<16xf32>
      %add3A_975 = arith.addf %get3A_972, %add3A_974 : vector<16xf32>
      %swap3A = arith.index_cast %scan3A_970 : i32 to index
      %swap3A_976 = arith.constant 0 : index
      %swap3A_977 = tpu.vector_load %arg6[%swap3A, %swap3A_976] {strides = array<i32>} : memref<640x64xf32, #tpu.memory_space<vmem>>, vector<16xf32>,
      tpu.vector_store %arg6[%swap3A, %swap3A_976], %add3A_975 {strides = array<i32>} : memref<640x64xf32, #tpu.memory_space<vmem>>, vector<16xf32>,
      %get3A_978 = arith.index_cast %scan3A_970 : i32 to index
      %get3A_979 = arith.constant 16 : index
      %get3A_980 = tpu.vector_load %arg6[%get3A_978, %get3A_979] {strides = array<i32>} : memref<640x64xf32, #tpu.memory_space<vmem>>, vector<16xf32>,
      %add3A_981 = arith.constant 8.000000e+00 : f32
      %add3A_982 = vector.broadcast %add3A_981 : f32 to vector<16xf32>
      %add3A_983 = arith.addf %get3A_980, %add3A_982 : vector<16xf32>
      %swap3A_984 = arith.index_cast %scan3A_970 : i32 to index
      %swap3A_985 = arith.constant 16 : index
      %swap3A_986 = tpu.vector_load %arg6[%swap3A_984, %swap3A_985] {strides = array<i32>} : memref<640x64xf32, #tpu.memory_space<vmem>>, vector<16xf32>,
      tpu.vector_store %arg6[%swap3A_984, %swap3A_985], %add3A_983 {strides = array<i32>} : memref<640x64xf32, #tpu.memory_space<vmem>>, vector<16xf32>,
      %get3A_987 = arith.index_cast %scan3A_970 : i32 to index
      %get3A_988 = arith.constant 32 : index
      %get3A_989 = tpu.vector_load %arg6[%get3A_987, %get3A_988] {strides = array<i32>} : memref<640x64xf32, #tpu.memory_space<vmem>>, vector<16xf32>,
      %add3A_990 = arith.constant 8.000000e+00 : f32
      %add3A_991 = vector.broadcast %add3A_990 : f32 to vector<16xf32>
      %add3A_992 = arith.addf %get3A_989, %add3A_991 : vector<16xf32>
      %swap3A_993 = arith.index_cast %scan3A_970 : i32 to index
      %swap3A_994 = arith.constant 32 : index
      %swap3A_995 = tpu.vector_load %arg6[%swap3A_993, %swap3A_994] {strides = array<i32>} : memref<640x64xf32, #tpu.memory_space<vmem>>, vector<16xf32>,
      tpu.vector_store %arg6[%swap3A_993, %swap3A_994], %add3A_992 {strides = array<i32>} : memref<640x64xf32, #tpu.memory_space<vmem>>, vector<16xf32>,
      %get3A_996 = arith.index_cast %scan3A_970 : i32 to index
      %get3A_997 = arith.constant 48 : index
      %get3A_998 = tpu.vector_load %arg6[%get3A_996, %get3A_997] {strides = array<i32>} : memref<640x64xf32, #tpu.memory_space<vmem>>, vector<16xf32>,
      %add3A_999 = arith.constant 8.000000e+00 : f32
      %add3A_1000 = vector.broadcast %add3A_999 : f32 to vector<16xf32>
      %add3A_1001 = arith.addf %get3A_998, %add3A_1000 : vector<16xf32>
      %swap3A_1002 = arith.index_cast %scan3A_970 : i32 to index
      %swap3A_1003 = arith.constant 48 : index
      %swap3A_1004 = tpu.vector_load %arg6[%swap3A_1002, %swap3A_1003] {strides = array<i32>} : memref<640x64xf32, #tpu.memory_space<vmem>>, vector<16xf32>,
      tpu.vector_store %arg6[%swap3A_1002, %swap3A_1003], %add3A_1001 {strides = array<i32>} : memref<640x64xf32, #tpu.memory_space<vmem>>, vector<16xf32>,
      %scan3A_1005 = arith.constant 1 : i32
      %scan3A_1006 = arith.addi %scan3A_970, %scan3A_1005 : i32
      %get3A_1007 = arith.index_cast %scan3A_1006 : i32 to index
      %get3A_1008 = arith.constant 0 : index
      %get3A_1009 = tpu.vector_load %arg6[%get3A_1007, %get3A_1008] {strides = array<i32>} : memref<640x64xf32, #tpu.memory_space<vmem>>, vector<16xf32>,
      %add3A_1010 = arith.constant 8.000000e+00 : f32
      %add3A_1011 = vector.broadcast %add3A_1010 : f32 to vector<16xf32>
      %add3A_1012 = arith.addf %get3A_1009, %add3A_1011 : vector<16xf32>
      %swap3A_1013 = arith.index_cast %scan3A_1006 : i32 to index
      %swap3A_1014 = arith.constant 0 : index
      %swap3A_1015 = tpu.vector_load %arg6[%swap3A_1013, %swap3A_1014] {strides = array<i32>} : memref<640x64xf32, #tpu.memory_space<vmem>>, vector<16xf32>,
      tpu.vector_store %arg6[%swap3A_1013, %swap3A_1014], %add3A_1012 {strides = array<i32>} : memref<640x64xf32, #tpu.memory_space<vmem>>, vector<16xf32>,
      %get3A_1016 = arith.index_cast %scan3A_1006 : i32 to index
      %get3A_1017 = arith.constant 16 : index
      %get3A_1018 = tpu.vector_load %arg6[%get3A_1016, %get3A_1017] {strides = array<i32>} : memref<640x64xf32, #tpu.memory_space<vmem>>, vector<16xf32>,
      %add3A_1019 = arith.constant 8.000000e+00 : f32
      %add3A_1020 = vector.broadcast %add3A_1019 : f32 to vector<16xf32>
      %add3A_1021 = arith.addf %get3A_1018, %add3A_1020 : vector<16xf32>
      %swap3A_1022 = arith.index_cast %scan3A_1006 : i32 to index
      %swap3A_1023 = arith.constant 16 : index
      %swap3A_1024 = tpu.vector_load %arg6[%swap3A_1022, %swap3A_1023] {strides = array<i32>} : memref<640x64xf32, #tpu.memory_space<vmem>>, vector<16xf32>,
      tpu.vector_store %arg6[%swap3A_1022, %swap3A_1023], %add3A_1021 {strides = array<i32>} : memref<640x64xf32, #tpu.memory_space<vmem>>, vector<16xf32>,
      %get3A_1025 = arith.index_cast %scan3A_1006 : i32 to index
      %get3A_1026 = arith.constant 32 : index
      %get3A_1027 = tpu.vector_load %arg6[%get3A_1025, %get3A_1026] {strides = array<i32>} : memref<640x64xf32, #tpu.memory_space<vmem>>, vector<16xf32>,
      %add3A_1028 = arith.constant 8.000000e+00 : f32
      %add3A_1029 = vector.broadcast %add3A_1028 : f32 to vector<16xf32>
      %add3A_1030 = arith.addf %get3A_1027, %add3A_1029 : vector<16xf32>
      %swap3A_1031 = arith.index_cast %scan3A_1006 : i32 to index
      %swap3A_1032 = arith.constant 32 : index
      %swap3A_1033 = tpu.vector_load %arg6[%swap3A_1031, %swap3A_1032] {strides = array<i32>} : memref<640x64xf32, #tpu.memory_space<vmem>>, vector<16xf32>,
      tpu.vector_store %arg6[%swap3A_1031, %swap3A_1032], %add3A_1030 {strides = array<i32>} : memref<640x64xf32, #tpu.memory_space<vmem>>, vector<16xf32>,
      %get3A_1034 = arith.index_cast %scan3A_1006 : i32 to index
      %get3A_1035 = arith.constant 48 : index
      %get3A_1036 = tpu.vector_load %arg6[%get3A_1034, %get3A_1035] {strides = array<i32>} : memref<640x64xf32, #tpu.memory_space<vmem>>, vector<16xf32>,
      %add3A_1037 = arith.constant 8.000000e+00 : f32
      %add3A_1038 = vector.broadcast %add3A_1037 : f32 to vector<16xf32>
      %add3A_1039 = arith.addf %get3A_1036, %add3A_1038 : vector<16xf32>
      %swap3A_1040 = arith.index_cast %scan3A_1006 : i32 to index
      %swap3A_1041 = arith.constant 48 : index
      %swap3A_1042 = tpu.vector_load %arg6[%swap3A_1040, %swap3A_1041] {strides = array<i32>} : memref<640x64xf32, #tpu.memory_space<vmem>>, vector<16xf32>,
      tpu.vector_store %arg6[%swap3A_1040, %swap3A_1041], %add3A_1039 {strides = array<i32>} : memref<640x64xf32, #tpu.memory_space<vmem>>, vector<16xf32>,
      %scan3A_1043 = arith.constant 2 : i32
      %scan3A_1044 = arith.addi %scan3A_970, %scan3A_1043 : i32
      %get3A_1045 = arith.index_cast %scan3A_1044 : i32 to index
      %get3A_1046 = arith.constant 0 : index
      %get3A_1047 = tpu.vector_load %arg6[%get3A_1045, %get3A_1046] {strides = array<i32>} : memref<640x64xf32, #tpu.memory_space<vmem>>, vector<16xf32>,
      %add3A_1048 = arith.constant 8.000000e+00 : f32
      %add3A_1049 = vector.broadcast %add3A_1048 : f32 to vector<16xf32>
      %add3A_1050 = arith.addf %get3A_1047, %add3A_1049 : vector<16xf32>
      %swap3A_1051 = arith.index_cast %scan3A_1044 : i32 to index
      %swap3A_1052 = arith.constant 0 : index
      %swap3A_1053 = tpu.vector_load %arg6[%swap3A_1051, %swap3A_1052] {strides = array<i32>} : memref<640x64xf32, #tpu.memory_space<vmem>>, vector<16xf32>,
      tpu.vector_store %arg6[%swap3A_1051, %swap3A_1052], %add3A_1050 {strides = array<i32>} : memref<640x64xf32, #tpu.memory_space<vmem>>, vector<16xf32>,
      %get3A_1054 = arith.index_cast %scan3A_1044 : i32 to index
      %get3A_1055 = arith.constant 16 : index
      %get3A_1056 = tpu.vector_load %arg6[%get3A_1054, %get3A_1055] {strides = array<i32>} : memref<640x64xf32, #tpu.memory_space<vmem>>, vector<16xf32>,
      %add3A_1057 = arith.constant 8.000000e+00 : f32
      %add3A_1058 = vector.broadcast %add3A_1057 : f32 to vector<16xf32>
      %add3A_1059 = arith.addf %get3A_1056, %add3A_1058 : vector<16xf32>
      %swap3A_1060 = arith.index_cast %scan3A_1044 : i32 to index
      %swap3A_1061 = arith.constant 16 : index
      %swap3A_1062 = tpu.vector_load %arg6[%swap3A_1060, %swap3A_1061] {strides = array<i32>} : memref<640x64xf32, #tpu.memory_space<vmem>>, vector<16xf32>,
      tpu.vector_store %arg6[%swap3A_1060, %swap3A_1061], %add3A_1059 {strides = array<i32>} : memref<640x64xf32, #tpu.memory_space<vmem>>, vector<16xf32>,
      %get3A_1063 = arith.index_cast %scan3A_1044 : i32 to index
      %get3A_1064 = arith.constant 32 : index
      %get3A_1065 = tpu.vector_load %arg6[%get3A_1063, %get3A_1064] {strides = array<i32>} : memref<640x64xf32, #tpu.memory_space<vmem>>, vector<16xf32>,
      %add3A_1066 = arith.constant 8.000000e+00 : f32
      %add3A_1067 = vector.broadcast %add3A_1066 : f32 to vector<16xf32>
      %add3A_1068 = arith.addf %get3A_1065, %add3A_1067 : vector<16xf32>
      %swap3A_1069 = arith.index_cast %scan3A_1044 : i32 to index
      %swap3A_1070 = arith.constant 32 : index
      %swap3A_1071 = tpu.vector_load %arg6[%swap3A_1069, %swap3A_1070] {strides = array<i32>} : memref<640x64xf32, #tpu.memory_space<vmem>>, vector<16xf32>,
      tpu.vector_store %arg6[%swap3A_1069, %swap3A_1070], %add3A_1068 {strides = array<i32>} : memref<640x64xf32, #tpu.memory_space<vmem>>, vector<16xf32>,
      %get3A_1072 = arith.index_cast %scan3A_1044 : i32 to index
      %get3A_1073 = arith.constant 48 : index
      %get3A_1074 = tpu.vector_load %arg6[%get3A_1072, %get3A_1073] {strides = array<i32>} : memref<640x64xf32, #tpu.memory_space<vmem>>, vector<16xf32>,
      %add3A_1075 = arith.constant 8.000000e+00 : f32
      %add3A_1076 = vector.broadcast %add3A_1075 : f32 to vector<16xf32>
      %add3A_1077 = arith.addf %get3A_1074, %add3A_1076 : vector<16xf32>
      %swap3A_1078 = arith.index_cast %scan3A_1044 : i32 to index
      %swap3A_1079 = arith.constant 48 : index
      %swap3A_1080 = tpu.vector_load %arg6[%swap3A_1078, %swap3A_1079] {strides = array<i32>} : memref<640x64xf32, #tpu.memory_space<vmem>>, vector<16xf32>,
      tpu.vector_store %arg6[%swap3A_1078, %swap3A_1079], %add3A_1077 {strides = array<i32>} : memref<640x64xf32, #tpu.memory_space<vmem>>, vector<16xf32>,
      %scan3A_1081 = arith.constant 3 : i32
      %scan3A_1082 = arith.addi %scan3A_970, %scan3A_1081 : i32
      %get3A_1083 = arith.index_cast %scan3A_1082 : i32 to index
      %get3A_1084 = arith.constant 0 : index
      %get3A_1085 = tpu.vector_load %arg6[%get3A_1083, %get3A_1084] {strides = array<i32>} : memref<640x64xf32, #tpu.memory_space<vmem>>, vector<16xf32>,
      %add3A_1086 = arith.constant 8.000000e+00 : f32
      %add3A_1087 = vector.broadcast %add3A_1086 : f32 to vector<16xf32>
      %add3A_1088 = arith.addf %get3A_1085, %add3A_1087 : vector<16xf32>
      %swap3A_1089 = arith.index_cast %scan3A_1082 : i32 to index
      %swap3A_1090 = arith.constant 0 : index
      %swap3A_1091 = tpu.vector_load %arg6[%swap3A_1089, %swap3A_1090] {strides = array<i32>} : memref<640x64xf32, #tpu.memory_space<vmem>>, vector<16xf32>,
      tpu.vector_store %arg6[%swap3A_1089, %swap3A_1090], %add3A_1088 {strides = array<i32>} : memref<640x64xf32, #tpu.memory_space<vmem>>, vector<16xf32>,
      %get3A_1092 = arith.index_cast %scan3A_1082 : i32 to index
      %get3A_1093 = arith.constant 16 : index
      %get3A_1094 = tpu.vector_load %arg6[%get3A_1092, %get3A_1093] {strides = array<i32>} : memref<640x64xf32, #tpu.memory_space<vmem>>, vector<16xf32>,
      %add3A_1095 = arith.constant 8.000000e+00 : f32
      %add3A_1096 = vector.broadcast %add3A_1095 : f32 to vector<16xf32>
      %add3A_1097 = arith.addf %get3A_1094, %add3A_1096 : vector<16xf32>
      %swap3A_1098 = arith.index_cast %scan3A_1082 : i32 to index
      %swap3A_1099 = arith.constant 16 : index
      %swap3A_1100 = tpu.vector_load %arg6[%swap3A_1098, %swap3A_1099] {strides = array<i32>} : memref<640x64xf32, #tpu.memory_space<vmem>>, vector<16xf32>,
      tpu.vector_store %arg6[%swap3A_1098, %swap3A_1099], %add3A_1097 {strides = array<i32>} : memref<640x64xf32, #tpu.memory_space<vmem>>, vector<16xf32>,
      %get3A_1101 = arith.index_cast %scan3A_1082 : i32 to index
      %get3A_1102 = arith.constant 32 : index
      %get3A_1103 = tpu.vector_load %arg6[%get3A_1101, %get3A_1102] {strides = array<i32>} : memref<640x64xf32, #tpu.memory_space<vmem>>, vector<16xf32>,
      %add3A_1104 = arith.constant 8.000000e+00 : f32
      %add3A_1105 = vector.broadcast %add3A_1104 : f32 to vector<16xf32>
      %add3A_1106 = arith.addf %get3A_1103, %add3A_1105 : vector<16xf32>
      %swap3A_1107 = arith.index_cast %scan3A_1082 : i32 to index
      %swap3A_1108 = arith.constant 32 : index
      %swap3A_1109 = tpu.vector_load %arg6[%swap3A_1107, %swap3A_1108] {strides = array<i32>} : memref<640x64xf32, #tpu.memory_space<vmem>>, vector<16xf32>,
      tpu.vector_store %arg6[%swap3A_1107, %swap3A_1108], %add3A_1106 {strides = array<i32>} : memref<640x64xf32, #tpu.memory_space<vmem>>, vector<16xf32>,
      %get3A_1110 = arith.index_cast %scan3A_1082 : i32 to index
      %get3A_1111 = arith.constant 48 : index
      %get3A_1112 = tpu.vector_load %arg6[%get3A_1110, %get3A_1111] {strides = array<i32>} : memref<640x64xf32, #tpu.memory_space<vmem>>, vector<16xf32>,
      %add3A_1113 = arith.constant 8.000000e+00 : f32
      %add3A_1114 = vector.broadcast %add3A_1113 : f32 to vector<16xf32>
      %add3A_1115 = arith.addf %get3A_1112, %add3A_1114 : vector<16xf32>
      %swap3A_1116 = arith.index_cast %scan3A_1082 : i32 to index
      %swap3A_1117 = arith.constant 48 : index
      %swap3A_1118 = tpu.vector_load %arg6[%swap3A_1116, %swap3A_1117] {strides = array<i32>} : memref<640x64xf32, #tpu.memory_space<vmem>>, vector<16xf32>,
      tpu.vector_store %arg6[%swap3A_1116, %swap3A_1117], %add3A_1115 {strides = array<i32>} : memref<640x64xf32, #tpu.memory_space<vmem>>, vector<16xf32>,
    }
    %scan3A_319 = arith.constant 640 : i32
    %add3A_320 = arith.constant 1280 : i32
    %add3A_321 = arith.addi %multiple_of3A, %add3A_320 : i32
    %multiple_of3A_322 = tpu.assume_multiple %add3A_321, 640 : i32
    %dma_start3A_323 = arith.constant 0 : i32
    %dma_start3A_324 = tpu.memref_slice %arg4[%multiple_of3A_322, %dma_start3A_323] : memref<204800x64xf32, #tpu.memory_space<hbm>> -> memref<640x64xf32, #tpu.memory_space<hbm>>
    %dma_start3A_325 = arith.constant 0 : i32
    %dma_start3A_326 = tpu.memref_slice %arg4[%multiple_of3A_322, %dma_start3A_325] : memref<204800x64xf32, #tpu.memory_space<hbm>> -> memref<640x64xf32, #tpu.memory_space<hbm>>
    tpu.enqueue_dma source(%arg6 : memref<640x64xf32, #tpu.memory_space<vmem>>) target(%dma_start3A_326 : memref<640x64xf32, #tpu.memory_space<hbm>>) target_semaphore(%arg10 : memref<!tpu.dma_semaphore, #tpu.memory_space<semaphore_mem>>)
    %dma_wait3A_327 = arith.constant 0 : i32
    %dma_wait3A_328 = tpu.memref_slice %arg4[%multiple_of3A_322, %dma_wait3A_327] : memref<204800x64xf32, #tpu.memory_space<hbm>> -> memref<640x64xf32, #tpu.memory_space<hbm>>
    %dma_wait3A_329 = arith.constant 0 : i32
    %dma_wait3A_330 = tpu.memref_slice %arg4[%multiple_of3A_322, %dma_wait3A_329] : memref<204800x64xf32, #tpu.memory_space<hbm>> -> memref<640x64xf32, #tpu.memory_space<hbm>>
    tpu.wait_dma2 semaphore(%arg10 : memref<!tpu.dma_semaphore, #tpu.memory_space<semaphore_mem>>) src(%arg6 : memref<640x64xf32, #tpu.memory_space<vmem>>) dst(%dma_wait3A_330 : memref<640x64xf32, #tpu.memory_space<hbm>>)
    %dma_start3A_331 = arith.constant 0 : i32
    %dma_start3A_332 = arith.constant 0 : i32
    %dma_start3A_333 = tpu.memref_slice %arg6[%dma_start3A_331, %dma_start3A_332] : memref<640x64xf32, #tpu.memory_space<vmem>> -> memref<128x64xf32, #tpu.memory_space<vmem>>
    %dma_start3A_334 = arith.constant 2560 : i32
    %dma_start3A_335 = tpu.memref_slice %arg5[%dma_start3A_334] : memref<6400xi32, #tpu.memory_space<vmem>> -> memref<128xi32, #tpu.memory_space<vmem>>
    %dma_start3A_336 = arith.constant 0 : i32
    %dma_start3A_337 = arith.constant 0 : i32
    %dma_start3A_338 = tpu.memref_slice %arg3[%dma_start3A_336, %dma_start3A_337] : memref<1000000x64xf32, #tpu.memory_space<hbm>> -> memref<1000000x64xf32, #tpu.memory_space<hbm>>
    tpu.enqueue_indirect_dma source(%dma_start3A_338 : memref<1000000x64xf32, #tpu.memory_space<hbm>>) target(%dma_start3A_333 : memref<128x64xf32, #tpu.memory_space<vmem>>) offsets(%dma_start3A_335 : memref<128xi32, #tpu.memory_space<vmem>>) semaphore(%arg8 : memref<!tpu.dma_semaphore, #tpu.memory_space<semaphore_mem>>)
    %dma_start3A_339 = arith.constant 128 : i32
    %dma_start3A_340 = arith.constant 0 : i32
    %dma_start3A_341 = tpu.memref_slice %arg6[%dma_start3A_339, %dma_start3A_340] : memref<640x64xf32, #tpu.memory_space<vmem>> -> memref<128x64xf32, #tpu.memory_space<vmem>>
    %dma_start3A_342 = arith.constant 2688 : i32
    %dma_start3A_343 = tpu.memref_slice %arg5[%dma_start3A_342] : memref<6400xi32, #tpu.memory_space<vmem>> -> memref<128xi32, #tpu.memory_space<vmem>>
    %dma_start3A_344 = arith.constant 0 : i32
    %dma_start3A_345 = arith.constant 0 : i32
    %dma_start3A_346 = tpu.memref_slice %arg3[%dma_start3A_344, %dma_start3A_345] : memref<1000000x64xf32, #tpu.memory_space<hbm>> -> memref<1000000x64xf32, #tpu.memory_space<hbm>>
    tpu.enqueue_indirect_dma source(%dma_start3A_346 : memref<1000000x64xf32, #tpu.memory_space<hbm>>) target(%dma_start3A_341 : memref<128x64xf32, #tpu.memory_space<vmem>>) offsets(%dma_start3A_343 : memref<128xi32, #tpu.memory_space<vmem>>) semaphore(%arg8 : memref<!tpu.dma_semaphore, #tpu.memory_space<semaphore_mem>>)
    %dma_start3A_347 = arith.constant 256 : i32
    %dma_start3A_348 = arith.constant 0 : i32
    %dma_start3A_349 = tpu.memref_slice %arg6[%dma_start3A_347, %dma_start3A_348] : memref<640x64xf32, #tpu.memory_space<vmem>> -> memref<128x64xf32, #tpu.memory_space<vmem>>
    %dma_start3A_350 = arith.constant 2816 : i32
    %dma_start3A_351 = tpu.memref_slice %arg5[%dma_start3A_350] : memref<6400xi32, #tpu.memory_space<vmem>> -> memref<128xi32, #tpu.memory_space<vmem>>
    %dma_start3A_352 = arith.constant 0 : i32
    %dma_start3A_353 = arith.constant 0 : i32
    %dma_start3A_354 = tpu.memref_slice %arg3[%dma_start3A_352, %dma_start3A_353] : memref<1000000x64xf32, #tpu.memory_space<hbm>> -> memref<1000000x64xf32, #tpu.memory_space<hbm>>
    tpu.enqueue_indirect_dma source(%dma_start3A_354 : memref<1000000x64xf32, #tpu.memory_space<hbm>>) target(%dma_start3A_349 : memref<128x64xf32, #tpu.memory_space<vmem>>) offsets(%dma_start3A_351 : memref<128xi32, #tpu.memory_space<vmem>>) semaphore(%arg8 : memref<!tpu.dma_semaphore, #tpu.memory_space<semaphore_mem>>)
    %dma_start3A_355 = arith.constant 384 : i32
    %dma_start3A_356 = arith.constant 0 : i32
    %dma_start3A_357 = tpu.memref_slice %arg6[%dma_start3A_355, %dma_start3A_356] : memref<640x64xf32, #tpu.memory_space<vmem>> -> memref<128x64xf32, #tpu.memory_space<vmem>>
    %dma_start3A_358 = arith.constant 2944 : i32
    %dma_start3A_359 = tpu.memref_slice %arg5[%dma_start3A_358] : memref<6400xi32, #tpu.memory_space<vmem>> -> memref<128xi32, #tpu.memory_space<vmem>>
    %dma_start3A_360 = arith.constant 0 : i32
    %dma_start3A_361 = arith.constant 0 : i32
    %dma_start3A_362 = tpu.memref_slice %arg3[%dma_start3A_360, %dma_start3A_361] : memref<1000000x64xf32, #tpu.memory_space<hbm>> -> memref<1000000x64xf32, #tpu.memory_space<hbm>>
    tpu.enqueue_indirect_dma source(%dma_start3A_362 : memref<1000000x64xf32, #tpu.memory_space<hbm>>) target(%dma_start3A_357 : memref<128x64xf32, #tpu.memory_space<vmem>>) offsets(%dma_start3A_359 : memref<128xi32, #tpu.memory_space<vmem>>) semaphore(%arg8 : memref<!tpu.dma_semaphore, #tpu.memory_space<semaphore_mem>>)
    %dma_start3A_363 = arith.constant 512 : i32
    %dma_start3A_364 = arith.constant 0 : i32
    %dma_start3A_365 = tpu.memref_slice %arg6[%dma_start3A_363, %dma_start3A_364] : memref<640x64xf32, #tpu.memory_space<vmem>> -> memref<128x64xf32, #tpu.memory_space<vmem>>
    %dma_start3A_366 = arith.constant 3072 : i32
    %dma_start3A_367 = tpu.memref_slice %arg5[%dma_start3A_366] : memref<6400xi32, #tpu.memory_space<vmem>> -> memref<128xi32, #tpu.memory_space<vmem>>
    %dma_start3A_368 = arith.constant 0 : i32
    %dma_start3A_369 = arith.constant 0 : i32
    %dma_start3A_370 = tpu.memref_slice %arg3[%dma_start3A_368, %dma_start3A_369] : memref<1000000x64xf32, #tpu.memory_space<hbm>> -> memref<1000000x64xf32, #tpu.memory_space<hbm>>
    tpu.enqueue_indirect_dma source(%dma_start3A_370 : memref<1000000x64xf32, #tpu.memory_space<hbm>>) target(%dma_start3A_365 : memref<128x64xf32, #tpu.memory_space<vmem>>) offsets(%dma_start3A_367 : memref<128xi32, #tpu.memory_space<vmem>>) semaphore(%arg8 : memref<!tpu.dma_semaphore, #tpu.memory_space<semaphore_mem>>)
    %dma_wait3A_371 = arith.constant 0 : i32
    %dma_wait3A_372 = arith.constant 0 : i32
    %dma_wait3A_373 = tpu.memref_slice %arg7[%dma_wait3A_371, %dma_wait3A_372] : memref<640x64xf32, #tpu.memory_space<vmem>> -> memref<128x64xf32, #tpu.memory_space<vmem>>
    %dma_wait3A_374 = arith.constant 1920 : i32
    %dma_wait3A_375 = tpu.memref_slice %arg5[%dma_wait3A_374] : memref<6400xi32, #tpu.memory_space<vmem>> -> memref<128xi32, #tpu.memory_space<vmem>>
    %dma_wait3A_376 = arith.constant 0 : i32
    %dma_wait3A_377 = arith.constant 0 : i32
    %dma_wait3A_378 = tpu.memref_slice %arg3[%dma_wait3A_376, %dma_wait3A_377] : memref<1000000x64xf32, #tpu.memory_space<hbm>> -> memref<1000000x64xf32, #tpu.memory_space<hbm>>
    tpu.wait_indirect_dma semaphore(%arg9 : memref<!tpu.dma_semaphore, #tpu.memory_space<semaphore_mem>>) src(%dma_wait3A_378 : memref<1000000x64xf32, #tpu.memory_space<hbm>>) dst(%dma_wait3A_373 : memref<128x64xf32, #tpu.memory_space<vmem>>)
    %dma_wait3A_379 = arith.constant 128 : i32
    %dma_wait3A_380 = arith.constant 0 : i32
    %dma_wait3A_381 = tpu.memref_slice %arg7[%dma_wait3A_379, %dma_wait3A_380] : memref<640x64xf32, #tpu.memory_space<vmem>> -> memref<128x64xf32, #tpu.memory_space<vmem>>
    %dma_wait3A_382 = arith.constant 2048 : i32
    %dma_wait3A_383 = tpu.memref_slice %arg5[%dma_wait3A_382] : memref<6400xi32, #tpu.memory_space<vmem>> -> memref<128xi32, #tpu.memory_space<vmem>>
    %dma_wait3A_384 = arith.constant 0 : i32
    %dma_wait3A_385 = arith.constant 0 : i32
    %dma_wait3A_386 = tpu.memref_slice %arg3[%dma_wait3A_384, %dma_wait3A_385] : memref<1000000x64xf32, #tpu.memory_space<hbm>> -> memref<1000000x64xf32, #tpu.memory_space<hbm>>
    tpu.wait_indirect_dma semaphore(%arg9 : memref<!tpu.dma_semaphore, #tpu.memory_space<semaphore_mem>>) src(%dma_wait3A_386 : memref<1000000x64xf32, #tpu.memory_space<hbm>>) dst(%dma_wait3A_381 : memref<128x64xf32, #tpu.memory_space<vmem>>)
    %dma_wait3A_387 = arith.constant 256 : i32
    %dma_wait3A_388 = arith.constant 0 : i32
    %dma_wait3A_389 = tpu.memref_slice %arg7[%dma_wait3A_387, %dma_wait3A_388] : memref<640x64xf32, #tpu.memory_space<vmem>> -> memref<128x64xf32, #tpu.memory_space<vmem>>
    %dma_wait3A_390 = arith.constant 2176 : i32
    %dma_wait3A_391 = tpu.memref_slice %arg5[%dma_wait3A_390] : memref<6400xi32, #tpu.memory_space<vmem>> -> memref<128xi32, #tpu.memory_space<vmem>>
    %dma_wait3A_392 = arith.constant 0 : i32
    %dma_wait3A_393 = arith.constant 0 : i32
    %dma_wait3A_394 = tpu.memref_slice %arg3[%dma_wait3A_392, %dma_wait3A_393] : memref<1000000x64xf32, #tpu.memory_space<hbm>> -> memref<1000000x64xf32, #tpu.memory_space<hbm>>
    tpu.wait_indirect_dma semaphore(%arg9 : memref<!tpu.dma_semaphore, #tpu.memory_space<semaphore_mem>>) src(%dma_wait3A_394 : memref<1000000x64xf32, #tpu.memory_space<hbm>>) dst(%dma_wait3A_389 : memref<128x64xf32, #tpu.memory_space<vmem>>)
    %dma_wait3A_395 = arith.constant 384 : i32
    %dma_wait3A_396 = arith.constant 0 : i32
    %dma_wait3A_397 = tpu.memref_slice %arg7[%dma_wait3A_395, %dma_wait3A_396] : memref<640x64xf32, #tpu.memory_space<vmem>> -> memref<128x64xf32, #tpu.memory_space<vmem>>
    %dma_wait3A_398 = arith.constant 2304 : i32
    %dma_wait3A_399 = tpu.memref_slice %arg5[%dma_wait3A_398] : memref<6400xi32, #tpu.memory_space<vmem>> -> memref<128xi32, #tpu.memory_space<vmem>>
    %dma_wait3A_400 = arith.constant 0 : i32
    %dma_wait3A_401 = arith.constant 0 : i32
    %dma_wait3A_402 = tpu.memref_slice %arg3[%dma_wait3A_400, %dma_wait3A_401] : memref<1000000x64xf32, #tpu.memory_space<hbm>> -> memref<1000000x64xf32, #tpu.memory_space<hbm>>
    tpu.wait_indirect_dma semaphore(%arg9 : memref<!tpu.dma_semaphore, #tpu.memory_space<semaphore_mem>>) src(%dma_wait3A_402 : memref<1000000x64xf32, #tpu.memory_space<hbm>>) dst(%dma_wait3A_397 : memref<128x64xf32, #tpu.memory_space<vmem>>)
    %dma_wait3A_403 = arith.constant 512 : i32
    %dma_wait3A_404 = arith.constant 0 : i32
    %dma_wait3A_405 = tpu.memref_slice %arg7[%dma_wait3A_403, %dma_wait3A_404] : memref<640x64xf32, #tpu.memory_space<vmem>> -> memref<128x64xf32, #tpu.memory_space<vmem>>
    %dma_wait3A_406 = arith.constant 2432 : i32
    %dma_wait3A_407 = tpu.memref_slice %arg5[%dma_wait3A_406] : memref<6400xi32, #tpu.memory_space<vmem>> -> memref<128xi32, #tpu.memory_space<vmem>>
    %dma_wait3A_408 = arith.constant 0 : i32
    %dma_wait3A_409 = arith.constant 0 : i32
    %dma_wait3A_410 = tpu.memref_slice %arg3[%dma_wait3A_408, %dma_wait3A_409] : memref<1000000x64xf32, #tpu.memory_space<hbm>> -> memref<1000000x64xf32, #tpu.memory_space<hbm>>
    tpu.wait_indirect_dma semaphore(%arg9 : memref<!tpu.dma_semaphore, #tpu.memory_space<semaphore_mem>>) src(%dma_wait3A_410 : memref<1000000x64xf32, #tpu.memory_space<hbm>>) dst(%dma_wait3A_405 : memref<128x64xf32, #tpu.memory_space<vmem>>)
    %scan3A_411 = arith.constant 0 : i32
    %scan3A_412 = arith.constant 0 : i32
    %scan3A_413 = arith.constant 640 : i32
    %scan3A_414 = arith.addi %scan3A_412, %scan3A_413 : i32
    %scan3A_415 = arith.constant 4 : i32
    scf.for %scan3A_970 = %scan3A_412 to %scan3A_414 step %scan3A_415  : i32 {
      %get3A = arith.index_cast %scan3A_970 : i32 to index
      %get3A_971 = arith.constant 0 : index
      %get3A_972 = tpu.vector_load %arg7[%get3A, %get3A_971] {strides = array<i32>} : memref<640x64xf32, #tpu.memory_space<vmem>>, vector<16xf32>,
      %add3A_973 = arith.constant 8.000000e+00 : f32
      %add3A_974 = vector.broadcast %add3A_973 : f32 to vector<16xf32>
      %add3A_975 = arith.addf %get3A_972, %add3A_974 : vector<16xf32>
      %swap3A = arith.index_cast %scan3A_970 : i32 to index
      %swap3A_976 = arith.constant 0 : index
      %swap3A_977 = tpu.vector_load %arg7[%swap3A, %swap3A_976] {strides = array<i32>} : memref<640x64xf32, #tpu.memory_space<vmem>>, vector<16xf32>,
      tpu.vector_store %arg7[%swap3A, %swap3A_976], %add3A_975 {strides = array<i32>} : memref<640x64xf32, #tpu.memory_space<vmem>>, vector<16xf32>,
      %get3A_978 = arith.index_cast %scan3A_970 : i32 to index
      %get3A_979 = arith.constant 16 : index
      %get3A_980 = tpu.vector_load %arg7[%get3A_978, %get3A_979] {strides = array<i32>} : memref<640x64xf32, #tpu.memory_space<vmem>>, vector<16xf32>,
      %add3A_981 = arith.constant 8.000000e+00 : f32
      %add3A_982 = vector.broadcast %add3A_981 : f32 to vector<16xf32>
      %add3A_983 = arith.addf %get3A_980, %add3A_982 : vector<16xf32>
      %swap3A_984 = arith.index_cast %scan3A_970 : i32 to index
      %swap3A_985 = arith.constant 16 : index
      %swap3A_986 = tpu.vector_load %arg7[%swap3A_984, %swap3A_985] {strides = array<i32>} : memref<640x64xf32, #tpu.memory_space<vmem>>, vector<16xf32>,
      tpu.vector_store %arg7[%swap3A_984, %swap3A_985], %add3A_983 {strides = array<i32>} : memref<640x64xf32, #tpu.memory_space<vmem>>, vector<16xf32>,
      %get3A_987 = arith.index_cast %scan3A_970 : i32 to index
      %get3A_988 = arith.constant 32 : index
      %get3A_989 = tpu.vector_load %arg7[%get3A_987, %get3A_988] {strides = array<i32>} : memref<640x64xf32, #tpu.memory_space<vmem>>, vector<16xf32>,
      %add3A_990 = arith.constant 8.000000e+00 : f32
      %add3A_991 = vector.broadcast %add3A_990 : f32 to vector<16xf32>
      %add3A_992 = arith.addf %get3A_989, %add3A_991 : vector<16xf32>
      %swap3A_993 = arith.index_cast %scan3A_970 : i32 to index
      %swap3A_994 = arith.constant 32 : index
      %swap3A_995 = tpu.vector_load %arg7[%swap3A_993, %swap3A_994] {strides = array<i32>} : memref<640x64xf32, #tpu.memory_space<vmem>>, vector<16xf32>,
      tpu.vector_store %arg7[%swap3A_993, %swap3A_994], %add3A_992 {strides = array<i32>} : memref<640x64xf32, #tpu.memory_space<vmem>>, vector<16xf32>,
      %get3A_996 = arith.index_cast %scan3A_970 : i32 to index
      %get3A_997 = arith.constant 48 : index
      %get3A_998 = tpu.vector_load %arg7[%get3A_996, %get3A_997] {strides = array<i32>} : memref<640x64xf32, #tpu.memory_space<vmem>>, vector<16xf32>,
      %add3A_999 = arith.constant 8.000000e+00 : f32
      %add3A_1000 = vector.broadcast %add3A_999 : f32 to vector<16xf32>
      %add3A_1001 = arith.addf %get3A_998, %add3A_1000 : vector<16xf32>
      %swap3A_1002 = arith.index_cast %scan3A_970 : i32 to index
      %swap3A_1003 = arith.constant 48 : index
      %swap3A_1004 = tpu.vector_load %arg7[%swap3A_1002, %swap3A_1003] {strides = array<i32>} : memref<640x64xf32, #tpu.memory_space<vmem>>, vector<16xf32>,
      tpu.vector_store %arg7[%swap3A_1002, %swap3A_1003], %add3A_1001 {strides = array<i32>} : memref<640x64xf32, #tpu.memory_space<vmem>>, vector<16xf32>,
      %scan3A_1005 = arith.constant 1 : i32
      %scan3A_1006 = arith.addi %scan3A_970, %scan3A_1005 : i32
      %get3A_1007 = arith.index_cast %scan3A_1006 : i32 to index
      %get3A_1008 = arith.constant 0 : index
      %get3A_1009 = tpu.vector_load %arg7[%get3A_1007, %get3A_1008] {strides = array<i32>} : memref<640x64xf32, #tpu.memory_space<vmem>>, vector<16xf32>,
      %add3A_1010 = arith.constant 8.000000e+00 : f32
      %add3A_1011 = vector.broadcast %add3A_1010 : f32 to vector<16xf32>
      %add3A_1012 = arith.addf %get3A_1009, %add3A_1011 : vector<16xf32>
      %swap3A_1013 = arith.index_cast %scan3A_1006 : i32 to index
      %swap3A_1014 = arith.constant 0 : index
      %swap3A_1015 = tpu.vector_load %arg7[%swap3A_1013, %swap3A_1014] {strides = array<i32>} : memref<640x64xf32, #tpu.memory_space<vmem>>, vector<16xf32>,
      tpu.vector_store %arg7[%swap3A_1013, %swap3A_1014], %add3A_1012 {strides = array<i32>} : memref<640x64xf32, #tpu.memory_space<vmem>>, vector<16xf32>,
      %get3A_1016 = arith.index_cast %scan3A_1006 : i32 to index
      %get3A_1017 = arith.constant 16 : index
      %get3A_1018 = tpu.vector_load %arg7[%get3A_1016, %get3A_1017] {strides = array<i32>} : memref<640x64xf32, #tpu.memory_space<vmem>>, vector<16xf32>,
      %add3A_1019 = arith.constant 8.000000e+00 : f32
      %add3A_1020 = vector.broadcast %add3A_1019 : f32 to vector<16xf32>
      %add3A_1021 = arith.addf %get3A_1018, %add3A_1020 : vector<16xf32>
      %swap3A_1022 = arith.index_cast %scan3A_1006 : i32 to index
      %swap3A_1023 = arith.constant 16 : index
      %swap3A_1024 = tpu.vector_load %arg7[%swap3A_1022, %swap3A_1023] {strides = array<i32>} : memref<640x64xf32, #tpu.memory_space<vmem>>, vector<16xf32>,
      tpu.vector_store %arg7[%swap3A_1022, %swap3A_1023], %add3A_1021 {strides = array<i32>} : memref<640x64xf32, #tpu.memory_space<vmem>>, vector<16xf32>,
      %get3A_1025 = arith.index_cast %scan3A_1006 : i32 to index
      %get3A_1026 = arith.constant 32 : index
      %get3A_1027 = tpu.vector_load %arg7[%get3A_1025, %get3A_1026] {strides = array<i32>} : memref<640x64xf32, #tpu.memory_space<vmem>>, vector<16xf32>,
      %add3A_1028 = arith.constant 8.000000e+00 : f32
      %add3A_1029 = vector.broadcast %add3A_1028 : f32 to vector<16xf32>
      %add3A_1030 = arith.addf %get3A_1027, %add3A_1029 : vector<16xf32>
      %swap3A_1031 = arith.index_cast %scan3A_1006 : i32 to index
      %swap3A_1032 = arith.constant 32 : index
      %swap3A_1033 = tpu.vector_load %arg7[%swap3A_1031, %swap3A_1032] {strides = array<i32>} : memref<640x64xf32, #tpu.memory_space<vmem>>, vector<16xf32>,
      tpu.vector_store %arg7[%swap3A_1031, %swap3A_1032], %add3A_1030 {strides = array<i32>} : memref<640x64xf32, #tpu.memory_space<vmem>>, vector<16xf32>,
      %get3A_1034 = arith.index_cast %scan3A_1006 : i32 to index
      %get3A_1035 = arith.constant 48 : index
      %get3A_1036 = tpu.vector_load %arg7[%get3A_1034, %get3A_1035] {strides = array<i32>} : memref<640x64xf32, #tpu.memory_space<vmem>>, vector<16xf32>,
      %add3A_1037 = arith.constant 8.000000e+00 : f32
      %add3A_1038 = vector.broadcast %add3A_1037 : f32 to vector<16xf32>
      %add3A_1039 = arith.addf %get3A_1036, %add3A_1038 : vector<16xf32>
      %swap3A_1040 = arith.index_cast %scan3A_1006 : i32 to index
      %swap3A_1041 = arith.constant 48 : index
      %swap3A_1042 = tpu.vector_load %arg7[%swap3A_1040, %swap3A_1041] {strides = array<i32>} : memref<640x64xf32, #tpu.memory_space<vmem>>, vector<16xf32>,
      tpu.vector_store %arg7[%swap3A_1040, %swap3A_1041], %add3A_1039 {strides = array<i32>} : memref<640x64xf32, #tpu.memory_space<vmem>>, vector<16xf32>,
      %scan3A_1043 = arith.constant 2 : i32
      %scan3A_1044 = arith.addi %scan3A_970, %scan3A_1043 : i32
      %get3A_1045 = arith.index_cast %scan3A_1044 : i32 to index
      %get3A_1046 = arith.constant 0 : index
      %get3A_1047 = tpu.vector_load %arg7[%get3A_1045, %get3A_1046] {strides = array<i32>} : memref<640x64xf32, #tpu.memory_space<vmem>>, vector<16xf32>,
      %add3A_1048 = arith.constant 8.000000e+00 : f32
      %add3A_1049 = vector.broadcast %add3A_1048 : f32 to vector<16xf32>
      %add3A_1050 = arith.addf %get3A_1047, %add3A_1049 : vector<16xf32>
      %swap3A_1051 = arith.index_cast %scan3A_1044 : i32 to index
      %swap3A_1052 = arith.constant 0 : index
      %swap3A_1053 = tpu.vector_load %arg7[%swap3A_1051, %swap3A_1052] {strides = array<i32>} : memref<640x64xf32, #tpu.memory_space<vmem>>, vector<16xf32>,
      tpu.vector_store %arg7[%swap3A_1051, %swap3A_1052], %add3A_1050 {strides = array<i32>} : memref<640x64xf32, #tpu.memory_space<vmem>>, vector<16xf32>,
      %get3A_1054 = arith.index_cast %scan3A_1044 : i32 to index
      %get3A_1055 = arith.constant 16 : index
      %get3A_1056 = tpu.vector_load %arg7[%get3A_1054, %get3A_1055] {strides = array<i32>} : memref<640x64xf32, #tpu.memory_space<vmem>>, vector<16xf32>,
      %add3A_1057 = arith.constant 8.000000e+00 : f32
      %add3A_1058 = vector.broadcast %add3A_1057 : f32 to vector<16xf32>
      %add3A_1059 = arith.addf %get3A_1056, %add3A_1058 : vector<16xf32>
      %swap3A_1060 = arith.index_cast %scan3A_1044 : i32 to index
      %swap3A_1061 = arith.constant 16 : index
      %swap3A_1062 = tpu.vector_load %arg7[%swap3A_1060, %swap3A_1061] {strides = array<i32>} : memref<640x64xf32, #tpu.memory_space<vmem>>, vector<16xf32>,
      tpu.vector_store %arg7[%swap3A_1060, %swap3A_1061], %add3A_1059 {strides = array<i32>} : memref<640x64xf32, #tpu.memory_space<vmem>>, vector<16xf32>,
      %get3A_1063 = arith.index_cast %scan3A_1044 : i32 to index
      %get3A_1064 = arith.constant 32 : index
      %get3A_1065 = tpu.vector_load %arg7[%get3A_1063, %get3A_1064] {strides = array<i32>} : memref<640x64xf32, #tpu.memory_space<vmem>>, vector<16xf32>,
      %add3A_1066 = arith.constant 8.000000e+00 : f32
      %add3A_1067 = vector.broadcast %add3A_1066 : f32 to vector<16xf32>
      %add3A_1068 = arith.addf %get3A_1065, %add3A_1067 : vector<16xf32>
      %swap3A_1069 = arith.index_cast %scan3A_1044 : i32 to index
      %swap3A_1070 = arith.constant 32 : index
      %swap3A_1071 = tpu.vector_load %arg7[%swap3A_1069, %swap3A_1070] {strides = array<i32>} : memref<640x64xf32, #tpu.memory_space<vmem>>, vector<16xf32>,
      tpu.vector_store %arg7[%swap3A_1069, %swap3A_1070], %add3A_1068 {strides = array<i32>} : memref<640x64xf32, #tpu.memory_space<vmem>>, vector<16xf32>,
      %get3A_1072 = arith.index_cast %scan3A_1044 : i32 to index
      %get3A_1073 = arith.constant 48 : index
      %get3A_1074 = tpu.vector_load %arg7[%get3A_1072, %get3A_1073] {strides = array<i32>} : memref<640x64xf32, #tpu.memory_space<vmem>>, vector<16xf32>,
      %add3A_1075 = arith.constant 8.000000e+00 : f32
      %add3A_1076 = vector.broadcast %add3A_1075 : f32 to vector<16xf32>
      %add3A_1077 = arith.addf %get3A_1074, %add3A_1076 : vector<16xf32>
      %swap3A_1078 = arith.index_cast %scan3A_1044 : i32 to index
      %swap3A_1079 = arith.constant 48 : index
      %swap3A_1080 = tpu.vector_load %arg7[%swap3A_1078, %swap3A_1079] {strides = array<i32>} : memref<640x64xf32, #tpu.memory_space<vmem>>, vector<16xf32>,
      tpu.vector_store %arg7[%swap3A_1078, %swap3A_1079], %add3A_1077 {strides = array<i32>} : memref<640x64xf32, #tpu.memory_space<vmem>>, vector<16xf32>,
      %scan3A_1081 = arith.constant 3 : i32
      %scan3A_1082 = arith.addi %scan3A_970, %scan3A_1081 : i32
      %get3A_1083 = arith.index_cast %scan3A_1082 : i32 to index
      %get3A_1084 = arith.constant 0 : index
      %get3A_1085 = tpu.vector_load %arg7[%get3A_1083, %get3A_1084] {strides = array<i32>} : memref<640x64xf32, #tpu.memory_space<vmem>>, vector<16xf32>,
      %add3A_1086 = arith.constant 8.000000e+00 : f32
      %add3A_1087 = vector.broadcast %add3A_1086 : f32 to vector<16xf32>
      %add3A_1088 = arith.addf %get3A_1085, %add3A_1087 : vector<16xf32>
      %swap3A_1089 = arith.index_cast %scan3A_1082 : i32 to index
      %swap3A_1090 = arith.constant 0 : index
      %swap3A_1091 = tpu.vector_load %arg7[%swap3A_1089, %swap3A_1090] {strides = array<i32>} : memref<640x64xf32, #tpu.memory_space<vmem>>, vector<16xf32>,
      tpu.vector_store %arg7[%swap3A_1089, %swap3A_1090], %add3A_1088 {strides = array<i32>} : memref<640x64xf32, #tpu.memory_space<vmem>>, vector<16xf32>,
      %get3A_1092 = arith.index_cast %scan3A_1082 : i32 to index
      %get3A_1093 = arith.constant 16 : index
      %get3A_1094 = tpu.vector_load %arg7[%get3A_1092, %get3A_1093] {strides = array<i32>} : memref<640x64xf32, #tpu.memory_space<vmem>>, vector<16xf32>,
      %add3A_1095 = arith.constant 8.000000e+00 : f32
      %add3A_1096 = vector.broadcast %add3A_1095 : f32 to vector<16xf32>
      %add3A_1097 = arith.addf %get3A_1094, %add3A_1096 : vector<16xf32>
      %swap3A_1098 = arith.index_cast %scan3A_1082 : i32 to index
      %swap3A_1099 = arith.constant 16 : index
      %swap3A_1100 = tpu.vector_load %arg7[%swap3A_1098, %swap3A_1099] {strides = array<i32>} : memref<640x64xf32, #tpu.memory_space<vmem>>, vector<16xf32>,
      tpu.vector_store %arg7[%swap3A_1098, %swap3A_1099], %add3A_1097 {strides = array<i32>} : memref<640x64xf32, #tpu.memory_space<vmem>>, vector<16xf32>,
      %get3A_1101 = arith.index_cast %scan3A_1082 : i32 to index
      %get3A_1102 = arith.constant 32 : index
      %get3A_1103 = tpu.vector_load %arg7[%get3A_1101, %get3A_1102] {strides = array<i32>} : memref<640x64xf32, #tpu.memory_space<vmem>>, vector<16xf32>,
      %add3A_1104 = arith.constant 8.000000e+00 : f32
      %add3A_1105 = vector.broadcast %add3A_1104 : f32 to vector<16xf32>
      %add3A_1106 = arith.addf %get3A_1103, %add3A_1105 : vector<16xf32>
      %swap3A_1107 = arith.index_cast %scan3A_1082 : i32 to index
      %swap3A_1108 = arith.constant 32 : index
      %swap3A_1109 = tpu.vector_load %arg7[%swap3A_1107, %swap3A_1108] {strides = array<i32>} : memref<640x64xf32, #tpu.memory_space<vmem>>, vector<16xf32>,
      tpu.vector_store %arg7[%swap3A_1107, %swap3A_1108], %add3A_1106 {strides = array<i32>} : memref<640x64xf32, #tpu.memory_space<vmem>>, vector<16xf32>,
      %get3A_1110 = arith.index_cast %scan3A_1082 : i32 to index
      %get3A_1111 = arith.constant 48 : index
      %get3A_1112 = tpu.vector_load %arg7[%get3A_1110, %get3A_1111] {strides = array<i32>} : memref<640x64xf32, #tpu.memory_space<vmem>>, vector<16xf32>,
      %add3A_1113 = arith.constant 8.000000e+00 : f32
      %add3A_1114 = vector.broadcast %add3A_1113 : f32 to vector<16xf32>
      %add3A_1115 = arith.addf %get3A_1112, %add3A_1114 : vector<16xf32>
      %swap3A_1116 = arith.index_cast %scan3A_1082 : i32 to index
      %swap3A_1117 = arith.constant 48 : index
      %swap3A_1118 = tpu.vector_load %arg7[%swap3A_1116, %swap3A_1117] {strides = array<i32>} : memref<640x64xf32, #tpu.memory_space<vmem>>, vector<16xf32>,
      tpu.vector_store %arg7[%swap3A_1116, %swap3A_1117], %add3A_1115 {strides = array<i32>} : memref<640x64xf32, #tpu.memory_space<vmem>>, vector<16xf32>,
    }
    %scan3A_416 = arith.constant 640 : i32
    %add3A_417 = arith.constant 1920 : i32
    %add3A_418 = arith.addi %multiple_of3A, %add3A_417 : i32
    %multiple_of3A_419 = tpu.assume_multiple %add3A_418, 640 : i32
    %dma_start3A_420 = arith.constant 0 : i32
    %dma_start3A_421 = tpu.memref_slice %arg4[%multiple_of3A_419, %dma_start3A_420] : memref<204800x64xf32, #tpu.memory_space<hbm>> -> memref<640x64xf32, #tpu.memory_space<hbm>>
    %dma_start3A_422 = arith.constant 0 : i32
    %dma_start3A_423 = tpu.memref_slice %arg4[%multiple_of3A_419, %dma_start3A_422] : memref<204800x64xf32, #tpu.memory_space<hbm>> -> memref<640x64xf32, #tpu.memory_space<hbm>>
    tpu.enqueue_dma source(%arg7 : memref<640x64xf32, #tpu.memory_space<vmem>>) target(%dma_start3A_423 : memref<640x64xf32, #tpu.memory_space<hbm>>) target_semaphore(%arg11 : memref<!tpu.dma_semaphore, #tpu.memory_space<semaphore_mem>>)
    %dma_wait3A_424 = arith.constant 0 : i32
    %dma_wait3A_425 = tpu.memref_slice %arg4[%multiple_of3A_419, %dma_wait3A_424] : memref<204800x64xf32, #tpu.memory_space<hbm>> -> memref<640x64xf32, #tpu.memory_space<hbm>>
    %dma_wait3A_426 = arith.constant 0 : i32
    %dma_wait3A_427 = tpu.memref_slice %arg4[%multiple_of3A_419, %dma_wait3A_426] : memref<204800x64xf32, #tpu.memory_space<hbm>> -> memref<640x64xf32, #tpu.memory_space<hbm>>
    tpu.wait_dma2 semaphore(%arg11 : memref<!tpu.dma_semaphore, #tpu.memory_space<semaphore_mem>>) src(%arg7 : memref<640x64xf32, #tpu.memory_space<vmem>>) dst(%dma_wait3A_427 : memref<640x64xf32, #tpu.memory_space<hbm>>)
    %dma_start3A_428 = arith.constant 0 : i32
    %dma_start3A_429 = arith.constant 0 : i32
    %dma_start3A_430 = tpu.memref_slice %arg7[%dma_start3A_428, %dma_start3A_429] : memref<640x64xf32, #tpu.memory_space<vmem>> -> memref<128x64xf32, #tpu.memory_space<vmem>>
    %dma_start3A_431 = arith.constant 3200 : i32
    %dma_start3A_432 = tpu.memref_slice %arg5[%dma_start3A_431] : memref<6400xi32, #tpu.memory_space<vmem>> -> memref<128xi32, #tpu.memory_space<vmem>>
    %dma_start3A_433 = arith.constant 0 : i32
    %dma_start3A_434 = arith.constant 0 : i32
    %dma_start3A_435 = tpu.memref_slice %arg3[%dma_start3A_433, %dma_start3A_434] : memref<1000000x64xf32, #tpu.memory_space<hbm>> -> memref<1000000x64xf32, #tpu.memory_space<hbm>>
    tpu.enqueue_indirect_dma source(%dma_start3A_435 : memref<1000000x64xf32, #tpu.memory_space<hbm>>) target(%dma_start3A_430 : memref<128x64xf32, #tpu.memory_space<vmem>>) offsets(%dma_start3A_432 : memref<128xi32, #tpu.memory_space<vmem>>) semaphore(%arg9 : memref<!tpu.dma_semaphore, #tpu.memory_space<semaphore_mem>>)
    %dma_start3A_436 = arith.constant 128 : i32
    %dma_start3A_437 = arith.constant 0 : i32
    %dma_start3A_438 = tpu.memref_slice %arg7[%dma_start3A_436, %dma_start3A_437] : memref<640x64xf32, #tpu.memory_space<vmem>> -> memref<128x64xf32, #tpu.memory_space<vmem>>
    %dma_start3A_439 = arith.constant 3328 : i32
    %dma_start3A_440 = tpu.memref_slice %arg5[%dma_start3A_439] : memref<6400xi32, #tpu.memory_space<vmem>> -> memref<128xi32, #tpu.memory_space<vmem>>
    %dma_start3A_441 = arith.constant 0 : i32
    %dma_start3A_442 = arith.constant 0 : i32
    %dma_start3A_443 = tpu.memref_slice %arg3[%dma_start3A_441, %dma_start3A_442] : memref<1000000x64xf32, #tpu.memory_space<hbm>> -> memref<1000000x64xf32, #tpu.memory_space<hbm>>
    tpu.enqueue_indirect_dma source(%dma_start3A_443 : memref<1000000x64xf32, #tpu.memory_space<hbm>>) target(%dma_start3A_438 : memref<128x64xf32, #tpu.memory_space<vmem>>) offsets(%dma_start3A_440 : memref<128xi32, #tpu.memory_space<vmem>>) semaphore(%arg9 : memref<!tpu.dma_semaphore, #tpu.memory_space<semaphore_mem>>)
    %dma_start3A_444 = arith.constant 256 : i32
    %dma_start3A_445 = arith.constant 0 : i32
    %dma_start3A_446 = tpu.memref_slice %arg7[%dma_start3A_444, %dma_start3A_445] : memref<640x64xf32, #tpu.memory_space<vmem>> -> memref<128x64xf32, #tpu.memory_space<vmem>>
    %dma_start3A_447 = arith.constant 3456 : i32
    %dma_start3A_448 = tpu.memref_slice %arg5[%dma_start3A_447] : memref<6400xi32, #tpu.memory_space<vmem>> -> memref<128xi32, #tpu.memory_space<vmem>>
    %dma_start3A_449 = arith.constant 0 : i32
    %dma_start3A_450 = arith.constant 0 : i32
    %dma_start3A_451 = tpu.memref_slice %arg3[%dma_start3A_449, %dma_start3A_450] : memref<1000000x64xf32, #tpu.memory_space<hbm>> -> memref<1000000x64xf32, #tpu.memory_space<hbm>>
    tpu.enqueue_indirect_dma source(%dma_start3A_451 : memref<1000000x64xf32, #tpu.memory_space<hbm>>) target(%dma_start3A_446 : memref<128x64xf32, #tpu.memory_space<vmem>>) offsets(%dma_start3A_448 : memref<128xi32, #tpu.memory_space<vmem>>) semaphore(%arg9 : memref<!tpu.dma_semaphore, #tpu.memory_space<semaphore_mem>>)
    %dma_start3A_452 = arith.constant 384 : i32
    %dma_start3A_453 = arith.constant 0 : i32
    %dma_start3A_454 = tpu.memref_slice %arg7[%dma_start3A_452, %dma_start3A_453] : memref<640x64xf32, #tpu.memory_space<vmem>> -> memref<128x64xf32, #tpu.memory_space<vmem>>
    %dma_start3A_455 = arith.constant 3584 : i32
    %dma_start3A_456 = tpu.memref_slice %arg5[%dma_start3A_455] : memref<6400xi32, #tpu.memory_space<vmem>> -> memref<128xi32, #tpu.memory_space<vmem>>
    %dma_start3A_457 = arith.constant 0 : i32
    %dma_start3A_458 = arith.constant 0 : i32
    %dma_start3A_459 = tpu.memref_slice %arg3[%dma_start3A_457, %dma_start3A_458] : memref<1000000x64xf32, #tpu.memory_space<hbm>> -> memref<1000000x64xf32, #tpu.memory_space<hbm>>
    tpu.enqueue_indirect_dma source(%dma_start3A_459 : memref<1000000x64xf32, #tpu.memory_space<hbm>>) target(%dma_start3A_454 : memref<128x64xf32, #tpu.memory_space<vmem>>) offsets(%dma_start3A_456 : memref<128xi32, #tpu.memory_space<vmem>>) semaphore(%arg9 : memref<!tpu.dma_semaphore, #tpu.memory_space<semaphore_mem>>)
    %dma_start3A_460 = arith.constant 512 : i32
    %dma_start3A_461 = arith.constant 0 : i32
    %dma_start3A_462 = tpu.memref_slice %arg7[%dma_start3A_460, %dma_start3A_461] : memref<640x64xf32, #tpu.memory_space<vmem>> -> memref<128x64xf32, #tpu.memory_space<vmem>>
    %dma_start3A_463 = arith.constant 3712 : i32
    %dma_start3A_464 = tpu.memref_slice %arg5[%dma_start3A_463] : memref<6400xi32, #tpu.memory_space<vmem>> -> memref<128xi32, #tpu.memory_space<vmem>>
    %dma_start3A_465 = arith.constant 0 : i32
    %dma_start3A_466 = arith.constant 0 : i32
    %dma_start3A_467 = tpu.memref_slice %arg3[%dma_start3A_465, %dma_start3A_466] : memref<1000000x64xf32, #tpu.memory_space<hbm>> -> memref<1000000x64xf32, #tpu.memory_space<hbm>>
    tpu.enqueue_indirect_dma source(%dma_start3A_467 : memref<1000000x64xf32, #tpu.memory_space<hbm>>) target(%dma_start3A_462 : memref<128x64xf32, #tpu.memory_space<vmem>>) offsets(%dma_start3A_464 : memref<128xi32, #tpu.memory_space<vmem>>) semaphore(%arg9 : memref<!tpu.dma_semaphore, #tpu.memory_space<semaphore_mem>>)
    %dma_wait3A_468 = arith.constant 0 : i32
    %dma_wait3A_469 = arith.constant 0 : i32
    %dma_wait3A_470 = tpu.memref_slice %arg6[%dma_wait3A_468, %dma_wait3A_469] : memref<640x64xf32, #tpu.memory_space<vmem>> -> memref<128x64xf32, #tpu.memory_space<vmem>>
    %dma_wait3A_471 = arith.constant 2560 : i32
    %dma_wait3A_472 = tpu.memref_slice %arg5[%dma_wait3A_471] : memref<6400xi32, #tpu.memory_space<vmem>> -> memref<128xi32, #tpu.memory_space<vmem>>
    %dma_wait3A_473 = arith.constant 0 : i32
    %dma_wait3A_474 = arith.constant 0 : i32
    %dma_wait3A_475 = tpu.memref_slice %arg3[%dma_wait3A_473, %dma_wait3A_474] : memref<1000000x64xf32, #tpu.memory_space<hbm>> -> memref<1000000x64xf32, #tpu.memory_space<hbm>>
    tpu.wait_indirect_dma semaphore(%arg8 : memref<!tpu.dma_semaphore, #tpu.memory_space<semaphore_mem>>) src(%dma_wait3A_475 : memref<1000000x64xf32, #tpu.memory_space<hbm>>) dst(%dma_wait3A_470 : memref<128x64xf32, #tpu.memory_space<vmem>>)
    %dma_wait3A_476 = arith.constant 128 : i32
    %dma_wait3A_477 = arith.constant 0 : i32
    %dma_wait3A_478 = tpu.memref_slice %arg6[%dma_wait3A_476, %dma_wait3A_477] : memref<640x64xf32, #tpu.memory_space<vmem>> -> memref<128x64xf32, #tpu.memory_space<vmem>>
    %dma_wait3A_479 = arith.constant 2688 : i32
    %dma_wait3A_480 = tpu.memref_slice %arg5[%dma_wait3A_479] : memref<6400xi32, #tpu.memory_space<vmem>> -> memref<128xi32, #tpu.memory_space<vmem>>
    %dma_wait3A_481 = arith.constant 0 : i32
    %dma_wait3A_482 = arith.constant 0 : i32
    %dma_wait3A_483 = tpu.memref_slice %arg3[%dma_wait3A_481, %dma_wait3A_482] : memref<1000000x64xf32, #tpu.memory_space<hbm>> -> memref<1000000x64xf32, #tpu.memory_space<hbm>>
    tpu.wait_indirect_dma semaphore(%arg8 : memref<!tpu.dma_semaphore, #tpu.memory_space<semaphore_mem>>) src(%dma_wait3A_483 : memref<1000000x64xf32, #tpu.memory_space<hbm>>) dst(%dma_wait3A_478 : memref<128x64xf32, #tpu.memory_space<vmem>>)
    %dma_wait3A_484 = arith.constant 256 : i32
    %dma_wait3A_485 = arith.constant 0 : i32
    %dma_wait3A_486 = tpu.memref_slice %arg6[%dma_wait3A_484, %dma_wait3A_485] : memref<640x64xf32, #tpu.memory_space<vmem>> -> memref<128x64xf32, #tpu.memory_space<vmem>>
    %dma_wait3A_487 = arith.constant 2816 : i32
    %dma_wait3A_488 = tpu.memref_slice %arg5[%dma_wait3A_487] : memref<6400xi32, #tpu.memory_space<vmem>> -> memref<128xi32, #tpu.memory_space<vmem>>
    %dma_wait3A_489 = arith.constant 0 : i32
    %dma_wait3A_490 = arith.constant 0 : i32
    %dma_wait3A_491 = tpu.memref_slice %arg3[%dma_wait3A_489, %dma_wait3A_490] : memref<1000000x64xf32, #tpu.memory_space<hbm>> -> memref<1000000x64xf32, #tpu.memory_space<hbm>>
    tpu.wait_indirect_dma semaphore(%arg8 : memref<!tpu.dma_semaphore, #tpu.memory_space<semaphore_mem>>) src(%dma_wait3A_491 : memref<1000000x64xf32, #tpu.memory_space<hbm>>) dst(%dma_wait3A_486 : memref<128x64xf32, #tpu.memory_space<vmem>>)
    %dma_wait3A_492 = arith.constant 384 : i32
    %dma_wait3A_493 = arith.constant 0 : i32
    %dma_wait3A_494 = tpu.memref_slice %arg6[%dma_wait3A_492, %dma_wait3A_493] : memref<640x64xf32, #tpu.memory_space<vmem>> -> memref<128x64xf32, #tpu.memory_space<vmem>>
    %dma_wait3A_495 = arith.constant 2944 : i32
    %dma_wait3A_496 = tpu.memref_slice %arg5[%dma_wait3A_495] : memref<6400xi32, #tpu.memory_space<vmem>> -> memref<128xi32, #tpu.memory_space<vmem>>
    %dma_wait3A_497 = arith.constant 0 : i32
    %dma_wait3A_498 = arith.constant 0 : i32
    %dma_wait3A_499 = tpu.memref_slice %arg3[%dma_wait3A_497, %dma_wait3A_498] : memref<1000000x64xf32, #tpu.memory_space<hbm>> -> memref<1000000x64xf32, #tpu.memory_space<hbm>>
    tpu.wait_indirect_dma semaphore(%arg8 : memref<!tpu.dma_semaphore, #tpu.memory_space<semaphore_mem>>) src(%dma_wait3A_499 : memref<1000000x64xf32, #tpu.memory_space<hbm>>) dst(%dma_wait3A_494 : memref<128x64xf32, #tpu.memory_space<vmem>>)
    %dma_wait3A_500 = arith.constant 512 : i32
    %dma_wait3A_501 = arith.constant 0 : i32
    %dma_wait3A_502 = tpu.memref_slice %arg6[%dma_wait3A_500, %dma_wait3A_501] : memref<640x64xf32, #tpu.memory_space<vmem>> -> memref<128x64xf32, #tpu.memory_space<vmem>>
    %dma_wait3A_503 = arith.constant 3072 : i32
    %dma_wait3A_504 = tpu.memref_slice %arg5[%dma_wait3A_503] : memref<6400xi32, #tpu.memory_space<vmem>> -> memref<128xi32, #tpu.memory_space<vmem>>
    %dma_wait3A_505 = arith.constant 0 : i32
    %dma_wait3A_506 = arith.constant 0 : i32
    %dma_wait3A_507 = tpu.memref_slice %arg3[%dma_wait3A_505, %dma_wait3A_506] : memref<1000000x64xf32, #tpu.memory_space<hbm>> -> memref<1000000x64xf32, #tpu.memory_space<hbm>>
    tpu.wait_indirect_dma semaphore(%arg8 : memref<!tpu.dma_semaphore, #tpu.memory_space<semaphore_mem>>) src(%dma_wait3A_507 : memref<1000000x64xf32, #tpu.memory_space<hbm>>) dst(%dma_wait3A_502 : memref<128x64xf32, #tpu.memory_space<vmem>>)
    %scan3A_508 = arith.constant 0 : i32
    %scan3A_509 = arith.constant 0 : i32
    %scan3A_510 = arith.constant 640 : i32
    %scan3A_511 = arith.addi %scan3A_509, %scan3A_510 : i32
    %scan3A_512 = arith.constant 4 : i32
    scf.for %scan3A_970 = %scan3A_509 to %scan3A_511 step %scan3A_512  : i32 {
      %get3A = arith.index_cast %scan3A_970 : i32 to index
      %get3A_971 = arith.constant 0 : index
      %get3A_972 = tpu.vector_load %arg6[%get3A, %get3A_971] {strides = array<i32>} : memref<640x64xf32, #tpu.memory_space<vmem>>, vector<16xf32>,
      %add3A_973 = arith.constant 8.000000e+00 : f32
      %add3A_974 = vector.broadcast %add3A_973 : f32 to vector<16xf32>
      %add3A_975 = arith.addf %get3A_972, %add3A_974 : vector<16xf32>
      %swap3A = arith.index_cast %scan3A_970 : i32 to index
      %swap3A_976 = arith.constant 0 : index
      %swap3A_977 = tpu.vector_load %arg6[%swap3A, %swap3A_976] {strides = array<i32>} : memref<640x64xf32, #tpu.memory_space<vmem>>, vector<16xf32>,
      tpu.vector_store %arg6[%swap3A, %swap3A_976], %add3A_975 {strides = array<i32>} : memref<640x64xf32, #tpu.memory_space<vmem>>, vector<16xf32>,
      %get3A_978 = arith.index_cast %scan3A_970 : i32 to index
      %get3A_979 = arith.constant 16 : index
      %get3A_980 = tpu.vector_load %arg6[%get3A_978, %get3A_979] {strides = array<i32>} : memref<640x64xf32, #tpu.memory_space<vmem>>, vector<16xf32>,
      %add3A_981 = arith.constant 8.000000e+00 : f32
      %add3A_982 = vector.broadcast %add3A_981 : f32 to vector<16xf32>
      %add3A_983 = arith.addf %get3A_980, %add3A_982 : vector<16xf32>
      %swap3A_984 = arith.index_cast %scan3A_970 : i32 to index
      %swap3A_985 = arith.constant 16 : index
      %swap3A_986 = tpu.vector_load %arg6[%swap3A_984, %swap3A_985] {strides = array<i32>} : memref<640x64xf32, #tpu.memory_space<vmem>>, vector<16xf32>,
      tpu.vector_store %arg6[%swap3A_984, %swap3A_985], %add3A_983 {strides = array<i32>} : memref<640x64xf32, #tpu.memory_space<vmem>>, vector<16xf32>,
      %get3A_987 = arith.index_cast %scan3A_970 : i32 to index
      %get3A_988 = arith.constant 32 : index
      %get3A_989 = tpu.vector_load %arg6[%get3A_987, %get3A_988] {strides = array<i32>} : memref<640x64xf32, #tpu.memory_space<vmem>>, vector<16xf32>,
      %add3A_990 = arith.constant 8.000000e+00 : f32
      %add3A_991 = vector.broadcast %add3A_990 : f32 to vector<16xf32>
      %add3A_992 = arith.addf %get3A_989, %add3A_991 : vector<16xf32>
      %swap3A_993 = arith.index_cast %scan3A_970 : i32 to index
      %swap3A_994 = arith.constant 32 : index
      %swap3A_995 = tpu.vector_load %arg6[%swap3A_993, %swap3A_994] {strides = array<i32>} : memref<640x64xf32, #tpu.memory_space<vmem>>, vector<16xf32>,
      tpu.vector_store %arg6[%swap3A_993, %swap3A_994], %add3A_992 {strides = array<i32>} : memref<640x64xf32, #tpu.memory_space<vmem>>, vector<16xf32>,
      %get3A_996 = arith.index_cast %scan3A_970 : i32 to index
      %get3A_997 = arith.constant 48 : index
      %get3A_998 = tpu.vector_load %arg6[%get3A_996, %get3A_997] {strides = array<i32>} : memref<640x64xf32, #tpu.memory_space<vmem>>, vector<16xf32>,
      %add3A_999 = arith.constant 8.000000e+00 : f32
      %add3A_1000 = vector.broadcast %add3A_999 : f32 to vector<16xf32>
      %add3A_1001 = arith.addf %get3A_998, %add3A_1000 : vector<16xf32>
      %swap3A_1002 = arith.index_cast %scan3A_970 : i32 to index
      %swap3A_1003 = arith.constant 48 : index
      %swap3A_1004 = tpu.vector_load %arg6[%swap3A_1002, %swap3A_1003] {strides = array<i32>} : memref<640x64xf32, #tpu.memory_space<vmem>>, vector<16xf32>,
      tpu.vector_store %arg6[%swap3A_1002, %swap3A_1003], %add3A_1001 {strides = array<i32>} : memref<640x64xf32, #tpu.memory_space<vmem>>, vector<16xf32>,
      %scan3A_1005 = arith.constant 1 : i32
      %scan3A_1006 = arith.addi %scan3A_970, %scan3A_1005 : i32
      %get3A_1007 = arith.index_cast %scan3A_1006 : i32 to index
      %get3A_1008 = arith.constant 0 : index
      %get3A_1009 = tpu.vector_load %arg6[%get3A_1007, %get3A_1008] {strides = array<i32>} : memref<640x64xf32, #tpu.memory_space<vmem>>, vector<16xf32>,
      %add3A_1010 = arith.constant 8.000000e+00 : f32
      %add3A_1011 = vector.broadcast %add3A_1010 : f32 to vector<16xf32>
      %add3A_1012 = arith.addf %get3A_1009, %add3A_1011 : vector<16xf32>
      %swap3A_1013 = arith.index_cast %scan3A_1006 : i32 to index
      %swap3A_1014 = arith.constant 0 : index
      %swap3A_1015 = tpu.vector_load %arg6[%swap3A_1013, %swap3A_1014] {strides = array<i32>} : memref<640x64xf32, #tpu.memory_space<vmem>>, vector<16xf32>,
      tpu.vector_store %arg6[%swap3A_1013, %swap3A_1014], %add3A_1012 {strides = array<i32>} : memref<640x64xf32, #tpu.memory_space<vmem>>, vector<16xf32>,
      %get3A_1016 = arith.index_cast %scan3A_1006 : i32 to index
      %get3A_1017 = arith.constant 16 : index
      %get3A_1018 = tpu.vector_load %arg6[%get3A_1016, %get3A_1017] {strides = array<i32>} : memref<640x64xf32, #tpu.memory_space<vmem>>, vector<16xf32>,
      %add3A_1019 = arith.constant 8.000000e+00 : f32
      %add3A_1020 = vector.broadcast %add3A_1019 : f32 to vector<16xf32>
      %add3A_1021 = arith.addf %get3A_1018, %add3A_1020 : vector<16xf32>
      %swap3A_1022 = arith.index_cast %scan3A_1006 : i32 to index
      %swap3A_1023 = arith.constant 16 : index
      %swap3A_1024 = tpu.vector_load %arg6[%swap3A_1022, %swap3A_1023] {strides = array<i32>} : memref<640x64xf32, #tpu.memory_space<vmem>>, vector<16xf32>,
      tpu.vector_store %arg6[%swap3A_1022, %swap3A_1023], %add3A_1021 {strides = array<i32>} : memref<640x64xf32, #tpu.memory_space<vmem>>, vector<16xf32>,
      %get3A_1025 = arith.index_cast %scan3A_1006 : i32 to index
      %get3A_1026 = arith.constant 32 : index
      %get3A_1027 = tpu.vector_load %arg6[%get3A_1025, %get3A_1026] {strides = array<i32>} : memref<640x64xf32, #tpu.memory_space<vmem>>, vector<16xf32>,
      %add3A_1028 = arith.constant 8.000000e+00 : f32
      %add3A_1029 = vector.broadcast %add3A_1028 : f32 to vector<16xf32>
      %add3A_1030 = arith.addf %get3A_1027, %add3A_1029 : vector<16xf32>
      %swap3A_1031 = arith.index_cast %scan3A_1006 : i32 to index
      %swap3A_1032 = arith.constant 32 : index
      %swap3A_1033 = tpu.vector_load %arg6[%swap3A_1031, %swap3A_1032] {strides = array<i32>} : memref<640x64xf32, #tpu.memory_space<vmem>>, vector<16xf32>,
      tpu.vector_store %arg6[%swap3A_1031, %swap3A_1032], %add3A_1030 {strides = array<i32>} : memref<640x64xf32, #tpu.memory_space<vmem>>, vector<16xf32>,
      %get3A_1034 = arith.index_cast %scan3A_1006 : i32 to index
      %get3A_1035 = arith.constant 48 : index
      %get3A_1036 = tpu.vector_load %arg6[%get3A_1034, %get3A_1035] {strides = array<i32>} : memref<640x64xf32, #tpu.memory_space<vmem>>, vector<16xf32>,
      %add3A_1037 = arith.constant 8.000000e+00 : f32
      %add3A_1038 = vector.broadcast %add3A_1037 : f32 to vector<16xf32>
      %add3A_1039 = arith.addf %get3A_1036, %add3A_1038 : vector<16xf32>
      %swap3A_1040 = arith.index_cast %scan3A_1006 : i32 to index
      %swap3A_1041 = arith.constant 48 : index
      %swap3A_1042 = tpu.vector_load %arg6[%swap3A_1040, %swap3A_1041] {strides = array<i32>} : memref<640x64xf32, #tpu.memory_space<vmem>>, vector<16xf32>,
      tpu.vector_store %arg6[%swap3A_1040, %swap3A_1041], %add3A_1039 {strides = array<i32>} : memref<640x64xf32, #tpu.memory_space<vmem>>, vector<16xf32>,
      %scan3A_1043 = arith.constant 2 : i32
      %scan3A_1044 = arith.addi %scan3A_970, %scan3A_1043 : i32
      %get3A_1045 = arith.index_cast %scan3A_1044 : i32 to index
      %get3A_1046 = arith.constant 0 : index
      %get3A_1047 = tpu.vector_load %arg6[%get3A_1045, %get3A_1046] {strides = array<i32>} : memref<640x64xf32, #tpu.memory_space<vmem>>, vector<16xf32>,
      %add3A_1048 = arith.constant 8.000000e+00 : f32
      %add3A_1049 = vector.broadcast %add3A_1048 : f32 to vector<16xf32>
      %add3A_1050 = arith.addf %get3A_1047, %add3A_1049 : vector<16xf32>
      %swap3A_1051 = arith.index_cast %scan3A_1044 : i32 to index
      %swap3A_1052 = arith.constant 0 : index
      %swap3A_1053 = tpu.vector_load %arg6[%swap3A_1051, %swap3A_1052] {strides = array<i32>} : memref<640x64xf32, #tpu.memory_space<vmem>>, vector<16xf32>,
      tpu.vector_store %arg6[%swap3A_1051, %swap3A_1052], %add3A_1050 {strides = array<i32>} : memref<640x64xf32, #tpu.memory_space<vmem>>, vector<16xf32>,
      %get3A_1054 = arith.index_cast %scan3A_1044 : i32 to index
      %get3A_1055 = arith.constant 16 : index
      %get3A_1056 = tpu.vector_load %arg6[%get3A_1054, %get3A_1055] {strides = array<i32>} : memref<640x64xf32, #tpu.memory_space<vmem>>, vector<16xf32>,
      %add3A_1057 = arith.constant 8.000000e+00 : f32
      %add3A_1058 = vector.broadcast %add3A_1057 : f32 to vector<16xf32>
      %add3A_1059 = arith.addf %get3A_1056, %add3A_1058 : vector<16xf32>
      %swap3A_1060 = arith.index_cast %scan3A_1044 : i32 to index
      %swap3A_1061 = arith.constant 16 : index
      %swap3A_1062 = tpu.vector_load %arg6[%swap3A_1060, %swap3A_1061] {strides = array<i32>} : memref<640x64xf32, #tpu.memory_space<vmem>>, vector<16xf32>,
      tpu.vector_store %arg6[%swap3A_1060, %swap3A_1061], %add3A_1059 {strides = array<i32>} : memref<640x64xf32, #tpu.memory_space<vmem>>, vector<16xf32>,
      %get3A_1063 = arith.index_cast %scan3A_1044 : i32 to index
      %get3A_1064 = arith.constant 32 : index
      %get3A_1065 = tpu.vector_load %arg6[%get3A_1063, %get3A_1064] {strides = array<i32>} : memref<640x64xf32, #tpu.memory_space<vmem>>, vector<16xf32>,
      %add3A_1066 = arith.constant 8.000000e+00 : f32
      %add3A_1067 = vector.broadcast %add3A_1066 : f32 to vector<16xf32>
      %add3A_1068 = arith.addf %get3A_1065, %add3A_1067 : vector<16xf32>
      %swap3A_1069 = arith.index_cast %scan3A_1044 : i32 to index
      %swap3A_1070 = arith.constant 32 : index
      %swap3A_1071 = tpu.vector_load %arg6[%swap3A_1069, %swap3A_1070] {strides = array<i32>} : memref<640x64xf32, #tpu.memory_space<vmem>>, vector<16xf32>,
      tpu.vector_store %arg6[%swap3A_1069, %swap3A_1070], %add3A_1068 {strides = array<i32>} : memref<640x64xf32, #tpu.memory_space<vmem>>, vector<16xf32>,
      %get3A_1072 = arith.index_cast %scan3A_1044 : i32 to index
      %get3A_1073 = arith.constant 48 : index
      %get3A_1074 = tpu.vector_load %arg6[%get3A_1072, %get3A_1073] {strides = array<i32>} : memref<640x64xf32, #tpu.memory_space<vmem>>, vector<16xf32>,
      %add3A_1075 = arith.constant 8.000000e+00 : f32
      %add3A_1076 = vector.broadcast %add3A_1075 : f32 to vector<16xf32>
      %add3A_1077 = arith.addf %get3A_1074, %add3A_1076 : vector<16xf32>
      %swap3A_1078 = arith.index_cast %scan3A_1044 : i32 to index
      %swap3A_1079 = arith.constant 48 : index
      %swap3A_1080 = tpu.vector_load %arg6[%swap3A_1078, %swap3A_1079] {strides = array<i32>} : memref<640x64xf32, #tpu.memory_space<vmem>>, vector<16xf32>,
      tpu.vector_store %arg6[%swap3A_1078, %swap3A_1079], %add3A_1077 {strides = array<i32>} : memref<640x64xf32, #tpu.memory_space<vmem>>, vector<16xf32>,
      %scan3A_1081 = arith.constant 3 : i32
      %scan3A_1082 = arith.addi %scan3A_970, %scan3A_1081 : i32
      %get3A_1083 = arith.index_cast %scan3A_1082 : i32 to index
      %get3A_1084 = arith.constant 0 : index
      %get3A_1085 = tpu.vector_load %arg6[%get3A_1083, %get3A_1084] {strides = array<i32>} : memref<640x64xf32, #tpu.memory_space<vmem>>, vector<16xf32>,
      %add3A_1086 = arith.constant 8.000000e+00 : f32
      %add3A_1087 = vector.broadcast %add3A_1086 : f32 to vector<16xf32>
      %add3A_1088 = arith.addf %get3A_1085, %add3A_1087 : vector<16xf32>
      %swap3A_1089 = arith.index_cast %scan3A_1082 : i32 to index
      %swap3A_1090 = arith.constant 0 : index
      %swap3A_1091 = tpu.vector_load %arg6[%swap3A_1089, %swap3A_1090] {strides = array<i32>} : memref<640x64xf32, #tpu.memory_space<vmem>>, vector<16xf32>,
      tpu.vector_store %arg6[%swap3A_1089, %swap3A_1090], %add3A_1088 {strides = array<i32>} : memref<640x64xf32, #tpu.memory_space<vmem>>, vector<16xf32>,
      %get3A_1092 = arith.index_cast %scan3A_1082 : i32 to index
      %get3A_1093 = arith.constant 16 : index
      %get3A_1094 = tpu.vector_load %arg6[%get3A_1092, %get3A_1093] {strides = array<i32>} : memref<640x64xf32, #tpu.memory_space<vmem>>, vector<16xf32>,
      %add3A_1095 = arith.constant 8.000000e+00 : f32
      %add3A_1096 = vector.broadcast %add3A_1095 : f32 to vector<16xf32>
      %add3A_1097 = arith.addf %get3A_1094, %add3A_1096 : vector<16xf32>
      %swap3A_1098 = arith.index_cast %scan3A_1082 : i32 to index
      %swap3A_1099 = arith.constant 16 : index
      %swap3A_1100 = tpu.vector_load %arg6[%swap3A_1098, %swap3A_1099] {strides = array<i32>} : memref<640x64xf32, #tpu.memory_space<vmem>>, vector<16xf32>,
      tpu.vector_store %arg6[%swap3A_1098, %swap3A_1099], %add3A_1097 {strides = array<i32>} : memref<640x64xf32, #tpu.memory_space<vmem>>, vector<16xf32>,
      %get3A_1101 = arith.index_cast %scan3A_1082 : i32 to index
      %get3A_1102 = arith.constant 32 : index
      %get3A_1103 = tpu.vector_load %arg6[%get3A_1101, %get3A_1102] {strides = array<i32>} : memref<640x64xf32, #tpu.memory_space<vmem>>, vector<16xf32>,
      %add3A_1104 = arith.constant 8.000000e+00 : f32
      %add3A_1105 = vector.broadcast %add3A_1104 : f32 to vector<16xf32>
      %add3A_1106 = arith.addf %get3A_1103, %add3A_1105 : vector<16xf32>
      %swap3A_1107 = arith.index_cast %scan3A_1082 : i32 to index
      %swap3A_1108 = arith.constant 32 : index
      %swap3A_1109 = tpu.vector_load %arg6[%swap3A_1107, %swap3A_1108] {strides = array<i32>} : memref<640x64xf32, #tpu.memory_space<vmem>>, vector<16xf32>,
      tpu.vector_store %arg6[%swap3A_1107, %swap3A_1108], %add3A_1106 {strides = array<i32>} : memref<640x64xf32, #tpu.memory_space<vmem>>, vector<16xf32>,
      %get3A_1110 = arith.index_cast %scan3A_1082 : i32 to index
      %get3A_1111 = arith.constant 48 : index
      %get3A_1112 = tpu.vector_load %arg6[%get3A_1110, %get3A_1111] {strides = array<i32>} : memref<640x64xf32, #tpu.memory_space<vmem>>, vector<16xf32>,
      %add3A_1113 = arith.constant 8.000000e+00 : f32
      %add3A_1114 = vector.broadcast %add3A_1113 : f32 to vector<16xf32>
      %add3A_1115 = arith.addf %get3A_1112, %add3A_1114 : vector<16xf32>
      %swap3A_1116 = arith.index_cast %scan3A_1082 : i32 to index
      %swap3A_1117 = arith.constant 48 : index
      %swap3A_1118 = tpu.vector_load %arg6[%swap3A_1116, %swap3A_1117] {strides = array<i32>} : memref<640x64xf32, #tpu.memory_space<vmem>>, vector<16xf32>,
      tpu.vector_store %arg6[%swap3A_1116, %swap3A_1117], %add3A_1115 {strides = array<i32>} : memref<640x64xf32, #tpu.memory_space<vmem>>, vector<16xf32>,
    }
    %scan3A_513 = arith.constant 640 : i32
    %add3A_514 = arith.constant 2560 : i32
    %add3A_515 = arith.addi %multiple_of3A, %add3A_514 : i32
    %multiple_of3A_516 = tpu.assume_multiple %add3A_515, 640 : i32
    %dma_start3A_517 = arith.constant 0 : i32
    %dma_start3A_518 = tpu.memref_slice %arg4[%multiple_of3A_516, %dma_start3A_517] : memref<204800x64xf32, #tpu.memory_space<hbm>> -> memref<640x64xf32, #tpu.memory_space<hbm>>
    %dma_start3A_519 = arith.constant 0 : i32
    %dma_start3A_520 = tpu.memref_slice %arg4[%multiple_of3A_516, %dma_start3A_519] : memref<204800x64xf32, #tpu.memory_space<hbm>> -> memref<640x64xf32, #tpu.memory_space<hbm>>
    tpu.enqueue_dma source(%arg6 : memref<640x64xf32, #tpu.memory_space<vmem>>) target(%dma_start3A_520 : memref<640x64xf32, #tpu.memory_space<hbm>>) target_semaphore(%arg10 : memref<!tpu.dma_semaphore, #tpu.memory_space<semaphore_mem>>)
    %dma_wait3A_521 = arith.constant 0 : i32
    %dma_wait3A_522 = tpu.memref_slice %arg4[%multiple_of3A_516, %dma_wait3A_521] : memref<204800x64xf32, #tpu.memory_space<hbm>> -> memref<640x64xf32, #tpu.memory_space<hbm>>
    %dma_wait3A_523 = arith.constant 0 : i32
    %dma_wait3A_524 = tpu.memref_slice %arg4[%multiple_of3A_516, %dma_wait3A_523] : memref<204800x64xf32, #tpu.memory_space<hbm>> -> memref<640x64xf32, #tpu.memory_space<hbm>>
    tpu.wait_dma2 semaphore(%arg10 : memref<!tpu.dma_semaphore, #tpu.memory_space<semaphore_mem>>) src(%arg6 : memref<640x64xf32, #tpu.memory_space<vmem>>) dst(%dma_wait3A_524 : memref<640x64xf32, #tpu.memory_space<hbm>>)
    %dma_start3A_525 = arith.constant 0 : i32
    %dma_start3A_526 = arith.constant 0 : i32
    %dma_start3A_527 = tpu.memref_slice %arg6[%dma_start3A_525, %dma_start3A_526] : memref<640x64xf32, #tpu.memory_space<vmem>> -> memref<128x64xf32, #tpu.memory_space<vmem>>
    %dma_start3A_528 = arith.constant 3840 : i32
    %dma_start3A_529 = tpu.memref_slice %arg5[%dma_start3A_528] : memref<6400xi32, #tpu.memory_space<vmem>> -> memref<128xi32, #tpu.memory_space<vmem>>
    %dma_start3A_530 = arith.constant 0 : i32
    %dma_start3A_531 = arith.constant 0 : i32
    %dma_start3A_532 = tpu.memref_slice %arg3[%dma_start3A_530, %dma_start3A_531] : memref<1000000x64xf32, #tpu.memory_space<hbm>> -> memref<1000000x64xf32, #tpu.memory_space<hbm>>
    tpu.enqueue_indirect_dma source(%dma_start3A_532 : memref<1000000x64xf32, #tpu.memory_space<hbm>>) target(%dma_start3A_527 : memref<128x64xf32, #tpu.memory_space<vmem>>) offsets(%dma_start3A_529 : memref<128xi32, #tpu.memory_space<vmem>>) semaphore(%arg8 : memref<!tpu.dma_semaphore, #tpu.memory_space<semaphore_mem>>)
    %dma_start3A_533 = arith.constant 128 : i32
    %dma_start3A_534 = arith.constant 0 : i32
    %dma_start3A_535 = tpu.memref_slice %arg6[%dma_start3A_533, %dma_start3A_534] : memref<640x64xf32, #tpu.memory_space<vmem>> -> memref<128x64xf32, #tpu.memory_space<vmem>>
    %dma_start3A_536 = arith.constant 3968 : i32
    %dma_start3A_537 = tpu.memref_slice %arg5[%dma_start3A_536] : memref<6400xi32, #tpu.memory_space<vmem>> -> memref<128xi32, #tpu.memory_space<vmem>>
    %dma_start3A_538 = arith.constant 0 : i32
    %dma_start3A_539 = arith.constant 0 : i32
    %dma_start3A_540 = tpu.memref_slice %arg3[%dma_start3A_538, %dma_start3A_539] : memref<1000000x64xf32, #tpu.memory_space<hbm>> -> memref<1000000x64xf32, #tpu.memory_space<hbm>>
    tpu.enqueue_indirect_dma source(%dma_start3A_540 : memref<1000000x64xf32, #tpu.memory_space<hbm>>) target(%dma_start3A_535 : memref<128x64xf32, #tpu.memory_space<vmem>>) offsets(%dma_start3A_537 : memref<128xi32, #tpu.memory_space<vmem>>) semaphore(%arg8 : memref<!tpu.dma_semaphore, #tpu.memory_space<semaphore_mem>>)
    %dma_start3A_541 = arith.constant 256 : i32
    %dma_start3A_542 = arith.constant 0 : i32
    %dma_start3A_543 = tpu.memref_slice %arg6[%dma_start3A_541, %dma_start3A_542] : memref<640x64xf32, #tpu.memory_space<vmem>> -> memref<128x64xf32, #tpu.memory_space<vmem>>
    %dma_start3A_544 = arith.constant 4096 : i32
    %dma_start3A_545 = tpu.memref_slice %arg5[%dma_start3A_544] : memref<6400xi32, #tpu.memory_space<vmem>> -> memref<128xi32, #tpu.memory_space<vmem>>
    %dma_start3A_546 = arith.constant 0 : i32
    %dma_start3A_547 = arith.constant 0 : i32
    %dma_start3A_548 = tpu.memref_slice %arg3[%dma_start3A_546, %dma_start3A_547] : memref<1000000x64xf32, #tpu.memory_space<hbm>> -> memref<1000000x64xf32, #tpu.memory_space<hbm>>
    tpu.enqueue_indirect_dma source(%dma_start3A_548 : memref<1000000x64xf32, #tpu.memory_space<hbm>>) target(%dma_start3A_543 : memref<128x64xf32, #tpu.memory_space<vmem>>) offsets(%dma_start3A_545 : memref<128xi32, #tpu.memory_space<vmem>>) semaphore(%arg8 : memref<!tpu.dma_semaphore, #tpu.memory_space<semaphore_mem>>)
    %dma_start3A_549 = arith.constant 384 : i32
    %dma_start3A_550 = arith.constant 0 : i32
    %dma_start3A_551 = tpu.memref_slice %arg6[%dma_start3A_549, %dma_start3A_550] : memref<640x64xf32, #tpu.memory_space<vmem>> -> memref<128x64xf32, #tpu.memory_space<vmem>>
    %dma_start3A_552 = arith.constant 4224 : i32
    %dma_start3A_553 = tpu.memref_slice %arg5[%dma_start3A_552] : memref<6400xi32, #tpu.memory_space<vmem>> -> memref<128xi32, #tpu.memory_space<vmem>>
    %dma_start3A_554 = arith.constant 0 : i32
    %dma_start3A_555 = arith.constant 0 : i32
    %dma_start3A_556 = tpu.memref_slice %arg3[%dma_start3A_554, %dma_start3A_555] : memref<1000000x64xf32, #tpu.memory_space<hbm>> -> memref<1000000x64xf32, #tpu.memory_space<hbm>>
    tpu.enqueue_indirect_dma source(%dma_start3A_556 : memref<1000000x64xf32, #tpu.memory_space<hbm>>) target(%dma_start3A_551 : memref<128x64xf32, #tpu.memory_space<vmem>>) offsets(%dma_start3A_553 : memref<128xi32, #tpu.memory_space<vmem>>) semaphore(%arg8 : memref<!tpu.dma_semaphore, #tpu.memory_space<semaphore_mem>>)
    %dma_start3A_557 = arith.constant 512 : i32
    %dma_start3A_558 = arith.constant 0 : i32
    %dma_start3A_559 = tpu.memref_slice %arg6[%dma_start3A_557, %dma_start3A_558] : memref<640x64xf32, #tpu.memory_space<vmem>> -> memref<128x64xf32, #tpu.memory_space<vmem>>
    %dma_start3A_560 = arith.constant 4352 : i32
    %dma_start3A_561 = tpu.memref_slice %arg5[%dma_start3A_560] : memref<6400xi32, #tpu.memory_space<vmem>> -> memref<128xi32, #tpu.memory_space<vmem>>
    %dma_start3A_562 = arith.constant 0 : i32
    %dma_start3A_563 = arith.constant 0 : i32
    %dma_start3A_564 = tpu.memref_slice %arg3[%dma_start3A_562, %dma_start3A_563] : memref<1000000x64xf32, #tpu.memory_space<hbm>> -> memref<1000000x64xf32, #tpu.memory_space<hbm>>
    tpu.enqueue_indirect_dma source(%dma_start3A_564 : memref<1000000x64xf32, #tpu.memory_space<hbm>>) target(%dma_start3A_559 : memref<128x64xf32, #tpu.memory_space<vmem>>) offsets(%dma_start3A_561 : memref<128xi32, #tpu.memory_space<vmem>>) semaphore(%arg8 : memref<!tpu.dma_semaphore, #tpu.memory_space<semaphore_mem>>)
    %dma_wait3A_565 = arith.constant 0 : i32
    %dma_wait3A_566 = arith.constant 0 : i32
    %dma_wait3A_567 = tpu.memref_slice %arg7[%dma_wait3A_565, %dma_wait3A_566] : memref<640x64xf32, #tpu.memory_space<vmem>> -> memref<128x64xf32, #tpu.memory_space<vmem>>
    %dma_wait3A_568 = arith.constant 3200 : i32
    %dma_wait3A_569 = tpu.memref_slice %arg5[%dma_wait3A_568] : memref<6400xi32, #tpu.memory_space<vmem>> -> memref<128xi32, #tpu.memory_space<vmem>>
    %dma_wait3A_570 = arith.constant 0 : i32
    %dma_wait3A_571 = arith.constant 0 : i32
    %dma_wait3A_572 = tpu.memref_slice %arg3[%dma_wait3A_570, %dma_wait3A_571] : memref<1000000x64xf32, #tpu.memory_space<hbm>> -> memref<1000000x64xf32, #tpu.memory_space<hbm>>
    tpu.wait_indirect_dma semaphore(%arg9 : memref<!tpu.dma_semaphore, #tpu.memory_space<semaphore_mem>>) src(%dma_wait3A_572 : memref<1000000x64xf32, #tpu.memory_space<hbm>>) dst(%dma_wait3A_567 : memref<128x64xf32, #tpu.memory_space<vmem>>)
    %dma_wait3A_573 = arith.constant 128 : i32
    %dma_wait3A_574 = arith.constant 0 : i32
    %dma_wait3A_575 = tpu.memref_slice %arg7[%dma_wait3A_573, %dma_wait3A_574] : memref<640x64xf32, #tpu.memory_space<vmem>> -> memref<128x64xf32, #tpu.memory_space<vmem>>
    %dma_wait3A_576 = arith.constant 3328 : i32
    %dma_wait3A_577 = tpu.memref_slice %arg5[%dma_wait3A_576] : memref<6400xi32, #tpu.memory_space<vmem>> -> memref<128xi32, #tpu.memory_space<vmem>>
    %dma_wait3A_578 = arith.constant 0 : i32
    %dma_wait3A_579 = arith.constant 0 : i32
    %dma_wait3A_580 = tpu.memref_slice %arg3[%dma_wait3A_578, %dma_wait3A_579] : memref<1000000x64xf32, #tpu.memory_space<hbm>> -> memref<1000000x64xf32, #tpu.memory_space<hbm>>
    tpu.wait_indirect_dma semaphore(%arg9 : memref<!tpu.dma_semaphore, #tpu.memory_space<semaphore_mem>>) src(%dma_wait3A_580 : memref<1000000x64xf32, #tpu.memory_space<hbm>>) dst(%dma_wait3A_575 : memref<128x64xf32, #tpu.memory_space<vmem>>)
    %dma_wait3A_581 = arith.constant 256 : i32
    %dma_wait3A_582 = arith.constant 0 : i32
    %dma_wait3A_583 = tpu.memref_slice %arg7[%dma_wait3A_581, %dma_wait3A_582] : memref<640x64xf32, #tpu.memory_space<vmem>> -> memref<128x64xf32, #tpu.memory_space<vmem>>
    %dma_wait3A_584 = arith.constant 3456 : i32
    %dma_wait3A_585 = tpu.memref_slice %arg5[%dma_wait3A_584] : memref<6400xi32, #tpu.memory_space<vmem>> -> memref<128xi32, #tpu.memory_space<vmem>>
    %dma_wait3A_586 = arith.constant 0 : i32
    %dma_wait3A_587 = arith.constant 0 : i32
    %dma_wait3A_588 = tpu.memref_slice %arg3[%dma_wait3A_586, %dma_wait3A_587] : memref<1000000x64xf32, #tpu.memory_space<hbm>> -> memref<1000000x64xf32, #tpu.memory_space<hbm>>
    tpu.wait_indirect_dma semaphore(%arg9 : memref<!tpu.dma_semaphore, #tpu.memory_space<semaphore_mem>>) src(%dma_wait3A_588 : memref<1000000x64xf32, #tpu.memory_space<hbm>>) dst(%dma_wait3A_583 : memref<128x64xf32, #tpu.memory_space<vmem>>)
    %dma_wait3A_589 = arith.constant 384 : i32
    %dma_wait3A_590 = arith.constant 0 : i32
    %dma_wait3A_591 = tpu.memref_slice %arg7[%dma_wait3A_589, %dma_wait3A_590] : memref<640x64xf32, #tpu.memory_space<vmem>> -> memref<128x64xf32, #tpu.memory_space<vmem>>
    %dma_wait3A_592 = arith.constant 3584 : i32
    %dma_wait3A_593 = tpu.memref_slice %arg5[%dma_wait3A_592] : memref<6400xi32, #tpu.memory_space<vmem>> -> memref<128xi32, #tpu.memory_space<vmem>>
    %dma_wait3A_594 = arith.constant 0 : i32
    %dma_wait3A_595 = arith.constant 0 : i32
    %dma_wait3A_596 = tpu.memref_slice %arg3[%dma_wait3A_594, %dma_wait3A_595] : memref<1000000x64xf32, #tpu.memory_space<hbm>> -> memref<1000000x64xf32, #tpu.memory_space<hbm>>
    tpu.wait_indirect_dma semaphore(%arg9 : memref<!tpu.dma_semaphore, #tpu.memory_space<semaphore_mem>>) src(%dma_wait3A_596 : memref<1000000x64xf32, #tpu.memory_space<hbm>>) dst(%dma_wait3A_591 : memref<128x64xf32, #tpu.memory_space<vmem>>)
    %dma_wait3A_597 = arith.constant 512 : i32
    %dma_wait3A_598 = arith.constant 0 : i32
    %dma_wait3A_599 = tpu.memref_slice %arg7[%dma_wait3A_597, %dma_wait3A_598] : memref<640x64xf32, #tpu.memory_space<vmem>> -> memref<128x64xf32, #tpu.memory_space<vmem>>
    %dma_wait3A_600 = arith.constant 3712 : i32
    %dma_wait3A_601 = tpu.memref_slice %arg5[%dma_wait3A_600] : memref<6400xi32, #tpu.memory_space<vmem>> -> memref<128xi32, #tpu.memory_space<vmem>>
    %dma_wait3A_602 = arith.constant 0 : i32
    %dma_wait3A_603 = arith.constant 0 : i32
    %dma_wait3A_604 = tpu.memref_slice %arg3[%dma_wait3A_602, %dma_wait3A_603] : memref<1000000x64xf32, #tpu.memory_space<hbm>> -> memref<1000000x64xf32, #tpu.memory_space<hbm>>
    tpu.wait_indirect_dma semaphore(%arg9 : memref<!tpu.dma_semaphore, #tpu.memory_space<semaphore_mem>>) src(%dma_wait3A_604 : memref<1000000x64xf32, #tpu.memory_space<hbm>>) dst(%dma_wait3A_599 : memref<128x64xf32, #tpu.memory_space<vmem>>)
    %scan3A_605 = arith.constant 0 : i32
    %scan3A_606 = arith.constant 0 : i32
    %scan3A_607 = arith.constant 640 : i32
    %scan3A_608 = arith.addi %scan3A_606, %scan3A_607 : i32
    %scan3A_609 = arith.constant 4 : i32
    scf.for %scan3A_970 = %scan3A_606 to %scan3A_608 step %scan3A_609  : i32 {
      %get3A = arith.index_cast %scan3A_970 : i32 to index
      %get3A_971 = arith.constant 0 : index
      %get3A_972 = tpu.vector_load %arg7[%get3A, %get3A_971] {strides = array<i32>} : memref<640x64xf32, #tpu.memory_space<vmem>>, vector<16xf32>,
      %add3A_973 = arith.constant 8.000000e+00 : f32
      %add3A_974 = vector.broadcast %add3A_973 : f32 to vector<16xf32>
      %add3A_975 = arith.addf %get3A_972, %add3A_974 : vector<16xf32>
      %swap3A = arith.index_cast %scan3A_970 : i32 to index
      %swap3A_976 = arith.constant 0 : index
      %swap3A_977 = tpu.vector_load %arg7[%swap3A, %swap3A_976] {strides = array<i32>} : memref<640x64xf32, #tpu.memory_space<vmem>>, vector<16xf32>,
      tpu.vector_store %arg7[%swap3A, %swap3A_976], %add3A_975 {strides = array<i32>} : memref<640x64xf32, #tpu.memory_space<vmem>>, vector<16xf32>,
      %get3A_978 = arith.index_cast %scan3A_970 : i32 to index
      %get3A_979 = arith.constant 16 : index
      %get3A_980 = tpu.vector_load %arg7[%get3A_978, %get3A_979] {strides = array<i32>} : memref<640x64xf32, #tpu.memory_space<vmem>>, vector<16xf32>,
      %add3A_981 = arith.constant 8.000000e+00 : f32
      %add3A_982 = vector.broadcast %add3A_981 : f32 to vector<16xf32>
      %add3A_983 = arith.addf %get3A_980, %add3A_982 : vector<16xf32>
      %swap3A_984 = arith.index_cast %scan3A_970 : i32 to index
      %swap3A_985 = arith.constant 16 : index
      %swap3A_986 = tpu.vector_load %arg7[%swap3A_984, %swap3A_985] {strides = array<i32>} : memref<640x64xf32, #tpu.memory_space<vmem>>, vector<16xf32>,
      tpu.vector_store %arg7[%swap3A_984, %swap3A_985], %add3A_983 {strides = array<i32>} : memref<640x64xf32, #tpu.memory_space<vmem>>, vector<16xf32>,
      %get3A_987 = arith.index_cast %scan3A_970 : i32 to index
      %get3A_988 = arith.constant 32 : index
      %get3A_989 = tpu.vector_load %arg7[%get3A_987, %get3A_988] {strides = array<i32>} : memref<640x64xf32, #tpu.memory_space<vmem>>, vector<16xf32>,
      %add3A_990 = arith.constant 8.000000e+00 : f32
      %add3A_991 = vector.broadcast %add3A_990 : f32 to vector<16xf32>
      %add3A_992 = arith.addf %get3A_989, %add3A_991 : vector<16xf32>
      %swap3A_993 = arith.index_cast %scan3A_970 : i32 to index
      %swap3A_994 = arith.constant 32 : index
      %swap3A_995 = tpu.vector_load %arg7[%swap3A_993, %swap3A_994] {strides = array<i32>} : memref<640x64xf32, #tpu.memory_space<vmem>>, vector<16xf32>,
      tpu.vector_store %arg7[%swap3A_993, %swap3A_994], %add3A_992 {strides = array<i32>} : memref<640x64xf32, #tpu.memory_space<vmem>>, vector<16xf32>,
      %get3A_996 = arith.index_cast %scan3A_970 : i32 to index
      %get3A_997 = arith.constant 48 : index
      %get3A_998 = tpu.vector_load %arg7[%get3A_996, %get3A_997] {strides = array<i32>} : memref<640x64xf32, #tpu.memory_space<vmem>>, vector<16xf32>,
      %add3A_999 = arith.constant 8.000000e+00 : f32
      %add3A_1000 = vector.broadcast %add3A_999 : f32 to vector<16xf32>
      %add3A_1001 = arith.addf %get3A_998, %add3A_1000 : vector<16xf32>
      %swap3A_1002 = arith.index_cast %scan3A_970 : i32 to index
      %swap3A_1003 = arith.constant 48 : index
      %swap3A_1004 = tpu.vector_load %arg7[%swap3A_1002, %swap3A_1003] {strides = array<i32>} : memref<640x64xf32, #tpu.memory_space<vmem>>, vector<16xf32>,
      tpu.vector_store %arg7[%swap3A_1002, %swap3A_1003], %add3A_1001 {strides = array<i32>} : memref<640x64xf32, #tpu.memory_space<vmem>>, vector<16xf32>,
      %scan3A_1005 = arith.constant 1 : i32
      %scan3A_1006 = arith.addi %scan3A_970, %scan3A_1005 : i32
      %get3A_1007 = arith.index_cast %scan3A_1006 : i32 to index
      %get3A_1008 = arith.constant 0 : index
      %get3A_1009 = tpu.vector_load %arg7[%get3A_1007, %get3A_1008] {strides = array<i32>} : memref<640x64xf32, #tpu.memory_space<vmem>>, vector<16xf32>,
      %add3A_1010 = arith.constant 8.000000e+00 : f32
      %add3A_1011 = vector.broadcast %add3A_1010 : f32 to vector<16xf32>
      %add3A_1012 = arith.addf %get3A_1009, %add3A_1011 : vector<16xf32>
      %swap3A_1013 = arith.index_cast %scan3A_1006 : i32 to index
      %swap3A_1014 = arith.constant 0 : index
      %swap3A_1015 = tpu.vector_load %arg7[%swap3A_1013, %swap3A_1014] {strides = array<i32>} : memref<640x64xf32, #tpu.memory_space<vmem>>, vector<16xf32>,
      tpu.vector_store %arg7[%swap3A_1013, %swap3A_1014], %add3A_1012 {strides = array<i32>} : memref<640x64xf32, #tpu.memory_space<vmem>>, vector<16xf32>,
      %get3A_1016 = arith.index_cast %scan3A_1006 : i32 to index
      %get3A_1017 = arith.constant 16 : index
      %get3A_1018 = tpu.vector_load %arg7[%get3A_1016, %get3A_1017] {strides = array<i32>} : memref<640x64xf32, #tpu.memory_space<vmem>>, vector<16xf32>,
      %add3A_1019 = arith.constant 8.000000e+00 : f32
      %add3A_1020 = vector.broadcast %add3A_1019 : f32 to vector<16xf32>
      %add3A_1021 = arith.addf %get3A_1018, %add3A_1020 : vector<16xf32>
      %swap3A_1022 = arith.index_cast %scan3A_1006 : i32 to index
      %swap3A_1023 = arith.constant 16 : index
      %swap3A_1024 = tpu.vector_load %arg7[%swap3A_1022, %swap3A_1023] {strides = array<i32>} : memref<640x64xf32, #tpu.memory_space<vmem>>, vector<16xf32>,
      tpu.vector_store %arg7[%swap3A_1022, %swap3A_1023], %add3A_1021 {strides = array<i32>} : memref<640x64xf32, #tpu.memory_space<vmem>>, vector<16xf32>,
      %get3A_1025 = arith.index_cast %scan3A_1006 : i32 to index
      %get3A_1026 = arith.constant 32 : index
      %get3A_1027 = tpu.vector_load %arg7[%get3A_1025, %get3A_1026] {strides = array<i32>} : memref<640x64xf32, #tpu.memory_space<vmem>>, vector<16xf32>,
      %add3A_1028 = arith.constant 8.000000e+00 : f32
      %add3A_1029 = vector.broadcast %add3A_1028 : f32 to vector<16xf32>
      %add3A_1030 = arith.addf %get3A_1027, %add3A_1029 : vector<16xf32>
      %swap3A_1031 = arith.index_cast %scan3A_1006 : i32 to index
      %swap3A_1032 = arith.constant 32 : index
      %swap3A_1033 = tpu.vector_load %arg7[%swap3A_1031, %swap3A_1032] {strides = array<i32>} : memref<640x64xf32, #tpu.memory_space<vmem>>, vector<16xf32>,
      tpu.vector_store %arg7[%swap3A_1031, %swap3A_1032], %add3A_1030 {strides = array<i32>} : memref<640x64xf32, #tpu.memory_space<vmem>>, vector<16xf32>,
      %get3A_1034 = arith.index_cast %scan3A_1006 : i32 to index
      %get3A_1035 = arith.constant 48 : index
      %get3A_1036 = tpu.vector_load %arg7[%get3A_1034, %get3A_1035] {strides = array<i32>} : memref<640x64xf32, #tpu.memory_space<vmem>>, vector<16xf32>,
      %add3A_1037 = arith.constant 8.000000e+00 : f32
      %add3A_1038 = vector.broadcast %add3A_1037 : f32 to vector<16xf32>
      %add3A_1039 = arith.addf %get3A_1036, %add3A_1038 : vector<16xf32>
      %swap3A_1040 = arith.index_cast %scan3A_1006 : i32 to index
      %swap3A_1041 = arith.constant 48 : index
      %swap3A_1042 = tpu.vector_load %arg7[%swap3A_1040, %swap3A_1041] {strides = array<i32>} : memref<640x64xf32, #tpu.memory_space<vmem>>, vector<16xf32>,
      tpu.vector_store %arg7[%swap3A_1040, %swap3A_1041], %add3A_1039 {strides = array<i32>} : memref<640x64xf32, #tpu.memory_space<vmem>>, vector<16xf32>,
      %scan3A_1043 = arith.constant 2 : i32
      %scan3A_1044 = arith.addi %scan3A_970, %scan3A_1043 : i32
      %get3A_1045 = arith.index_cast %scan3A_1044 : i32 to index
      %get3A_1046 = arith.constant 0 : index
      %get3A_1047 = tpu.vector_load %arg7[%get3A_1045, %get3A_1046] {strides = array<i32>} : memref<640x64xf32, #tpu.memory_space<vmem>>, vector<16xf32>,
      %add3A_1048 = arith.constant 8.000000e+00 : f32
      %add3A_1049 = vector.broadcast %add3A_1048 : f32 to vector<16xf32>
      %add3A_1050 = arith.addf %get3A_1047, %add3A_1049 : vector<16xf32>
      %swap3A_1051 = arith.index_cast %scan3A_1044 : i32 to index
      %swap3A_1052 = arith.constant 0 : index
      %swap3A_1053 = tpu.vector_load %arg7[%swap3A_1051, %swap3A_1052] {strides = array<i32>} : memref<640x64xf32, #tpu.memory_space<vmem>>, vector<16xf32>,
      tpu.vector_store %arg7[%swap3A_1051, %swap3A_1052], %add3A_1050 {strides = array<i32>} : memref<640x64xf32, #tpu.memory_space<vmem>>, vector<16xf32>,
      %get3A_1054 = arith.index_cast %scan3A_1044 : i32 to index
      %get3A_1055 = arith.constant 16 : index
      %get3A_1056 = tpu.vector_load %arg7[%get3A_1054, %get3A_1055] {strides = array<i32>} : memref<640x64xf32, #tpu.memory_space<vmem>>, vector<16xf32>,
      %add3A_1057 = arith.constant 8.000000e+00 : f32
      %add3A_1058 = vector.broadcast %add3A_1057 : f32 to vector<16xf32>
      %add3A_1059 = arith.addf %get3A_1056, %add3A_1058 : vector<16xf32>
      %swap3A_1060 = arith.index_cast %scan3A_1044 : i32 to index
      %swap3A_1061 = arith.constant 16 : index
      %swap3A_1062 = tpu.vector_load %arg7[%swap3A_1060, %swap3A_1061] {strides = array<i32>} : memref<640x64xf32, #tpu.memory_space<vmem>>, vector<16xf32>,
      tpu.vector_store %arg7[%swap3A_1060, %swap3A_1061], %add3A_1059 {strides = array<i32>} : memref<640x64xf32, #tpu.memory_space<vmem>>, vector<16xf32>,
      %get3A_1063 = arith.index_cast %scan3A_1044 : i32 to index
      %get3A_1064 = arith.constant 32 : index
      %get3A_1065 = tpu.vector_load %arg7[%get3A_1063, %get3A_1064] {strides = array<i32>} : memref<640x64xf32, #tpu.memory_space<vmem>>, vector<16xf32>,
      %add3A_1066 = arith.constant 8.000000e+00 : f32
      %add3A_1067 = vector.broadcast %add3A_1066 : f32 to vector<16xf32>
      %add3A_1068 = arith.addf %get3A_1065, %add3A_1067 : vector<16xf32>
      %swap3A_1069 = arith.index_cast %scan3A_1044 : i32 to index
      %swap3A_1070 = arith.constant 32 : index
      %swap3A_1071 = tpu.vector_load %arg7[%swap3A_1069, %swap3A_1070] {strides = array<i32>} : memref<640x64xf32, #tpu.memory_space<vmem>>, vector<16xf32>,
      tpu.vector_store %arg7[%swap3A_1069, %swap3A_1070], %add3A_1068 {strides = array<i32>} : memref<640x64xf32, #tpu.memory_space<vmem>>, vector<16xf32>,
      %get3A_1072 = arith.index_cast %scan3A_1044 : i32 to index
      %get3A_1073 = arith.constant 48 : index
      %get3A_1074 = tpu.vector_load %arg7[%get3A_1072, %get3A_1073] {strides = array<i32>} : memref<640x64xf32, #tpu.memory_space<vmem>>, vector<16xf32>,
      %add3A_1075 = arith.constant 8.000000e+00 : f32
      %add3A_1076 = vector.broadcast %add3A_1075 : f32 to vector<16xf32>
      %add3A_1077 = arith.addf %get3A_1074, %add3A_1076 : vector<16xf32>
      %swap3A_1078 = arith.index_cast %scan3A_1044 : i32 to index
      %swap3A_1079 = arith.constant 48 : index
      %swap3A_1080 = tpu.vector_load %arg7[%swap3A_1078, %swap3A_1079] {strides = array<i32>} : memref<640x64xf32, #tpu.memory_space<vmem>>, vector<16xf32>,
      tpu.vector_store %arg7[%swap3A_1078, %swap3A_1079], %add3A_1077 {strides = array<i32>} : memref<640x64xf32, #tpu.memory_space<vmem>>, vector<16xf32>,
      %scan3A_1081 = arith.constant 3 : i32
      %scan3A_1082 = arith.addi %scan3A_970, %scan3A_1081 : i32
      %get3A_1083 = arith.index_cast %scan3A_1082 : i32 to index
      %get3A_1084 = arith.constant 0 : index
      %get3A_1085 = tpu.vector_load %arg7[%get3A_1083, %get3A_1084] {strides = array<i32>} : memref<640x64xf32, #tpu.memory_space<vmem>>, vector<16xf32>,
      %add3A_1086 = arith.constant 8.000000e+00 : f32
      %add3A_1087 = vector.broadcast %add3A_1086 : f32 to vector<16xf32>
      %add3A_1088 = arith.addf %get3A_1085, %add3A_1087 : vector<16xf32>
      %swap3A_1089 = arith.index_cast %scan3A_1082 : i32 to index
      %swap3A_1090 = arith.constant 0 : index
      %swap3A_1091 = tpu.vector_load %arg7[%swap3A_1089, %swap3A_1090] {strides = array<i32>} : memref<640x64xf32, #tpu.memory_space<vmem>>, vector<16xf32>,
      tpu.vector_store %arg7[%swap3A_1089, %swap3A_1090], %add3A_1088 {strides = array<i32>} : memref<640x64xf32, #tpu.memory_space<vmem>>, vector<16xf32>,
      %get3A_1092 = arith.index_cast %scan3A_1082 : i32 to index
      %get3A_1093 = arith.constant 16 : index
      %get3A_1094 = tpu.vector_load %arg7[%get3A_1092, %get3A_1093] {strides = array<i32>} : memref<640x64xf32, #tpu.memory_space<vmem>>, vector<16xf32>,
      %add3A_1095 = arith.constant 8.000000e+00 : f32
      %add3A_1096 = vector.broadcast %add3A_1095 : f32 to vector<16xf32>
      %add3A_1097 = arith.addf %get3A_1094, %add3A_1096 : vector<16xf32>
      %swap3A_1098 = arith.index_cast %scan3A_1082 : i32 to index
      %swap3A_1099 = arith.constant 16 : index
      %swap3A_1100 = tpu.vector_load %arg7[%swap3A_1098, %swap3A_1099] {strides = array<i32>} : memref<640x64xf32, #tpu.memory_space<vmem>>, vector<16xf32>,
      tpu.vector_store %arg7[%swap3A_1098, %swap3A_1099], %add3A_1097 {strides = array<i32>} : memref<640x64xf32, #tpu.memory_space<vmem>>, vector<16xf32>,
      %get3A_1101 = arith.index_cast %scan3A_1082 : i32 to index
      %get3A_1102 = arith.constant 32 : index
      %get3A_1103 = tpu.vector_load %arg7[%get3A_1101, %get3A_1102] {strides = array<i32>} : memref<640x64xf32, #tpu.memory_space<vmem>>, vector<16xf32>,
      %add3A_1104 = arith.constant 8.000000e+00 : f32
      %add3A_1105 = vector.broadcast %add3A_1104 : f32 to vector<16xf32>
      %add3A_1106 = arith.addf %get3A_1103, %add3A_1105 : vector<16xf32>
      %swap3A_1107 = arith.index_cast %scan3A_1082 : i32 to index
      %swap3A_1108 = arith.constant 32 : index
      %swap3A_1109 = tpu.vector_load %arg7[%swap3A_1107, %swap3A_1108] {strides = array<i32>} : memref<640x64xf32, #tpu.memory_space<vmem>>, vector<16xf32>,
      tpu.vector_store %arg7[%swap3A_1107, %swap3A_1108], %add3A_1106 {strides = array<i32>} : memref<640x64xf32, #tpu.memory_space<vmem>>, vector<16xf32>,
      %get3A_1110 = arith.index_cast %scan3A_1082 : i32 to index
      %get3A_1111 = arith.constant 48 : index
      %get3A_1112 = tpu.vector_load %arg7[%get3A_1110, %get3A_1111] {strides = array<i32>} : memref<640x64xf32, #tpu.memory_space<vmem>>, vector<16xf32>,
      %add3A_1113 = arith.constant 8.000000e+00 : f32
      %add3A_1114 = vector.broadcast %add3A_1113 : f32 to vector<16xf32>
      %add3A_1115 = arith.addf %get3A_1112, %add3A_1114 : vector<16xf32>
      %swap3A_1116 = arith.index_cast %scan3A_1082 : i32 to index
      %swap3A_1117 = arith.constant 48 : index
      %swap3A_1118 = tpu.vector_load %arg7[%swap3A_1116, %swap3A_1117] {strides = array<i32>} : memref<640x64xf32, #tpu.memory_space<vmem>>, vector<16xf32>,
      tpu.vector_store %arg7[%swap3A_1116, %swap3A_1117], %add3A_1115 {strides = array<i32>} : memref<640x64xf32, #tpu.memory_space<vmem>>, vector<16xf32>,
    }
    %scan3A_610 = arith.constant 640 : i32
    %add3A_611 = arith.constant 3200 : i32
    %add3A_612 = arith.addi %multiple_of3A, %add3A_611 : i32
    %multiple_of3A_613 = tpu.assume_multiple %add3A_612, 640 : i32
    %dma_start3A_614 = arith.constant 0 : i32
    %dma_start3A_615 = tpu.memref_slice %arg4[%multiple_of3A_613, %dma_start3A_614] : memref<204800x64xf32, #tpu.memory_space<hbm>> -> memref<640x64xf32, #tpu.memory_space<hbm>>
    %dma_start3A_616 = arith.constant 0 : i32
    %dma_start3A_617 = tpu.memref_slice %arg4[%multiple_of3A_613, %dma_start3A_616] : memref<204800x64xf32, #tpu.memory_space<hbm>> -> memref<640x64xf32, #tpu.memory_space<hbm>>
    tpu.enqueue_dma source(%arg7 : memref<640x64xf32, #tpu.memory_space<vmem>>) target(%dma_start3A_617 : memref<640x64xf32, #tpu.memory_space<hbm>>) target_semaphore(%arg11 : memref<!tpu.dma_semaphore, #tpu.memory_space<semaphore_mem>>)
    %dma_wait3A_618 = arith.constant 0 : i32
    %dma_wait3A_619 = tpu.memref_slice %arg4[%multiple_of3A_613, %dma_wait3A_618] : memref<204800x64xf32, #tpu.memory_space<hbm>> -> memref<640x64xf32, #tpu.memory_space<hbm>>
    %dma_wait3A_620 = arith.constant 0 : i32
    %dma_wait3A_621 = tpu.memref_slice %arg4[%multiple_of3A_613, %dma_wait3A_620] : memref<204800x64xf32, #tpu.memory_space<hbm>> -> memref<640x64xf32, #tpu.memory_space<hbm>>
    tpu.wait_dma2 semaphore(%arg11 : memref<!tpu.dma_semaphore, #tpu.memory_space<semaphore_mem>>) src(%arg7 : memref<640x64xf32, #tpu.memory_space<vmem>>) dst(%dma_wait3A_621 : memref<640x64xf32, #tpu.memory_space<hbm>>)
    %dma_start3A_622 = arith.constant 0 : i32
    %dma_start3A_623 = arith.constant 0 : i32
    %dma_start3A_624 = tpu.memref_slice %arg7[%dma_start3A_622, %dma_start3A_623] : memref<640x64xf32, #tpu.memory_space<vmem>> -> memref<128x64xf32, #tpu.memory_space<vmem>>
    %dma_start3A_625 = arith.constant 4480 : i32
    %dma_start3A_626 = tpu.memref_slice %arg5[%dma_start3A_625] : memref<6400xi32, #tpu.memory_space<vmem>> -> memref<128xi32, #tpu.memory_space<vmem>>
    %dma_start3A_627 = arith.constant 0 : i32
    %dma_start3A_628 = arith.constant 0 : i32
    %dma_start3A_629 = tpu.memref_slice %arg3[%dma_start3A_627, %dma_start3A_628] : memref<1000000x64xf32, #tpu.memory_space<hbm>> -> memref<1000000x64xf32, #tpu.memory_space<hbm>>
    tpu.enqueue_indirect_dma source(%dma_start3A_629 : memref<1000000x64xf32, #tpu.memory_space<hbm>>) target(%dma_start3A_624 : memref<128x64xf32, #tpu.memory_space<vmem>>) offsets(%dma_start3A_626 : memref<128xi32, #tpu.memory_space<vmem>>) semaphore(%arg9 : memref<!tpu.dma_semaphore, #tpu.memory_space<semaphore_mem>>)
    %dma_start3A_630 = arith.constant 128 : i32
    %dma_start3A_631 = arith.constant 0 : i32
    %dma_start3A_632 = tpu.memref_slice %arg7[%dma_start3A_630, %dma_start3A_631] : memref<640x64xf32, #tpu.memory_space<vmem>> -> memref<128x64xf32, #tpu.memory_space<vmem>>
    %dma_start3A_633 = arith.constant 4608 : i32
    %dma_start3A_634 = tpu.memref_slice %arg5[%dma_start3A_633] : memref<6400xi32, #tpu.memory_space<vmem>> -> memref<128xi32, #tpu.memory_space<vmem>>
    %dma_start3A_635 = arith.constant 0 : i32
    %dma_start3A_636 = arith.constant 0 : i32
    %dma_start3A_637 = tpu.memref_slice %arg3[%dma_start3A_635, %dma_start3A_636] : memref<1000000x64xf32, #tpu.memory_space<hbm>> -> memref<1000000x64xf32, #tpu.memory_space<hbm>>
    tpu.enqueue_indirect_dma source(%dma_start3A_637 : memref<1000000x64xf32, #tpu.memory_space<hbm>>) target(%dma_start3A_632 : memref<128x64xf32, #tpu.memory_space<vmem>>) offsets(%dma_start3A_634 : memref<128xi32, #tpu.memory_space<vmem>>) semaphore(%arg9 : memref<!tpu.dma_semaphore, #tpu.memory_space<semaphore_mem>>)
    %dma_start3A_638 = arith.constant 256 : i32
    %dma_start3A_639 = arith.constant 0 : i32
    %dma_start3A_640 = tpu.memref_slice %arg7[%dma_start3A_638, %dma_start3A_639] : memref<640x64xf32, #tpu.memory_space<vmem>> -> memref<128x64xf32, #tpu.memory_space<vmem>>
    %dma_start3A_641 = arith.constant 4736 : i32
    %dma_start3A_642 = tpu.memref_slice %arg5[%dma_start3A_641] : memref<6400xi32, #tpu.memory_space<vmem>> -> memref<128xi32, #tpu.memory_space<vmem>>
    %dma_start3A_643 = arith.constant 0 : i32
    %dma_start3A_644 = arith.constant 0 : i32
    %dma_start3A_645 = tpu.memref_slice %arg3[%dma_start3A_643, %dma_start3A_644] : memref<1000000x64xf32, #tpu.memory_space<hbm>> -> memref<1000000x64xf32, #tpu.memory_space<hbm>>
    tpu.enqueue_indirect_dma source(%dma_start3A_645 : memref<1000000x64xf32, #tpu.memory_space<hbm>>) target(%dma_start3A_640 : memref<128x64xf32, #tpu.memory_space<vmem>>) offsets(%dma_start3A_642 : memref<128xi32, #tpu.memory_space<vmem>>) semaphore(%arg9 : memref<!tpu.dma_semaphore, #tpu.memory_space<semaphore_mem>>)
    %dma_start3A_646 = arith.constant 384 : i32
    %dma_start3A_647 = arith.constant 0 : i32
    %dma_start3A_648 = tpu.memref_slice %arg7[%dma_start3A_646, %dma_start3A_647] : memref<640x64xf32, #tpu.memory_space<vmem>> -> memref<128x64xf32, #tpu.memory_space<vmem>>
    %dma_start3A_649 = arith.constant 4864 : i32
    %dma_start3A_650 = tpu.memref_slice %arg5[%dma_start3A_649] : memref<6400xi32, #tpu.memory_space<vmem>> -> memref<128xi32, #tpu.memory_space<vmem>>
    %dma_start3A_651 = arith.constant 0 : i32
    %dma_start3A_652 = arith.constant 0 : i32
    %dma_start3A_653 = tpu.memref_slice %arg3[%dma_start3A_651, %dma_start3A_652] : memref<1000000x64xf32, #tpu.memory_space<hbm>> -> memref<1000000x64xf32, #tpu.memory_space<hbm>>
    tpu.enqueue_indirect_dma source(%dma_start3A_653 : memref<1000000x64xf32, #tpu.memory_space<hbm>>) target(%dma_start3A_648 : memref<128x64xf32, #tpu.memory_space<vmem>>) offsets(%dma_start3A_650 : memref<128xi32, #tpu.memory_space<vmem>>) semaphore(%arg9 : memref<!tpu.dma_semaphore, #tpu.memory_space<semaphore_mem>>)
    %dma_start3A_654 = arith.constant 512 : i32
    %dma_start3A_655 = arith.constant 0 : i32
    %dma_start3A_656 = tpu.memref_slice %arg7[%dma_start3A_654, %dma_start3A_655] : memref<640x64xf32, #tpu.memory_space<vmem>> -> memref<128x64xf32, #tpu.memory_space<vmem>>
    %dma_start3A_657 = arith.constant 4992 : i32
    %dma_start3A_658 = tpu.memref_slice %arg5[%dma_start3A_657] : memref<6400xi32, #tpu.memory_space<vmem>> -> memref<128xi32, #tpu.memory_space<vmem>>
    %dma_start3A_659 = arith.constant 0 : i32
    %dma_start3A_660 = arith.constant 0 : i32
    %dma_start3A_661 = tpu.memref_slice %arg3[%dma_start3A_659, %dma_start3A_660] : memref<1000000x64xf32, #tpu.memory_space<hbm>> -> memref<1000000x64xf32, #tpu.memory_space<hbm>>
    tpu.enqueue_indirect_dma source(%dma_start3A_661 : memref<1000000x64xf32, #tpu.memory_space<hbm>>) target(%dma_start3A_656 : memref<128x64xf32, #tpu.memory_space<vmem>>) offsets(%dma_start3A_658 : memref<128xi32, #tpu.memory_space<vmem>>) semaphore(%arg9 : memref<!tpu.dma_semaphore, #tpu.memory_space<semaphore_mem>>)
    %dma_wait3A_662 = arith.constant 0 : i32
    %dma_wait3A_663 = arith.constant 0 : i32
    %dma_wait3A_664 = tpu.memref_slice %arg6[%dma_wait3A_662, %dma_wait3A_663] : memref<640x64xf32, #tpu.memory_space<vmem>> -> memref<128x64xf32, #tpu.memory_space<vmem>>
    %dma_wait3A_665 = arith.constant 3840 : i32
    %dma_wait3A_666 = tpu.memref_slice %arg5[%dma_wait3A_665] : memref<6400xi32, #tpu.memory_space<vmem>> -> memref<128xi32, #tpu.memory_space<vmem>>
    %dma_wait3A_667 = arith.constant 0 : i32
    %dma_wait3A_668 = arith.constant 0 : i32
    %dma_wait3A_669 = tpu.memref_slice %arg3[%dma_wait3A_667, %dma_wait3A_668] : memref<1000000x64xf32, #tpu.memory_space<hbm>> -> memref<1000000x64xf32, #tpu.memory_space<hbm>>
    tpu.wait_indirect_dma semaphore(%arg8 : memref<!tpu.dma_semaphore, #tpu.memory_space<semaphore_mem>>) src(%dma_wait3A_669 : memref<1000000x64xf32, #tpu.memory_space<hbm>>) dst(%dma_wait3A_664 : memref<128x64xf32, #tpu.memory_space<vmem>>)
    %dma_wait3A_670 = arith.constant 128 : i32
    %dma_wait3A_671 = arith.constant 0 : i32
    %dma_wait3A_672 = tpu.memref_slice %arg6[%dma_wait3A_670, %dma_wait3A_671] : memref<640x64xf32, #tpu.memory_space<vmem>> -> memref<128x64xf32, #tpu.memory_space<vmem>>
    %dma_wait3A_673 = arith.constant 3968 : i32
    %dma_wait3A_674 = tpu.memref_slice %arg5[%dma_wait3A_673] : memref<6400xi32, #tpu.memory_space<vmem>> -> memref<128xi32, #tpu.memory_space<vmem>>
    %dma_wait3A_675 = arith.constant 0 : i32
    %dma_wait3A_676 = arith.constant 0 : i32
    %dma_wait3A_677 = tpu.memref_slice %arg3[%dma_wait3A_675, %dma_wait3A_676] : memref<1000000x64xf32, #tpu.memory_space<hbm>> -> memref<1000000x64xf32, #tpu.memory_space<hbm>>
    tpu.wait_indirect_dma semaphore(%arg8 : memref<!tpu.dma_semaphore, #tpu.memory_space<semaphore_mem>>) src(%dma_wait3A_677 : memref<1000000x64xf32, #tpu.memory_space<hbm>>) dst(%dma_wait3A_672 : memref<128x64xf32, #tpu.memory_space<vmem>>)
    %dma_wait3A_678 = arith.constant 256 : i32
    %dma_wait3A_679 = arith.constant 0 : i32
    %dma_wait3A_680 = tpu.memref_slice %arg6[%dma_wait3A_678, %dma_wait3A_679] : memref<640x64xf32, #tpu.memory_space<vmem>> -> memref<128x64xf32, #tpu.memory_space<vmem>>
    %dma_wait3A_681 = arith.constant 4096 : i32
    %dma_wait3A_682 = tpu.memref_slice %arg5[%dma_wait3A_681] : memref<6400xi32, #tpu.memory_space<vmem>> -> memref<128xi32, #tpu.memory_space<vmem>>
    %dma_wait3A_683 = arith.constant 0 : i32
    %dma_wait3A_684 = arith.constant 0 : i32
    %dma_wait3A_685 = tpu.memref_slice %arg3[%dma_wait3A_683, %dma_wait3A_684] : memref<1000000x64xf32, #tpu.memory_space<hbm>> -> memref<1000000x64xf32, #tpu.memory_space<hbm>>
    tpu.wait_indirect_dma semaphore(%arg8 : memref<!tpu.dma_semaphore, #tpu.memory_space<semaphore_mem>>) src(%dma_wait3A_685 : memref<1000000x64xf32, #tpu.memory_space<hbm>>) dst(%dma_wait3A_680 : memref<128x64xf32, #tpu.memory_space<vmem>>)
    %dma_wait3A_686 = arith.constant 384 : i32
    %dma_wait3A_687 = arith.constant 0 : i32
    %dma_wait3A_688 = tpu.memref_slice %arg6[%dma_wait3A_686, %dma_wait3A_687] : memref<640x64xf32, #tpu.memory_space<vmem>> -> memref<128x64xf32, #tpu.memory_space<vmem>>
    %dma_wait3A_689 = arith.constant 4224 : i32
    %dma_wait3A_690 = tpu.memref_slice %arg5[%dma_wait3A_689] : memref<6400xi32, #tpu.memory_space<vmem>> -> memref<128xi32, #tpu.memory_space<vmem>>
    %dma_wait3A_691 = arith.constant 0 : i32
    %dma_wait3A_692 = arith.constant 0 : i32
    %dma_wait3A_693 = tpu.memref_slice %arg3[%dma_wait3A_691, %dma_wait3A_692] : memref<1000000x64xf32, #tpu.memory_space<hbm>> -> memref<1000000x64xf32, #tpu.memory_space<hbm>>
    tpu.wait_indirect_dma semaphore(%arg8 : memref<!tpu.dma_semaphore, #tpu.memory_space<semaphore_mem>>) src(%dma_wait3A_693 : memref<1000000x64xf32, #tpu.memory_space<hbm>>) dst(%dma_wait3A_688 : memref<128x64xf32, #tpu.memory_space<vmem>>)
    %dma_wait3A_694 = arith.constant 512 : i32
    %dma_wait3A_695 = arith.constant 0 : i32
    %dma_wait3A_696 = tpu.memref_slice %arg6[%dma_wait3A_694, %dma_wait3A_695] : memref<640x64xf32, #tpu.memory_space<vmem>> -> memref<128x64xf32, #tpu.memory_space<vmem>>
    %dma_wait3A_697 = arith.constant 4352 : i32
    %dma_wait3A_698 = tpu.memref_slice %arg5[%dma_wait3A_697] : memref<6400xi32, #tpu.memory_space<vmem>> -> memref<128xi32, #tpu.memory_space<vmem>>
    %dma_wait3A_699 = arith.constant 0 : i32
    %dma_wait3A_700 = arith.constant 0 : i32
    %dma_wait3A_701 = tpu.memref_slice %arg3[%dma_wait3A_699, %dma_wait3A_700] : memref<1000000x64xf32, #tpu.memory_space<hbm>> -> memref<1000000x64xf32, #tpu.memory_space<hbm>>
    tpu.wait_indirect_dma semaphore(%arg8 : memref<!tpu.dma_semaphore, #tpu.memory_space<semaphore_mem>>) src(%dma_wait3A_701 : memref<1000000x64xf32, #tpu.memory_space<hbm>>) dst(%dma_wait3A_696 : memref<128x64xf32, #tpu.memory_space<vmem>>)
    %scan3A_702 = arith.constant 0 : i32
    %scan3A_703 = arith.constant 0 : i32
    %scan3A_704 = arith.constant 640 : i32
    %scan3A_705 = arith.addi %scan3A_703, %scan3A_704 : i32
    %scan3A_706 = arith.constant 4 : i32
    scf.for %scan3A_970 = %scan3A_703 to %scan3A_705 step %scan3A_706  : i32 {
      %get3A = arith.index_cast %scan3A_970 : i32 to index
      %get3A_971 = arith.constant 0 : index
      %get3A_972 = tpu.vector_load %arg6[%get3A, %get3A_971] {strides = array<i32>} : memref<640x64xf32, #tpu.memory_space<vmem>>, vector<16xf32>,
      %add3A_973 = arith.constant 8.000000e+00 : f32
      %add3A_974 = vector.broadcast %add3A_973 : f32 to vector<16xf32>
      %add3A_975 = arith.addf %get3A_972, %add3A_974 : vector<16xf32>
      %swap3A = arith.index_cast %scan3A_970 : i32 to index
      %swap3A_976 = arith.constant 0 : index
      %swap3A_977 = tpu.vector_load %arg6[%swap3A, %swap3A_976] {strides = array<i32>} : memref<640x64xf32, #tpu.memory_space<vmem>>, vector<16xf32>,
      tpu.vector_store %arg6[%swap3A, %swap3A_976], %add3A_975 {strides = array<i32>} : memref<640x64xf32, #tpu.memory_space<vmem>>, vector<16xf32>,
      %get3A_978 = arith.index_cast %scan3A_970 : i32 to index
      %get3A_979 = arith.constant 16 : index
      %get3A_980 = tpu.vector_load %arg6[%get3A_978, %get3A_979] {strides = array<i32>} : memref<640x64xf32, #tpu.memory_space<vmem>>, vector<16xf32>,
      %add3A_981 = arith.constant 8.000000e+00 : f32
      %add3A_982 = vector.broadcast %add3A_981 : f32 to vector<16xf32>
      %add3A_983 = arith.addf %get3A_980, %add3A_982 : vector<16xf32>
      %swap3A_984 = arith.index_cast %scan3A_970 : i32 to index
      %swap3A_985 = arith.constant 16 : index
      %swap3A_986 = tpu.vector_load %arg6[%swap3A_984, %swap3A_985] {strides = array<i32>} : memref<640x64xf32, #tpu.memory_space<vmem>>, vector<16xf32>,
      tpu.vector_store %arg6[%swap3A_984, %swap3A_985], %add3A_983 {strides = array<i32>} : memref<640x64xf32, #tpu.memory_space<vmem>>, vector<16xf32>,
      %get3A_987 = arith.index_cast %scan3A_970 : i32 to index
      %get3A_988 = arith.constant 32 : index
      %get3A_989 = tpu.vector_load %arg6[%get3A_987, %get3A_988] {strides = array<i32>} : memref<640x64xf32, #tpu.memory_space<vmem>>, vector<16xf32>,
      %add3A_990 = arith.constant 8.000000e+00 : f32
      %add3A_991 = vector.broadcast %add3A_990 : f32 to vector<16xf32>
      %add3A_992 = arith.addf %get3A_989, %add3A_991 : vector<16xf32>
      %swap3A_993 = arith.index_cast %scan3A_970 : i32 to index
      %swap3A_994 = arith.constant 32 : index
      %swap3A_995 = tpu.vector_load %arg6[%swap3A_993, %swap3A_994] {strides = array<i32>} : memref<640x64xf32, #tpu.memory_space<vmem>>, vector<16xf32>,
      tpu.vector_store %arg6[%swap3A_993, %swap3A_994], %add3A_992 {strides = array<i32>} : memref<640x64xf32, #tpu.memory_space<vmem>>, vector<16xf32>,
      %get3A_996 = arith.index_cast %scan3A_970 : i32 to index
      %get3A_997 = arith.constant 48 : index
      %get3A_998 = tpu.vector_load %arg6[%get3A_996, %get3A_997] {strides = array<i32>} : memref<640x64xf32, #tpu.memory_space<vmem>>, vector<16xf32>,
      %add3A_999 = arith.constant 8.000000e+00 : f32
      %add3A_1000 = vector.broadcast %add3A_999 : f32 to vector<16xf32>
      %add3A_1001 = arith.addf %get3A_998, %add3A_1000 : vector<16xf32>
      %swap3A_1002 = arith.index_cast %scan3A_970 : i32 to index
      %swap3A_1003 = arith.constant 48 : index
      %swap3A_1004 = tpu.vector_load %arg6[%swap3A_1002, %swap3A_1003] {strides = array<i32>} : memref<640x64xf32, #tpu.memory_space<vmem>>, vector<16xf32>,
      tpu.vector_store %arg6[%swap3A_1002, %swap3A_1003], %add3A_1001 {strides = array<i32>} : memref<640x64xf32, #tpu.memory_space<vmem>>, vector<16xf32>,
      %scan3A_1005 = arith.constant 1 : i32
      %scan3A_1006 = arith.addi %scan3A_970, %scan3A_1005 : i32
      %get3A_1007 = arith.index_cast %scan3A_1006 : i32 to index
      %get3A_1008 = arith.constant 0 : index
      %get3A_1009 = tpu.vector_load %arg6[%get3A_1007, %get3A_1008] {strides = array<i32>} : memref<640x64xf32, #tpu.memory_space<vmem>>, vector<16xf32>,
      %add3A_1010 = arith.constant 8.000000e+00 : f32
      %add3A_1011 = vector.broadcast %add3A_1010 : f32 to vector<16xf32>
      %add3A_1012 = arith.addf %get3A_1009, %add3A_1011 : vector<16xf32>
      %swap3A_1013 = arith.index_cast %scan3A_1006 : i32 to index
      %swap3A_1014 = arith.constant 0 : index
      %swap3A_1015 = tpu.vector_load %arg6[%swap3A_1013, %swap3A_1014] {strides = array<i32>} : memref<640x64xf32, #tpu.memory_space<vmem>>, vector<16xf32>,
      tpu.vector_store %arg6[%swap3A_1013, %swap3A_1014], %add3A_1012 {strides = array<i32>} : memref<640x64xf32, #tpu.memory_space<vmem>>, vector<16xf32>,
      %get3A_1016 = arith.index_cast %scan3A_1006 : i32 to index
      %get3A_1017 = arith.constant 16 : index
      %get3A_1018 = tpu.vector_load %arg6[%get3A_1016, %get3A_1017] {strides = array<i32>} : memref<640x64xf32, #tpu.memory_space<vmem>>, vector<16xf32>,
      %add3A_1019 = arith.constant 8.000000e+00 : f32
      %add3A_1020 = vector.broadcast %add3A_1019 : f32 to vector<16xf32>
      %add3A_1021 = arith.addf %get3A_1018, %add3A_1020 : vector<16xf32>
      %swap3A_1022 = arith.index_cast %scan3A_1006 : i32 to index
      %swap3A_1023 = arith.constant 16 : index
      %swap3A_1024 = tpu.vector_load %arg6[%swap3A_1022, %swap3A_1023] {strides = array<i32>} : memref<640x64xf32, #tpu.memory_space<vmem>>, vector<16xf32>,
      tpu.vector_store %arg6[%swap3A_1022, %swap3A_1023], %add3A_1021 {strides = array<i32>} : memref<640x64xf32, #tpu.memory_space<vmem>>, vector<16xf32>,
      %get3A_1025 = arith.index_cast %scan3A_1006 : i32 to index
      %get3A_1026 = arith.constant 32 : index
      %get3A_1027 = tpu.vector_load %arg6[%get3A_1025, %get3A_1026] {strides = array<i32>} : memref<640x64xf32, #tpu.memory_space<vmem>>, vector<16xf32>,
      %add3A_1028 = arith.constant 8.000000e+00 : f32
      %add3A_1029 = vector.broadcast %add3A_1028 : f32 to vector<16xf32>
      %add3A_1030 = arith.addf %get3A_1027, %add3A_1029 : vector<16xf32>
      %swap3A_1031 = arith.index_cast %scan3A_1006 : i32 to index
      %swap3A_1032 = arith.constant 32 : index
      %swap3A_1033 = tpu.vector_load %arg6[%swap3A_1031, %swap3A_1032] {strides = array<i32>} : memref<640x64xf32, #tpu.memory_space<vmem>>, vector<16xf32>,
      tpu.vector_store %arg6[%swap3A_1031, %swap3A_1032], %add3A_1030 {strides = array<i32>} : memref<640x64xf32, #tpu.memory_space<vmem>>, vector<16xf32>,
      %get3A_1034 = arith.index_cast %scan3A_1006 : i32 to index
      %get3A_1035 = arith.constant 48 : index
      %get3A_1036 = tpu.vector_load %arg6[%get3A_1034, %get3A_1035] {strides = array<i32>} : memref<640x64xf32, #tpu.memory_space<vmem>>, vector<16xf32>,
      %add3A_1037 = arith.constant 8.000000e+00 : f32
      %add3A_1038 = vector.broadcast %add3A_1037 : f32 to vector<16xf32>
      %add3A_1039 = arith.addf %get3A_1036, %add3A_1038 : vector<16xf32>
      %swap3A_1040 = arith.index_cast %scan3A_1006 : i32 to index
      %swap3A_1041 = arith.constant 48 : index
      %swap3A_1042 = tpu.vector_load %arg6[%swap3A_1040, %swap3A_1041] {strides = array<i32>} : memref<640x64xf32, #tpu.memory_space<vmem>>, vector<16xf32>,
      tpu.vector_store %arg6[%swap3A_1040, %swap3A_1041], %add3A_1039 {strides = array<i32>} : memref<640x64xf32, #tpu.memory_space<vmem>>, vector<16xf32>,
      %scan3A_1043 = arith.constant 2 : i32
      %scan3A_1044 = arith.addi %scan3A_970, %scan3A_1043 : i32
      %get3A_1045 = arith.index_cast %scan3A_1044 : i32 to index
      %get3A_1046 = arith.constant 0 : index
      %get3A_1047 = tpu.vector_load %arg6[%get3A_1045, %get3A_1046] {strides = array<i32>} : memref<640x64xf32, #tpu.memory_space<vmem>>, vector<16xf32>,
      %add3A_1048 = arith.constant 8.000000e+00 : f32
      %add3A_1049 = vector.broadcast %add3A_1048 : f32 to vector<16xf32>
      %add3A_1050 = arith.addf %get3A_1047, %add3A_1049 : vector<16xf32>
      %swap3A_1051 = arith.index_cast %scan3A_1044 : i32 to index
      %swap3A_1052 = arith.constant 0 : index
      %swap3A_1053 = tpu.vector_load %arg6[%swap3A_1051, %swap3A_1052] {strides = array<i32>} : memref<640x64xf32, #tpu.memory_space<vmem>>, vector<16xf32>,
      tpu.vector_store %arg6[%swap3A_1051, %swap3A_1052], %add3A_1050 {strides = array<i32>} : memref<640x64xf32, #tpu.memory_space<vmem>>, vector<16xf32>,
      %get3A_1054 = arith.index_cast %scan3A_1044 : i32 to index
      %get3A_1055 = arith.constant 16 : index
      %get3A_1056 = tpu.vector_load %arg6[%get3A_1054, %get3A_1055] {strides = array<i32>} : memref<640x64xf32, #tpu.memory_space<vmem>>, vector<16xf32>,
      %add3A_1057 = arith.constant 8.000000e+00 : f32
      %add3A_1058 = vector.broadcast %add3A_1057 : f32 to vector<16xf32>
      %add3A_1059 = arith.addf %get3A_1056, %add3A_1058 : vector<16xf32>
      %swap3A_1060 = arith.index_cast %scan3A_1044 : i32 to index
      %swap3A_1061 = arith.constant 16 : index
      %swap3A_1062 = tpu.vector_load %arg6[%swap3A_1060, %swap3A_1061] {strides = array<i32>} : memref<640x64xf32, #tpu.memory_space<vmem>>, vector<16xf32>,
      tpu.vector_store %arg6[%swap3A_1060, %swap3A_1061], %add3A_1059 {strides = array<i32>} : memref<640x64xf32, #tpu.memory_space<vmem>>, vector<16xf32>,
      %get3A_1063 = arith.index_cast %scan3A_1044 : i32 to index
      %get3A_1064 = arith.constant 32 : index
      %get3A_1065 = tpu.vector_load %arg6[%get3A_1063, %get3A_1064] {strides = array<i32>} : memref<640x64xf32, #tpu.memory_space<vmem>>, vector<16xf32>,
      %add3A_1066 = arith.constant 8.000000e+00 : f32
      %add3A_1067 = vector.broadcast %add3A_1066 : f32 to vector<16xf32>
      %add3A_1068 = arith.addf %get3A_1065, %add3A_1067 : vector<16xf32>
      %swap3A_1069 = arith.index_cast %scan3A_1044 : i32 to index
      %swap3A_1070 = arith.constant 32 : index
      %swap3A_1071 = tpu.vector_load %arg6[%swap3A_1069, %swap3A_1070] {strides = array<i32>} : memref<640x64xf32, #tpu.memory_space<vmem>>, vector<16xf32>,
      tpu.vector_store %arg6[%swap3A_1069, %swap3A_1070], %add3A_1068 {strides = array<i32>} : memref<640x64xf32, #tpu.memory_space<vmem>>, vector<16xf32>,
      %get3A_1072 = arith.index_cast %scan3A_1044 : i32 to index
      %get3A_1073 = arith.constant 48 : index
      %get3A_1074 = tpu.vector_load %arg6[%get3A_1072, %get3A_1073] {strides = array<i32>} : memref<640x64xf32, #tpu.memory_space<vmem>>, vector<16xf32>,
      %add3A_1075 = arith.constant 8.000000e+00 : f32
      %add3A_1076 = vector.broadcast %add3A_1075 : f32 to vector<16xf32>
      %add3A_1077 = arith.addf %get3A_1074, %add3A_1076 : vector<16xf32>
      %swap3A_1078 = arith.index_cast %scan3A_1044 : i32 to index
      %swap3A_1079 = arith.constant 48 : index
      %swap3A_1080 = tpu.vector_load %arg6[%swap3A_1078, %swap3A_1079] {strides = array<i32>} : memref<640x64xf32, #tpu.memory_space<vmem>>, vector<16xf32>,
      tpu.vector_store %arg6[%swap3A_1078, %swap3A_1079], %add3A_1077 {strides = array<i32>} : memref<640x64xf32, #tpu.memory_space<vmem>>, vector<16xf32>,
      %scan3A_1081 = arith.constant 3 : i32
      %scan3A_1082 = arith.addi %scan3A_970, %scan3A_1081 : i32
      %get3A_1083 = arith.index_cast %scan3A_1082 : i32 to index
      %get3A_1084 = arith.constant 0 : index
      %get3A_1085 = tpu.vector_load %arg6[%get3A_1083, %get3A_1084] {strides = array<i32>} : memref<640x64xf32, #tpu.memory_space<vmem>>, vector<16xf32>,
      %add3A_1086 = arith.constant 8.000000e+00 : f32
      %add3A_1087 = vector.broadcast %add3A_1086 : f32 to vector<16xf32>
      %add3A_1088 = arith.addf %get3A_1085, %add3A_1087 : vector<16xf32>
      %swap3A_1089 = arith.index_cast %scan3A_1082 : i32 to index
      %swap3A_1090 = arith.constant 0 : index
      %swap3A_1091 = tpu.vector_load %arg6[%swap3A_1089, %swap3A_1090] {strides = array<i32>} : memref<640x64xf32, #tpu.memory_space<vmem>>, vector<16xf32>,
      tpu.vector_store %arg6[%swap3A_1089, %swap3A_1090], %add3A_1088 {strides = array<i32>} : memref<640x64xf32, #tpu.memory_space<vmem>>, vector<16xf32>,
      %get3A_1092 = arith.index_cast %scan3A_1082 : i32 to index
      %get3A_1093 = arith.constant 16 : index
      %get3A_1094 = tpu.vector_load %arg6[%get3A_1092, %get3A_1093] {strides = array<i32>} : memref<640x64xf32, #tpu.memory_space<vmem>>, vector<16xf32>,
      %add3A_1095 = arith.constant 8.000000e+00 : f32
      %add3A_1096 = vector.broadcast %add3A_1095 : f32 to vector<16xf32>
      %add3A_1097 = arith.addf %get3A_1094, %add3A_1096 : vector<16xf32>
      %swap3A_1098 = arith.index_cast %scan3A_1082 : i32 to index
      %swap3A_1099 = arith.constant 16 : index
      %swap3A_1100 = tpu.vector_load %arg6[%swap3A_1098, %swap3A_1099] {strides = array<i32>} : memref<640x64xf32, #tpu.memory_space<vmem>>, vector<16xf32>,
      tpu.vector_store %arg6[%swap3A_1098, %swap3A_1099], %add3A_1097 {strides = array<i32>} : memref<640x64xf32, #tpu.memory_space<vmem>>, vector<16xf32>,
      %get3A_1101 = arith.index_cast %scan3A_1082 : i32 to index
      %get3A_1102 = arith.constant 32 : index
      %get3A_1103 = tpu.vector_load %arg6[%get3A_1101, %get3A_1102] {strides = array<i32>} : memref<640x64xf32, #tpu.memory_space<vmem>>, vector<16xf32>,
      %add3A_1104 = arith.constant 8.000000e+00 : f32
      %add3A_1105 = vector.broadcast %add3A_1104 : f32 to vector<16xf32>
      %add3A_1106 = arith.addf %get3A_1103, %add3A_1105 : vector<16xf32>
      %swap3A_1107 = arith.index_cast %scan3A_1082 : i32 to index
      %swap3A_1108 = arith.constant 32 : index
      %swap3A_1109 = tpu.vector_load %arg6[%swap3A_1107, %swap3A_1108] {strides = array<i32>} : memref<640x64xf32, #tpu.memory_space<vmem>>, vector<16xf32>,
      tpu.vector_store %arg6[%swap3A_1107, %swap3A_1108], %add3A_1106 {strides = array<i32>} : memref<640x64xf32, #tpu.memory_space<vmem>>, vector<16xf32>,
      %get3A_1110 = arith.index_cast %scan3A_1082 : i32 to index
      %get3A_1111 = arith.constant 48 : index
      %get3A_1112 = tpu.vector_load %arg6[%get3A_1110, %get3A_1111] {strides = array<i32>} : memref<640x64xf32, #tpu.memory_space<vmem>>, vector<16xf32>,
      %add3A_1113 = arith.constant 8.000000e+00 : f32
      %add3A_1114 = vector.broadcast %add3A_1113 : f32 to vector<16xf32>
      %add3A_1115 = arith.addf %get3A_1112, %add3A_1114 : vector<16xf32>
      %swap3A_1116 = arith.index_cast %scan3A_1082 : i32 to index
      %swap3A_1117 = arith.constant 48 : index
      %swap3A_1118 = tpu.vector_load %arg6[%swap3A_1116, %swap3A_1117] {strides = array<i32>} : memref<640x64xf32, #tpu.memory_space<vmem>>, vector<16xf32>,
      tpu.vector_store %arg6[%swap3A_1116, %swap3A_1117], %add3A_1115 {strides = array<i32>} : memref<640x64xf32, #tpu.memory_space<vmem>>, vector<16xf32>,
    }
    %scan3A_707 = arith.constant 640 : i32
    %add3A_708 = arith.constant 3840 : i32
    %add3A_709 = arith.addi %multiple_of3A, %add3A_708 : i32
    %multiple_of3A_710 = tpu.assume_multiple %add3A_709, 640 : i32
    %dma_start3A_711 = arith.constant 0 : i32
    %dma_start3A_712 = tpu.memref_slice %arg4[%multiple_of3A_710, %dma_start3A_711] : memref<204800x64xf32, #tpu.memory_space<hbm>> -> memref<640x64xf32, #tpu.memory_space<hbm>>
    %dma_start3A_713 = arith.constant 0 : i32
    %dma_start3A_714 = tpu.memref_slice %arg4[%multiple_of3A_710, %dma_start3A_713] : memref<204800x64xf32, #tpu.memory_space<hbm>> -> memref<640x64xf32, #tpu.memory_space<hbm>>
    tpu.enqueue_dma source(%arg6 : memref<640x64xf32, #tpu.memory_space<vmem>>) target(%dma_start3A_714 : memref<640x64xf32, #tpu.memory_space<hbm>>) target_semaphore(%arg10 : memref<!tpu.dma_semaphore, #tpu.memory_space<semaphore_mem>>)
    %dma_wait3A_715 = arith.constant 0 : i32
    %dma_wait3A_716 = tpu.memref_slice %arg4[%multiple_of3A_710, %dma_wait3A_715] : memref<204800x64xf32, #tpu.memory_space<hbm>> -> memref<640x64xf32, #tpu.memory_space<hbm>>
    %dma_wait3A_717 = arith.constant 0 : i32
    %dma_wait3A_718 = tpu.memref_slice %arg4[%multiple_of3A_710, %dma_wait3A_717] : memref<204800x64xf32, #tpu.memory_space<hbm>> -> memref<640x64xf32, #tpu.memory_space<hbm>>
    tpu.wait_dma2 semaphore(%arg10 : memref<!tpu.dma_semaphore, #tpu.memory_space<semaphore_mem>>) src(%arg6 : memref<640x64xf32, #tpu.memory_space<vmem>>) dst(%dma_wait3A_718 : memref<640x64xf32, #tpu.memory_space<hbm>>)
    %dma_start3A_719 = arith.constant 0 : i32
    %dma_start3A_720 = arith.constant 0 : i32
    %dma_start3A_721 = tpu.memref_slice %arg6[%dma_start3A_719, %dma_start3A_720] : memref<640x64xf32, #tpu.memory_space<vmem>> -> memref<128x64xf32, #tpu.memory_space<vmem>>
    %dma_start3A_722 = arith.constant 5120 : i32
    %dma_start3A_723 = tpu.memref_slice %arg5[%dma_start3A_722] : memref<6400xi32, #tpu.memory_space<vmem>> -> memref<128xi32, #tpu.memory_space<vmem>>
    %dma_start3A_724 = arith.constant 0 : i32
    %dma_start3A_725 = arith.constant 0 : i32
    %dma_start3A_726 = tpu.memref_slice %arg3[%dma_start3A_724, %dma_start3A_725] : memref<1000000x64xf32, #tpu.memory_space<hbm>> -> memref<1000000x64xf32, #tpu.memory_space<hbm>>
    tpu.enqueue_indirect_dma source(%dma_start3A_726 : memref<1000000x64xf32, #tpu.memory_space<hbm>>) target(%dma_start3A_721 : memref<128x64xf32, #tpu.memory_space<vmem>>) offsets(%dma_start3A_723 : memref<128xi32, #tpu.memory_space<vmem>>) semaphore(%arg8 : memref<!tpu.dma_semaphore, #tpu.memory_space<semaphore_mem>>)
    %dma_start3A_727 = arith.constant 128 : i32
    %dma_start3A_728 = arith.constant 0 : i32
    %dma_start3A_729 = tpu.memref_slice %arg6[%dma_start3A_727, %dma_start3A_728] : memref<640x64xf32, #tpu.memory_space<vmem>> -> memref<128x64xf32, #tpu.memory_space<vmem>>
    %dma_start3A_730 = arith.constant 5248 : i32
    %dma_start3A_731 = tpu.memref_slice %arg5[%dma_start3A_730] : memref<6400xi32, #tpu.memory_space<vmem>> -> memref<128xi32, #tpu.memory_space<vmem>>
    %dma_start3A_732 = arith.constant 0 : i32
    %dma_start3A_733 = arith.constant 0 : i32
    %dma_start3A_734 = tpu.memref_slice %arg3[%dma_start3A_732, %dma_start3A_733] : memref<1000000x64xf32, #tpu.memory_space<hbm>> -> memref<1000000x64xf32, #tpu.memory_space<hbm>>
    tpu.enqueue_indirect_dma source(%dma_start3A_734 : memref<1000000x64xf32, #tpu.memory_space<hbm>>) target(%dma_start3A_729 : memref<128x64xf32, #tpu.memory_space<vmem>>) offsets(%dma_start3A_731 : memref<128xi32, #tpu.memory_space<vmem>>) semaphore(%arg8 : memref<!tpu.dma_semaphore, #tpu.memory_space<semaphore_mem>>)
    %dma_start3A_735 = arith.constant 256 : i32
    %dma_start3A_736 = arith.constant 0 : i32
    %dma_start3A_737 = tpu.memref_slice %arg6[%dma_start3A_735, %dma_start3A_736] : memref<640x64xf32, #tpu.memory_space<vmem>> -> memref<128x64xf32, #tpu.memory_space<vmem>>
    %dma_start3A_738 = arith.constant 5376 : i32
    %dma_start3A_739 = tpu.memref_slice %arg5[%dma_start3A_738] : memref<6400xi32, #tpu.memory_space<vmem>> -> memref<128xi32, #tpu.memory_space<vmem>>
    %dma_start3A_740 = arith.constant 0 : i32
    %dma_start3A_741 = arith.constant 0 : i32
    %dma_start3A_742 = tpu.memref_slice %arg3[%dma_start3A_740, %dma_start3A_741] : memref<1000000x64xf32, #tpu.memory_space<hbm>> -> memref<1000000x64xf32, #tpu.memory_space<hbm>>
    tpu.enqueue_indirect_dma source(%dma_start3A_742 : memref<1000000x64xf32, #tpu.memory_space<hbm>>) target(%dma_start3A_737 : memref<128x64xf32, #tpu.memory_space<vmem>>) offsets(%dma_start3A_739 : memref<128xi32, #tpu.memory_space<vmem>>) semaphore(%arg8 : memref<!tpu.dma_semaphore, #tpu.memory_space<semaphore_mem>>)
    %dma_start3A_743 = arith.constant 384 : i32
    %dma_start3A_744 = arith.constant 0 : i32
    %dma_start3A_745 = tpu.memref_slice %arg6[%dma_start3A_743, %dma_start3A_744] : memref<640x64xf32, #tpu.memory_space<vmem>> -> memref<128x64xf32, #tpu.memory_space<vmem>>
    %dma_start3A_746 = arith.constant 5504 : i32
    %dma_start3A_747 = tpu.memref_slice %arg5[%dma_start3A_746] : memref<6400xi32, #tpu.memory_space<vmem>> -> memref<128xi32, #tpu.memory_space<vmem>>
    %dma_start3A_748 = arith.constant 0 : i32
    %dma_start3A_749 = arith.constant 0 : i32
    %dma_start3A_750 = tpu.memref_slice %arg3[%dma_start3A_748, %dma_start3A_749] : memref<1000000x64xf32, #tpu.memory_space<hbm>> -> memref<1000000x64xf32, #tpu.memory_space<hbm>>
    tpu.enqueue_indirect_dma source(%dma_start3A_750 : memref<1000000x64xf32, #tpu.memory_space<hbm>>) target(%dma_start3A_745 : memref<128x64xf32, #tpu.memory_space<vmem>>) offsets(%dma_start3A_747 : memref<128xi32, #tpu.memory_space<vmem>>) semaphore(%arg8 : memref<!tpu.dma_semaphore, #tpu.memory_space<semaphore_mem>>)
    %dma_start3A_751 = arith.constant 512 : i32
    %dma_start3A_752 = arith.constant 0 : i32
    %dma_start3A_753 = tpu.memref_slice %arg6[%dma_start3A_751, %dma_start3A_752] : memref<640x64xf32, #tpu.memory_space<vmem>> -> memref<128x64xf32, #tpu.memory_space<vmem>>
    %dma_start3A_754 = arith.constant 5632 : i32
    %dma_start3A_755 = tpu.memref_slice %arg5[%dma_start3A_754] : memref<6400xi32, #tpu.memory_space<vmem>> -> memref<128xi32, #tpu.memory_space<vmem>>
    %dma_start3A_756 = arith.constant 0 : i32
    %dma_start3A_757 = arith.constant 0 : i32
    %dma_start3A_758 = tpu.memref_slice %arg3[%dma_start3A_756, %dma_start3A_757] : memref<1000000x64xf32, #tpu.memory_space<hbm>> -> memref<1000000x64xf32, #tpu.memory_space<hbm>>
    tpu.enqueue_indirect_dma source(%dma_start3A_758 : memref<1000000x64xf32, #tpu.memory_space<hbm>>) target(%dma_start3A_753 : memref<128x64xf32, #tpu.memory_space<vmem>>) offsets(%dma_start3A_755 : memref<128xi32, #tpu.memory_space<vmem>>) semaphore(%arg8 : memref<!tpu.dma_semaphore, #tpu.memory_space<semaphore_mem>>)
    %dma_wait3A_759 = arith.constant 0 : i32
    %dma_wait3A_760 = arith.constant 0 : i32
    %dma_wait3A_761 = tpu.memref_slice %arg7[%dma_wait3A_759, %dma_wait3A_760] : memref<640x64xf32, #tpu.memory_space<vmem>> -> memref<128x64xf32, #tpu.memory_space<vmem>>
    %dma_wait3A_762 = arith.constant 4480 : i32
    %dma_wait3A_763 = tpu.memref_slice %arg5[%dma_wait3A_762] : memref<6400xi32, #tpu.memory_space<vmem>> -> memref<128xi32, #tpu.memory_space<vmem>>
    %dma_wait3A_764 = arith.constant 0 : i32
    %dma_wait3A_765 = arith.constant 0 : i32
    %dma_wait3A_766 = tpu.memref_slice %arg3[%dma_wait3A_764, %dma_wait3A_765] : memref<1000000x64xf32, #tpu.memory_space<hbm>> -> memref<1000000x64xf32, #tpu.memory_space<hbm>>
    tpu.wait_indirect_dma semaphore(%arg9 : memref<!tpu.dma_semaphore, #tpu.memory_space<semaphore_mem>>) src(%dma_wait3A_766 : memref<1000000x64xf32, #tpu.memory_space<hbm>>) dst(%dma_wait3A_761 : memref<128x64xf32, #tpu.memory_space<vmem>>)
    %dma_wait3A_767 = arith.constant 128 : i32
    %dma_wait3A_768 = arith.constant 0 : i32
    %dma_wait3A_769 = tpu.memref_slice %arg7[%dma_wait3A_767, %dma_wait3A_768] : memref<640x64xf32, #tpu.memory_space<vmem>> -> memref<128x64xf32, #tpu.memory_space<vmem>>
    %dma_wait3A_770 = arith.constant 4608 : i32
    %dma_wait3A_771 = tpu.memref_slice %arg5[%dma_wait3A_770] : memref<6400xi32, #tpu.memory_space<vmem>> -> memref<128xi32, #tpu.memory_space<vmem>>
    %dma_wait3A_772 = arith.constant 0 : i32
    %dma_wait3A_773 = arith.constant 0 : i32
    %dma_wait3A_774 = tpu.memref_slice %arg3[%dma_wait3A_772, %dma_wait3A_773] : memref<1000000x64xf32, #tpu.memory_space<hbm>> -> memref<1000000x64xf32, #tpu.memory_space<hbm>>
    tpu.wait_indirect_dma semaphore(%arg9 : memref<!tpu.dma_semaphore, #tpu.memory_space<semaphore_mem>>) src(%dma_wait3A_774 : memref<1000000x64xf32, #tpu.memory_space<hbm>>) dst(%dma_wait3A_769 : memref<128x64xf32, #tpu.memory_space<vmem>>)
    %dma_wait3A_775 = arith.constant 256 : i32
    %dma_wait3A_776 = arith.constant 0 : i32
    %dma_wait3A_777 = tpu.memref_slice %arg7[%dma_wait3A_775, %dma_wait3A_776] : memref<640x64xf32, #tpu.memory_space<vmem>> -> memref<128x64xf32, #tpu.memory_space<vmem>>
    %dma_wait3A_778 = arith.constant 4736 : i32
    %dma_wait3A_779 = tpu.memref_slice %arg5[%dma_wait3A_778] : memref<6400xi32, #tpu.memory_space<vmem>> -> memref<128xi32, #tpu.memory_space<vmem>>
    %dma_wait3A_780 = arith.constant 0 : i32
    %dma_wait3A_781 = arith.constant 0 : i32
    %dma_wait3A_782 = tpu.memref_slice %arg3[%dma_wait3A_780, %dma_wait3A_781] : memref<1000000x64xf32, #tpu.memory_space<hbm>> -> memref<1000000x64xf32, #tpu.memory_space<hbm>>
    tpu.wait_indirect_dma semaphore(%arg9 : memref<!tpu.dma_semaphore, #tpu.memory_space<semaphore_mem>>) src(%dma_wait3A_782 : memref<1000000x64xf32, #tpu.memory_space<hbm>>) dst(%dma_wait3A_777 : memref<128x64xf32, #tpu.memory_space<vmem>>)
    %dma_wait3A_783 = arith.constant 384 : i32
    %dma_wait3A_784 = arith.constant 0 : i32
    %dma_wait3A_785 = tpu.memref_slice %arg7[%dma_wait3A_783, %dma_wait3A_784] : memref<640x64xf32, #tpu.memory_space<vmem>> -> memref<128x64xf32, #tpu.memory_space<vmem>>
    %dma_wait3A_786 = arith.constant 4864 : i32
    %dma_wait3A_787 = tpu.memref_slice %arg5[%dma_wait3A_786] : memref<6400xi32, #tpu.memory_space<vmem>> -> memref<128xi32, #tpu.memory_space<vmem>>
    %dma_wait3A_788 = arith.constant 0 : i32
    %dma_wait3A_789 = arith.constant 0 : i32
    %dma_wait3A_790 = tpu.memref_slice %arg3[%dma_wait3A_788, %dma_wait3A_789] : memref<1000000x64xf32, #tpu.memory_space<hbm>> -> memref<1000000x64xf32, #tpu.memory_space<hbm>>
    tpu.wait_indirect_dma semaphore(%arg9 : memref<!tpu.dma_semaphore, #tpu.memory_space<semaphore_mem>>) src(%dma_wait3A_790 : memref<1000000x64xf32, #tpu.memory_space<hbm>>) dst(%dma_wait3A_785 : memref<128x64xf32, #tpu.memory_space<vmem>>)
    %dma_wait3A_791 = arith.constant 512 : i32
    %dma_wait3A_792 = arith.constant 0 : i32
    %dma_wait3A_793 = tpu.memref_slice %arg7[%dma_wait3A_791, %dma_wait3A_792] : memref<640x64xf32, #tpu.memory_space<vmem>> -> memref<128x64xf32, #tpu.memory_space<vmem>>
    %dma_wait3A_794 = arith.constant 4992 : i32
    %dma_wait3A_795 = tpu.memref_slice %arg5[%dma_wait3A_794] : memref<6400xi32, #tpu.memory_space<vmem>> -> memref<128xi32, #tpu.memory_space<vmem>>
    %dma_wait3A_796 = arith.constant 0 : i32
    %dma_wait3A_797 = arith.constant 0 : i32
    %dma_wait3A_798 = tpu.memref_slice %arg3[%dma_wait3A_796, %dma_wait3A_797] : memref<1000000x64xf32, #tpu.memory_space<hbm>> -> memref<1000000x64xf32, #tpu.memory_space<hbm>>
    tpu.wait_indirect_dma semaphore(%arg9 : memref<!tpu.dma_semaphore, #tpu.memory_space<semaphore_mem>>) src(%dma_wait3A_798 : memref<1000000x64xf32, #tpu.memory_space<hbm>>) dst(%dma_wait3A_793 : memref<128x64xf32, #tpu.memory_space<vmem>>)
    %scan3A_799 = arith.constant 0 : i32
    %scan3A_800 = arith.constant 0 : i32
    %scan3A_801 = arith.constant 640 : i32
    %scan3A_802 = arith.addi %scan3A_800, %scan3A_801 : i32
    %scan3A_803 = arith.constant 4 : i32
    scf.for %scan3A_970 = %scan3A_800 to %scan3A_802 step %scan3A_803  : i32 {
      %get3A = arith.index_cast %scan3A_970 : i32 to index
      %get3A_971 = arith.constant 0 : index
      %get3A_972 = tpu.vector_load %arg7[%get3A, %get3A_971] {strides = array<i32>} : memref<640x64xf32, #tpu.memory_space<vmem>>, vector<16xf32>,
      %add3A_973 = arith.constant 8.000000e+00 : f32
      %add3A_974 = vector.broadcast %add3A_973 : f32 to vector<16xf32>
      %add3A_975 = arith.addf %get3A_972, %add3A_974 : vector<16xf32>
      %swap3A = arith.index_cast %scan3A_970 : i32 to index
      %swap3A_976 = arith.constant 0 : index
      %swap3A_977 = tpu.vector_load %arg7[%swap3A, %swap3A_976] {strides = array<i32>} : memref<640x64xf32, #tpu.memory_space<vmem>>, vector<16xf32>,
      tpu.vector_store %arg7[%swap3A, %swap3A_976], %add3A_975 {strides = array<i32>} : memref<640x64xf32, #tpu.memory_space<vmem>>, vector<16xf32>,
      %get3A_978 = arith.index_cast %scan3A_970 : i32 to index
      %get3A_979 = arith.constant 16 : index
      %get3A_980 = tpu.vector_load %arg7[%get3A_978, %get3A_979] {strides = array<i32>} : memref<640x64xf32, #tpu.memory_space<vmem>>, vector<16xf32>,
      %add3A_981 = arith.constant 8.000000e+00 : f32
      %add3A_982 = vector.broadcast %add3A_981 : f32 to vector<16xf32>
      %add3A_983 = arith.addf %get3A_980, %add3A_982 : vector<16xf32>
      %swap3A_984 = arith.index_cast %scan3A_970 : i32 to index
      %swap3A_985 = arith.constant 16 : index
      %swap3A_986 = tpu.vector_load %arg7[%swap3A_984, %swap3A_985] {strides = array<i32>} : memref<640x64xf32, #tpu.memory_space<vmem>>, vector<16xf32>,
      tpu.vector_store %arg7[%swap3A_984, %swap3A_985], %add3A_983 {strides = array<i32>} : memref<640x64xf32, #tpu.memory_space<vmem>>, vector<16xf32>,
      %get3A_987 = arith.index_cast %scan3A_970 : i32 to index
      %get3A_988 = arith.constant 32 : index
      %get3A_989 = tpu.vector_load %arg7[%get3A_987, %get3A_988] {strides = array<i32>} : memref<640x64xf32, #tpu.memory_space<vmem>>, vector<16xf32>,
      %add3A_990 = arith.constant 8.000000e+00 : f32
      %add3A_991 = vector.broadcast %add3A_990 : f32 to vector<16xf32>
      %add3A_992 = arith.addf %get3A_989, %add3A_991 : vector<16xf32>
      %swap3A_993 = arith.index_cast %scan3A_970 : i32 to index
      %swap3A_994 = arith.constant 32 : index
      %swap3A_995 = tpu.vector_load %arg7[%swap3A_993, %swap3A_994] {strides = array<i32>} : memref<640x64xf32, #tpu.memory_space<vmem>>, vector<16xf32>,
      tpu.vector_store %arg7[%swap3A_993, %swap3A_994], %add3A_992 {strides = array<i32>} : memref<640x64xf32, #tpu.memory_space<vmem>>, vector<16xf32>,
      %get3A_996 = arith.index_cast %scan3A_970 : i32 to index
      %get3A_997 = arith.constant 48 : index
      %get3A_998 = tpu.vector_load %arg7[%get3A_996, %get3A_997] {strides = array<i32>} : memref<640x64xf32, #tpu.memory_space<vmem>>, vector<16xf32>,
      %add3A_999 = arith.constant 8.000000e+00 : f32
      %add3A_1000 = vector.broadcast %add3A_999 : f32 to vector<16xf32>
      %add3A_1001 = arith.addf %get3A_998, %add3A_1000 : vector<16xf32>
      %swap3A_1002 = arith.index_cast %scan3A_970 : i32 to index
      %swap3A_1003 = arith.constant 48 : index
      %swap3A_1004 = tpu.vector_load %arg7[%swap3A_1002, %swap3A_1003] {strides = array<i32>} : memref<640x64xf32, #tpu.memory_space<vmem>>, vector<16xf32>,
      tpu.vector_store %arg7[%swap3A_1002, %swap3A_1003], %add3A_1001 {strides = array<i32>} : memref<640x64xf32, #tpu.memory_space<vmem>>, vector<16xf32>,
      %scan3A_1005 = arith.constant 1 : i32
      %scan3A_1006 = arith.addi %scan3A_970, %scan3A_1005 : i32
      %get3A_1007 = arith.index_cast %scan3A_1006 : i32 to index
      %get3A_1008 = arith.constant 0 : index
      %get3A_1009 = tpu.vector_load %arg7[%get3A_1007, %get3A_1008] {strides = array<i32>} : memref<640x64xf32, #tpu.memory_space<vmem>>, vector<16xf32>,
      %add3A_1010 = arith.constant 8.000000e+00 : f32
      %add3A_1011 = vector.broadcast %add3A_1010 : f32 to vector<16xf32>
      %add3A_1012 = arith.addf %get3A_1009, %add3A_1011 : vector<16xf32>
      %swap3A_1013 = arith.index_cast %scan3A_1006 : i32 to index
      %swap3A_1014 = arith.constant 0 : index
      %swap3A_1015 = tpu.vector_load %arg7[%swap3A_1013, %swap3A_1014] {strides = array<i32>} : memref<640x64xf32, #tpu.memory_space<vmem>>, vector<16xf32>,
      tpu.vector_store %arg7[%swap3A_1013, %swap3A_1014], %add3A_1012 {strides = array<i32>} : memref<640x64xf32, #tpu.memory_space<vmem>>, vector<16xf32>,
      %get3A_1016 = arith.index_cast %scan3A_1006 : i32 to index
      %get3A_1017 = arith.constant 16 : index
      %get3A_1018 = tpu.vector_load %arg7[%get3A_1016, %get3A_1017] {strides = array<i32>} : memref<640x64xf32, #tpu.memory_space<vmem>>, vector<16xf32>,
      %add3A_1019 = arith.constant 8.000000e+00 : f32
      %add3A_1020 = vector.broadcast %add3A_1019 : f32 to vector<16xf32>
      %add3A_1021 = arith.addf %get3A_1018, %add3A_1020 : vector<16xf32>
      %swap3A_1022 = arith.index_cast %scan3A_1006 : i32 to index
      %swap3A_1023 = arith.constant 16 : index
      %swap3A_1024 = tpu.vector_load %arg7[%swap3A_1022, %swap3A_1023] {strides = array<i32>} : memref<640x64xf32, #tpu.memory_space<vmem>>, vector<16xf32>,
      tpu.vector_store %arg7[%swap3A_1022, %swap3A_1023], %add3A_1021 {strides = array<i32>} : memref<640x64xf32, #tpu.memory_space<vmem>>, vector<16xf32>,
      %get3A_1025 = arith.index_cast %scan3A_1006 : i32 to index
      %get3A_1026 = arith.constant 32 : index
      %get3A_1027 = tpu.vector_load %arg7[%get3A_1025, %get3A_1026] {strides = array<i32>} : memref<640x64xf32, #tpu.memory_space<vmem>>, vector<16xf32>,
      %add3A_1028 = arith.constant 8.000000e+00 : f32
      %add3A_1029 = vector.broadcast %add3A_1028 : f32 to vector<16xf32>
      %add3A_1030 = arith.addf %get3A_1027, %add3A_1029 : vector<16xf32>
      %swap3A_1031 = arith.index_cast %scan3A_1006 : i32 to index
      %swap3A_1032 = arith.constant 32 : index
      %swap3A_1033 = tpu.vector_load %arg7[%swap3A_1031, %swap3A_1032] {strides = array<i32>} : memref<640x64xf32, #tpu.memory_space<vmem>>, vector<16xf32>,
      tpu.vector_store %arg7[%swap3A_1031, %swap3A_1032], %add3A_1030 {strides = array<i32>} : memref<640x64xf32, #tpu.memory_space<vmem>>, vector<16xf32>,
      %get3A_1034 = arith.index_cast %scan3A_1006 : i32 to index
      %get3A_1035 = arith.constant 48 : index
      %get3A_1036 = tpu.vector_load %arg7[%get3A_1034, %get3A_1035] {strides = array<i32>} : memref<640x64xf32, #tpu.memory_space<vmem>>, vector<16xf32>,
      %add3A_1037 = arith.constant 8.000000e+00 : f32
      %add3A_1038 = vector.broadcast %add3A_1037 : f32 to vector<16xf32>
      %add3A_1039 = arith.addf %get3A_1036, %add3A_1038 : vector<16xf32>
      %swap3A_1040 = arith.index_cast %scan3A_1006 : i32 to index
      %swap3A_1041 = arith.constant 48 : index
      %swap3A_1042 = tpu.vector_load %arg7[%swap3A_1040, %swap3A_1041] {strides = array<i32>} : memref<640x64xf32, #tpu.memory_space<vmem>>, vector<16xf32>,
      tpu.vector_store %arg7[%swap3A_1040, %swap3A_1041], %add3A_1039 {strides = array<i32>} : memref<640x64xf32, #tpu.memory_space<vmem>>, vector<16xf32>,
      %scan3A_1043 = arith.constant 2 : i32
      %scan3A_1044 = arith.addi %scan3A_970, %scan3A_1043 : i32
      %get3A_1045 = arith.index_cast %scan3A_1044 : i32 to index
      %get3A_1046 = arith.constant 0 : index
      %get3A_1047 = tpu.vector_load %arg7[%get3A_1045, %get3A_1046] {strides = array<i32>} : memref<640x64xf32, #tpu.memory_space<vmem>>, vector<16xf32>,
      %add3A_1048 = arith.constant 8.000000e+00 : f32
      %add3A_1049 = vector.broadcast %add3A_1048 : f32 to vector<16xf32>
      %add3A_1050 = arith.addf %get3A_1047, %add3A_1049 : vector<16xf32>
      %swap3A_1051 = arith.index_cast %scan3A_1044 : i32 to index
      %swap3A_1052 = arith.constant 0 : index
      %swap3A_1053 = tpu.vector_load %arg7[%swap3A_1051, %swap3A_1052] {strides = array<i32>} : memref<640x64xf32, #tpu.memory_space<vmem>>, vector<16xf32>,
      tpu.vector_store %arg7[%swap3A_1051, %swap3A_1052], %add3A_1050 {strides = array<i32>} : memref<640x64xf32, #tpu.memory_space<vmem>>, vector<16xf32>,
      %get3A_1054 = arith.index_cast %scan3A_1044 : i32 to index
      %get3A_1055 = arith.constant 16 : index
      %get3A_1056 = tpu.vector_load %arg7[%get3A_1054, %get3A_1055] {strides = array<i32>} : memref<640x64xf32, #tpu.memory_space<vmem>>, vector<16xf32>,
      %add3A_1057 = arith.constant 8.000000e+00 : f32
      %add3A_1058 = vector.broadcast %add3A_1057 : f32 to vector<16xf32>
      %add3A_1059 = arith.addf %get3A_1056, %add3A_1058 : vector<16xf32>
      %swap3A_1060 = arith.index_cast %scan3A_1044 : i32 to index
      %swap3A_1061 = arith.constant 16 : index
      %swap3A_1062 = tpu.vector_load %arg7[%swap3A_1060, %swap3A_1061] {strides = array<i32>} : memref<640x64xf32, #tpu.memory_space<vmem>>, vector<16xf32>,
      tpu.vector_store %arg7[%swap3A_1060, %swap3A_1061], %add3A_1059 {strides = array<i32>} : memref<640x64xf32, #tpu.memory_space<vmem>>, vector<16xf32>,
      %get3A_1063 = arith.index_cast %scan3A_1044 : i32 to index
      %get3A_1064 = arith.constant 32 : index
      %get3A_1065 = tpu.vector_load %arg7[%get3A_1063, %get3A_1064] {strides = array<i32>} : memref<640x64xf32, #tpu.memory_space<vmem>>, vector<16xf32>,
      %add3A_1066 = arith.constant 8.000000e+00 : f32
      %add3A_1067 = vector.broadcast %add3A_1066 : f32 to vector<16xf32>
      %add3A_1068 = arith.addf %get3A_1065, %add3A_1067 : vector<16xf32>
      %swap3A_1069 = arith.index_cast %scan3A_1044 : i32 to index
      %swap3A_1070 = arith.constant 32 : index
      %swap3A_1071 = tpu.vector_load %arg7[%swap3A_1069, %swap3A_1070] {strides = array<i32>} : memref<640x64xf32, #tpu.memory_space<vmem>>, vector<16xf32>,
      tpu.vector_store %arg7[%swap3A_1069, %swap3A_1070], %add3A_1068 {strides = array<i32>} : memref<640x64xf32, #tpu.memory_space<vmem>>, vector<16xf32>,
      %get3A_1072 = arith.index_cast %scan3A_1044 : i32 to index
      %get3A_1073 = arith.constant 48 : index
      %get3A_1074 = tpu.vector_load %arg7[%get3A_1072, %get3A_1073] {strides = array<i32>} : memref<640x64xf32, #tpu.memory_space<vmem>>, vector<16xf32>,
      %add3A_1075 = arith.constant 8.000000e+00 : f32
      %add3A_1076 = vector.broadcast %add3A_1075 : f32 to vector<16xf32>
      %add3A_1077 = arith.addf %get3A_1074, %add3A_1076 : vector<16xf32>
      %swap3A_1078 = arith.index_cast %scan3A_1044 : i32 to index
      %swap3A_1079 = arith.constant 48 : index
      %swap3A_1080 = tpu.vector_load %arg7[%swap3A_1078, %swap3A_1079] {strides = array<i32>} : memref<640x64xf32, #tpu.memory_space<vmem>>, vector<16xf32>,
      tpu.vector_store %arg7[%swap3A_1078, %swap3A_1079], %add3A_1077 {strides = array<i32>} : memref<640x64xf32, #tpu.memory_space<vmem>>, vector<16xf32>,
      %scan3A_1081 = arith.constant 3 : i32
      %scan3A_1082 = arith.addi %scan3A_970, %scan3A_1081 : i32
      %get3A_1083 = arith.index_cast %scan3A_1082 : i32 to index
      %get3A_1084 = arith.constant 0 : index
      %get3A_1085 = tpu.vector_load %arg7[%get3A_1083, %get3A_1084] {strides = array<i32>} : memref<640x64xf32, #tpu.memory_space<vmem>>, vector<16xf32>,
      %add3A_1086 = arith.constant 8.000000e+00 : f32
      %add3A_1087 = vector.broadcast %add3A_1086 : f32 to vector<16xf32>
      %add3A_1088 = arith.addf %get3A_1085, %add3A_1087 : vector<16xf32>
      %swap3A_1089 = arith.index_cast %scan3A_1082 : i32 to index
      %swap3A_1090 = arith.constant 0 : index
      %swap3A_1091 = tpu.vector_load %arg7[%swap3A_1089, %swap3A_1090] {strides = array<i32>} : memref<640x64xf32, #tpu.memory_space<vmem>>, vector<16xf32>,
      tpu.vector_store %arg7[%swap3A_1089, %swap3A_1090], %add3A_1088 {strides = array<i32>} : memref<640x64xf32, #tpu.memory_space<vmem>>, vector<16xf32>,
      %get3A_1092 = arith.index_cast %scan3A_1082 : i32 to index
      %get3A_1093 = arith.constant 16 : index
      %get3A_1094 = tpu.vector_load %arg7[%get3A_1092, %get3A_1093] {strides = array<i32>} : memref<640x64xf32, #tpu.memory_space<vmem>>, vector<16xf32>,
      %add3A_1095 = arith.constant 8.000000e+00 : f32
      %add3A_1096 = vector.broadcast %add3A_1095 : f32 to vector<16xf32>
      %add3A_1097 = arith.addf %get3A_1094, %add3A_1096 : vector<16xf32>
      %swap3A_1098 = arith.index_cast %scan3A_1082 : i32 to index
      %swap3A_1099 = arith.constant 16 : index
      %swap3A_1100 = tpu.vector_load %arg7[%swap3A_1098, %swap3A_1099] {strides = array<i32>} : memref<640x64xf32, #tpu.memory_space<vmem>>, vector<16xf32>,
      tpu.vector_store %arg7[%swap3A_1098, %swap3A_1099], %add3A_1097 {strides = array<i32>} : memref<640x64xf32, #tpu.memory_space<vmem>>, vector<16xf32>,
      %get3A_1101 = arith.index_cast %scan3A_1082 : i32 to index
      %get3A_1102 = arith.constant 32 : index
      %get3A_1103 = tpu.vector_load %arg7[%get3A_1101, %get3A_1102] {strides = array<i32>} : memref<640x64xf32, #tpu.memory_space<vmem>>, vector<16xf32>,
      %add3A_1104 = arith.constant 8.000000e+00 : f32
      %add3A_1105 = vector.broadcast %add3A_1104 : f32 to vector<16xf32>
      %add3A_1106 = arith.addf %get3A_1103, %add3A_1105 : vector<16xf32>
      %swap3A_1107 = arith.index_cast %scan3A_1082 : i32 to index
      %swap3A_1108 = arith.constant 32 : index
      %swap3A_1109 = tpu.vector_load %arg7[%swap3A_1107, %swap3A_1108] {strides = array<i32>} : memref<640x64xf32, #tpu.memory_space<vmem>>, vector<16xf32>,
      tpu.vector_store %arg7[%swap3A_1107, %swap3A_1108], %add3A_1106 {strides = array<i32>} : memref<640x64xf32, #tpu.memory_space<vmem>>, vector<16xf32>,
      %get3A_1110 = arith.index_cast %scan3A_1082 : i32 to index
      %get3A_1111 = arith.constant 48 : index
      %get3A_1112 = tpu.vector_load %arg7[%get3A_1110, %get3A_1111] {strides = array<i32>} : memref<640x64xf32, #tpu.memory_space<vmem>>, vector<16xf32>,
      %add3A_1113 = arith.constant 8.000000e+00 : f32
      %add3A_1114 = vector.broadcast %add3A_1113 : f32 to vector<16xf32>
      %add3A_1115 = arith.addf %get3A_1112, %add3A_1114 : vector<16xf32>
      %swap3A_1116 = arith.index_cast %scan3A_1082 : i32 to index
      %swap3A_1117 = arith.constant 48 : index
      %swap3A_1118 = tpu.vector_load %arg7[%swap3A_1116, %swap3A_1117] {strides = array<i32>} : memref<640x64xf32, #tpu.memory_space<vmem>>, vector<16xf32>,
      tpu.vector_store %arg7[%swap3A_1116, %swap3A_1117], %add3A_1115 {strides = array<i32>} : memref<640x64xf32, #tpu.memory_space<vmem>>, vector<16xf32>,
    }
    %scan3A_804 = arith.constant 640 : i32
    %add3A_805 = arith.constant 4480 : i32
    %add3A_806 = arith.addi %multiple_of3A, %add3A_805 : i32
    %multiple_of3A_807 = tpu.assume_multiple %add3A_806, 640 : i32
    %dma_start3A_808 = arith.constant 0 : i32
    %dma_start3A_809 = tpu.memref_slice %arg4[%multiple_of3A_807, %dma_start3A_808] : memref<204800x64xf32, #tpu.memory_space<hbm>> -> memref<640x64xf32, #tpu.memory_space<hbm>>
    %dma_start3A_810 = arith.constant 0 : i32
    %dma_start3A_811 = tpu.memref_slice %arg4[%multiple_of3A_807, %dma_start3A_810] : memref<204800x64xf32, #tpu.memory_space<hbm>> -> memref<640x64xf32, #tpu.memory_space<hbm>>
    tpu.enqueue_dma source(%arg7 : memref<640x64xf32, #tpu.memory_space<vmem>>) target(%dma_start3A_811 : memref<640x64xf32, #tpu.memory_space<hbm>>) target_semaphore(%arg11 : memref<!tpu.dma_semaphore, #tpu.memory_space<semaphore_mem>>)
    %dma_wait3A_812 = arith.constant 0 : i32
    %dma_wait3A_813 = tpu.memref_slice %arg4[%multiple_of3A_807, %dma_wait3A_812] : memref<204800x64xf32, #tpu.memory_space<hbm>> -> memref<640x64xf32, #tpu.memory_space<hbm>>
    %dma_wait3A_814 = arith.constant 0 : i32
    %dma_wait3A_815 = tpu.memref_slice %arg4[%multiple_of3A_807, %dma_wait3A_814] : memref<204800x64xf32, #tpu.memory_space<hbm>> -> memref<640x64xf32, #tpu.memory_space<hbm>>
    tpu.wait_dma2 semaphore(%arg11 : memref<!tpu.dma_semaphore, #tpu.memory_space<semaphore_mem>>) src(%arg7 : memref<640x64xf32, #tpu.memory_space<vmem>>) dst(%dma_wait3A_815 : memref<640x64xf32, #tpu.memory_space<hbm>>)
    %dma_start3A_816 = arith.constant 0 : i32
    %dma_start3A_817 = arith.constant 0 : i32
    %dma_start3A_818 = tpu.memref_slice %arg7[%dma_start3A_816, %dma_start3A_817] : memref<640x64xf32, #tpu.memory_space<vmem>> -> memref<128x64xf32, #tpu.memory_space<vmem>>
    %dma_start3A_819 = arith.constant 5760 : i32
    %dma_start3A_820 = tpu.memref_slice %arg5[%dma_start3A_819] : memref<6400xi32, #tpu.memory_space<vmem>> -> memref<128xi32, #tpu.memory_space<vmem>>
    %dma_start3A_821 = arith.constant 0 : i32
    %dma_start3A_822 = arith.constant 0 : i32
    %dma_start3A_823 = tpu.memref_slice %arg3[%dma_start3A_821, %dma_start3A_822] : memref<1000000x64xf32, #tpu.memory_space<hbm>> -> memref<1000000x64xf32, #tpu.memory_space<hbm>>
    tpu.enqueue_indirect_dma source(%dma_start3A_823 : memref<1000000x64xf32, #tpu.memory_space<hbm>>) target(%dma_start3A_818 : memref<128x64xf32, #tpu.memory_space<vmem>>) offsets(%dma_start3A_820 : memref<128xi32, #tpu.memory_space<vmem>>) semaphore(%arg9 : memref<!tpu.dma_semaphore, #tpu.memory_space<semaphore_mem>>)
    %dma_start3A_824 = arith.constant 128 : i32
    %dma_start3A_825 = arith.constant 0 : i32
    %dma_start3A_826 = tpu.memref_slice %arg7[%dma_start3A_824, %dma_start3A_825] : memref<640x64xf32, #tpu.memory_space<vmem>> -> memref<128x64xf32, #tpu.memory_space<vmem>>
    %dma_start3A_827 = arith.constant 5888 : i32
    %dma_start3A_828 = tpu.memref_slice %arg5[%dma_start3A_827] : memref<6400xi32, #tpu.memory_space<vmem>> -> memref<128xi32, #tpu.memory_space<vmem>>
    %dma_start3A_829 = arith.constant 0 : i32
    %dma_start3A_830 = arith.constant 0 : i32
    %dma_start3A_831 = tpu.memref_slice %arg3[%dma_start3A_829, %dma_start3A_830] : memref<1000000x64xf32, #tpu.memory_space<hbm>> -> memref<1000000x64xf32, #tpu.memory_space<hbm>>
    tpu.enqueue_indirect_dma source(%dma_start3A_831 : memref<1000000x64xf32, #tpu.memory_space<hbm>>) target(%dma_start3A_826 : memref<128x64xf32, #tpu.memory_space<vmem>>) offsets(%dma_start3A_828 : memref<128xi32, #tpu.memory_space<vmem>>) semaphore(%arg9 : memref<!tpu.dma_semaphore, #tpu.memory_space<semaphore_mem>>)
    %dma_start3A_832 = arith.constant 256 : i32
    %dma_start3A_833 = arith.constant 0 : i32
    %dma_start3A_834 = tpu.memref_slice %arg7[%dma_start3A_832, %dma_start3A_833] : memref<640x64xf32, #tpu.memory_space<vmem>> -> memref<128x64xf32, #tpu.memory_space<vmem>>
    %dma_start3A_835 = arith.constant 6016 : i32
    %dma_start3A_836 = tpu.memref_slice %arg5[%dma_start3A_835] : memref<6400xi32, #tpu.memory_space<vmem>> -> memref<128xi32, #tpu.memory_space<vmem>>
    %dma_start3A_837 = arith.constant 0 : i32
    %dma_start3A_838 = arith.constant 0 : i32
    %dma_start3A_839 = tpu.memref_slice %arg3[%dma_start3A_837, %dma_start3A_838] : memref<1000000x64xf32, #tpu.memory_space<hbm>> -> memref<1000000x64xf32, #tpu.memory_space<hbm>>
    tpu.enqueue_indirect_dma source(%dma_start3A_839 : memref<1000000x64xf32, #tpu.memory_space<hbm>>) target(%dma_start3A_834 : memref<128x64xf32, #tpu.memory_space<vmem>>) offsets(%dma_start3A_836 : memref<128xi32, #tpu.memory_space<vmem>>) semaphore(%arg9 : memref<!tpu.dma_semaphore, #tpu.memory_space<semaphore_mem>>)
    %dma_start3A_840 = arith.constant 384 : i32
    %dma_start3A_841 = arith.constant 0 : i32
    %dma_start3A_842 = tpu.memref_slice %arg7[%dma_start3A_840, %dma_start3A_841] : memref<640x64xf32, #tpu.memory_space<vmem>> -> memref<128x64xf32, #tpu.memory_space<vmem>>
    %dma_start3A_843 = arith.constant 6144 : i32
    %dma_start3A_844 = tpu.memref_slice %arg5[%dma_start3A_843] : memref<6400xi32, #tpu.memory_space<vmem>> -> memref<128xi32, #tpu.memory_space<vmem>>
    %dma_start3A_845 = arith.constant 0 : i32
    %dma_start3A_846 = arith.constant 0 : i32
    %dma_start3A_847 = tpu.memref_slice %arg3[%dma_start3A_845, %dma_start3A_846] : memref<1000000x64xf32, #tpu.memory_space<hbm>> -> memref<1000000x64xf32, #tpu.memory_space<hbm>>
    tpu.enqueue_indirect_dma source(%dma_start3A_847 : memref<1000000x64xf32, #tpu.memory_space<hbm>>) target(%dma_start3A_842 : memref<128x64xf32, #tpu.memory_space<vmem>>) offsets(%dma_start3A_844 : memref<128xi32, #tpu.memory_space<vmem>>) semaphore(%arg9 : memref<!tpu.dma_semaphore, #tpu.memory_space<semaphore_mem>>)
    %dma_start3A_848 = arith.constant 512 : i32
    %dma_start3A_849 = arith.constant 0 : i32
    %dma_start3A_850 = tpu.memref_slice %arg7[%dma_start3A_848, %dma_start3A_849] : memref<640x64xf32, #tpu.memory_space<vmem>> -> memref<128x64xf32, #tpu.memory_space<vmem>>
    %dma_start3A_851 = arith.constant 6272 : i32
    %dma_start3A_852 = tpu.memref_slice %arg5[%dma_start3A_851] : memref<6400xi32, #tpu.memory_space<vmem>> -> memref<128xi32, #tpu.memory_space<vmem>>
    %dma_start3A_853 = arith.constant 0 : i32
    %dma_start3A_854 = arith.constant 0 : i32
    %dma_start3A_855 = tpu.memref_slice %arg3[%dma_start3A_853, %dma_start3A_854] : memref<1000000x64xf32, #tpu.memory_space<hbm>> -> memref<1000000x64xf32, #tpu.memory_space<hbm>>
    tpu.enqueue_indirect_dma source(%dma_start3A_855 : memref<1000000x64xf32, #tpu.memory_space<hbm>>) target(%dma_start3A_850 : memref<128x64xf32, #tpu.memory_space<vmem>>) offsets(%dma_start3A_852 : memref<128xi32, #tpu.memory_space<vmem>>) semaphore(%arg9 : memref<!tpu.dma_semaphore, #tpu.memory_space<semaphore_mem>>)
    %dma_wait3A_856 = arith.constant 0 : i32
    %dma_wait3A_857 = arith.constant 0 : i32
    %dma_wait3A_858 = tpu.memref_slice %arg6[%dma_wait3A_856, %dma_wait3A_857] : memref<640x64xf32, #tpu.memory_space<vmem>> -> memref<128x64xf32, #tpu.memory_space<vmem>>
    %dma_wait3A_859 = arith.constant 5120 : i32
    %dma_wait3A_860 = tpu.memref_slice %arg5[%dma_wait3A_859] : memref<6400xi32, #tpu.memory_space<vmem>> -> memref<128xi32, #tpu.memory_space<vmem>>
    %dma_wait3A_861 = arith.constant 0 : i32
    %dma_wait3A_862 = arith.constant 0 : i32
    %dma_wait3A_863 = tpu.memref_slice %arg3[%dma_wait3A_861, %dma_wait3A_862] : memref<1000000x64xf32, #tpu.memory_space<hbm>> -> memref<1000000x64xf32, #tpu.memory_space<hbm>>
    tpu.wait_indirect_dma semaphore(%arg8 : memref<!tpu.dma_semaphore, #tpu.memory_space<semaphore_mem>>) src(%dma_wait3A_863 : memref<1000000x64xf32, #tpu.memory_space<hbm>>) dst(%dma_wait3A_858 : memref<128x64xf32, #tpu.memory_space<vmem>>)
    %dma_wait3A_864 = arith.constant 128 : i32
    %dma_wait3A_865 = arith.constant 0 : i32
    %dma_wait3A_866 = tpu.memref_slice %arg6[%dma_wait3A_864, %dma_wait3A_865] : memref<640x64xf32, #tpu.memory_space<vmem>> -> memref<128x64xf32, #tpu.memory_space<vmem>>
    %dma_wait3A_867 = arith.constant 5248 : i32
    %dma_wait3A_868 = tpu.memref_slice %arg5[%dma_wait3A_867] : memref<6400xi32, #tpu.memory_space<vmem>> -> memref<128xi32, #tpu.memory_space<vmem>>
    %dma_wait3A_869 = arith.constant 0 : i32
    %dma_wait3A_870 = arith.constant 0 : i32
    %dma_wait3A_871 = tpu.memref_slice %arg3[%dma_wait3A_869, %dma_wait3A_870] : memref<1000000x64xf32, #tpu.memory_space<hbm>> -> memref<1000000x64xf32, #tpu.memory_space<hbm>>
    tpu.wait_indirect_dma semaphore(%arg8 : memref<!tpu.dma_semaphore, #tpu.memory_space<semaphore_mem>>) src(%dma_wait3A_871 : memref<1000000x64xf32, #tpu.memory_space<hbm>>) dst(%dma_wait3A_866 : memref<128x64xf32, #tpu.memory_space<vmem>>)
    %dma_wait3A_872 = arith.constant 256 : i32
    %dma_wait3A_873 = arith.constant 0 : i32
    %dma_wait3A_874 = tpu.memref_slice %arg6[%dma_wait3A_872, %dma_wait3A_873] : memref<640x64xf32, #tpu.memory_space<vmem>> -> memref<128x64xf32, #tpu.memory_space<vmem>>
    %dma_wait3A_875 = arith.constant 5376 : i32
    %dma_wait3A_876 = tpu.memref_slice %arg5[%dma_wait3A_875] : memref<6400xi32, #tpu.memory_space<vmem>> -> memref<128xi32, #tpu.memory_space<vmem>>
    %dma_wait3A_877 = arith.constant 0 : i32
    %dma_wait3A_878 = arith.constant 0 : i32
    %dma_wait3A_879 = tpu.memref_slice %arg3[%dma_wait3A_877, %dma_wait3A_878] : memref<1000000x64xf32, #tpu.memory_space<hbm>> -> memref<1000000x64xf32, #tpu.memory_space<hbm>>
    tpu.wait_indirect_dma semaphore(%arg8 : memref<!tpu.dma_semaphore, #tpu.memory_space<semaphore_mem>>) src(%dma_wait3A_879 : memref<1000000x64xf32, #tpu.memory_space<hbm>>) dst(%dma_wait3A_874 : memref<128x64xf32, #tpu.memory_space<vmem>>)
    %dma_wait3A_880 = arith.constant 384 : i32
    %dma_wait3A_881 = arith.constant 0 : i32
    %dma_wait3A_882 = tpu.memref_slice %arg6[%dma_wait3A_880, %dma_wait3A_881] : memref<640x64xf32, #tpu.memory_space<vmem>> -> memref<128x64xf32, #tpu.memory_space<vmem>>
    %dma_wait3A_883 = arith.constant 5504 : i32
    %dma_wait3A_884 = tpu.memref_slice %arg5[%dma_wait3A_883] : memref<6400xi32, #tpu.memory_space<vmem>> -> memref<128xi32, #tpu.memory_space<vmem>>
    %dma_wait3A_885 = arith.constant 0 : i32
    %dma_wait3A_886 = arith.constant 0 : i32
    %dma_wait3A_887 = tpu.memref_slice %arg3[%dma_wait3A_885, %dma_wait3A_886] : memref<1000000x64xf32, #tpu.memory_space<hbm>> -> memref<1000000x64xf32, #tpu.memory_space<hbm>>
    tpu.wait_indirect_dma semaphore(%arg8 : memref<!tpu.dma_semaphore, #tpu.memory_space<semaphore_mem>>) src(%dma_wait3A_887 : memref<1000000x64xf32, #tpu.memory_space<hbm>>) dst(%dma_wait3A_882 : memref<128x64xf32, #tpu.memory_space<vmem>>)
    %dma_wait3A_888 = arith.constant 512 : i32
    %dma_wait3A_889 = arith.constant 0 : i32
    %dma_wait3A_890 = tpu.memref_slice %arg6[%dma_wait3A_888, %dma_wait3A_889] : memref<640x64xf32, #tpu.memory_space<vmem>> -> memref<128x64xf32, #tpu.memory_space<vmem>>
    %dma_wait3A_891 = arith.constant 5632 : i32
    %dma_wait3A_892 = tpu.memref_slice %arg5[%dma_wait3A_891] : memref<6400xi32, #tpu.memory_space<vmem>> -> memref<128xi32, #tpu.memory_space<vmem>>
    %dma_wait3A_893 = arith.constant 0 : i32
    %dma_wait3A_894 = arith.constant 0 : i32
    %dma_wait3A_895 = tpu.memref_slice %arg3[%dma_wait3A_893, %dma_wait3A_894] : memref<1000000x64xf32, #tpu.memory_space<hbm>> -> memref<1000000x64xf32, #tpu.memory_space<hbm>>
    tpu.wait_indirect_dma semaphore(%arg8 : memref<!tpu.dma_semaphore, #tpu.memory_space<semaphore_mem>>) src(%dma_wait3A_895 : memref<1000000x64xf32, #tpu.memory_space<hbm>>) dst(%dma_wait3A_890 : memref<128x64xf32, #tpu.memory_space<vmem>>)
    %scan3A_896 = arith.constant 0 : i32
    %scan3A_897 = arith.constant 0 : i32
    %scan3A_898 = arith.constant 640 : i32
    %scan3A_899 = arith.addi %scan3A_897, %scan3A_898 : i32
    %scan3A_900 = arith.constant 4 : i32
    scf.for %scan3A_970 = %scan3A_897 to %scan3A_899 step %scan3A_900  : i32 {
      %get3A = arith.index_cast %scan3A_970 : i32 to index
      %get3A_971 = arith.constant 0 : index
      %get3A_972 = tpu.vector_load %arg6[%get3A, %get3A_971] {strides = array<i32>} : memref<640x64xf32, #tpu.memory_space<vmem>>, vector<16xf32>,
      %add3A_973 = arith.constant 8.000000e+00 : f32
      %add3A_974 = vector.broadcast %add3A_973 : f32 to vector<16xf32>
      %add3A_975 = arith.addf %get3A_972, %add3A_974 : vector<16xf32>
      %swap3A = arith.index_cast %scan3A_970 : i32 to index
      %swap3A_976 = arith.constant 0 : index
      %swap3A_977 = tpu.vector_load %arg6[%swap3A, %swap3A_976] {strides = array<i32>} : memref<640x64xf32, #tpu.memory_space<vmem>>, vector<16xf32>,
      tpu.vector_store %arg6[%swap3A, %swap3A_976], %add3A_975 {strides = array<i32>} : memref<640x64xf32, #tpu.memory_space<vmem>>, vector<16xf32>,
      %get3A_978 = arith.index_cast %scan3A_970 : i32 to index
      %get3A_979 = arith.constant 16 : index
      %get3A_980 = tpu.vector_load %arg6[%get3A_978, %get3A_979] {strides = array<i32>} : memref<640x64xf32, #tpu.memory_space<vmem>>, vector<16xf32>,
      %add3A_981 = arith.constant 8.000000e+00 : f32
      %add3A_982 = vector.broadcast %add3A_981 : f32 to vector<16xf32>
      %add3A_983 = arith.addf %get3A_980, %add3A_982 : vector<16xf32>
      %swap3A_984 = arith.index_cast %scan3A_970 : i32 to index
      %swap3A_985 = arith.constant 16 : index
      %swap3A_986 = tpu.vector_load %arg6[%swap3A_984, %swap3A_985] {strides = array<i32>} : memref<640x64xf32, #tpu.memory_space<vmem>>, vector<16xf32>,
      tpu.vector_store %arg6[%swap3A_984, %swap3A_985], %add3A_983 {strides = array<i32>} : memref<640x64xf32, #tpu.memory_space<vmem>>, vector<16xf32>,
      %get3A_987 = arith.index_cast %scan3A_970 : i32 to index
      %get3A_988 = arith.constant 32 : index
      %get3A_989 = tpu.vector_load %arg6[%get3A_987, %get3A_988] {strides = array<i32>} : memref<640x64xf32, #tpu.memory_space<vmem>>, vector<16xf32>,
      %add3A_990 = arith.constant 8.000000e+00 : f32
      %add3A_991 = vector.broadcast %add3A_990 : f32 to vector<16xf32>
      %add3A_992 = arith.addf %get3A_989, %add3A_991 : vector<16xf32>
      %swap3A_993 = arith.index_cast %scan3A_970 : i32 to index
      %swap3A_994 = arith.constant 32 : index
      %swap3A_995 = tpu.vector_load %arg6[%swap3A_993, %swap3A_994] {strides = array<i32>} : memref<640x64xf32, #tpu.memory_space<vmem>>, vector<16xf32>,
      tpu.vector_store %arg6[%swap3A_993, %swap3A_994], %add3A_992 {strides = array<i32>} : memref<640x64xf32, #tpu.memory_space<vmem>>, vector<16xf32>,
      %get3A_996 = arith.index_cast %scan3A_970 : i32 to index
      %get3A_997 = arith.constant 48 : index
      %get3A_998 = tpu.vector_load %arg6[%get3A_996, %get3A_997] {strides = array<i32>} : memref<640x64xf32, #tpu.memory_space<vmem>>, vector<16xf32>,
      %add3A_999 = arith.constant 8.000000e+00 : f32
      %add3A_1000 = vector.broadcast %add3A_999 : f32 to vector<16xf32>
      %add3A_1001 = arith.addf %get3A_998, %add3A_1000 : vector<16xf32>
      %swap3A_1002 = arith.index_cast %scan3A_970 : i32 to index
      %swap3A_1003 = arith.constant 48 : index
      %swap3A_1004 = tpu.vector_load %arg6[%swap3A_1002, %swap3A_1003] {strides = array<i32>} : memref<640x64xf32, #tpu.memory_space<vmem>>, vector<16xf32>,
      tpu.vector_store %arg6[%swap3A_1002, %swap3A_1003], %add3A_1001 {strides = array<i32>} : memref<640x64xf32, #tpu.memory_space<vmem>>, vector<16xf32>,
      %scan3A_1005 = arith.constant 1 : i32
      %scan3A_1006 = arith.addi %scan3A_970, %scan3A_1005 : i32
      %get3A_1007 = arith.index_cast %scan3A_1006 : i32 to index
      %get3A_1008 = arith.constant 0 : index
      %get3A_1009 = tpu.vector_load %arg6[%get3A_1007, %get3A_1008] {strides = array<i32>} : memref<640x64xf32, #tpu.memory_space<vmem>>, vector<16xf32>,
      %add3A_1010 = arith.constant 8.000000e+00 : f32
      %add3A_1011 = vector.broadcast %add3A_1010 : f32 to vector<16xf32>
      %add3A_1012 = arith.addf %get3A_1009, %add3A_1011 : vector<16xf32>
      %swap3A_1013 = arith.index_cast %scan3A_1006 : i32 to index
      %swap3A_1014 = arith.constant 0 : index
      %swap3A_1015 = tpu.vector_load %arg6[%swap3A_1013, %swap3A_1014] {strides = array<i32>} : memref<640x64xf32, #tpu.memory_space<vmem>>, vector<16xf32>,
      tpu.vector_store %arg6[%swap3A_1013, %swap3A_1014], %add3A_1012 {strides = array<i32>} : memref<640x64xf32, #tpu.memory_space<vmem>>, vector<16xf32>,
      %get3A_1016 = arith.index_cast %scan3A_1006 : i32 to index
      %get3A_1017 = arith.constant 16 : index
      %get3A_1018 = tpu.vector_load %arg6[%get3A_1016, %get3A_1017] {strides = array<i32>} : memref<640x64xf32, #tpu.memory_space<vmem>>, vector<16xf32>,
      %add3A_1019 = arith.constant 8.000000e+00 : f32
      %add3A_1020 = vector.broadcast %add3A_1019 : f32 to vector<16xf32>
      %add3A_1021 = arith.addf %get3A_1018, %add3A_1020 : vector<16xf32>
      %swap3A_1022 = arith.index_cast %scan3A_1006 : i32 to index
      %swap3A_1023 = arith.constant 16 : index
      %swap3A_1024 = tpu.vector_load %arg6[%swap3A_1022, %swap3A_1023] {strides = array<i32>} : memref<640x64xf32, #tpu.memory_space<vmem>>, vector<16xf32>,
      tpu.vector_store %arg6[%swap3A_1022, %swap3A_1023], %add3A_1021 {strides = array<i32>} : memref<640x64xf32, #tpu.memory_space<vmem>>, vector<16xf32>,
      %get3A_1025 = arith.index_cast %scan3A_1006 : i32 to index
      %get3A_1026 = arith.constant 32 : index
      %get3A_1027 = tpu.vector_load %arg6[%get3A_1025, %get3A_1026] {strides = array<i32>} : memref<640x64xf32, #tpu.memory_space<vmem>>, vector<16xf32>,
      %add3A_1028 = arith.constant 8.000000e+00 : f32
      %add3A_1029 = vector.broadcast %add3A_1028 : f32 to vector<16xf32>
      %add3A_1030 = arith.addf %get3A_1027, %add3A_1029 : vector<16xf32>
      %swap3A_1031 = arith.index_cast %scan3A_1006 : i32 to index
      %swap3A_1032 = arith.constant 32 : index
      %swap3A_1033 = tpu.vector_load %arg6[%swap3A_1031, %swap3A_1032] {strides = array<i32>} : memref<640x64xf32, #tpu.memory_space<vmem>>, vector<16xf32>,
      tpu.vector_store %arg6[%swap3A_1031, %swap3A_1032], %add3A_1030 {strides = array<i32>} : memref<640x64xf32, #tpu.memory_space<vmem>>, vector<16xf32>,
      %get3A_1034 = arith.index_cast %scan3A_1006 : i32 to index
      %get3A_1035 = arith.constant 48 : index
      %get3A_1036 = tpu.vector_load %arg6[%get3A_1034, %get3A_1035] {strides = array<i32>} : memref<640x64xf32, #tpu.memory_space<vmem>>, vector<16xf32>,
      %add3A_1037 = arith.constant 8.000000e+00 : f32
      %add3A_1038 = vector.broadcast %add3A_1037 : f32 to vector<16xf32>
      %add3A_1039 = arith.addf %get3A_1036, %add3A_1038 : vector<16xf32>
      %swap3A_1040 = arith.index_cast %scan3A_1006 : i32 to index
      %swap3A_1041 = arith.constant 48 : index
      %swap3A_1042 = tpu.vector_load %arg6[%swap3A_1040, %swap3A_1041] {strides = array<i32>} : memref<640x64xf32, #tpu.memory_space<vmem>>, vector<16xf32>,
      tpu.vector_store %arg6[%swap3A_1040, %swap3A_1041], %add3A_1039 {strides = array<i32>} : memref<640x64xf32, #tpu.memory_space<vmem>>, vector<16xf32>,
      %scan3A_1043 = arith.constant 2 : i32
      %scan3A_1044 = arith.addi %scan3A_970, %scan3A_1043 : i32
      %get3A_1045 = arith.index_cast %scan3A_1044 : i32 to index
      %get3A_1046 = arith.constant 0 : index
      %get3A_1047 = tpu.vector_load %arg6[%get3A_1045, %get3A_1046] {strides = array<i32>} : memref<640x64xf32, #tpu.memory_space<vmem>>, vector<16xf32>,
      %add3A_1048 = arith.constant 8.000000e+00 : f32
      %add3A_1049 = vector.broadcast %add3A_1048 : f32 to vector<16xf32>
      %add3A_1050 = arith.addf %get3A_1047, %add3A_1049 : vector<16xf32>
      %swap3A_1051 = arith.index_cast %scan3A_1044 : i32 to index
      %swap3A_1052 = arith.constant 0 : index
      %swap3A_1053 = tpu.vector_load %arg6[%swap3A_1051, %swap3A_1052] {strides = array<i32>} : memref<640x64xf32, #tpu.memory_space<vmem>>, vector<16xf32>,
      tpu.vector_store %arg6[%swap3A_1051, %swap3A_1052], %add3A_1050 {strides = array<i32>} : memref<640x64xf32, #tpu.memory_space<vmem>>, vector<16xf32>,
      %get3A_1054 = arith.index_cast %scan3A_1044 : i32 to index
      %get3A_1055 = arith.constant 16 : index
      %get3A_1056 = tpu.vector_load %arg6[%get3A_1054, %get3A_1055] {strides = array<i32>} : memref<640x64xf32, #tpu.memory_space<vmem>>, vector<16xf32>,
      %add3A_1057 = arith.constant 8.000000e+00 : f32
      %add3A_1058 = vector.broadcast %add3A_1057 : f32 to vector<16xf32>
      %add3A_1059 = arith.addf %get3A_1056, %add3A_1058 : vector<16xf32>
      %swap3A_1060 = arith.index_cast %scan3A_1044 : i32 to index
      %swap3A_1061 = arith.constant 16 : index
      %swap3A_1062 = tpu.vector_load %arg6[%swap3A_1060, %swap3A_1061] {strides = array<i32>} : memref<640x64xf32, #tpu.memory_space<vmem>>, vector<16xf32>,
      tpu.vector_store %arg6[%swap3A_1060, %swap3A_1061], %add3A_1059 {strides = array<i32>} : memref<640x64xf32, #tpu.memory_space<vmem>>, vector<16xf32>,
      %get3A_1063 = arith.index_cast %scan3A_1044 : i32 to index
      %get3A_1064 = arith.constant 32 : index
      %get3A_1065 = tpu.vector_load %arg6[%get3A_1063, %get3A_1064] {strides = array<i32>} : memref<640x64xf32, #tpu.memory_space<vmem>>, vector<16xf32>,
      %add3A_1066 = arith.constant 8.000000e+00 : f32
      %add3A_1067 = vector.broadcast %add3A_1066 : f32 to vector<16xf32>
      %add3A_1068 = arith.addf %get3A_1065, %add3A_1067 : vector<16xf32>
      %swap3A_1069 = arith.index_cast %scan3A_1044 : i32 to index
      %swap3A_1070 = arith.constant 32 : index
      %swap3A_1071 = tpu.vector_load %arg6[%swap3A_1069, %swap3A_1070] {strides = array<i32>} : memref<640x64xf32, #tpu.memory_space<vmem>>, vector<16xf32>,
      tpu.vector_store %arg6[%swap3A_1069, %swap3A_1070], %add3A_1068 {strides = array<i32>} : memref<640x64xf32, #tpu.memory_space<vmem>>, vector<16xf32>,
      %get3A_1072 = arith.index_cast %scan3A_1044 : i32 to index
      %get3A_1073 = arith.constant 48 : index
      %get3A_1074 = tpu.vector_load %arg6[%get3A_1072, %get3A_1073] {strides = array<i32>} : memref<640x64xf32, #tpu.memory_space<vmem>>, vector<16xf32>,
      %add3A_1075 = arith.constant 8.000000e+00 : f32
      %add3A_1076 = vector.broadcast %add3A_1075 : f32 to vector<16xf32>
      %add3A_1077 = arith.addf %get3A_1074, %add3A_1076 : vector<16xf32>
      %swap3A_1078 = arith.index_cast %scan3A_1044 : i32 to index
      %swap3A_1079 = arith.constant 48 : index
      %swap3A_1080 = tpu.vector_load %arg6[%swap3A_1078, %swap3A_1079] {strides = array<i32>} : memref<640x64xf32, #tpu.memory_space<vmem>>, vector<16xf32>,
      tpu.vector_store %arg6[%swap3A_1078, %swap3A_1079], %add3A_1077 {strides = array<i32>} : memref<640x64xf32, #tpu.memory_space<vmem>>, vector<16xf32>,
      %scan3A_1081 = arith.constant 3 : i32
      %scan3A_1082 = arith.addi %scan3A_970, %scan3A_1081 : i32
      %get3A_1083 = arith.index_cast %scan3A_1082 : i32 to index
      %get3A_1084 = arith.constant 0 : index
      %get3A_1085 = tpu.vector_load %arg6[%get3A_1083, %get3A_1084] {strides = array<i32>} : memref<640x64xf32, #tpu.memory_space<vmem>>, vector<16xf32>,
      %add3A_1086 = arith.constant 8.000000e+00 : f32
      %add3A_1087 = vector.broadcast %add3A_1086 : f32 to vector<16xf32>
      %add3A_1088 = arith.addf %get3A_1085, %add3A_1087 : vector<16xf32>
      %swap3A_1089 = arith.index_cast %scan3A_1082 : i32 to index
      %swap3A_1090 = arith.constant 0 : index
      %swap3A_1091 = tpu.vector_load %arg6[%swap3A_1089, %swap3A_1090] {strides = array<i32>} : memref<640x64xf32, #tpu.memory_space<vmem>>, vector<16xf32>,
      tpu.vector_store %arg6[%swap3A_1089, %swap3A_1090], %add3A_1088 {strides = array<i32>} : memref<640x64xf32, #tpu.memory_space<vmem>>, vector<16xf32>,
      %get3A_1092 = arith.index_cast %scan3A_1082 : i32 to index
      %get3A_1093 = arith.constant 16 : index
      %get3A_1094 = tpu.vector_load %arg6[%get3A_1092, %get3A_1093] {strides = array<i32>} : memref<640x64xf32, #tpu.memory_space<vmem>>, vector<16xf32>,
      %add3A_1095 = arith.constant 8.000000e+00 : f32
      %add3A_1096 = vector.broadcast %add3A_1095 : f32 to vector<16xf32>
      %add3A_1097 = arith.addf %get3A_1094, %add3A_1096 : vector<16xf32>
      %swap3A_1098 = arith.index_cast %scan3A_1082 : i32 to index
      %swap3A_1099 = arith.constant 16 : index
      %swap3A_1100 = tpu.vector_load %arg6[%swap3A_1098, %swap3A_1099] {strides = array<i32>} : memref<640x64xf32, #tpu.memory_space<vmem>>, vector<16xf32>,
      tpu.vector_store %arg6[%swap3A_1098, %swap3A_1099], %add3A_1097 {strides = array<i32>} : memref<640x64xf32, #tpu.memory_space<vmem>>, vector<16xf32>,
      %get3A_1101 = arith.index_cast %scan3A_1082 : i32 to index
      %get3A_1102 = arith.constant 32 : index
      %get3A_1103 = tpu.vector_load %arg6[%get3A_1101, %get3A_1102] {strides = array<i32>} : memref<640x64xf32, #tpu.memory_space<vmem>>, vector<16xf32>,
      %add3A_1104 = arith.constant 8.000000e+00 : f32
      %add3A_1105 = vector.broadcast %add3A_1104 : f32 to vector<16xf32>
      %add3A_1106 = arith.addf %get3A_1103, %add3A_1105 : vector<16xf32>
      %swap3A_1107 = arith.index_cast %scan3A_1082 : i32 to index
      %swap3A_1108 = arith.constant 32 : index
      %swap3A_1109 = tpu.vector_load %arg6[%swap3A_1107, %swap3A_1108] {strides = array<i32>} : memref<640x64xf32, #tpu.memory_space<vmem>>, vector<16xf32>,
      tpu.vector_store %arg6[%swap3A_1107, %swap3A_1108], %add3A_1106 {strides = array<i32>} : memref<640x64xf32, #tpu.memory_space<vmem>>, vector<16xf32>,
      %get3A_1110 = arith.index_cast %scan3A_1082 : i32 to index
      %get3A_1111 = arith.constant 48 : index
      %get3A_1112 = tpu.vector_load %arg6[%get3A_1110, %get3A_1111] {strides = array<i32>} : memref<640x64xf32, #tpu.memory_space<vmem>>, vector<16xf32>,
      %add3A_1113 = arith.constant 8.000000e+00 : f32
      %add3A_1114 = vector.broadcast %add3A_1113 : f32 to vector<16xf32>
      %add3A_1115 = arith.addf %get3A_1112, %add3A_1114 : vector<16xf32>
      %swap3A_1116 = arith.index_cast %scan3A_1082 : i32 to index
      %swap3A_1117 = arith.constant 48 : index
      %swap3A_1118 = tpu.vector_load %arg6[%swap3A_1116, %swap3A_1117] {strides = array<i32>} : memref<640x64xf32, #tpu.memory_space<vmem>>, vector<16xf32>,
      tpu.vector_store %arg6[%swap3A_1116, %swap3A_1117], %add3A_1115 {strides = array<i32>} : memref<640x64xf32, #tpu.memory_space<vmem>>, vector<16xf32>,
    }
    %scan3A_901 = arith.constant 640 : i32
    %add3A_902 = arith.constant 5120 : i32
    %add3A_903 = arith.addi %multiple_of3A, %add3A_902 : i32
    %multiple_of3A_904 = tpu.assume_multiple %add3A_903, 640 : i32
    %dma_start3A_905 = arith.constant 0 : i32
    %dma_start3A_906 = tpu.memref_slice %arg4[%multiple_of3A_904, %dma_start3A_905] : memref<204800x64xf32, #tpu.memory_space<hbm>> -> memref<640x64xf32, #tpu.memory_space<hbm>>
    %dma_start3A_907 = arith.constant 0 : i32
    %dma_start3A_908 = tpu.memref_slice %arg4[%multiple_of3A_904, %dma_start3A_907] : memref<204800x64xf32, #tpu.memory_space<hbm>> -> memref<640x64xf32, #tpu.memory_space<hbm>>
    tpu.enqueue_dma source(%arg6 : memref<640x64xf32, #tpu.memory_space<vmem>>) target(%dma_start3A_908 : memref<640x64xf32, #tpu.memory_space<hbm>>) target_semaphore(%arg10 : memref<!tpu.dma_semaphore, #tpu.memory_space<semaphore_mem>>)
    %dma_wait3A_909 = arith.constant 0 : i32
    %dma_wait3A_910 = arith.constant 0 : i32
    %dma_wait3A_911 = tpu.memref_slice %arg7[%dma_wait3A_909, %dma_wait3A_910] : memref<640x64xf32, #tpu.memory_space<vmem>> -> memref<128x64xf32, #tpu.memory_space<vmem>>
    %dma_wait3A_912 = arith.constant 5760 : i32
    %dma_wait3A_913 = tpu.memref_slice %arg5[%dma_wait3A_912] : memref<6400xi32, #tpu.memory_space<vmem>> -> memref<128xi32, #tpu.memory_space<vmem>>
    %dma_wait3A_914 = arith.constant 0 : i32
    %dma_wait3A_915 = arith.constant 0 : i32
    %dma_wait3A_916 = tpu.memref_slice %arg3[%dma_wait3A_914, %dma_wait3A_915] : memref<1000000x64xf32, #tpu.memory_space<hbm>> -> memref<1000000x64xf32, #tpu.memory_space<hbm>>
    tpu.wait_indirect_dma semaphore(%arg9 : memref<!tpu.dma_semaphore, #tpu.memory_space<semaphore_mem>>) src(%dma_wait3A_916 : memref<1000000x64xf32, #tpu.memory_space<hbm>>) dst(%dma_wait3A_911 : memref<128x64xf32, #tpu.memory_space<vmem>>)
    %dma_wait3A_917 = arith.constant 128 : i32
    %dma_wait3A_918 = arith.constant 0 : i32
    %dma_wait3A_919 = tpu.memref_slice %arg7[%dma_wait3A_917, %dma_wait3A_918] : memref<640x64xf32, #tpu.memory_space<vmem>> -> memref<128x64xf32, #tpu.memory_space<vmem>>
    %dma_wait3A_920 = arith.constant 5888 : i32
    %dma_wait3A_921 = tpu.memref_slice %arg5[%dma_wait3A_920] : memref<6400xi32, #tpu.memory_space<vmem>> -> memref<128xi32, #tpu.memory_space<vmem>>
    %dma_wait3A_922 = arith.constant 0 : i32
    %dma_wait3A_923 = arith.constant 0 : i32
    %dma_wait3A_924 = tpu.memref_slice %arg3[%dma_wait3A_922, %dma_wait3A_923] : memref<1000000x64xf32, #tpu.memory_space<hbm>> -> memref<1000000x64xf32, #tpu.memory_space<hbm>>
    tpu.wait_indirect_dma semaphore(%arg9 : memref<!tpu.dma_semaphore, #tpu.memory_space<semaphore_mem>>) src(%dma_wait3A_924 : memref<1000000x64xf32, #tpu.memory_space<hbm>>) dst(%dma_wait3A_919 : memref<128x64xf32, #tpu.memory_space<vmem>>)
    %dma_wait3A_925 = arith.constant 256 : i32
    %dma_wait3A_926 = arith.constant 0 : i32
    %dma_wait3A_927 = tpu.memref_slice %arg7[%dma_wait3A_925, %dma_wait3A_926] : memref<640x64xf32, #tpu.memory_space<vmem>> -> memref<128x64xf32, #tpu.memory_space<vmem>>
    %dma_wait3A_928 = arith.constant 6016 : i32
    %dma_wait3A_929 = tpu.memref_slice %arg5[%dma_wait3A_928] : memref<6400xi32, #tpu.memory_space<vmem>> -> memref<128xi32, #tpu.memory_space<vmem>>
    %dma_wait3A_930 = arith.constant 0 : i32
    %dma_wait3A_931 = arith.constant 0 : i32
    %dma_wait3A_932 = tpu.memref_slice %arg3[%dma_wait3A_930, %dma_wait3A_931] : memref<1000000x64xf32, #tpu.memory_space<hbm>> -> memref<1000000x64xf32, #tpu.memory_space<hbm>>
    tpu.wait_indirect_dma semaphore(%arg9 : memref<!tpu.dma_semaphore, #tpu.memory_space<semaphore_mem>>) src(%dma_wait3A_932 : memref<1000000x64xf32, #tpu.memory_space<hbm>>) dst(%dma_wait3A_927 : memref<128x64xf32, #tpu.memory_space<vmem>>)
    %dma_wait3A_933 = arith.constant 384 : i32
    %dma_wait3A_934 = arith.constant 0 : i32
    %dma_wait3A_935 = tpu.memref_slice %arg7[%dma_wait3A_933, %dma_wait3A_934] : memref<640x64xf32, #tpu.memory_space<vmem>> -> memref<128x64xf32, #tpu.memory_space<vmem>>
    %dma_wait3A_936 = arith.constant 6144 : i32
    %dma_wait3A_937 = tpu.memref_slice %arg5[%dma_wait3A_936] : memref<6400xi32, #tpu.memory_space<vmem>> -> memref<128xi32, #tpu.memory_space<vmem>>
    %dma_wait3A_938 = arith.constant 0 : i32
    %dma_wait3A_939 = arith.constant 0 : i32
    %dma_wait3A_940 = tpu.memref_slice %arg3[%dma_wait3A_938, %dma_wait3A_939] : memref<1000000x64xf32, #tpu.memory_space<hbm>> -> memref<1000000x64xf32, #tpu.memory_space<hbm>>
    tpu.wait_indirect_dma semaphore(%arg9 : memref<!tpu.dma_semaphore, #tpu.memory_space<semaphore_mem>>) src(%dma_wait3A_940 : memref<1000000x64xf32, #tpu.memory_space<hbm>>) dst(%dma_wait3A_935 : memref<128x64xf32, #tpu.memory_space<vmem>>)
    %dma_wait3A_941 = arith.constant 512 : i32
    %dma_wait3A_942 = arith.constant 0 : i32
    %dma_wait3A_943 = tpu.memref_slice %arg7[%dma_wait3A_941, %dma_wait3A_942] : memref<640x64xf32, #tpu.memory_space<vmem>> -> memref<128x64xf32, #tpu.memory_space<vmem>>
    %dma_wait3A_944 = arith.constant 6272 : i32
    %dma_wait3A_945 = tpu.memref_slice %arg5[%dma_wait3A_944] : memref<6400xi32, #tpu.memory_space<vmem>> -> memref<128xi32, #tpu.memory_space<vmem>>
    %dma_wait3A_946 = arith.constant 0 : i32
    %dma_wait3A_947 = arith.constant 0 : i32
    %dma_wait3A_948 = tpu.memref_slice %arg3[%dma_wait3A_946, %dma_wait3A_947] : memref<1000000x64xf32, #tpu.memory_space<hbm>> -> memref<1000000x64xf32, #tpu.memory_space<hbm>>
    tpu.wait_indirect_dma semaphore(%arg9 : memref<!tpu.dma_semaphore, #tpu.memory_space<semaphore_mem>>) src(%dma_wait3A_948 : memref<1000000x64xf32, #tpu.memory_space<hbm>>) dst(%dma_wait3A_943 : memref<128x64xf32, #tpu.memory_space<vmem>>)
    %scan3A_949 = arith.constant 0 : i32
    %scan3A_950 = arith.constant 0 : i32
    %scan3A_951 = arith.constant 640 : i32
    %scan3A_952 = arith.addi %scan3A_950, %scan3A_951 : i32
    %scan3A_953 = arith.constant 4 : i32
    scf.for %scan3A_970 = %scan3A_950 to %scan3A_952 step %scan3A_953  : i32 {
      %get3A = arith.index_cast %scan3A_970 : i32 to index
      %get3A_971 = arith.constant 0 : index
      %get3A_972 = tpu.vector_load %arg7[%get3A, %get3A_971] {strides = array<i32>} : memref<640x64xf32, #tpu.memory_space<vmem>>, vector<16xf32>,
      %add3A_973 = arith.constant 8.000000e+00 : f32
      %add3A_974 = vector.broadcast %add3A_973 : f32 to vector<16xf32>
      %add3A_975 = arith.addf %get3A_972, %add3A_974 : vector<16xf32>
      %swap3A = arith.index_cast %scan3A_970 : i32 to index
      %swap3A_976 = arith.constant 0 : index
      %swap3A_977 = tpu.vector_load %arg7[%swap3A, %swap3A_976] {strides = array<i32>} : memref<640x64xf32, #tpu.memory_space<vmem>>, vector<16xf32>,
      tpu.vector_store %arg7[%swap3A, %swap3A_976], %add3A_975 {strides = array<i32>} : memref<640x64xf32, #tpu.memory_space<vmem>>, vector<16xf32>,
      %get3A_978 = arith.index_cast %scan3A_970 : i32 to index
      %get3A_979 = arith.constant 16 : index
      %get3A_980 = tpu.vector_load %arg7[%get3A_978, %get3A_979] {strides = array<i32>} : memref<640x64xf32, #tpu.memory_space<vmem>>, vector<16xf32>,
      %add3A_981 = arith.constant 8.000000e+00 : f32
      %add3A_982 = vector.broadcast %add3A_981 : f32 to vector<16xf32>
      %add3A_983 = arith.addf %get3A_980, %add3A_982 : vector<16xf32>
      %swap3A_984 = arith.index_cast %scan3A_970 : i32 to index
      %swap3A_985 = arith.constant 16 : index
      %swap3A_986 = tpu.vector_load %arg7[%swap3A_984, %swap3A_985] {strides = array<i32>} : memref<640x64xf32, #tpu.memory_space<vmem>>, vector<16xf32>,
      tpu.vector_store %arg7[%swap3A_984, %swap3A_985], %add3A_983 {strides = array<i32>} : memref<640x64xf32, #tpu.memory_space<vmem>>, vector<16xf32>,
      %get3A_987 = arith.index_cast %scan3A_970 : i32 to index
      %get3A_988 = arith.constant 32 : index
      %get3A_989 = tpu.vector_load %arg7[%get3A_987, %get3A_988] {strides = array<i32>} : memref<640x64xf32, #tpu.memory_space<vmem>>, vector<16xf32>,
      %add3A_990 = arith.constant 8.000000e+00 : f32
      %add3A_991 = vector.broadcast %add3A_990 : f32 to vector<16xf32>
      %add3A_992 = arith.addf %get3A_989, %add3A_991 : vector<16xf32>
      %swap3A_993 = arith.index_cast %scan3A_970 : i32 to index
      %swap3A_994 = arith.constant 32 : index
      %swap3A_995 = tpu.vector_load %arg7[%swap3A_993, %swap3A_994] {strides = array<i32>} : memref<640x64xf32, #tpu.memory_space<vmem>>, vector<16xf32>,
      tpu.vector_store %arg7[%swap3A_993, %swap3A_994], %add3A_992 {strides = array<i32>} : memref<640x64xf32, #tpu.memory_space<vmem>>, vector<16xf32>,
      %get3A_996 = arith.index_cast %scan3A_970 : i32 to index
      %get3A_997 = arith.constant 48 : index
      %get3A_998 = tpu.vector_load %arg7[%get3A_996, %get3A_997] {strides = array<i32>} : memref<640x64xf32, #tpu.memory_space<vmem>>, vector<16xf32>,
      %add3A_999 = arith.constant 8.000000e+00 : f32
      %add3A_1000 = vector.broadcast %add3A_999 : f32 to vector<16xf32>
      %add3A_1001 = arith.addf %get3A_998, %add3A_1000 : vector<16xf32>
      %swap3A_1002 = arith.index_cast %scan3A_970 : i32 to index
      %swap3A_1003 = arith.constant 48 : index
      %swap3A_1004 = tpu.vector_load %arg7[%swap3A_1002, %swap3A_1003] {strides = array<i32>} : memref<640x64xf32, #tpu.memory_space<vmem>>, vector<16xf32>,
      tpu.vector_store %arg7[%swap3A_1002, %swap3A_1003], %add3A_1001 {strides = array<i32>} : memref<640x64xf32, #tpu.memory_space<vmem>>, vector<16xf32>,
      %scan3A_1005 = arith.constant 1 : i32
      %scan3A_1006 = arith.addi %scan3A_970, %scan3A_1005 : i32
      %get3A_1007 = arith.index_cast %scan3A_1006 : i32 to index
      %get3A_1008 = arith.constant 0 : index
      %get3A_1009 = tpu.vector_load %arg7[%get3A_1007, %get3A_1008] {strides = array<i32>} : memref<640x64xf32, #tpu.memory_space<vmem>>, vector<16xf32>,
      %add3A_1010 = arith.constant 8.000000e+00 : f32
      %add3A_1011 = vector.broadcast %add3A_1010 : f32 to vector<16xf32>
      %add3A_1012 = arith.addf %get3A_1009, %add3A_1011 : vector<16xf32>
      %swap3A_1013 = arith.index_cast %scan3A_1006 : i32 to index
      %swap3A_1014 = arith.constant 0 : index
      %swap3A_1015 = tpu.vector_load %arg7[%swap3A_1013, %swap3A_1014] {strides = array<i32>} : memref<640x64xf32, #tpu.memory_space<vmem>>, vector<16xf32>,
      tpu.vector_store %arg7[%swap3A_1013, %swap3A_1014], %add3A_1012 {strides = array<i32>} : memref<640x64xf32, #tpu.memory_space<vmem>>, vector<16xf32>,
      %get3A_1016 = arith.index_cast %scan3A_1006 : i32 to index
      %get3A_1017 = arith.constant 16 : index
      %get3A_1018 = tpu.vector_load %arg7[%get3A_1016, %get3A_1017] {strides = array<i32>} : memref<640x64xf32, #tpu.memory_space<vmem>>, vector<16xf32>,
      %add3A_1019 = arith.constant 8.000000e+00 : f32
      %add3A_1020 = vector.broadcast %add3A_1019 : f32 to vector<16xf32>
      %add3A_1021 = arith.addf %get3A_1018, %add3A_1020 : vector<16xf32>
      %swap3A_1022 = arith.index_cast %scan3A_1006 : i32 to index
      %swap3A_1023 = arith.constant 16 : index
      %swap3A_1024 = tpu.vector_load %arg7[%swap3A_1022, %swap3A_1023] {strides = array<i32>} : memref<640x64xf32, #tpu.memory_space<vmem>>, vector<16xf32>,
      tpu.vector_store %arg7[%swap3A_1022, %swap3A_1023], %add3A_1021 {strides = array<i32>} : memref<640x64xf32, #tpu.memory_space<vmem>>, vector<16xf32>,
      %get3A_1025 = arith.index_cast %scan3A_1006 : i32 to index
      %get3A_1026 = arith.constant 32 : index
      %get3A_1027 = tpu.vector_load %arg7[%get3A_1025, %get3A_1026] {strides = array<i32>} : memref<640x64xf32, #tpu.memory_space<vmem>>, vector<16xf32>,
      %add3A_1028 = arith.constant 8.000000e+00 : f32
      %add3A_1029 = vector.broadcast %add3A_1028 : f32 to vector<16xf32>
      %add3A_1030 = arith.addf %get3A_1027, %add3A_1029 : vector<16xf32>
      %swap3A_1031 = arith.index_cast %scan3A_1006 : i32 to index
      %swap3A_1032 = arith.constant 32 : index
      %swap3A_1033 = tpu.vector_load %arg7[%swap3A_1031, %swap3A_1032] {strides = array<i32>} : memref<640x64xf32, #tpu.memory_space<vmem>>, vector<16xf32>,
      tpu.vector_store %arg7[%swap3A_1031, %swap3A_1032], %add3A_1030 {strides = array<i32>} : memref<640x64xf32, #tpu.memory_space<vmem>>, vector<16xf32>,
      %get3A_1034 = arith.index_cast %scan3A_1006 : i32 to index
      %get3A_1035 = arith.constant 48 : index
      %get3A_1036 = tpu.vector_load %arg7[%get3A_1034, %get3A_1035] {strides = array<i32>} : memref<640x64xf32, #tpu.memory_space<vmem>>, vector<16xf32>,
      %add3A_1037 = arith.constant 8.000000e+00 : f32
      %add3A_1038 = vector.broadcast %add3A_1037 : f32 to vector<16xf32>
      %add3A_1039 = arith.addf %get3A_1036, %add3A_1038 : vector<16xf32>
      %swap3A_1040 = arith.index_cast %scan3A_1006 : i32 to index
      %swap3A_1041 = arith.constant 48 : index
      %swap3A_1042 = tpu.vector_load %arg7[%swap3A_1040, %swap3A_1041] {strides = array<i32>} : memref<640x64xf32, #tpu.memory_space<vmem>>, vector<16xf32>,
      tpu.vector_store %arg7[%swap3A_1040, %swap3A_1041], %add3A_1039 {strides = array<i32>} : memref<640x64xf32, #tpu.memory_space<vmem>>, vector<16xf32>,
      %scan3A_1043 = arith.constant 2 : i32
      %scan3A_1044 = arith.addi %scan3A_970, %scan3A_1043 : i32
      %get3A_1045 = arith.index_cast %scan3A_1044 : i32 to index
      %get3A_1046 = arith.constant 0 : index
      %get3A_1047 = tpu.vector_load %arg7[%get3A_1045, %get3A_1046] {strides = array<i32>} : memref<640x64xf32, #tpu.memory_space<vmem>>, vector<16xf32>,
      %add3A_1048 = arith.constant 8.000000e+00 : f32
      %add3A_1049 = vector.broadcast %add3A_1048 : f32 to vector<16xf32>
      %add3A_1050 = arith.addf %get3A_1047, %add3A_1049 : vector<16xf32>
      %swap3A_1051 = arith.index_cast %scan3A_1044 : i32 to index
      %swap3A_1052 = arith.constant 0 : index
      %swap3A_1053 = tpu.vector_load %arg7[%swap3A_1051, %swap3A_1052] {strides = array<i32>} : memref<640x64xf32, #tpu.memory_space<vmem>>, vector<16xf32>,
      tpu.vector_store %arg7[%swap3A_1051, %swap3A_1052], %add3A_1050 {strides = array<i32>} : memref<640x64xf32, #tpu.memory_space<vmem>>, vector<16xf32>,
      %get3A_1054 = arith.index_cast %scan3A_1044 : i32 to index
      %get3A_1055 = arith.constant 16 : index
      %get3A_1056 = tpu.vector_load %arg7[%get3A_1054, %get3A_1055] {strides = array<i32>} : memref<640x64xf32, #tpu.memory_space<vmem>>, vector<16xf32>,
      %add3A_1057 = arith.constant 8.000000e+00 : f32
      %add3A_1058 = vector.broadcast %add3A_1057 : f32 to vector<16xf32>
      %add3A_1059 = arith.addf %get3A_1056, %add3A_1058 : vector<16xf32>
      %swap3A_1060 = arith.index_cast %scan3A_1044 : i32 to index
      %swap3A_1061 = arith.constant 16 : index
      %swap3A_1062 = tpu.vector_load %arg7[%swap3A_1060, %swap3A_1061] {strides = array<i32>} : memref<640x64xf32, #tpu.memory_space<vmem>>, vector<16xf32>,
      tpu.vector_store %arg7[%swap3A_1060, %swap3A_1061], %add3A_1059 {strides = array<i32>} : memref<640x64xf32, #tpu.memory_space<vmem>>, vector<16xf32>,
      %get3A_1063 = arith.index_cast %scan3A_1044 : i32 to index
      %get3A_1064 = arith.constant 32 : index
      %get3A_1065 = tpu.vector_load %arg7[%get3A_1063, %get3A_1064] {strides = array<i32>} : memref<640x64xf32, #tpu.memory_space<vmem>>, vector<16xf32>,
      %add3A_1066 = arith.constant 8.000000e+00 : f32
      %add3A_1067 = vector.broadcast %add3A_1066 : f32 to vector<16xf32>
      %add3A_1068 = arith.addf %get3A_1065, %add3A_1067 : vector<16xf32>
      %swap3A_1069 = arith.index_cast %scan3A_1044 : i32 to index
      %swap3A_1070 = arith.constant 32 : index
      %swap3A_1071 = tpu.vector_load %arg7[%swap3A_1069, %swap3A_1070] {strides = array<i32>} : memref<640x64xf32, #tpu.memory_space<vmem>>, vector<16xf32>,
      tpu.vector_store %arg7[%swap3A_1069, %swap3A_1070], %add3A_1068 {strides = array<i32>} : memref<640x64xf32, #tpu.memory_space<vmem>>, vector<16xf32>,
      %get3A_1072 = arith.index_cast %scan3A_1044 : i32 to index
      %get3A_1073 = arith.constant 48 : index
      %get3A_1074 = tpu.vector_load %arg7[%get3A_1072, %get3A_1073] {strides = array<i32>} : memref<640x64xf32, #tpu.memory_space<vmem>>, vector<16xf32>,
      %add3A_1075 = arith.constant 8.000000e+00 : f32
      %add3A_1076 = vector.broadcast %add3A_1075 : f32 to vector<16xf32>
      %add3A_1077 = arith.addf %get3A_1074, %add3A_1076 : vector<16xf32>
      %swap3A_1078 = arith.index_cast %scan3A_1044 : i32 to index
      %swap3A_1079 = arith.constant 48 : index
      %swap3A_1080 = tpu.vector_load %arg7[%swap3A_1078, %swap3A_1079] {strides = array<i32>} : memref<640x64xf32, #tpu.memory_space<vmem>>, vector<16xf32>,
      tpu.vector_store %arg7[%swap3A_1078, %swap3A_1079], %add3A_1077 {strides = array<i32>} : memref<640x64xf32, #tpu.memory_space<vmem>>, vector<16xf32>,
      %scan3A_1081 = arith.constant 3 : i32
      %scan3A_1082 = arith.addi %scan3A_970, %scan3A_1081 : i32
      %get3A_1083 = arith.index_cast %scan3A_1082 : i32 to index
      %get3A_1084 = arith.constant 0 : index
      %get3A_1085 = tpu.vector_load %arg7[%get3A_1083, %get3A_1084] {strides = array<i32>} : memref<640x64xf32, #tpu.memory_space<vmem>>, vector<16xf32>,
      %add3A_1086 = arith.constant 8.000000e+00 : f32
      %add3A_1087 = vector.broadcast %add3A_1086 : f32 to vector<16xf32>
      %add3A_1088 = arith.addf %get3A_1085, %add3A_1087 : vector<16xf32>
      %swap3A_1089 = arith.index_cast %scan3A_1082 : i32 to index
      %swap3A_1090 = arith.constant 0 : index
      %swap3A_1091 = tpu.vector_load %arg7[%swap3A_1089, %swap3A_1090] {strides = array<i32>} : memref<640x64xf32, #tpu.memory_space<vmem>>, vector<16xf32>,
      tpu.vector_store %arg7[%swap3A_1089, %swap3A_1090], %add3A_1088 {strides = array<i32>} : memref<640x64xf32, #tpu.memory_space<vmem>>, vector<16xf32>,
      %get3A_1092 = arith.index_cast %scan3A_1082 : i32 to index
      %get3A_1093 = arith.constant 16 : index
      %get3A_1094 = tpu.vector_load %arg7[%get3A_1092, %get3A_1093] {strides = array<i32>} : memref<640x64xf32, #tpu.memory_space<vmem>>, vector<16xf32>,
      %add3A_1095 = arith.constant 8.000000e+00 : f32
      %add3A_1096 = vector.broadcast %add3A_1095 : f32 to vector<16xf32>
      %add3A_1097 = arith.addf %get3A_1094, %add3A_1096 : vector<16xf32>
      %swap3A_1098 = arith.index_cast %scan3A_1082 : i32 to index
      %swap3A_1099 = arith.constant 16 : index
      %swap3A_1100 = tpu.vector_load %arg7[%swap3A_1098, %swap3A_1099] {strides = array<i32>} : memref<640x64xf32, #tpu.memory_space<vmem>>, vector<16xf32>,
      tpu.vector_store %arg7[%swap3A_1098, %swap3A_1099], %add3A_1097 {strides = array<i32>} : memref<640x64xf32, #tpu.memory_space<vmem>>, vector<16xf32>,
      %get3A_1101 = arith.index_cast %scan3A_1082 : i32 to index
      %get3A_1102 = arith.constant 32 : index
      %get3A_1103 = tpu.vector_load %arg7[%get3A_1101, %get3A_1102] {strides = array<i32>} : memref<640x64xf32, #tpu.memory_space<vmem>>, vector<16xf32>,
      %add3A_1104 = arith.constant 8.000000e+00 : f32
      %add3A_1105 = vector.broadcast %add3A_1104 : f32 to vector<16xf32>
      %add3A_1106 = arith.addf %get3A_1103, %add3A_1105 : vector<16xf32>
      %swap3A_1107 = arith.index_cast %scan3A_1082 : i32 to index
      %swap3A_1108 = arith.constant 32 : index
      %swap3A_1109 = tpu.vector_load %arg7[%swap3A_1107, %swap3A_1108] {strides = array<i32>} : memref<640x64xf32, #tpu.memory_space<vmem>>, vector<16xf32>,
      tpu.vector_store %arg7[%swap3A_1107, %swap3A_1108], %add3A_1106 {strides = array<i32>} : memref<640x64xf32, #tpu.memory_space<vmem>>, vector<16xf32>,
      %get3A_1110 = arith.index_cast %scan3A_1082 : i32 to index
      %get3A_1111 = arith.constant 48 : index
      %get3A_1112 = tpu.vector_load %arg7[%get3A_1110, %get3A_1111] {strides = array<i32>} : memref<640x64xf32, #tpu.memory_space<vmem>>, vector<16xf32>,
      %add3A_1113 = arith.constant 8.000000e+00 : f32
      %add3A_1114 = vector.broadcast %add3A_1113 : f32 to vector<16xf32>
      %add3A_1115 = arith.addf %get3A_1112, %add3A_1114 : vector<16xf32>
      %swap3A_1116 = arith.index_cast %scan3A_1082 : i32 to index
      %swap3A_1117 = arith.constant 48 : index
      %swap3A_1118 = tpu.vector_load %arg7[%swap3A_1116, %swap3A_1117] {strides = array<i32>} : memref<640x64xf32, #tpu.memory_space<vmem>>, vector<16xf32>,
      tpu.vector_store %arg7[%swap3A_1116, %swap3A_1117], %add3A_1115 {strides = array<i32>} : memref<640x64xf32, #tpu.memory_space<vmem>>, vector<16xf32>,
    }
    %scan3A_954 = arith.constant 640 : i32
    %add3A_955 = arith.constant 5760 : i32
    %add3A_956 = arith.addi %multiple_of3A, %add3A_955 : i32
    %multiple_of3A_957 = tpu.assume_multiple %add3A_956, 640 : i32
    %dma_start3A_958 = arith.constant 0 : i32
    %dma_start3A_959 = tpu.memref_slice %arg4[%multiple_of3A_957, %dma_start3A_958] : memref<204800x64xf32, #tpu.memory_space<hbm>> -> memref<640x64xf32, #tpu.memory_space<hbm>>
    %dma_start3A_960 = arith.constant 0 : i32
    %dma_start3A_961 = tpu.memref_slice %arg4[%multiple_of3A_957, %dma_start3A_960] : memref<204800x64xf32, #tpu.memory_space<hbm>> -> memref<640x64xf32, #tpu.memory_space<hbm>>
    tpu.enqueue_dma source(%arg7 : memref<640x64xf32, #tpu.memory_space<vmem>>) target(%dma_start3A_961 : memref<640x64xf32, #tpu.memory_space<hbm>>) target_semaphore(%arg11 : memref<!tpu.dma_semaphore, #tpu.memory_space<semaphore_mem>>)
    %dma_wait3A_962 = arith.constant 0 : i32
    %dma_wait3A_963 = tpu.memref_slice %arg4[%multiple_of3A_904, %dma_wait3A_962] : memref<204800x64xf32, #tpu.memory_space<hbm>> -> memref<640x64xf32, #tpu.memory_space<hbm>>
    %dma_wait3A_964 = arith.constant 0 : i32
    %dma_wait3A_965 = tpu.memref_slice %arg4[%multiple_of3A_904, %dma_wait3A_964] : memref<204800x64xf32, #tpu.memory_space<hbm>> -> memref<640x64xf32, #tpu.memory_space<hbm>>
    tpu.wait_dma2 semaphore(%arg10 : memref<!tpu.dma_semaphore, #tpu.memory_space<semaphore_mem>>) src(%arg6 : memref<640x64xf32, #tpu.memory_space<vmem>>) dst(%dma_wait3A_965 : memref<640x64xf32, #tpu.memory_space<hbm>>)
    %dma_wait3A_966 = arith.constant 0 : i32
    %dma_wait3A_967 = tpu.memref_slice %arg4[%multiple_of3A_957, %dma_wait3A_966] : memref<204800x64xf32, #tpu.memory_space<hbm>> -> memref<640x64xf32, #tpu.memory_space<hbm>>
    %dma_wait3A_968 = arith.constant 0 : i32
    %dma_wait3A_969 = tpu.memref_slice %arg4[%multiple_of3A_957, %dma_wait3A_968] : memref<204800x64xf32, #tpu.memory_space<hbm>> -> memref<640x64xf32, #tpu.memory_space<hbm>>
    tpu.wait_dma2 semaphore(%arg11 : memref<!tpu.dma_semaphore, #tpu.memory_space<semaphore_mem>>) src(%arg7 : memref<640x64xf32, #tpu.memory_space<vmem>>) dst(%dma_wait3A_969 : memref<640x64xf32, #tpu.memory_space<hbm>>)
    return
  }
}

</mosaic_0001>

<sc_bundles>
// kernel: _embed.3.cloned.1.call-start
scs
__scs_entry_jumppad:
0x0: {  	(pc) =	sbr.rel $0x88, $3  }
0x1: {  	(tag) =	ssettag $0x0;
	lr =	simm.s32 $0x1  }
0x2: {  	[smem:$0x3F9F] =	sst lr;
	_ =	strace $0xD0000000  }
0x3: {  	_ = 	snop  }
0x4: {  	_ = 	snop  }
0x5: {  	_ = 	snop  }
0x6: {  	_ = 	snop  }
0x7: {  	_ = 	snop  }
__scs_overlays_trampoline_lowered:
0x8: {  	[smem:$0x3FAE] =	sst s0  }
0x9: {  	[smem:$0x3FAF] =	sst s1  }
0xa: {  	[smem:$0x3FB0] =	sst s2  }
0xb: {  	[smem:$0x3FB1] =	sst s3  }
0xc: {  	[smem:$0x3FB2] =	sst s4  }
0xd: {  	[smem:$0x3FB3] =	sst s5  }
0xe: {  	[smem:$0x3FB4] =	sst s6  }
0xf: {  	[smem:$0x3FB5] =	sst s7  }
0x10: {  	[smem:$0x3FB6] =	sst s8  }
0x11: {  	[smem:$0x3FB7] =	sst s9;
	s0 =	simm.s32 @!p0 $0x0  }
0x12: {  	s1 =	sld [smem:$0x3F9D];
	s0 =	simm.s32 @p0 $0x1  }
0x13: {  	[smem:$0x3FB8] =	sst s0;
	s0 =	simm.s32 @!p1 $0x0  }
0x14: {  	s2 =	sld [smem:$0x3F9C];
	s0 =	simm.s32 @p1 $0x1  }
0x15: {  	[smem:$0x3FB9] =	sst s0;
	s0 =	simm.s32 @!p2 $0x0  }
0x16: {  	s3 =	sld [smem:$0x3FDB];
	s0 =	simm.s32 @p2 $0x1  }
0x17: {  	s4 =	simm.s32 $0x1BF5;
	[smem:$0x3FBB] =	sst s0  }
0x18: {  	s0 =	sld [smem:$0x3F9E];
	_ =	swait.ge [sflag:s4], $0x0  }
0x19: {  	s7 =	sld [smem:$0x3F9F]  }
0x1a: {  	s8 =	sadd.s32 $0xFFFFE003, lr  }
0x1b: {  	s9 =	sadd.s32 $0xFFFFFEF7, lr;
	s5 =	simm.s32 $0xFFFFFFFF;
	p2 =	slt.u32 s8, $0xFFFFF086  }
0x1c: {  	p1 =	slt.u32 s9, $0xF7A;
	s5 =	simm.s32 @!p2 $0x0  }
0x1d: {  	s5 =	simm.s32 @p1 $0x1;
	p0 =	seq.s32 s7, s2  }
0x1e: {  	s7 =	smul.u32 @!p0 $0xF7A, s2;
	p2 =	seq.s32 @!p0 s5, $0x0  }
0x1f: {  	s9 =	smul.u32 $0xF7A, s1;
	s8 =	simm.s32 @!p0 $0x1BF5;
	p2 =	por !p2, p0  }
0x20: {  	[sflag:s8] =	ssyncset.s32 @!p0 $0xFFFFF086;
	s6 =	sadd.s32 @!p0 s3, s7;
	s7 =	simm.s32 @!p0 $0x108  }
0x21: {  	s3 =	sadd.s32 s3, s9;
	s6 =	sadd.s32 @!p0 $0x88, s6;
	s7 =	simm.s32 @p2 $0x1082  }
0x22: {  	[simem:s7], [sflag:s8] =	dma.local @!p0 [hbm:s6], $0xF7A  }
0x23: {  	s9 =	sor.u32 $0xD0000000, s2;
	s6 =	simm.s32 $0x108;
	_ =	swait.ge @!p0 [sflag:s8], $0x0  }
0x24: {  	s3 =	sadd.s32 $0x88, s3;
	s6 =	simm.s32 @!p1 $0x1082;
	[sflag:s4] =	ssyncset.s32 $0xFFFFF086  }
0x25: {  	[simem:s6], [sflag:s4] =	dma.local [hbm:s3], $0xF7A  }
0x26: {  	[smem:$0x3F9F] =	sst s1;
	(tag) =	ssettag s2;
	_ =	strace s9  }
0x27: {  	s1 =	sld [smem:$0x3FAF]  }
0x28: {  	s2 =	sld [smem:$0x3FB0]  }
0x29: {  	s4 =	sld [smem:$0x3FB2]  }
0x2a: {  	p0 =	seq.s32 s5, $0x0;
	s5 =	sld [smem:$0x3FB3]  }
0x2b: {  	s6 =	sld [smem:$0x3FB4]  }
0x2c: {  	s7 =	sld [smem:$0x3FB5]  }
0x2d: {  	s3 =	simm.s32 $0x108;
	s8 =	sld [smem:$0x3FB6]  }
0x2e: {  	s3 =	simm.s32 @!p0 $0x1082;
	s9 =	sld [smem:$0x3FB7]  }
0x2f: {  	lr =	sadd.s32 s0, s3;
	s0 =	sld [smem:$0x3FAE]  }
0x30: {  	s3 =	sld [smem:$0x3FB1]  }
0x31: {  	[smem:$0x3FBA] =	sst s10  }
0x32: {  	s10 =	sld [smem:$0x3FB8];
	_ =	sdelay $0x3  }
0x33: {  	p0 =	seq.s32 s10, $0x1;
	s10 =	sld [smem:$0x3FBA];
	_ =	sdelay $0x3  }
0x34: {  	[smem:$0x3FBA] =	sst s10  }
0x35: {  	s10 =	sld [smem:$0x3FB9];
	_ =	sdelay $0x3  }
0x36: {  	p1 =	seq.s32 s10, $0x1;
	s10 =	sld [smem:$0x3FBA];
	_ =	sdelay $0x3  }
0x37: {  	[smem:$0x3FBA] =	sst s10  }
0x38: {  	s10 =	sld [smem:$0x3FBB]  }
0x39: {  	_ = 	snop;
	(pc) =	sbr.ind lr, $3  }
0x3a: {  	_ = 	snop  }
0x3b: {  	_ = 	snop  }
0x3c: {  	p2 =	seq.s32 s10, $0x1;
	s10 =	sld [smem:$0x3FBA]  }
0x3d: {  	_ =	shalt  }
0x3e: {  	_ =	shalt  }
0x3f: {  	_ =	shalt  }
0x40: {  	_ =	shalt  }
0x41: {  	_ =	shalt  }
0x42: {  	_ =	shalt  }
0x43: {  	_ =	shalt  }
0x44: {  	_ =	shalt  }
0x45: {  	_ =	shalt  }
0x46: {  	_ =	shalt  }
0x47: {  	_ =	shalt  }
0x48: {  	_ =	shalt  }
0x49: {  	_ =	shalt  }
0x4a: {  	_ =	shalt  }
0x4b: {  	_ =	shalt  }
0x4c: {  	_ =	shalt  }
0x4d: {  	_ =	shalt  }
0x4e: {  	_ =	shalt  }
0x4f: {  	_ =	shalt  }
0x50: {  	_ =	shalt  }
0x51: {  	_ =	shalt  }
0x52: {  	_ =	shalt  }
0x53: {  	_ =	shalt  }
0x54: {  	_ =	shalt  }
0x55: {  	_ =	shalt  }
0x56: {  	_ =	shalt  }
0x57: {  	_ =	shalt  }
0x58: {  	_ =	shalt  }
0x59: {  	_ =	shalt  }
0x5a: {  	_ =	shalt  }
0x5b: {  	_ =	shalt  }
0x5c: {  	_ =	shalt  }
0x5d: {  	_ =	shalt  }
0x5e: {  	_ =	shalt  }
0x5f: {  	_ =	shalt  }
0x60: {  	_ =	shalt  }
0x61: {  	_ =	shalt  }
0x62: {  	_ =	shalt  }
0x63: {  	_ =	shalt  }
0x64: {  	_ =	shalt  }
0x65: {  	_ =	shalt  }
0x66: {  	_ =	shalt  }
0x67: {  	_ =	shalt  }
0x68: {  	_ =	shalt  }
0x69: {  	_ =	shalt  }
0x6a: {  	_ =	shalt  }
0x6b: {  	_ =	shalt  }
0x6c: {  	_ =	shalt  }
0x6d: {  	_ =	shalt  }
0x6e: {  	_ =	shalt  }
0x6f: {  	_ =	shalt  }
0x70: {  	_ =	shalt  }
0x71: {  	_ =	shalt  }
0x72: {  	_ =	shalt  }
0x73: {  	_ =	shalt  }
0x74: {  	_ =	shalt  }
0x75: {  	_ =	shalt  }
0x76: {  	_ =	shalt  }
0x77: {  	_ =	shalt  }
0x78: {  	_ =	shalt  }
0x79: {  	_ =	shalt  }
0x7a: {  	_ =	shalt  }
0x7b: {  	_ =	shalt  }
0x7c: {  	_ =	shalt  }
0x7d: {  	_ =	shalt  }
0x7e: {  	_ =	shalt  }
0x7f: {  	_ =	shalt  }
0x80: {  	_ =	shalt  }
0x81: {  	_ =	shalt  }
0x82: {  	_ =	shalt  }
0x83: {  	_ =	shalt  }
0x84: {  	_ =	shalt  }
0x85: {  	_ =	shalt  }
0x86: {  	_ =	shalt  }
0x87: {  	_ =	shalt  }
.Lfunc_end0:
.L_simem_size_0:
called_computation.1_lowered:
.L_overlay_start_0:
0x88: {  	s2 =	sld [smem:$0x3FD9]  }
0x89: {  	s3 =	sld [smem:$0x3FFE];
	_ =	sdelay $0x1  }
0x8a: {  	s1 =	srdreg.scid  }
0x8b: {  	s0 =	sand.u32 $0x1, s1  }
0x8c: {  	s17 =	sshll.u32 s0, $0xA;
	s2 =	sadd.s32 s3, s2  }
0x8d: {  	s2 =	sadd.s32 s2, s17  }
0x8e: {  	[smem:$0x3FC6] =	sst s2  }
0x8f: {  	_ = 	snop  }
0x90: {  	s2 =	sld [smem:$0x3FC9]  }
0x91: {  	s18 =	sld [smem:$0x3FD0];
	(tm) =	ssettm $0x1  }
0x92: {  	s4 =	sld [smem:$0x3FFB];
	_ =	sdelay $0x3  }
0x93: {  	_ =	strace s4  }
0x94: {  	s4 =	sld [smem:$0x3FFC];
	_ =	sdelay $0x3  }
0x95: {  	_ =	strace s4  }
0x96: {  	s4 =	sld [smem:$0x3FFD];
	_ =	sdelay $0x3  }
0x97: {  	_ =	strace s4  }
0x98: {  	_ =	strace $0x8FFFFFFF  }
0x99: {  	s19 =	sld [smem:$0x3FDB];
	_ =	sdelay $0x1  }
0x9a: {  	s5 =	simm.s32 $_scs_section_size  }
0x9b: {  	s6 =	simm.s32 $_size__tile_overlayer_lowered;
	s7 =	simm.s32 $_tile_overlayer_lowered  }
0x9c: {  	s22 =	simm.s32 $0x1BFF;
	s21 =	sshll.u32 s7, $0x1;
	s4 =	sadd.s32 s5, s19  }
0x9d: {  	s8 =	simm.s32 $0x0;
	s20 =	sshll.u32 s6, $0x1;
	s6 =	sadd.s32 s21, s4  }
0x9e: {  	[timem:s8], [sflag:s22] =	dma.local [hbm:s6], s20  }
0x9f: {  	_ =	swait.ge [sflag:s22], s20  }
0xa0: {  	s5 =	ssub.s32 $0x0, s20;
	[sflag:s22] =	ssyncset.done $0x0  }
0xa1: {  	[sflag:s22] =	ssyncadd.s32 s5;
	_ =	sdelay $0x1  }
0xa2: {  	s23 =	simm.s32 $0x1B8B  }
0xa3: {  	_ =	swait.ge [sflag:s23], $0x1  }
0xa4: {  	[sflag:s23] =	ssyncset.done $0x0  }
0xa5: {  	s25 =	simm.s32 $0x1B8E;
	s24 =	sld [smem:$0x3FFE];
	[sflag:s23] =	ssyncadd.s32 $0xFFFFFFFF  }
0xa6: {  	s26 =	simm.s32 $execute0_lowered;
	[smem:$0x3FD2] =	sst s25  }
0xa7: {  	s6 =	sshll.u32 s26, $0x1;
	_ =	strace $0x80000046;
	[dreg:$0x1] =	wrdreg $0xFFFFFFFF  }
0xa8: {  	s28 =	simm.s32 $_size_execute0_lowered;
	s4 =	sadd.s32 s4, s6;
	[dreg:$0x0] =	wrdreg $0x0  }
0xa9: {  	s6 =	sshll.u32 s28, $0x1;
	[dreg:$0x2] =	wrdreg s4  }
0xaa: {  	[dreg:$0x3] =	wrdreg s6  }
0xab: {  	[dreg:$0x4] =	wrdreg $0xC0  }
0xac: {  	_ =	task [dreg:s8], $0x5FFFF  }
0xad: {  	[dreg:$0x1] =	wrdreg $0xFFFFFFFF  }
0xae: {  	[dreg:$0x0] =	wrdreg $0x60  }
0xaf: {  	[dreg:$0x2] =	wrdreg s2  }
0xb0: {  	[dreg:$0x3] =	wrdreg s24  }
0xb1: {  	[dreg:$0x4] =	wrdreg s18  }
0xb2: {  	[dreg:$0x5] =	wrdreg $0x9  }
0xb3: {  	_ =	task.clear_ibuf [dreg:s8], $0x6FFFF;
	_ =	strace $0x90000046  }
0xb4: {  	s29 =	simm.s32 $0x9;
	_ =	strace $0x80000048  }
0xb5: {  	_ =	swait.ge [sflag:s29], $0x1  }
0xb6: {  	[sflag:s29] =	ssyncadd.s32 $0xFFFFFFFF  }
0xb7: {  	_ =	strace $0x90000048  }
0xb8: {  	_ =	sfence  }
0xb9: {  	s30 =	sld [smem:$0x0];
	_ =	sdelay $0x2  }
0xba: {  	s31 =	sshll.u32 s1, $0xD;
	s1 =	sshrl.u32 s1, $0x2  }
0xbb: {  	s3 =	sand.u32 $0x4000, s31;
	s1 =	sadd.s32 s1, s30  }
0xbc: {  	s0 =	sor.u32 s3, s0;
	s1 =	sshll.u32 s1, $0x11  }
0xbd: {  	s0 =	sor.u32 s1, s0  }
0xbe: {  	s0 =	sadd.s32 $0x8F2B, s0  }
0xbf: {  	[sflag:s0] =	ssyncadd.remote.s32 $0x1  }
0xc0: {  	_ =	sfence.sel $0xFFFF  }
0xc1: {  	[dreg:$0x0] =	wrdreg $0xFFFFFFFF;
	(pc) =	sbr.abs _section_cstart, $3  }
0xc2: {  	[dreg:$0x1] =	wrdreg $0xFFFFFFFF  }
0xc3: {  	_ =	task.clear_ibuf [dreg:s8], $0x2FFFF;
	_ =	strace $0x9FFFFFFF  }
0xc4: {  	(tm) =	ssettm $0x7FFFFFFF  }
0xc5: {  	_ =	shalt  }
tec
execute0_lowered:
.L_overlay_start_1:
0x0: {  	(tag) =	ssettag $0x1  }
0x1: {  	s0 =	rddreg [dreg:$0x0];
	s1 =	srdreg.scid  }
0x2: {  	s2 =	stileid.u32;
	s3 =	rddreg [dreg:$0x1]  }
0x3: {  	s4 =	rddreg [dreg:$0x2];
	s16 =	simm.s32 $0x5;
	s17 =	simm.s32 $0x80  }
0x4: {  	s18 =	simm.s32 $0x1900;
	s19 =	simm.s32 $0x3900;
	s21 =	simm.s32 $0x5900  }
0x5: {  	s23 =	simm.s32 $0x7900;
	s28 =	simm.s32 $0xB900;
	s30 =	simm.s32 $0xD900  }
0x6: {  	s20 =	simm.s32 $0x11900;
	s24 =	simm.s32 $0x13900;
	s29 =	simm.s32 $0x3  }
0x7: {  	s22 =	simm.s32 $0x2;
	s1 =	sand.u32 $0x1, s1;
	s2 =	sshll.u32 s2, $0x1  }
0x8: {  	s31 =	simm.s32 $0x4;
	s3 =	sadd.s32 $0xF42C00, s3;
	s5 =	sor.u32 s1, s2  }
0x9: {  	s2 =	simm.s32 $0x0;
	s1 =	ssub.s32 $0x2, s1;
	s6 =	smul.u32 $0x320, s5  }
0xa: {  	[smem:$0x7FF] =	sst s2;
	s5 =	smul.u32 $0xC800, s5;
	s7 =	sshrl.u32 s1, $0x1  }
0xb: {  	_ =	strace $0x80000047;
	s1 =	ssub.s32 s1, s7;
	s0 =	sadd.s32 s0, s6  }
0xc: {  	s5 =	sadd.s32 s4, s5;
	s15 =	smax.u32 s1, $0x1;
	s1 =	simm.s32 $0xF900  }
0xd: {  	[dreg:$0x4] =	wrdreg s0;
	s25 =	sadd.s32 $0x1400, s5;
	s26 =	sadd.s32 $0x2800, s5  }
0xe: {  	s8 =	sadd.s32 $0x3C00, s5;
	s9 =	sadd.s32 $0x5000, s5;
	s10 =	sadd.s32 $0x6400, s5  }
0xf: {  	s11 =	sadd.s32 $0x7800, s5;
	s12 =	sadd.s32 $0x8C00, s5;
	s13 =	sadd.s32 $0xA000, s5  }
0x10: {  	s14 =	sadd.s32 $0xB400, s5;
	s0 =	simm.s32 $0x0;
	[dreg:$0x5] =	wrdreg s25  }
0x11: {  	[dreg:$0x6] =	wrdreg s26;
	s25 =	simm.s32 $0x9900;
	s26 =	simm.s32 $0x1  }
.LBB2_1:
0x12: {  	s4 =	rddreg [dreg:$0x4]  }
0x13: {  	[tilespmem:s2], [sflag:$0x5] =	stream.linear.gather [hbm4b:s4+s2], $0x1900, $0x38;
	[tilespmem:$0x15900] =	vst v63  }
0x14: {  	_ =	swait.ge [sflag:s16], $0x1900  }
0x15: {  	[sflag:s16] =	ssyncset.done $0x0  }
0x16: {  	[sflag:s16] =	ssyncadd.s32 $0xFFFFE700  }
0x17: {  	[tilespmem:s18], [sflag:$0x1] =	stream.indirect.gather [hbm4b:s3+s17], $0x40, s2, s17, $0xb8;
	[tilespmem:$0x15900] =	vst v63  }
0x18: {  	_ = 	snop  }
0x19: {  	[tilespmem:s19], [sflag:$0x1] =	stream.indirect.gather [hbm4b:s3+s17], $0x40, s17, s17, $0xb8;
	[tilespmem:$0x15900] =	vst v63  }
0x1a: {  	s6 =	simm.s32 $0x100  }
0x1b: {  	[tilespmem:s21], [sflag:$0x1] =	stream.indirect.gather [hbm4b:s3+s17], $0x40, s6, s17, $0xb8;
	[tilespmem:$0x15900] =	vst v63  }
0x1c: {  	s7 =	simm.s32 $0x180  }
0x1d: {  	[tilespmem:s23], [sflag:$0x1] =	stream.indirect.gather [hbm4b:s3+s17], $0x40, s7, s17, $0xb8;
	[tilespmem:$0x15900] =	vst v63  }
0x1e: {  	s6 =	simm.s32 $0x200  }
0x1f: {  	[tilespmem:s25], [sflag:$0x1] =	stream.indirect.gather [hbm4b:s3+s17], $0x40, s6, s17, $0xb8;
	[tilespmem:$0x15900] =	vst v63  }
0x20: {  	s7 =	simm.s32 $0x280  }
0x21: {  	[tilespmem:s28], [sflag:$0x2] =	stream.indirect.gather [hbm4b:s3+s17], $0x40, s7, s17, $0xb8;
	[tilespmem:$0x15900] =	vst v63  }
0x22: {  	s6 =	simm.s32 $0x300  }
0x23: {  	[tilespmem:s30], [sflag:$0x2] =	stream.indirect.gather [hbm4b:s3+s17], $0x40, s6, s17, $0xb8;
	[tilespmem:$0x15900] =	vst v63  }
0x24: {  	s7 =	simm.s32 $0x380  }
0x25: {  	[tilespmem:s1], [sflag:$0x2] =	stream.indirect.gather [hbm4b:s3+s17], $0x40, s7, s17, $0xb8;
	[tilespmem:$0x15900] =	vst v63  }
0x26: {  	s6 =	simm.s32 $0x400  }
0x27: {  	[tilespmem:s20], [sflag:$0x2] =	stream.indirect.gather [hbm4b:s3+s17], $0x40, s6, s17, $0xb8;
	[tilespmem:$0x15900] =	vst v63  }
0x28: {  	s7 =	simm.s32 $0x480  }
0x29: {  	[tilespmem:s24], [sflag:$0x2] =	stream.indirect.gather [hbm4b:s3+s17], $0x40, s7, s17, $0xb8;
	[tilespmem:$0x15900] =	vst v63  }
0x2a: {  	_ =	swait.ge [sflag:s26], $0x2000  }
0x2b: {  	[sflag:s26] =	ssyncset.done $0x0  }
0x2c: {  	[sflag:s26] =	ssyncadd.s32 $0xFFFFE000  }
0x2d: {  	_ =	swait.ge [sflag:s26], $0x2000  }
0x2e: {  	[sflag:s26] =	ssyncset.done $0x0  }
0x2f: {  	[sflag:s26] =	ssyncadd.s32 $0xFFFFE000  }
0x30: {  	_ =	swait.ge [sflag:s26], $0x2000  }
0x31: {  	[sflag:s26] =	ssyncset.done $0x0  }
0x32: {  	[sflag:s26] =	ssyncadd.s32 $0xFFFFE000  }
0x33: {  	_ =	swait.ge [sflag:s26], $0x2000  }
0x34: {  	[sflag:s26] =	ssyncset.done $0x0  }
0x35: {  	[sflag:s26] =	ssyncadd.s32 $0xFFFFE000  }
0x36: {  	_ =	swait.ge [sflag:s26], $0x2000  }
0x37: {  	[sflag:s26] =	ssyncset.done $0x0  }
0x38: {  	s4 =	simm.s32 $0x1980;
	[sflag:s26] =	ssyncadd.s32 $0xFFFFE000  }
0x39: {  	v0 =	vld [tilespmem:s4+$0xFFFFFF80]  }
0x3a: {  	v1 =	vld [tilespmem:s4+$0xFFFFFF90]  }
0x3b: {  	v2 =	vld [tilespmem:s4+$0xFFFFFFA0]  }
0x3c: {  	v3 =	vld [tilespmem:s4+$0xFFFFFFB0]  }
0x3d: {  	v4 =	vld [tilespmem:s4+$0xFFFFFFC0]  }
0x3e: {  	v5 =	vld [tilespmem:s4+$0xFFFFFFD0];
	v0 =	vadd.f32 $8.000000000e+00, v0  }
0x3f: {  	v6 =	vld [tilespmem:s4+$0xFFFFFFE0];
	v1 =	vadd.f32 $8.000000000e+00, v1  }
0x40: {  	[tilespmem:s4+$0xFFFFFF80] =	vst v0;
	v0 =	vadd.f32 $8.000000000e+00, v2;
	v2 =	vld [tilespmem:s4+$0x0]  }
0x41: {  	[tilespmem:s4+$0xFFFFFF90] =	vst v1;
	v1 =	vadd.f32 $8.000000000e+00, v3;
	v3 =	vld [tilespmem:s4+$0x10]  }
0x42: {  	[tilespmem:s4+$0xFFFFFFA0] =	vst v0;
	v0 =	vadd.f32 $8.000000000e+00, v4;
	v4 =	vld [tilespmem:s4+$0x20]  }
0x43: {  	v7 =	vld [tilespmem:s4+$0x30];
	[tilespmem:s4+$0xFFFFFFB0] =	vst v1;
	v1 =	vadd.f32 $8.000000000e+00, v5  }
0x44: {  	v5 =	vadd.f32 $8.000000000e+00, v6;
	[tilespmem:s4+$0xFFFFFFC0] =	vst v0;
	v0 =	vld [tilespmem:s4+$0x40]  }
0x45: {  	[tilespmem:s4+$0xFFFFFFD0] =	vst v1;
	v1 =	vld [tilespmem:s4+$0x50];
	v2 =	vadd.f32 $8.000000000e+00, v2  }
0x46: {  	[tilespmem:s4+$0xFFFFFFE0] =	vst v5;
	v6 =	vadd.f32 $8.000000000e+00, v3;
	v3 =	vld [tilespmem:s4+$0x60]  }
0x47: {  	[tilespmem:s4+$0x0] =	vst v2;
	v5 =	vadd.f32 $8.000000000e+00, v4;
	v4 =	vld [tilespmem:s4+$0x70]  }
0x48: {  	s6 =	simm.s32 $0x0;
	s7 =	simm.s32 $0x1A80;
	v2 =	vld [tilespmem:s4+$0xFFFFFFF0];
	[tilespmem:s4+$0x10] =	vst v6;
	v6 =	vadd.f32 $8.000000000e+00, v7  }
.LBB2_2:
0x49: {  	v7 =	vld [tilespmem:s7+$0xFFFFFF80];
	[tilespmem:s4+$0x20] =	vst v5;
	v0 =	vadd.f32 $8.000000000e+00, v0  }
0x4a: {  	v5 =	vld [tilespmem:s7+$0xFFFFFF90];
	[tilespmem:s4+$0x30] =	vst v6;
	v1 =	vadd.f32 $8.000000000e+00, v1  }
0x4b: {  	v6 =	vld [tilespmem:s7+$0xFFFFFFA0];
	[tilespmem:s4+$0x40] =	vst v0;
	v0 =	vadd.f32 $8.000000000e+00, v3  }
0x4c: {  	v3 =	vld [tilespmem:s7+$0xFFFFFFB0];
	[tilespmem:s4+$0x50] =	vst v1;
	v1 =	vadd.f32 $8.000000000e+00, v4  }
0x4d: {  	v4 =	vld [tilespmem:s7+$0xFFFFFFC0];
	v2 =	vadd.f32 $8.000000000e+00, v2;
	[tilespmem:s4+$0x60] =	vst v0  }
0x4e: {  	v0 =	vadd.f32 $8.000000000e+00, v7;
	v7 =	vld [tilespmem:s7+$0xFFFFFFD0];
	[tilespmem:s4+$0x70] =	vst v1  }
0x4f: {  	v1 =	vadd.f32 $8.000000000e+00, v5;
	v5 =	vld [tilespmem:s7+$0xFFFFFFE0];
	[tilespmem:s4+$0xFFFFFFF0] =	vst v2;
	s4 =	smov.u32 s7  }
0x50: {  	[tilespmem:s7+$0xFFFFFF80] =	vst v0;
	v0 =	vadd.f32 $8.000000000e+00, v6;
	v2 =	vld [tilespmem:s7+$0x0]  }
0x51: {  	[tilespmem:s7+$0xFFFFFF90] =	vst v1;
	v1 =	vadd.f32 $8.000000000e+00, v3;
	v3 =	vld [tilespmem:s7+$0x10]  }
0x52: {  	s6 =	sadd.s32 $0x4, s6;
	[tilespmem:s7+$0xFFFFFFA0] =	vst v0;
	v0 =	vadd.f32 $8.000000000e+00, v4;
	v4 =	vld [tilespmem:s7+$0x20]  }
0x53: {  	p0 =	slt.u32 s6, $0x27C;
	[tilespmem:s7+$0xFFFFFFB0] =	vst v1;
	v1 =	vadd.f32 $8.000000000e+00, v7;
	v6 =	vld [tilespmem:s7+$0x30]  }
.Ltmp0:
0x54: {  	[tilespmem:s7+$0xFFFFFFC0] =	vst v0;
	v5 =	vadd.f32 $8.000000000e+00, v5;
	v0 =	vld [tilespmem:s7+$0x40];
	(pc) =	sbr.rel @p0 .LBB2_2-.Ltmp0, $4  }
0x55: {  	[tilespmem:s7+$0xFFFFFFD0] =	vst v1;
	v2 =	vadd.f32 $8.000000000e+00, v2;
	v1 =	vld [tilespmem:s7+$0x50]  }
0x56: {  	[tilespmem:s7+$0xFFFFFFE0] =	vst v5;
	v7 =	vadd.f32 $8.000000000e+00, v3;
	v3 =	vld [tilespmem:s7+$0x60]  }
0x57: {  	[tilespmem:s7+$0x0] =	vst v2;
	v5 =	vadd.f32 $8.000000000e+00, v4;
	v4 =	vld [tilespmem:s7+$0x70]  }
0x58: {  	s7 =	sadd.s32 $0x100, s7;
	v2 =	vld [tilespmem:s4+$0xFFFFFFF0];
	[tilespmem:s4+$0x10] =	vst v7;
	v6 =	vadd.f32 $8.000000000e+00, v6  }
0x59: {  	[tilespmem:s4+$0x20] =	vst v5;
	v0 =	vadd.f32 $8.000000000e+00, v0  }
0x5a: {  	[tilespmem:s4+$0x30] =	vst v6;
	v1 =	vadd.f32 $8.000000000e+00, v1  }
0x5b: {  	[tilespmem:s4+$0x40] =	vst v0;
	v0 =	vadd.f32 $8.000000000e+00, v3  }
0x5c: {  	[tilespmem:s4+$0x50] =	vst v1;
	v1 =	vadd.f32 $8.000000000e+00, v4  }
0x5d: {  	v2 =	vadd.f32 $8.000000000e+00, v2;
	[tilespmem:s4+$0x60] =	vst v0  }
0x5e: {  	[tilespmem:s4+$0x70] =	vst v1  }
0x5f: {  	[tilespmem:s4+$0xFFFFFFF0] =	vst v2  }
0x60: {  	[hbm4b:s5+s2] =	stream.linear.scatter [tilespmem:s18], [sflag:$0x3], $0xA000, $0x38;
	[tilespmem:$0x15900] =	vst v63  }
0x61: {  	_ =	swait.ge [sflag:s29], $0xA000  }
0x62: {  	[sflag:s29] =	ssyncset.done $0x0  }
0x63: {  	s7 =	simm.s32 $0x500;
	[sflag:s29] =	ssyncadd.s32 $0xFFFF6000  }
0x64: {  	[tilespmem:s18], [sflag:$0x1] =	stream.indirect.gather [hbm4b:s3+s17], $0x40, s7, s17, $0xb8;
	[tilespmem:$0x15900] =	vst v63  }
0x65: {  	s6 =	simm.s32 $0x580  }
0x66: {  	[tilespmem:s19], [sflag:$0x1] =	stream.indirect.gather [hbm4b:s3+s17], $0x40, s6, s17, $0xb8;
	[tilespmem:$0x15900] =	vst v63  }
0x67: {  	s7 =	simm.s32 $0x600  }
0x68: {  	[tilespmem:s21], [sflag:$0x1] =	stream.indirect.gather [hbm4b:s3+s17], $0x40, s7, s17, $0xb8;
	[tilespmem:$0x15900] =	vst v63  }
0x69: {  	s6 =	simm.s32 $0x680  }
0x6a: {  	[tilespmem:s23], [sflag:$0x1] =	stream.indirect.gather [hbm4b:s3+s17], $0x40, s6, s17, $0xb8;
	[tilespmem:$0x15900] =	vst v63  }
0x6b: {  	s7 =	simm.s32 $0x700  }
0x6c: {  	[tilespmem:s25], [sflag:$0x1] =	stream.indirect.gather [hbm4b:s3+s17], $0x40, s7, s17, $0xb8;
	[tilespmem:$0x15900] =	vst v63  }
0x6d: {  	_ =	swait.ge [sflag:s22], $0x2000  }
0x6e: {  	[sflag:s22] =	ssyncset.done $0x0  }
0x6f: {  	[sflag:s22] =	ssyncadd.s32 $0xFFFFE000  }
0x70: {  	_ =	swait.ge [sflag:s22], $0x2000  }
0x71: {  	[sflag:s22] =	ssyncset.done $0x0  }
0x72: {  	[sflag:s22] =	ssyncadd.s32 $0xFFFFE000  }
0x73: {  	_ =	swait.ge [sflag:s22], $0x2000  }
0x74: {  	[sflag:s22] =	ssyncset.done $0x0  }
0x75: {  	[sflag:s22] =	ssyncadd.s32 $0xFFFFE000  }
0x76: {  	_ =	swait.ge [sflag:s22], $0x2000  }
0x77: {  	[sflag:s22] =	ssyncset.done $0x0  }
0x78: {  	[sflag:s22] =	ssyncadd.s32 $0xFFFFE000  }
0x79: {  	_ =	swait.ge [sflag:s22], $0x2000  }
0x7a: {  	[sflag:s22] =	ssyncset.done $0x0  }
0x7b: {  	s4 =	simm.s32 $0xB980;
	[sflag:s22] =	ssyncadd.s32 $0xFFFFE000  }
0x7c: {  	v0 =	vld [tilespmem:s4+$0xFFFFFF80]  }
0x7d: {  	v1 =	vld [tilespmem:s4+$0xFFFFFF90]  }
0x7e: {  	v2 =	vld [tilespmem:s4+$0xFFFFFFA0]  }
0x7f: {  	v3 =	vld [tilespmem:s4+$0xFFFFFFB0]  }
0x80: {  	v4 =	vld [tilespmem:s4+$0xFFFFFFC0]  }
0x81: {  	v5 =	vld [tilespmem:s4+$0xFFFFFFD0];
	v0 =	vadd.f32 $8.000000000e+00, v0  }
0x82: {  	v6 =	vld [tilespmem:s4+$0xFFFFFFE0];
	v1 =	vadd.f32 $8.000000000e+00, v1  }
0x83: {  	[tilespmem:s4+$0xFFFFFF80] =	vst v0;
	v0 =	vadd.f32 $8.000000000e+00, v2;
	v2 =	vld [tilespmem:s4+$0x0]  }
0x84: {  	[tilespmem:s4+$0xFFFFFF90] =	vst v1;
	v1 =	vadd.f32 $8.000000000e+00, v3;
	v3 =	vld [tilespmem:s4+$0x10]  }
0x85: {  	[tilespmem:s4+$0xFFFFFFA0] =	vst v0;
	v0 =	vadd.f32 $8.000000000e+00, v4;
	v4 =	vld [tilespmem:s4+$0x20]  }
0x86: {  	v7 =	vld [tilespmem:s4+$0x30];
	[tilespmem:s4+$0xFFFFFFB0] =	vst v1;
	v1 =	vadd.f32 $8.000000000e+00, v5  }
0x87: {  	v5 =	vadd.f32 $8.000000000e+00, v6;
	[tilespmem:s4+$0xFFFFFFC0] =	vst v0;
	v0 =	vld [tilespmem:s4+$0x40]  }
0x88: {  	[tilespmem:s4+$0xFFFFFFD0] =	vst v1;
	v1 =	vld [tilespmem:s4+$0x50];
	v2 =	vadd.f32 $8.000000000e+00, v2  }
0x89: {  	[tilespmem:s4+$0xFFFFFFE0] =	vst v5;
	v6 =	vadd.f32 $8.000000000e+00, v3;
	v3 =	vld [tilespmem:s4+$0x60]  }
0x8a: {  	[tilespmem:s4+$0x0] =	vst v2;
	v5 =	vadd.f32 $8.000000000e+00, v4;
	v4 =	vld [tilespmem:s4+$0x70]  }
0x8b: {  	s6 =	simm.s32 $0x0;
	s7 =	simm.s32 $0xBA80;
	v2 =	vld [tilespmem:s4+$0xFFFFFFF0];
	[tilespmem:s4+$0x10] =	vst v6;
	v6 =	vadd.f32 $8.000000000e+00, v7  }
.LBB2_4:
0x8c: {  	v7 =	vld [tilespmem:s7+$0xFFFFFF80];
	[tilespmem:s4+$0x20] =	vst v5;
	v0 =	vadd.f32 $8.000000000e+00, v0  }
0x8d: {  	v5 =	vld [tilespmem:s7+$0xFFFFFF90];
	[tilespmem:s4+$0x30] =	vst v6;
	v1 =	vadd.f32 $8.000000000e+00, v1  }
0x8e: {  	v6 =	vld [tilespmem:s7+$0xFFFFFFA0];
	[tilespmem:s4+$0x40] =	vst v0;
	v0 =	vadd.f32 $8.000000000e+00, v3  }
0x8f: {  	v3 =	vld [tilespmem:s7+$0xFFFFFFB0];
	[tilespmem:s4+$0x50] =	vst v1;
	v1 =	vadd.f32 $8.000000000e+00, v4  }
0x90: {  	v4 =	vld [tilespmem:s7+$0xFFFFFFC0];
	v2 =	vadd.f32 $8.000000000e+00, v2;
	[tilespmem:s4+$0x60] =	vst v0  }
0x91: {  	v0 =	vadd.f32 $8.000000000e+00, v7;
	v7 =	vld [tilespmem:s7+$0xFFFFFFD0];
	[tilespmem:s4+$0x70] =	vst v1  }
0x92: {  	v1 =	vadd.f32 $8.000000000e+00, v5;
	v5 =	vld [tilespmem:s7+$0xFFFFFFE0];
	[tilespmem:s4+$0xFFFFFFF0] =	vst v2;
	s4 =	smov.u32 s7  }
0x93: {  	[tilespmem:s7+$0xFFFFFF80] =	vst v0;
	v0 =	vadd.f32 $8.000000000e+00, v6;
	v2 =	vld [tilespmem:s7+$0x0]  }
0x94: {  	[tilespmem:s7+$0xFFFFFF90] =	vst v1;
	v1 =	vadd.f32 $8.000000000e+00, v3;
	v3 =	vld [tilespmem:s7+$0x10]  }
0x95: {  	s6 =	sadd.s32 $0x4, s6;
	[tilespmem:s7+$0xFFFFFFA0] =	vst v0;
	v0 =	vadd.f32 $8.000000000e+00, v4;
	v4 =	vld [tilespmem:s7+$0x20]  }
0x96: {  	p0 =	slt.u32 s6, $0x27C;
	[tilespmem:s7+$0xFFFFFFB0] =	vst v1;
	v1 =	vadd.f32 $8.000000000e+00, v7;
	v6 =	vld [tilespmem:s7+$0x30]  }
.Ltmp1:
0x97: {  	[tilespmem:s7+$0xFFFFFFC0] =	vst v0;
	v5 =	vadd.f32 $8.000000000e+00, v5;
	v0 =	vld [tilespmem:s7+$0x40];
	(pc) =	sbr.rel @p0 .LBB2_4-.Ltmp1, $4  }
0x98: {  	[tilespmem:s7+$0xFFFFFFD0] =	vst v1;
	v2 =	vadd.f32 $8.000000000e+00, v2;
	v1 =	vld [tilespmem:s7+$0x50]  }
0x99: {  	[tilespmem:s7+$0xFFFFFFE0] =	vst v5;
	v7 =	vadd.f32 $8.000000000e+00, v3;
	v3 =	vld [tilespmem:s7+$0x60]  }
0x9a: {  	[tilespmem:s7+$0x0] =	vst v2;
	v5 =	vadd.f32 $8.000000000e+00, v4;
	v4 =	vld [tilespmem:s7+$0x70]  }
0x9b: {  	s7 =	sadd.s32 $0x100, s7;
	v2 =	vld [tilespmem:s4+$0xFFFFFFF0];
	[tilespmem:s4+$0x10] =	vst v7;
	v6 =	vadd.f32 $8.000000000e+00, v6  }
0x9c: {  	[tilespmem:s4+$0x20] =	vst v5;
	v0 =	vadd.f32 $8.000000000e+00, v0  }
0x9d: {  	[tilespmem:s4+$0x30] =	vst v6;
	v1 =	vadd.f32 $8.000000000e+00, v1  }
0x9e: {  	[tilespmem:s4+$0x40] =	vst v0;
	v0 =	vadd.f32 $8.000000000e+00, v3  }
0x9f: {  	[tilespmem:s4+$0x50] =	vst v1;
	v1 =	vadd.f32 $8.000000000e+00, v4  }
0xa0: {  	v2 =	vadd.f32 $8.000000000e+00, v2;
	[tilespmem:s4+$0x60] =	vst v0  }
0xa1: {  	[tilespmem:s4+$0x70] =	vst v1  }
0xa2: {  	s6 =	rddreg [dreg:$0x5];
	[tilespmem:s4+$0xFFFFFFF0] =	vst v2  }
0xa3: {  	[hbm4b:s6+s2] =	stream.linear.scatter [tilespmem:s28], [sflag:$0x4], $0xA000, $0x38;
	[tilespmem:$0x15900] =	vst v63  }
0xa4: {  	_ =	swait.ge [sflag:s31], $0xA000  }
0xa5: {  	[sflag:s31] =	ssyncset.done $0x0  }
0xa6: {  	s7 =	simm.s32 $0x780;
	[sflag:s31] =	ssyncadd.s32 $0xFFFF6000  }
0xa7: {  	[tilespmem:s28], [sflag:$0x2] =	stream.indirect.gather [hbm4b:s3+s17], $0x40, s7, s17, $0xb8;
	[tilespmem:$0x15900] =	vst v63  }
0xa8: {  	s6 =	simm.s32 $0x800  }
0xa9: {  	[tilespmem:s30], [sflag:$0x2] =	stream.indirect.gather [hbm4b:s3+s17], $0x40, s6, s17, $0xb8;
	[tilespmem:$0x15900] =	vst v63  }
0xaa: {  	s7 =	simm.s32 $0x880  }
0xab: {  	[tilespmem:s1], [sflag:$0x2] =	stream.indirect.gather [hbm4b:s3+s17], $0x40, s7, s17, $0xb8;
	[tilespmem:$0x15900] =	vst v63  }
0xac: {  	s6 =	simm.s32 $0x900  }
0xad: {  	[tilespmem:s20], [sflag:$0x2] =	stream.indirect.gather [hbm4b:s3+s17], $0x40, s6, s17, $0xb8;
	[tilespmem:$0x15900] =	vst v63  }
0xae: {  	s7 =	simm.s32 $0x980  }
0xaf: {  	[tilespmem:s24], [sflag:$0x2] =	stream.indirect.gather [hbm4b:s3+s17], $0x40, s7, s17, $0xb8;
	[tilespmem:$0x15900] =	vst v63  }
0xb0: {  	_ =	swait.ge [sflag:s26], $0x2000  }
0xb1: {  	[sflag:s26] =	ssyncset.done $0x0  }
0xb2: {  	[sflag:s26] =	ssyncadd.s32 $0xFFFFE000  }
0xb3: {  	_ =	swait.ge [sflag:s26], $0x2000  }
0xb4: {  	[sflag:s26] =	ssyncset.done $0x0  }
0xb5: {  	[sflag:s26] =	ssyncadd.s32 $0xFFFFE000  }
0xb6: {  	_ =	swait.ge [sflag:s26], $0x2000  }
0xb7: {  	[sflag:s26] =	ssyncset.done $0x0  }
0xb8: {  	[sflag:s26] =	ssyncadd.s32 $0xFFFFE000  }
0xb9: {  	_ =	swait.ge [sflag:s26], $0x2000  }
0xba: {  	[sflag:s26] =	ssyncset.done $0x0  }
0xbb: {  	[sflag:s26] =	ssyncadd.s32 $0xFFFFE000  }
0xbc: {  	_ =	swait.ge [sflag:s26], $0x2000  }
0xbd: {  	[sflag:s26] =	ssyncset.done $0x0  }
0xbe: {  	s4 =	simm.s32 $0x1980;
	[sflag:s26] =	ssyncadd.s32 $0xFFFFE000  }
0xbf: {  	v0 =	vld [tilespmem:s4+$0xFFFFFF80]  }
0xc0: {  	v1 =	vld [tilespmem:s4+$0xFFFFFF90]  }
0xc1: {  	v2 =	vld [tilespmem:s4+$0xFFFFFFA0]  }
0xc2: {  	v3 =	vld [tilespmem:s4+$0xFFFFFFB0]  }
0xc3: {  	v4 =	vld [tilespmem:s4+$0xFFFFFFC0]  }
0xc4: {  	v5 =	vld [tilespmem:s4+$0xFFFFFFD0];
	v0 =	vadd.f32 $8.000000000e+00, v0  }
0xc5: {  	v6 =	vld [tilespmem:s4+$0xFFFFFFE0];
	v1 =	vadd.f32 $8.000000000e+00, v1  }
0xc6: {  	[tilespmem:s4+$0xFFFFFF80] =	vst v0;
	v0 =	vadd.f32 $8.000000000e+00, v2;
	v2 =	vld [tilespmem:s4+$0x0]  }
0xc7: {  	[tilespmem:s4+$0xFFFFFF90] =	vst v1;
	v1 =	vadd.f32 $8.000000000e+00, v3;
	v3 =	vld [tilespmem:s4+$0x10]  }
0xc8: {  	[tilespmem:s4+$0xFFFFFFA0] =	vst v0;
	v0 =	vadd.f32 $8.000000000e+00, v4;
	v4 =	vld [tilespmem:s4+$0x20]  }
0xc9: {  	v7 =	vld [tilespmem:s4+$0x30];
	[tilespmem:s4+$0xFFFFFFB0] =	vst v1;
	v1 =	vadd.f32 $8.000000000e+00, v5  }
0xca: {  	v5 =	vadd.f32 $8.000000000e+00, v6;
	[tilespmem:s4+$0xFFFFFFC0] =	vst v0;
	v0 =	vld [tilespmem:s4+$0x40]  }
0xcb: {  	[tilespmem:s4+$0xFFFFFFD0] =	vst v1;
	v1 =	vld [tilespmem:s4+$0x50];
	v2 =	vadd.f32 $8.000000000e+00, v2  }
0xcc: {  	[tilespmem:s4+$0xFFFFFFE0] =	vst v5;
	v6 =	vadd.f32 $8.000000000e+00, v3;
	v3 =	vld [tilespmem:s4+$0x60]  }
0xcd: {  	[tilespmem:s4+$0x0] =	vst v2;
	v5 =	vadd.f32 $8.000000000e+00, v4;
	v4 =	vld [tilespmem:s4+$0x70]  }
0xce: {  	s6 =	simm.s32 $0x0;
	s7 =	simm.s32 $0x1A80;
	v2 =	vld [tilespmem:s4+$0xFFFFFFF0];
	[tilespmem:s4+$0x10] =	vst v6;
	v6 =	vadd.f32 $8.000000000e+00, v7  }
.LBB2_6:
0xcf: {  	v7 =	vld [tilespmem:s7+$0xFFFFFF80];
	[tilespmem:s4+$0x20] =	vst v5;
	v0 =	vadd.f32 $8.000000000e+00, v0  }
0xd0: {  	v5 =	vld [tilespmem:s7+$0xFFFFFF90];
	[tilespmem:s4+$0x30] =	vst v6;
	v1 =	vadd.f32 $8.000000000e+00, v1  }
0xd1: {  	v6 =	vld [tilespmem:s7+$0xFFFFFFA0];
	[tilespmem:s4+$0x40] =	vst v0;
	v0 =	vadd.f32 $8.000000000e+00, v3  }
0xd2: {  	v3 =	vld [tilespmem:s7+$0xFFFFFFB0];
	[tilespmem:s4+$0x50] =	vst v1;
	v1 =	vadd.f32 $8.000000000e+00, v4  }
0xd3: {  	v4 =	vld [tilespmem:s7+$0xFFFFFFC0];
	v2 =	vadd.f32 $8.000000000e+00, v2;
	[tilespmem:s4+$0x60] =	vst v0  }
0xd4: {  	v0 =	vadd.f32 $8.000000000e+00, v7;
	v7 =	vld [tilespmem:s7+$0xFFFFFFD0];
	[tilespmem:s4+$0x70] =	vst v1  }
0xd5: {  	v1 =	vadd.f32 $8.000000000e+00, v5;
	v5 =	vld [tilespmem:s7+$0xFFFFFFE0];
	[tilespmem:s4+$0xFFFFFFF0] =	vst v2;
	s4 =	smov.u32 s7  }
0xd6: {  	[tilespmem:s7+$0xFFFFFF80] =	vst v0;
	v0 =	vadd.f32 $8.000000000e+00, v6;
	v2 =	vld [tilespmem:s7+$0x0]  }
0xd7: {  	[tilespmem:s7+$0xFFFFFF90] =	vst v1;
	v1 =	vadd.f32 $8.000000000e+00, v3;
	v3 =	vld [tilespmem:s7+$0x10]  }
0xd8: {  	s6 =	sadd.s32 $0x4, s6;
	[tilespmem:s7+$0xFFFFFFA0] =	vst v0;
	v0 =	vadd.f32 $8.000000000e+00, v4;
	v4 =	vld [tilespmem:s7+$0x20]  }
0xd9: {  	p0 =	slt.u32 s6, $0x27C;
	[tilespmem:s7+$0xFFFFFFB0] =	vst v1;
	v1 =	vadd.f32 $8.000000000e+00, v7;
	v6 =	vld [tilespmem:s7+$0x30]  }
.Ltmp2:
0xda: {  	[tilespmem:s7+$0xFFFFFFC0] =	vst v0;
	v5 =	vadd.f32 $8.000000000e+00, v5;
	v0 =	vld [tilespmem:s7+$0x40];
	(pc) =	sbr.rel @p0 .LBB2_6-.Ltmp2, $4  }
0xdb: {  	[tilespmem:s7+$0xFFFFFFD0] =	vst v1;
	v2 =	vadd.f32 $8.000000000e+00, v2;
	v1 =	vld [tilespmem:s7+$0x50]  }
0xdc: {  	[tilespmem:s7+$0xFFFFFFE0] =	vst v5;
	v7 =	vadd.f32 $8.000000000e+00, v3;
	v3 =	vld [tilespmem:s7+$0x60]  }
0xdd: {  	[tilespmem:s7+$0x0] =	vst v2;
	v5 =	vadd.f32 $8.000000000e+00, v4;
	v4 =	vld [tilespmem:s7+$0x70]  }
0xde: {  	s7 =	sadd.s32 $0x100, s7;
	v2 =	vld [tilespmem:s4+$0xFFFFFFF0];
	[tilespmem:s4+$0x10] =	vst v7;
	v6 =	vadd.f32 $8.000000000e+00, v6  }
0xdf: {  	[tilespmem:s4+$0x20] =	vst v5;
	v0 =	vadd.f32 $8.000000000e+00, v0  }
0xe0: {  	[tilespmem:s4+$0x30] =	vst v6;
	v1 =	vadd.f32 $8.000000000e+00, v1  }
0xe1: {  	[tilespmem:s4+$0x40] =	vst v0;
	v0 =	vadd.f32 $8.000000000e+00, v3  }
0xe2: {  	[tilespmem:s4+$0x50] =	vst v1;
	v1 =	vadd.f32 $8.000000000e+00, v4  }
0xe3: {  	v2 =	vadd.f32 $8.000000000e+00, v2;
	[tilespmem:s4+$0x60] =	vst v0  }
0xe4: {  	[tilespmem:s4+$0x70] =	vst v1  }
0xe5: {  	s6 =	rddreg [dreg:$0x6];
	[tilespmem:s4+$0xFFFFFFF0] =	vst v2  }
0xe6: {  	[hbm4b:s6+s2] =	stream.linear.scatter [tilespmem:s18], [sflag:$0x3], $0xA000, $0x38;
	[tilespmem:$0x15900] =	vst v63  }
0xe7: {  	_ =	swait.ge [sflag:s29], $0xA000  }
0xe8: {  	[sflag:s29] =	ssyncset.done $0x0  }
0xe9: {  	s7 =	simm.s32 $0xA00;
	[sflag:s29] =	ssyncadd.s32 $0xFFFF6000  }
0xea: {  	[tilespmem:s18], [sflag:$0x1] =	stream.indirect.gather [hbm4b:s3+s17], $0x40, s7, s17, $0xb8;
	[tilespmem:$0x15900] =	vst v63  }
0xeb: {  	s6 =	simm.s32 $0xA80  }
0xec: {  	[tilespmem:s19], [sflag:$0x1] =	stream.indirect.gather [hbm4b:s3+s17], $0x40, s6, s17, $0xb8;
	[tilespmem:$0x15900] =	vst v63  }
0xed: {  	s7 =	simm.s32 $0xB00  }
0xee: {  	[tilespmem:s21], [sflag:$0x1] =	stream.indirect.gather [hbm4b:s3+s17], $0x40, s7, s17, $0xb8;
	[tilespmem:$0x15900] =	vst v63  }
0xef: {  	s6 =	simm.s32 $0xB80  }
0xf0: {  	[tilespmem:s23], [sflag:$0x1] =	stream.indirect.gather [hbm4b:s3+s17], $0x40, s6, s17, $0xb8;
	[tilespmem:$0x15900] =	vst v63  }
0xf1: {  	s7 =	simm.s32 $0xC00  }
0xf2: {  	[tilespmem:s25], [sflag:$0x1] =	stream.indirect.gather [hbm4b:s3+s17], $0x40, s7, s17, $0xb8;
	[tilespmem:$0x15900] =	vst v63  }
0xf3: {  	_ =	swait.ge [sflag:s22], $0x2000  }
0xf4: {  	[sflag:s22] =	ssyncset.done $0x0  }
0xf5: {  	[sflag:s22] =	ssyncadd.s32 $0xFFFFE000  }
0xf6: {  	_ =	swait.ge [sflag:s22], $0x2000  }
0xf7: {  	[sflag:s22] =	ssyncset.done $0x0  }
0xf8: {  	[sflag:s22] =	ssyncadd.s32 $0xFFFFE000  }
0xf9: {  	_ =	swait.ge [sflag:s22], $0x2000  }
0xfa: {  	[sflag:s22] =	ssyncset.done $0x0  }
0xfb: {  	[sflag:s22] =	ssyncadd.s32 $0xFFFFE000  }
0xfc: {  	_ =	swait.ge [sflag:s22], $0x2000  }
0xfd: {  	[sflag:s22] =	ssyncset.done $0x0  }
0xfe: {  	[sflag:s22] =	ssyncadd.s32 $0xFFFFE000  }
0xff: {  	_ =	swait.ge [sflag:s22], $0x2000  }
0x100: {  	[sflag:s22] =	ssyncset.done $0x0  }
0x101: {  	s4 =	simm.s32 $0xB980;
	[sflag:s22] =	ssyncadd.s32 $0xFFFFE000  }
0x102: {  	v0 =	vld [tilespmem:s4+$0xFFFFFF80]  }
0x103: {  	v1 =	vld [tilespmem:s4+$0xFFFFFF90]  }
0x104: {  	v2 =	vld [tilespmem:s4+$0xFFFFFFA0]  }
0x105: {  	v3 =	vld [tilespmem:s4+$0xFFFFFFB0]  }
0x106: {  	v4 =	vld [tilespmem:s4+$0xFFFFFFC0]  }
0x107: {  	v5 =	vld [tilespmem:s4+$0xFFFFFFD0];
	v0 =	vadd.f32 $8.000000000e+00, v0  }
0x108: {  	v6 =	vld [tilespmem:s4+$0xFFFFFFE0];
	v1 =	vadd.f32 $8.000000000e+00, v1  }
0x109: {  	[tilespmem:s4+$0xFFFFFF80] =	vst v0;
	v0 =	vadd.f32 $8.000000000e+00, v2;
	v2 =	vld [tilespmem:s4+$0x0]  }
0x10a: {  	[tilespmem:s4+$0xFFFFFF90] =	vst v1;
	v1 =	vadd.f32 $8.000000000e+00, v3;
	v3 =	vld [tilespmem:s4+$0x10]  }
0x10b: {  	[tilespmem:s4+$0xFFFFFFA0] =	vst v0;
	v0 =	vadd.f32 $8.000000000e+00, v4;
	v4 =	vld [tilespmem:s4+$0x20]  }
0x10c: {  	v7 =	vld [tilespmem:s4+$0x30];
	[tilespmem:s4+$0xFFFFFFB0] =	vst v1;
	v1 =	vadd.f32 $8.000000000e+00, v5  }
0x10d: {  	v5 =	vadd.f32 $8.000000000e+00, v6;
	[tilespmem:s4+$0xFFFFFFC0] =	vst v0;
	v0 =	vld [tilespmem:s4+$0x40]  }
0x10e: {  	[tilespmem:s4+$0xFFFFFFD0] =	vst v1;
	v1 =	vld [tilespmem:s4+$0x50];
	v2 =	vadd.f32 $8.000000000e+00, v2  }
0x10f: {  	[tilespmem:s4+$0xFFFFFFE0] =	vst v5;
	v6 =	vadd.f32 $8.000000000e+00, v3;
	v3 =	vld [tilespmem:s4+$0x60]  }
0x110: {  	[tilespmem:s4+$0x0] =	vst v2;
	v5 =	vadd.f32 $8.000000000e+00, v4;
	v4 =	vld [tilespmem:s4+$0x70]  }
0x111: {  	s6 =	simm.s32 $0x0;
	s7 =	simm.s32 $0xBA80;
	v2 =	vld [tilespmem:s4+$0xFFFFFFF0];
	[tilespmem:s4+$0x10] =	vst v6;
	v6 =	vadd.f32 $8.000000000e+00, v7  }
.LBB2_8:
0x112: {  	v7 =	vld [tilespmem:s7+$0xFFFFFF80];
	[tilespmem:s4+$0x20] =	vst v5;
	v0 =	vadd.f32 $8.000000000e+00, v0  }
0x113: {  	v5 =	vld [tilespmem:s7+$0xFFFFFF90];
	[tilespmem:s4+$0x30] =	vst v6;
	v1 =	vadd.f32 $8.000000000e+00, v1  }
0x114: {  	v6 =	vld [tilespmem:s7+$0xFFFFFFA0];
	[tilespmem:s4+$0x40] =	vst v0;
	v0 =	vadd.f32 $8.000000000e+00, v3  }
0x115: {  	v3 =	vld [tilespmem:s7+$0xFFFFFFB0];
	[tilespmem:s4+$0x50] =	vst v1;
	v1 =	vadd.f32 $8.000000000e+00, v4  }
0x116: {  	v4 =	vld [tilespmem:s7+$0xFFFFFFC0];
	v2 =	vadd.f32 $8.000000000e+00, v2;
	[tilespmem:s4+$0x60] =	vst v0  }
0x117: {  	v0 =	vadd.f32 $8.000000000e+00, v7;
	v7 =	vld [tilespmem:s7+$0xFFFFFFD0];
	[tilespmem:s4+$0x70] =	vst v1  }
0x118: {  	v1 =	vadd.f32 $8.000000000e+00, v5;
	v5 =	vld [tilespmem:s7+$0xFFFFFFE0];
	[tilespmem:s4+$0xFFFFFFF0] =	vst v2;
	s4 =	smov.u32 s7  }
0x119: {  	[tilespmem:s7+$0xFFFFFF80] =	vst v0;
	v0 =	vadd.f32 $8.000000000e+00, v6;
	v2 =	vld [tilespmem:s7+$0x0]  }
0x11a: {  	[tilespmem:s7+$0xFFFFFF90] =	vst v1;
	v1 =	vadd.f32 $8.000000000e+00, v3;
	v3 =	vld [tilespmem:s7+$0x10]  }
0x11b: {  	s6 =	sadd.s32 $0x4, s6;
	[tilespmem:s7+$0xFFFFFFA0] =	vst v0;
	v0 =	vadd.f32 $8.000000000e+00, v4;
	v4 =	vld [tilespmem:s7+$0x20]  }
0x11c: {  	p0 =	slt.u32 s6, $0x27C;
	[tilespmem:s7+$0xFFFFFFB0] =	vst v1;
	v1 =	vadd.f32 $8.000000000e+00, v7;
	v6 =	vld [tilespmem:s7+$0x30]  }
.Ltmp3:
0x11d: {  	[tilespmem:s7+$0xFFFFFFC0] =	vst v0;
	v5 =	vadd.f32 $8.000000000e+00, v5;
	v0 =	vld [tilespmem:s7+$0x40];
	(pc) =	sbr.rel @p0 .LBB2_8-.Ltmp3, $4  }
0x11e: {  	[tilespmem:s7+$0xFFFFFFD0] =	vst v1;
	v2 =	vadd.f32 $8.000000000e+00, v2;
	v1 =	vld [tilespmem:s7+$0x50]  }
0x11f: {  	[tilespmem:s7+$0xFFFFFFE0] =	vst v5;
	v7 =	vadd.f32 $8.000000000e+00, v3;
	v3 =	vld [tilespmem:s7+$0x60]  }
0x120: {  	[tilespmem:s7+$0x0] =	vst v2;
	v5 =	vadd.f32 $8.000000000e+00, v4;
	v4 =	vld [tilespmem:s7+$0x70]  }
0x121: {  	s7 =	sadd.s32 $0x100, s7;
	v2 =	vld [tilespmem:s4+$0xFFFFFFF0];
	[tilespmem:s4+$0x10] =	vst v7;
	v6 =	vadd.f32 $8.000000000e+00, v6  }
0x122: {  	[tilespmem:s4+$0x20] =	vst v5;
	v0 =	vadd.f32 $8.000000000e+00, v0  }
0x123: {  	[tilespmem:s4+$0x30] =	vst v6;
	v1 =	vadd.f32 $8.000000000e+00, v1  }
0x124: {  	[tilespmem:s4+$0x40] =	vst v0;
	v0 =	vadd.f32 $8.000000000e+00, v3  }
0x125: {  	[tilespmem:s4+$0x50] =	vst v1;
	v1 =	vadd.f32 $8.000000000e+00, v4  }
0x126: {  	v2 =	vadd.f32 $8.000000000e+00, v2;
	[tilespmem:s4+$0x60] =	vst v0  }
0x127: {  	[tilespmem:s4+$0x70] =	vst v1  }
0x128: {  	[tilespmem:s4+$0xFFFFFFF0] =	vst v2  }
0x129: {  	[hbm4b:s8+s2] =	stream.linear.scatter [tilespmem:s28], [sflag:$0x4], $0xA000, $0x38;
	[tilespmem:$0x15900] =	vst v63  }
0x12a: {  	_ =	swait.ge [sflag:s31], $0xA000  }
0x12b: {  	[sflag:s31] =	ssyncset.done $0x0  }
0x12c: {  	s7 =	simm.s32 $0xC80;
	[sflag:s31] =	ssyncadd.s32 $0xFFFF6000  }
0x12d: {  	[tilespmem:s28], [sflag:$0x2] =	stream.indirect.gather [hbm4b:s3+s17], $0x40, s7, s17, $0xb8;
	[tilespmem:$0x15900] =	vst v63  }
0x12e: {  	s6 =	simm.s32 $0xD00  }
0x12f: {  	[tilespmem:s30], [sflag:$0x2] =	stream.indirect.gather [hbm4b:s3+s17], $0x40, s6, s17, $0xb8;
	[tilespmem:$0x15900] =	vst v63  }
0x130: {  	s7 =	simm.s32 $0xD80  }
0x131: {  	[tilespmem:s1], [sflag:$0x2] =	stream.indirect.gather [hbm4b:s3+s17], $0x40, s7, s17, $0xb8;
	[tilespmem:$0x15900] =	vst v63  }
0x132: {  	s6 =	simm.s32 $0xE00  }
0x133: {  	[tilespmem:s20], [sflag:$0x2] =	stream.indirect.gather [hbm4b:s3+s17], $0x40, s6, s17, $0xb8;
	[tilespmem:$0x15900] =	vst v63  }
0x134: {  	s7 =	simm.s32 $0xE80  }
0x135: {  	[tilespmem:s24], [sflag:$0x2] =	stream.indirect.gather [hbm4b:s3+s17], $0x40, s7, s17, $0xb8;
	[tilespmem:$0x15900] =	vst v63  }
0x136: {  	_ =	swait.ge [sflag:s26], $0x2000  }
0x137: {  	[sflag:s26] =	ssyncset.done $0x0  }
0x138: {  	[sflag:s26] =	ssyncadd.s32 $0xFFFFE000  }
0x139: {  	_ =	swait.ge [sflag:s26], $0x2000  }
0x13a: {  	[sflag:s26] =	ssyncset.done $0x0  }
0x13b: {  	[sflag:s26] =	ssyncadd.s32 $0xFFFFE000  }
0x13c: {  	_ =	swait.ge [sflag:s26], $0x2000  }
0x13d: {  	[sflag:s26] =	ssyncset.done $0x0  }
0x13e: {  	[sflag:s26] =	ssyncadd.s32 $0xFFFFE000  }
0x13f: {  	_ =	swait.ge [sflag:s26], $0x2000  }
0x140: {  	[sflag:s26] =	ssyncset.done $0x0  }
0x141: {  	[sflag:s26] =	ssyncadd.s32 $0xFFFFE000  }
0x142: {  	_ =	swait.ge [sflag:s26], $0x2000  }
0x143: {  	[sflag:s26] =	ssyncset.done $0x0  }
0x144: {  	s4 =	simm.s32 $0x1980;
	[sflag:s26] =	ssyncadd.s32 $0xFFFFE000  }
0x145: {  	v0 =	vld [tilespmem:s4+$0xFFFFFF80]  }
0x146: {  	v1 =	vld [tilespmem:s4+$0xFFFFFF90]  }
0x147: {  	v2 =	vld [tilespmem:s4+$0xFFFFFFA0]  }
0x148: {  	v3 =	vld [tilespmem:s4+$0xFFFFFFB0]  }
0x149: {  	v4 =	vld [tilespmem:s4+$0xFFFFFFC0]  }
0x14a: {  	v5 =	vld [tilespmem:s4+$0xFFFFFFD0];
	v0 =	vadd.f32 $8.000000000e+00, v0  }
0x14b: {  	v6 =	vld [tilespmem:s4+$0xFFFFFFE0];
	v1 =	vadd.f32 $8.000000000e+00, v1  }
0x14c: {  	[tilespmem:s4+$0xFFFFFF80] =	vst v0;
	v0 =	vadd.f32 $8.000000000e+00, v2;
	v2 =	vld [tilespmem:s4+$0x0]  }
0x14d: {  	[tilespmem:s4+$0xFFFFFF90] =	vst v1;
	v1 =	vadd.f32 $8.000000000e+00, v3;
	v3 =	vld [tilespmem:s4+$0x10]  }
0x14e: {  	[tilespmem:s4+$0xFFFFFFA0] =	vst v0;
	v0 =	vadd.f32 $8.000000000e+00, v4;
	v4 =	vld [tilespmem:s4+$0x20]  }
0x14f: {  	v7 =	vld [tilespmem:s4+$0x30];
	[tilespmem:s4+$0xFFFFFFB0] =	vst v1;
	v1 =	vadd.f32 $8.000000000e+00, v5  }
0x150: {  	v5 =	vadd.f32 $8.000000000e+00, v6;
	[tilespmem:s4+$0xFFFFFFC0] =	vst v0;
	v0 =	vld [tilespmem:s4+$0x40]  }
0x151: {  	[tilespmem:s4+$0xFFFFFFD0] =	vst v1;
	v1 =	vld [tilespmem:s4+$0x50];
	v2 =	vadd.f32 $8.000000000e+00, v2  }
0x152: {  	[tilespmem:s4+$0xFFFFFFE0] =	vst v5;
	v6 =	vadd.f32 $8.000000000e+00, v3;
	v3 =	vld [tilespmem:s4+$0x60]  }
0x153: {  	[tilespmem:s4+$0x0] =	vst v2;
	v5 =	vadd.f32 $8.000000000e+00, v4;
	v4 =	vld [tilespmem:s4+$0x70]  }
0x154: {  	s6 =	simm.s32 $0x0;
	s7 =	simm.s32 $0x1A80;
	v2 =	vld [tilespmem:s4+$0xFFFFFFF0];
	[tilespmem:s4+$0x10] =	vst v6;
	v6 =	vadd.f32 $8.000000000e+00, v7  }
.LBB2_10:
0x155: {  	v7 =	vld [tilespmem:s7+$0xFFFFFF80];
	[tilespmem:s4+$0x20] =	vst v5;
	v0 =	vadd.f32 $8.000000000e+00, v0  }
0x156: {  	v5 =	vld [tilespmem:s7+$0xFFFFFF90];
	[tilespmem:s4+$0x30] =	vst v6;
	v1 =	vadd.f32 $8.000000000e+00, v1  }
0x157: {  	v6 =	vld [tilespmem:s7+$0xFFFFFFA0];
	[tilespmem:s4+$0x40] =	vst v0;
	v0 =	vadd.f32 $8.000000000e+00, v3  }
0x158: {  	v3 =	vld [tilespmem:s7+$0xFFFFFFB0];
	[tilespmem:s4+$0x50] =	vst v1;
	v1 =	vadd.f32 $8.000000000e+00, v4  }
0x159: {  	v4 =	vld [tilespmem:s7+$0xFFFFFFC0];
	v2 =	vadd.f32 $8.000000000e+00, v2;
	[tilespmem:s4+$0x60] =	vst v0  }
0x15a: {  	v0 =	vadd.f32 $8.000000000e+00, v7;
	v7 =	vld [tilespmem:s7+$0xFFFFFFD0];
	[tilespmem:s4+$0x70] =	vst v1  }
0x15b: {  	v1 =	vadd.f32 $8.000000000e+00, v5;
	v5 =	vld [tilespmem:s7+$0xFFFFFFE0];
	[tilespmem:s4+$0xFFFFFFF0] =	vst v2;
	s4 =	smov.u32 s7  }
0x15c: {  	[tilespmem:s7+$0xFFFFFF80] =	vst v0;
	v0 =	vadd.f32 $8.000000000e+00, v6;
	v2 =	vld [tilespmem:s7+$0x0]  }
0x15d: {  	[tilespmem:s7+$0xFFFFFF90] =	vst v1;
	v1 =	vadd.f32 $8.000000000e+00, v3;
	v3 =	vld [tilespmem:s7+$0x10]  }
0x15e: {  	s6 =	sadd.s32 $0x4, s6;
	[tilespmem:s7+$0xFFFFFFA0] =	vst v0;
	v0 =	vadd.f32 $8.000000000e+00, v4;
	v4 =	vld [tilespmem:s7+$0x20]  }
0x15f: {  	p0 =	slt.u32 s6, $0x27C;
	[tilespmem:s7+$0xFFFFFFB0] =	vst v1;
	v1 =	vadd.f32 $8.000000000e+00, v7;
	v6 =	vld [tilespmem:s7+$0x30]  }
.Ltmp4:
0x160: {  	[tilespmem:s7+$0xFFFFFFC0] =	vst v0;
	v5 =	vadd.f32 $8.000000000e+00, v5;
	v0 =	vld [tilespmem:s7+$0x40];
	(pc) =	sbr.rel @p0 .LBB2_10-.Ltmp4, $4  }
0x161: {  	[tilespmem:s7+$0xFFFFFFD0] =	vst v1;
	v2 =	vadd.f32 $8.000000000e+00, v2;
	v1 =	vld [tilespmem:s7+$0x50]  }
0x162: {  	[tilespmem:s7+$0xFFFFFFE0] =	vst v5;
	v7 =	vadd.f32 $8.000000000e+00, v3;
	v3 =	vld [tilespmem:s7+$0x60]  }
0x163: {  	[tilespmem:s7+$0x0] =	vst v2;
	v5 =	vadd.f32 $8.000000000e+00, v4;
	v4 =	vld [tilespmem:s7+$0x70]  }
0x164: {  	s7 =	sadd.s32 $0x100, s7;
	v2 =	vld [tilespmem:s4+$0xFFFFFFF0];
	[tilespmem:s4+$0x10] =	vst v7;
	v6 =	vadd.f32 $8.000000000e+00, v6  }
0x165: {  	[tilespmem:s4+$0x20] =	vst v5;
	v0 =	vadd.f32 $8.000000000e+00, v0  }
0x166: {  	[tilespmem:s4+$0x30] =	vst v6;
	v1 =	vadd.f32 $8.000000000e+00, v1  }
0x167: {  	[tilespmem:s4+$0x40] =	vst v0;
	v0 =	vadd.f32 $8.000000000e+00, v3  }
0x168: {  	[tilespmem:s4+$0x50] =	vst v1;
	v1 =	vadd.f32 $8.000000000e+00, v4  }
0x169: {  	v2 =	vadd.f32 $8.000000000e+00, v2;
	[tilespmem:s4+$0x60] =	vst v0  }
0x16a: {  	[tilespmem:s4+$0x70] =	vst v1  }
0x16b: {  	[tilespmem:s4+$0xFFFFFFF0] =	vst v2  }
0x16c: {  	[hbm4b:s9+s2] =	stream.linear.scatter [tilespmem:s18], [sflag:$0x3], $0xA000, $0x38;
	[tilespmem:$0x15900] =	vst v63  }
0x16d: {  	_ =	swait.ge [sflag:s29], $0xA000  }
0x16e: {  	[sflag:s29] =	ssyncset.done $0x0  }
0x16f: {  	s7 =	simm.s32 $0xF00;
	[sflag:s29] =	ssyncadd.s32 $0xFFFF6000  }
0x170: {  	[tilespmem:s18], [sflag:$0x1] =	stream.indirect.gather [hbm4b:s3+s17], $0x40, s7, s17, $0xb8;
	[tilespmem:$0x15900] =	vst v63  }
0x171: {  	s6 =	simm.s32 $0xF80  }
0x172: {  	[tilespmem:s19], [sflag:$0x1] =	stream.indirect.gather [hbm4b:s3+s17], $0x40, s6, s17, $0xb8;
	[tilespmem:$0x15900] =	vst v63  }
0x173: {  	s7 =	simm.s32 $0x1000  }
0x174: {  	[tilespmem:s21], [sflag:$0x1] =	stream.indirect.gather [hbm4b:s3+s17], $0x40, s7, s17, $0xb8;
	[tilespmem:$0x15900] =	vst v63  }
0x175: {  	s6 =	simm.s32 $0x1080  }
0x176: {  	[tilespmem:s23], [sflag:$0x1] =	stream.indirect.gather [hbm4b:s3+s17], $0x40, s6, s17, $0xb8;
	[tilespmem:$0x15900] =	vst v63  }
0x177: {  	s7 =	simm.s32 $0x1100  }
0x178: {  	[tilespmem:s25], [sflag:$0x1] =	stream.indirect.gather [hbm4b:s3+s17], $0x40, s7, s17, $0xb8;
	[tilespmem:$0x15900] =	vst v63  }
0x179: {  	_ =	swait.ge [sflag:s22], $0x2000  }
0x17a: {  	[sflag:s22] =	ssyncset.done $0x0  }
0x17b: {  	[sflag:s22] =	ssyncadd.s32 $0xFFFFE000  }
0x17c: {  	_ =	swait.ge [sflag:s22], $0x2000  }
0x17d: {  	[sflag:s22] =	ssyncset.done $0x0  }
0x17e: {  	[sflag:s22] =	ssyncadd.s32 $0xFFFFE000  }
0x17f: {  	_ =	swait.ge [sflag:s22], $0x2000  }
0x180: {  	[sflag:s22] =	ssyncset.done $0x0  }
0x181: {  	[sflag:s22] =	ssyncadd.s32 $0xFFFFE000  }
0x182: {  	_ =	swait.ge [sflag:s22], $0x2000  }
0x183: {  	[sflag:s22] =	ssyncset.done $0x0  }
0x184: {  	[sflag:s22] =	ssyncadd.s32 $0xFFFFE000  }
0x185: {  	_ =	swait.ge [sflag:s22], $0x2000  }
0x186: {  	[sflag:s22] =	ssyncset.done $0x0  }
0x187: {  	s4 =	simm.s32 $0xB980;
	[sflag:s22] =	ssyncadd.s32 $0xFFFFE000  }
0x188: {  	v0 =	vld [tilespmem:s4+$0xFFFFFF80]  }
0x189: {  	v1 =	vld [tilespmem:s4+$0xFFFFFF90]  }
0x18a: {  	v2 =	vld [tilespmem:s4+$0xFFFFFFA0]  }
0x18b: {  	v3 =	vld [tilespmem:s4+$0xFFFFFFB0]  }
0x18c: {  	v4 =	vld [tilespmem:s4+$0xFFFFFFC0]  }
0x18d: {  	v5 =	vld [tilespmem:s4+$0xFFFFFFD0];
	v0 =	vadd.f32 $8.000000000e+00, v0  }
0x18e: {  	v6 =	vld [tilespmem:s4+$0xFFFFFFE0];
	v1 =	vadd.f32 $8.000000000e+00, v1  }
0x18f: {  	[tilespmem:s4+$0xFFFFFF80] =	vst v0;
	v0 =	vadd.f32 $8.000000000e+00, v2;
	v2 =	vld [tilespmem:s4+$0x0]  }
0x190: {  	[tilespmem:s4+$0xFFFFFF90] =	vst v1;
	v1 =	vadd.f32 $8.000000000e+00, v3;
	v3 =	vld [tilespmem:s4+$0x10]  }
0x191: {  	[tilespmem:s4+$0xFFFFFFA0] =	vst v0;
	v0 =	vadd.f32 $8.000000000e+00, v4;
	v4 =	vld [tilespmem:s4+$0x20]  }
0x192: {  	v7 =	vld [tilespmem:s4+$0x30];
	[tilespmem:s4+$0xFFFFFFB0] =	vst v1;
	v1 =	vadd.f32 $8.000000000e+00, v5  }
0x193: {  	v5 =	vadd.f32 $8.000000000e+00, v6;
	[tilespmem:s4+$0xFFFFFFC0] =	vst v0;
	v0 =	vld [tilespmem:s4+$0x40]  }
0x194: {  	[tilespmem:s4+$0xFFFFFFD0] =	vst v1;
	v1 =	vld [tilespmem:s4+$0x50];
	v2 =	vadd.f32 $8.000000000e+00, v2  }
0x195: {  	[tilespmem:s4+$0xFFFFFFE0] =	vst v5;
	v6 =	vadd.f32 $8.000000000e+00, v3;
	v3 =	vld [tilespmem:s4+$0x60]  }
0x196: {  	[tilespmem:s4+$0x0] =	vst v2;
	v5 =	vadd.f32 $8.000000000e+00, v4;
	v4 =	vld [tilespmem:s4+$0x70]  }
0x197: {  	s6 =	simm.s32 $0x0;
	s7 =	simm.s32 $0xBA80;
	v2 =	vld [tilespmem:s4+$0xFFFFFFF0];
	[tilespmem:s4+$0x10] =	vst v6;
	v6 =	vadd.f32 $8.000000000e+00, v7  }
.LBB2_12:
0x198: {  	v7 =	vld [tilespmem:s7+$0xFFFFFF80];
	[tilespmem:s4+$0x20] =	vst v5;
	v0 =	vadd.f32 $8.000000000e+00, v0  }
0x199: {  	v5 =	vld [tilespmem:s7+$0xFFFFFF90];
	[tilespmem:s4+$0x30] =	vst v6;
	v1 =	vadd.f32 $8.000000000e+00, v1  }
0x19a: {  	v6 =	vld [tilespmem:s7+$0xFFFFFFA0];
	[tilespmem:s4+$0x40] =	vst v0;
	v0 =	vadd.f32 $8.000000000e+00, v3  }
0x19b: {  	v3 =	vld [tilespmem:s7+$0xFFFFFFB0];
	[tilespmem:s4+$0x50] =	vst v1;
	v1 =	vadd.f32 $8.000000000e+00, v4  }
0x19c: {  	v4 =	vld [tilespmem:s7+$0xFFFFFFC0];
	v2 =	vadd.f32 $8.000000000e+00, v2;
	[tilespmem:s4+$0x60] =	vst v0  }
0x19d: {  	v0 =	vadd.f32 $8.000000000e+00, v7;
	v7 =	vld [tilespmem:s7+$0xFFFFFFD0];
	[tilespmem:s4+$0x70] =	vst v1  }
0x19e: {  	v1 =	vadd.f32 $8.000000000e+00, v5;
	v5 =	vld [tilespmem:s7+$0xFFFFFFE0];
	[tilespmem:s4+$0xFFFFFFF0] =	vst v2;
	s4 =	smov.u32 s7  }
0x19f: {  	[tilespmem:s7+$0xFFFFFF80] =	vst v0;
	v0 =	vadd.f32 $8.000000000e+00, v6;
	v2 =	vld [tilespmem:s7+$0x0]  }
0x1a0: {  	[tilespmem:s7+$0xFFFFFF90] =	vst v1;
	v1 =	vadd.f32 $8.000000000e+00, v3;
	v3 =	vld [tilespmem:s7+$0x10]  }
0x1a1: {  	s6 =	sadd.s32 $0x4, s6;
	[tilespmem:s7+$0xFFFFFFA0] =	vst v0;
	v0 =	vadd.f32 $8.000000000e+00, v4;
	v4 =	vld [tilespmem:s7+$0x20]  }
0x1a2: {  	p0 =	slt.u32 s6, $0x27C;
	[tilespmem:s7+$0xFFFFFFB0] =	vst v1;
	v1 =	vadd.f32 $8.000000000e+00, v7;
	v6 =	vld [tilespmem:s7+$0x30]  }
.Ltmp5:
0x1a3: {  	[tilespmem:s7+$0xFFFFFFC0] =	vst v0;
	v5 =	vadd.f32 $8.000000000e+00, v5;
	v0 =	vld [tilespmem:s7+$0x40];
	(pc) =	sbr.rel @p0 .LBB2_12-.Ltmp5, $4  }
0x1a4: {  	[tilespmem:s7+$0xFFFFFFD0] =	vst v1;
	v2 =	vadd.f32 $8.000000000e+00, v2;
	v1 =	vld [tilespmem:s7+$0x50]  }
0x1a5: {  	[tilespmem:s7+$0xFFFFFFE0] =	vst v5;
	v7 =	vadd.f32 $8.000000000e+00, v3;
	v3 =	vld [tilespmem:s7+$0x60]  }
0x1a6: {  	[tilespmem:s7+$0x0] =	vst v2;
	v5 =	vadd.f32 $8.000000000e+00, v4;
	v4 =	vld [tilespmem:s7+$0x70]  }
0x1a7: {  	s7 =	sadd.s32 $0x100, s7;
	v2 =	vld [tilespmem:s4+$0xFFFFFFF0];
	[tilespmem:s4+$0x10] =	vst v7;
	v6 =	vadd.f32 $8.000000000e+00, v6  }
0x1a8: {  	[tilespmem:s4+$0x20] =	vst v5;
	v0 =	vadd.f32 $8.000000000e+00, v0  }
0x1a9: {  	[tilespmem:s4+$0x30] =	vst v6;
	v1 =	vadd.f32 $8.000000000e+00, v1  }
0x1aa: {  	[tilespmem:s4+$0x40] =	vst v0;
	v0 =	vadd.f32 $8.000000000e+00, v3  }
0x1ab: {  	[tilespmem:s4+$0x50] =	vst v1;
	v1 =	vadd.f32 $8.000000000e+00, v4  }
0x1ac: {  	v2 =	vadd.f32 $8.000000000e+00, v2;
	[tilespmem:s4+$0x60] =	vst v0  }
0x1ad: {  	[tilespmem:s4+$0x70] =	vst v1  }
0x1ae: {  	[tilespmem:s4+$0xFFFFFFF0] =	vst v2  }
0x1af: {  	[hbm4b:s10+s2] =	stream.linear.scatter [tilespmem:s28], [sflag:$0x4], $0xA000, $0x38;
	[tilespmem:$0x15900] =	vst v63  }
0x1b0: {  	_ =	swait.ge [sflag:s31], $0xA000  }
0x1b1: {  	[sflag:s31] =	ssyncset.done $0x0  }
0x1b2: {  	s7 =	simm.s32 $0x1180;
	[sflag:s31] =	ssyncadd.s32 $0xFFFF6000  }
0x1b3: {  	[tilespmem:s28], [sflag:$0x2] =	stream.indirect.gather [hbm4b:s3+s17], $0x40, s7, s17, $0xb8;
	[tilespmem:$0x15900] =	vst v63  }
0x1b4: {  	s6 =	simm.s32 $0x1200  }
0x1b5: {  	[tilespmem:s30], [sflag:$0x2] =	stream.indirect.gather [hbm4b:s3+s17], $0x40, s6, s17, $0xb8;
	[tilespmem:$0x15900] =	vst v63  }
0x1b6: {  	s7 =	simm.s32 $0x1280  }
0x1b7: {  	[tilespmem:s1], [sflag:$0x2] =	stream.indirect.gather [hbm4b:s3+s17], $0x40, s7, s17, $0xb8;
	[tilespmem:$0x15900] =	vst v63  }
0x1b8: {  	s6 =	simm.s32 $0x1300  }
0x1b9: {  	[tilespmem:s20], [sflag:$0x2] =	stream.indirect.gather [hbm4b:s3+s17], $0x40, s6, s17, $0xb8;
	[tilespmem:$0x15900] =	vst v63  }
0x1ba: {  	s7 =	simm.s32 $0x1380  }
0x1bb: {  	[tilespmem:s24], [sflag:$0x2] =	stream.indirect.gather [hbm4b:s3+s17], $0x40, s7, s17, $0xb8;
	[tilespmem:$0x15900] =	vst v63  }
0x1bc: {  	_ =	swait.ge [sflag:s26], $0x2000  }
0x1bd: {  	[sflag:s26] =	ssyncset.done $0x0  }
0x1be: {  	[sflag:s26] =	ssyncadd.s32 $0xFFFFE000  }
0x1bf: {  	_ =	swait.ge [sflag:s26], $0x2000  }
0x1c0: {  	[sflag:s26] =	ssyncset.done $0x0  }
0x1c1: {  	[sflag:s26] =	ssyncadd.s32 $0xFFFFE000  }
0x1c2: {  	_ =	swait.ge [sflag:s26], $0x2000  }
0x1c3: {  	[sflag:s26] =	ssyncset.done $0x0  }
0x1c4: {  	[sflag:s26] =	ssyncadd.s32 $0xFFFFE000  }
0x1c5: {  	_ =	swait.ge [sflag:s26], $0x2000  }
0x1c6: {  	[sflag:s26] =	ssyncset.done $0x0  }
0x1c7: {  	[sflag:s26] =	ssyncadd.s32 $0xFFFFE000  }
0x1c8: {  	_ =	swait.ge [sflag:s26], $0x2000  }
0x1c9: {  	[sflag:s26] =	ssyncset.done $0x0  }
0x1ca: {  	s4 =	simm.s32 $0x1980;
	[sflag:s26] =	ssyncadd.s32 $0xFFFFE000  }
0x1cb: {  	v0 =	vld [tilespmem:s4+$0xFFFFFF80]  }
0x1cc: {  	v1 =	vld [tilespmem:s4+$0xFFFFFF90]  }
0x1cd: {  	v2 =	vld [tilespmem:s4+$0xFFFFFFA0]  }
0x1ce: {  	v3 =	vld [tilespmem:s4+$0xFFFFFFB0]  }
0x1cf: {  	v4 =	vld [tilespmem:s4+$0xFFFFFFC0]  }
0x1d0: {  	v5 =	vld [tilespmem:s4+$0xFFFFFFD0];
	v0 =	vadd.f32 $8.000000000e+00, v0  }
0x1d1: {  	v6 =	vld [tilespmem:s4+$0xFFFFFFE0];
	v1 =	vadd.f32 $8.000000000e+00, v1  }
0x1d2: {  	[tilespmem:s4+$0xFFFFFF80] =	vst v0;
	v0 =	vadd.f32 $8.000000000e+00, v2;
	v2 =	vld [tilespmem:s4+$0x0]  }
0x1d3: {  	[tilespmem:s4+$0xFFFFFF90] =	vst v1;
	v1 =	vadd.f32 $8.000000000e+00, v3;
	v3 =	vld [tilespmem:s4+$0x10]  }
0x1d4: {  	[tilespmem:s4+$0xFFFFFFA0] =	vst v0;
	v0 =	vadd.f32 $8.000000000e+00, v4;
	v4 =	vld [tilespmem:s4+$0x20]  }
0x1d5: {  	v7 =	vld [tilespmem:s4+$0x30];
	[tilespmem:s4+$0xFFFFFFB0] =	vst v1;
	v1 =	vadd.f32 $8.000000000e+00, v5  }
0x1d6: {  	v5 =	vadd.f32 $8.000000000e+00, v6;
	[tilespmem:s4+$0xFFFFFFC0] =	vst v0;
	v0 =	vld [tilespmem:s4+$0x40]  }
0x1d7: {  	[tilespmem:s4+$0xFFFFFFD0] =	vst v1;
	v1 =	vld [tilespmem:s4+$0x50];
	v2 =	vadd.f32 $8.000000000e+00, v2  }
0x1d8: {  	[tilespmem:s4+$0xFFFFFFE0] =	vst v5;
	v6 =	vadd.f32 $8.000000000e+00, v3;
	v3 =	vld [tilespmem:s4+$0x60]  }
0x1d9: {  	[tilespmem:s4+$0x0] =	vst v2;
	v5 =	vadd.f32 $8.000000000e+00, v4;
	v4 =	vld [tilespmem:s4+$0x70]  }
0x1da: {  	s6 =	simm.s32 $0x0;
	s7 =	simm.s32 $0x1A80;
	v2 =	vld [tilespmem:s4+$0xFFFFFFF0];
	[tilespmem:s4+$0x10] =	vst v6;
	v6 =	vadd.f32 $8.000000000e+00, v7  }
.LBB2_14:
0x1db: {  	v7 =	vld [tilespmem:s7+$0xFFFFFF80];
	[tilespmem:s4+$0x20] =	vst v5;
	v0 =	vadd.f32 $8.000000000e+00, v0  }
0x1dc: {  	v5 =	vld [tilespmem:s7+$0xFFFFFF90];
	[tilespmem:s4+$0x30] =	vst v6;
	v1 =	vadd.f32 $8.000000000e+00, v1  }
0x1dd: {  	v6 =	vld [tilespmem:s7+$0xFFFFFFA0];
	[tilespmem:s4+$0x40] =	vst v0;
	v0 =	vadd.f32 $8.000000000e+00, v3  }
0x1de: {  	v3 =	vld [tilespmem:s7+$0xFFFFFFB0];
	[tilespmem:s4+$0x50] =	vst v1;
	v1 =	vadd.f32 $8.000000000e+00, v4  }
0x1df: {  	v4 =	vld [tilespmem:s7+$0xFFFFFFC0];
	v2 =	vadd.f32 $8.000000000e+00, v2;
	[tilespmem:s4+$0x60] =	vst v0  }
0x1e0: {  	v0 =	vadd.f32 $8.000000000e+00, v7;
	v7 =	vld [tilespmem:s7+$0xFFFFFFD0];
	[tilespmem:s4+$0x70] =	vst v1  }
0x1e1: {  	v1 =	vadd.f32 $8.000000000e+00, v5;
	v5 =	vld [tilespmem:s7+$0xFFFFFFE0];
	[tilespmem:s4+$0xFFFFFFF0] =	vst v2;
	s4 =	smov.u32 s7  }
0x1e2: {  	[tilespmem:s7+$0xFFFFFF80] =	vst v0;
	v0 =	vadd.f32 $8.000000000e+00, v6;
	v2 =	vld [tilespmem:s7+$0x0]  }
0x1e3: {  	[tilespmem:s7+$0xFFFFFF90] =	vst v1;
	v1 =	vadd.f32 $8.000000000e+00, v3;
	v3 =	vld [tilespmem:s7+$0x10]  }
0x1e4: {  	s6 =	sadd.s32 $0x4, s6;
	[tilespmem:s7+$0xFFFFFFA0] =	vst v0;
	v0 =	vadd.f32 $8.000000000e+00, v4;
	v4 =	vld [tilespmem:s7+$0x20]  }
0x1e5: {  	p0 =	slt.u32 s6, $0x27C;
	[tilespmem:s7+$0xFFFFFFB0] =	vst v1;
	v1 =	vadd.f32 $8.000000000e+00, v7;
	v6 =	vld [tilespmem:s7+$0x30]  }
.Ltmp6:
0x1e6: {  	[tilespmem:s7+$0xFFFFFFC0] =	vst v0;
	v5 =	vadd.f32 $8.000000000e+00, v5;
	v0 =	vld [tilespmem:s7+$0x40];
	(pc) =	sbr.rel @p0 .LBB2_14-.Ltmp6, $4  }
0x1e7: {  	[tilespmem:s7+$0xFFFFFFD0] =	vst v1;
	v2 =	vadd.f32 $8.000000000e+00, v2;
	v1 =	vld [tilespmem:s7+$0x50]  }
0x1e8: {  	[tilespmem:s7+$0xFFFFFFE0] =	vst v5;
	v7 =	vadd.f32 $8.000000000e+00, v3;
	v3 =	vld [tilespmem:s7+$0x60]  }
0x1e9: {  	[tilespmem:s7+$0x0] =	vst v2;
	v5 =	vadd.f32 $8.000000000e+00, v4;
	v4 =	vld [tilespmem:s7+$0x70]  }
0x1ea: {  	s7 =	sadd.s32 $0x100, s7;
	v2 =	vld [tilespmem:s4+$0xFFFFFFF0];
	[tilespmem:s4+$0x10] =	vst v7;
	v6 =	vadd.f32 $8.000000000e+00, v6  }
0x1eb: {  	[tilespmem:s4+$0x20] =	vst v5;
	v0 =	vadd.f32 $8.000000000e+00, v0  }
0x1ec: {  	[tilespmem:s4+$0x30] =	vst v6;
	v1 =	vadd.f32 $8.000000000e+00, v1  }
0x1ed: {  	[tilespmem:s4+$0x40] =	vst v0;
	v0 =	vadd.f32 $8.000000000e+00, v3  }
0x1ee: {  	[tilespmem:s4+$0x50] =	vst v1;
	v1 =	vadd.f32 $8.000000000e+00, v4  }
0x1ef: {  	v2 =	vadd.f32 $8.000000000e+00, v2;
	[tilespmem:s4+$0x60] =	vst v0  }
0x1f0: {  	[tilespmem:s4+$0x70] =	vst v1  }
0x1f1: {  	[tilespmem:s4+$0xFFFFFFF0] =	vst v2  }
0x1f2: {  	[hbm4b:s11+s2] =	stream.linear.scatter [tilespmem:s18], [sflag:$0x3], $0xA000, $0x38;
	[tilespmem:$0x15900] =	vst v63  }
0x1f3: {  	_ =	swait.ge [sflag:s29], $0xA000  }
0x1f4: {  	[sflag:s29] =	ssyncset.done $0x0  }
0x1f5: {  	s7 =	simm.s32 $0x1400;
	[sflag:s29] =	ssyncadd.s32 $0xFFFF6000  }
0x1f6: {  	[tilespmem:s18], [sflag:$0x1] =	stream.indirect.gather [hbm4b:s3+s17], $0x40, s7, s17, $0xb8;
	[tilespmem:$0x15900] =	vst v63  }
0x1f7: {  	s6 =	simm.s32 $0x1480  }
0x1f8: {  	[tilespmem:s19], [sflag:$0x1] =	stream.indirect.gather [hbm4b:s3+s17], $0x40, s6, s17, $0xb8;
	[tilespmem:$0x15900] =	vst v63  }
0x1f9: {  	s7 =	simm.s32 $0x1500  }
0x1fa: {  	[tilespmem:s21], [sflag:$0x1] =	stream.indirect.gather [hbm4b:s3+s17], $0x40, s7, s17, $0xb8;
	[tilespmem:$0x15900] =	vst v63  }
0x1fb: {  	s6 =	simm.s32 $0x1580  }
0x1fc: {  	[tilespmem:s23], [sflag:$0x1] =	stream.indirect.gather [hbm4b:s3+s17], $0x40, s6, s17, $0xb8;
	[tilespmem:$0x15900] =	vst v63  }
0x1fd: {  	s7 =	simm.s32 $0x1600  }
0x1fe: {  	[tilespmem:s25], [sflag:$0x1] =	stream.indirect.gather [hbm4b:s3+s17], $0x40, s7, s17, $0xb8;
	[tilespmem:$0x15900] =	vst v63  }
0x1ff: {  	_ =	swait.ge [sflag:s22], $0x2000  }
0x200: {  	[sflag:s22] =	ssyncset.done $0x0  }
0x201: {  	[sflag:s22] =	ssyncadd.s32 $0xFFFFE000  }
0x202: {  	_ =	swait.ge [sflag:s22], $0x2000  }
0x203: {  	[sflag:s22] =	ssyncset.done $0x0  }
0x204: {  	[sflag:s22] =	ssyncadd.s32 $0xFFFFE000  }
0x205: {  	_ =	swait.ge [sflag:s22], $0x2000  }
0x206: {  	[sflag:s22] =	ssyncset.done $0x0  }
0x207: {  	[sflag:s22] =	ssyncadd.s32 $0xFFFFE000  }
0x208: {  	_ =	swait.ge [sflag:s22], $0x2000  }
0x209: {  	[sflag:s22] =	ssyncset.done $0x0  }
0x20a: {  	[sflag:s22] =	ssyncadd.s32 $0xFFFFE000  }
0x20b: {  	_ =	swait.ge [sflag:s22], $0x2000  }
0x20c: {  	[sflag:s22] =	ssyncset.done $0x0  }
0x20d: {  	s4 =	simm.s32 $0xB980;
	[sflag:s22] =	ssyncadd.s32 $0xFFFFE000  }
0x20e: {  	v0 =	vld [tilespmem:s4+$0xFFFFFF80]  }
0x20f: {  	v1 =	vld [tilespmem:s4+$0xFFFFFF90]  }
0x210: {  	v2 =	vld [tilespmem:s4+$0xFFFFFFA0]  }
0x211: {  	v3 =	vld [tilespmem:s4+$0xFFFFFFB0]  }
0x212: {  	v4 =	vld [tilespmem:s4+$0xFFFFFFC0]  }
0x213: {  	v5 =	vld [tilespmem:s4+$0xFFFFFFD0];
	v0 =	vadd.f32 $8.000000000e+00, v0  }
0x214: {  	v6 =	vld [tilespmem:s4+$0xFFFFFFE0];
	v1 =	vadd.f32 $8.000000000e+00, v1  }
0x215: {  	[tilespmem:s4+$0xFFFFFF80] =	vst v0;
	v0 =	vadd.f32 $8.000000000e+00, v2;
	v2 =	vld [tilespmem:s4+$0x0]  }
0x216: {  	[tilespmem:s4+$0xFFFFFF90] =	vst v1;
	v1 =	vadd.f32 $8.000000000e+00, v3;
	v3 =	vld [tilespmem:s4+$0x10]  }
0x217: {  	[tilespmem:s4+$0xFFFFFFA0] =	vst v0;
	v0 =	vadd.f32 $8.000000000e+00, v4;
	v4 =	vld [tilespmem:s4+$0x20]  }
0x218: {  	v7 =	vld [tilespmem:s4+$0x30];
	[tilespmem:s4+$0xFFFFFFB0] =	vst v1;
	v1 =	vadd.f32 $8.000000000e+00, v5  }
0x219: {  	v5 =	vadd.f32 $8.000000000e+00, v6;
	[tilespmem:s4+$0xFFFFFFC0] =	vst v0;
	v0 =	vld [tilespmem:s4+$0x40]  }
0x21a: {  	[tilespmem:s4+$0xFFFFFFD0] =	vst v1;
	v1 =	vld [tilespmem:s4+$0x50];
	v2 =	vadd.f32 $8.000000000e+00, v2  }
0x21b: {  	[tilespmem:s4+$0xFFFFFFE0] =	vst v5;
	v6 =	vadd.f32 $8.000000000e+00, v3;
	v3 =	vld [tilespmem:s4+$0x60]  }
0x21c: {  	[tilespmem:s4+$0x0] =	vst v2;
	v5 =	vadd.f32 $8.000000000e+00, v4;
	v4 =	vld [tilespmem:s4+$0x70]  }
0x21d: {  	s6 =	simm.s32 $0x0;
	s7 =	simm.s32 $0xBA80;
	v2 =	vld [tilespmem:s4+$0xFFFFFFF0];
	[tilespmem:s4+$0x10] =	vst v6;
	v6 =	vadd.f32 $8.000000000e+00, v7  }
.LBB2_16:
0x21e: {  	v7 =	vld [tilespmem:s7+$0xFFFFFF80];
	[tilespmem:s4+$0x20] =	vst v5;
	v0 =	vadd.f32 $8.000000000e+00, v0  }
0x21f: {  	v5 =	vld [tilespmem:s7+$0xFFFFFF90];
	[tilespmem:s4+$0x30] =	vst v6;
	v1 =	vadd.f32 $8.000000000e+00, v1  }
0x220: {  	v6 =	vld [tilespmem:s7+$0xFFFFFFA0];
	[tilespmem:s4+$0x40] =	vst v0;
	v0 =	vadd.f32 $8.000000000e+00, v3  }
0x221: {  	v3 =	vld [tilespmem:s7+$0xFFFFFFB0];
	[tilespmem:s4+$0x50] =	vst v1;
	v1 =	vadd.f32 $8.000000000e+00, v4  }
0x222: {  	v4 =	vld [tilespmem:s7+$0xFFFFFFC0];
	v2 =	vadd.f32 $8.000000000e+00, v2;
	[tilespmem:s4+$0x60] =	vst v0  }
0x223: {  	v0 =	vadd.f32 $8.000000000e+00, v7;
	v7 =	vld [tilespmem:s7+$0xFFFFFFD0];
	[tilespmem:s4+$0x70] =	vst v1  }
0x224: {  	v1 =	vadd.f32 $8.000000000e+00, v5;
	v5 =	vld [tilespmem:s7+$0xFFFFFFE0];
	[tilespmem:s4+$0xFFFFFFF0] =	vst v2;
	s4 =	smov.u32 s7  }
0x225: {  	[tilespmem:s7+$0xFFFFFF80] =	vst v0;
	v0 =	vadd.f32 $8.000000000e+00, v6;
	v2 =	vld [tilespmem:s7+$0x0]  }
0x226: {  	[tilespmem:s7+$0xFFFFFF90] =	vst v1;
	v1 =	vadd.f32 $8.000000000e+00, v3;
	v3 =	vld [tilespmem:s7+$0x10]  }
0x227: {  	s6 =	sadd.s32 $0x4, s6;
	[tilespmem:s7+$0xFFFFFFA0] =	vst v0;
	v0 =	vadd.f32 $8.000000000e+00, v4;
	v4 =	vld [tilespmem:s7+$0x20]  }
0x228: {  	p0 =	slt.u32 s6, $0x27C;
	[tilespmem:s7+$0xFFFFFFB0] =	vst v1;
	v1 =	vadd.f32 $8.000000000e+00, v7;
	v6 =	vld [tilespmem:s7+$0x30]  }
.Ltmp7:
0x229: {  	[tilespmem:s7+$0xFFFFFFC0] =	vst v0;
	v5 =	vadd.f32 $8.000000000e+00, v5;
	v0 =	vld [tilespmem:s7+$0x40];
	(pc) =	sbr.rel @p0 .LBB2_16-.Ltmp7, $4  }
0x22a: {  	[tilespmem:s7+$0xFFFFFFD0] =	vst v1;
	v2 =	vadd.f32 $8.000000000e+00, v2;
	v1 =	vld [tilespmem:s7+$0x50]  }
0x22b: {  	[tilespmem:s7+$0xFFFFFFE0] =	vst v5;
	v7 =	vadd.f32 $8.000000000e+00, v3;
	v3 =	vld [tilespmem:s7+$0x60]  }
0x22c: {  	[tilespmem:s7+$0x0] =	vst v2;
	v5 =	vadd.f32 $8.000000000e+00, v4;
	v4 =	vld [tilespmem:s7+$0x70]  }
0x22d: {  	s7 =	sadd.s32 $0x100, s7;
	v2 =	vld [tilespmem:s4+$0xFFFFFFF0];
	[tilespmem:s4+$0x10] =	vst v7;
	v6 =	vadd.f32 $8.000000000e+00, v6  }
0x22e: {  	[tilespmem:s4+$0x20] =	vst v5;
	v0 =	vadd.f32 $8.000000000e+00, v0  }
0x22f: {  	[tilespmem:s4+$0x30] =	vst v6;
	v1 =	vadd.f32 $8.000000000e+00, v1  }
0x230: {  	[tilespmem:s4+$0x40] =	vst v0;
	v0 =	vadd.f32 $8.000000000e+00, v3  }
0x231: {  	[tilespmem:s4+$0x50] =	vst v1;
	v1 =	vadd.f32 $8.000000000e+00, v4  }
0x232: {  	v2 =	vadd.f32 $8.000000000e+00, v2;
	[tilespmem:s4+$0x60] =	vst v0  }
0x233: {  	[tilespmem:s4+$0x70] =	vst v1  }
0x234: {  	[tilespmem:s4+$0xFFFFFFF0] =	vst v2  }
0x235: {  	[hbm4b:s12+s2] =	stream.linear.scatter [tilespmem:s28], [sflag:$0x4], $0xA000, $0x38;
	[tilespmem:$0x15900] =	vst v63  }
0x236: {  	_ =	swait.ge [sflag:s31], $0xA000  }
0x237: {  	[sflag:s31] =	ssyncset.done $0x0  }
0x238: {  	s7 =	simm.s32 $0x1680;
	[sflag:s31] =	ssyncadd.s32 $0xFFFF6000  }
0x239: {  	[tilespmem:s28], [sflag:$0x2] =	stream.indirect.gather [hbm4b:s3+s17], $0x40, s7, s17, $0xb8;
	[tilespmem:$0x15900] =	vst v63  }
0x23a: {  	s6 =	simm.s32 $0x1700  }
0x23b: {  	[tilespmem:s30], [sflag:$0x2] =	stream.indirect.gather [hbm4b:s3+s17], $0x40, s6, s17, $0xb8;
	[tilespmem:$0x15900] =	vst v63  }
0x23c: {  	s7 =	simm.s32 $0x1780  }
0x23d: {  	[tilespmem:s1], [sflag:$0x2] =	stream.indirect.gather [hbm4b:s3+s17], $0x40, s7, s17, $0xb8;
	[tilespmem:$0x15900] =	vst v63  }
0x23e: {  	s6 =	simm.s32 $0x1800  }
0x23f: {  	[tilespmem:s20], [sflag:$0x2] =	stream.indirect.gather [hbm4b:s3+s17], $0x40, s6, s17, $0xb8;
	[tilespmem:$0x15900] =	vst v63  }
0x240: {  	s7 =	simm.s32 $0x1880  }
0x241: {  	[tilespmem:s24], [sflag:$0x2] =	stream.indirect.gather [hbm4b:s3+s17], $0x40, s7, s17, $0xb8;
	[tilespmem:$0x15900] =	vst v63  }
0x242: {  	_ =	swait.ge [sflag:s26], $0x2000  }
0x243: {  	[sflag:s26] =	ssyncset.done $0x0  }
0x244: {  	[sflag:s26] =	ssyncadd.s32 $0xFFFFE000  }
0x245: {  	_ =	swait.ge [sflag:s26], $0x2000  }
0x246: {  	[sflag:s26] =	ssyncset.done $0x0  }
0x247: {  	[sflag:s26] =	ssyncadd.s32 $0xFFFFE000  }
0x248: {  	_ =	swait.ge [sflag:s26], $0x2000  }
0x249: {  	[sflag:s26] =	ssyncset.done $0x0  }
0x24a: {  	[sflag:s26] =	ssyncadd.s32 $0xFFFFE000  }
0x24b: {  	_ =	swait.ge [sflag:s26], $0x2000  }
0x24c: {  	[sflag:s26] =	ssyncset.done $0x0  }
0x24d: {  	[sflag:s26] =	ssyncadd.s32 $0xFFFFE000  }
0x24e: {  	_ =	swait.ge [sflag:s26], $0x2000  }
0x24f: {  	[sflag:s26] =	ssyncset.done $0x0  }
0x250: {  	s4 =	simm.s32 $0x1980;
	[sflag:s26] =	ssyncadd.s32 $0xFFFFE000  }
0x251: {  	v0 =	vld [tilespmem:s4+$0xFFFFFF80]  }
0x252: {  	v1 =	vld [tilespmem:s4+$0xFFFFFF90]  }
0x253: {  	v2 =	vld [tilespmem:s4+$0xFFFFFFA0]  }
0x254: {  	v3 =	vld [tilespmem:s4+$0xFFFFFFB0]  }
0x255: {  	v4 =	vld [tilespmem:s4+$0xFFFFFFC0]  }
0x256: {  	v5 =	vld [tilespmem:s4+$0xFFFFFFD0];
	v0 =	vadd.f32 $8.000000000e+00, v0  }
0x257: {  	v6 =	vld [tilespmem:s4+$0xFFFFFFE0];
	v1 =	vadd.f32 $8.000000000e+00, v1  }
0x258: {  	[tilespmem:s4+$0xFFFFFF80] =	vst v0;
	v0 =	vadd.f32 $8.000000000e+00, v2;
	v2 =	vld [tilespmem:s4+$0x0]  }
0x259: {  	[tilespmem:s4+$0xFFFFFF90] =	vst v1;
	v1 =	vadd.f32 $8.000000000e+00, v3;
	v3 =	vld [tilespmem:s4+$0x10]  }
0x25a: {  	[tilespmem:s4+$0xFFFFFFA0] =	vst v0;
	v0 =	vadd.f32 $8.000000000e+00, v4;
	v4 =	vld [tilespmem:s4+$0x20]  }
0x25b: {  	v7 =	vld [tilespmem:s4+$0x30];
	[tilespmem:s4+$0xFFFFFFB0] =	vst v1;
	v1 =	vadd.f32 $8.000000000e+00, v5  }
0x25c: {  	v5 =	vadd.f32 $8.000000000e+00, v6;
	[tilespmem:s4+$0xFFFFFFC0] =	vst v0;
	v0 =	vld [tilespmem:s4+$0x40]  }
0x25d: {  	[tilespmem:s4+$0xFFFFFFD0] =	vst v1;
	v1 =	vld [tilespmem:s4+$0x50];
	v2 =	vadd.f32 $8.000000000e+00, v2  }
0x25e: {  	[tilespmem:s4+$0xFFFFFFE0] =	vst v5;
	v6 =	vadd.f32 $8.000000000e+00, v3;
	v3 =	vld [tilespmem:s4+$0x60]  }
0x25f: {  	[tilespmem:s4+$0x0] =	vst v2;
	v5 =	vadd.f32 $8.000000000e+00, v4;
	v4 =	vld [tilespmem:s4+$0x70]  }
0x260: {  	s6 =	simm.s32 $0x0;
	s7 =	simm.s32 $0x1A80;
	v2 =	vld [tilespmem:s4+$0xFFFFFFF0];
	[tilespmem:s4+$0x10] =	vst v6;
	v6 =	vadd.f32 $8.000000000e+00, v7  }
.LBB2_18:
0x261: {  	v7 =	vld [tilespmem:s7+$0xFFFFFF80];
	[tilespmem:s4+$0x20] =	vst v5;
	v0 =	vadd.f32 $8.000000000e+00, v0  }
0x262: {  	v5 =	vld [tilespmem:s7+$0xFFFFFF90];
	[tilespmem:s4+$0x30] =	vst v6;
	v1 =	vadd.f32 $8.000000000e+00, v1  }
0x263: {  	v6 =	vld [tilespmem:s7+$0xFFFFFFA0];
	[tilespmem:s4+$0x40] =	vst v0;
	v0 =	vadd.f32 $8.000000000e+00, v3  }
0x264: {  	v3 =	vld [tilespmem:s7+$0xFFFFFFB0];
	[tilespmem:s4+$0x50] =	vst v1;
	v1 =	vadd.f32 $8.000000000e+00, v4  }
0x265: {  	v4 =	vld [tilespmem:s7+$0xFFFFFFC0];
	v2 =	vadd.f32 $8.000000000e+00, v2;
	[tilespmem:s4+$0x60] =	vst v0  }
0x266: {  	v0 =	vadd.f32 $8.000000000e+00, v7;
	v7 =	vld [tilespmem:s7+$0xFFFFFFD0];
	[tilespmem:s4+$0x70] =	vst v1  }
0x267: {  	v1 =	vadd.f32 $8.000000000e+00, v5;
	v5 =	vld [tilespmem:s7+$0xFFFFFFE0];
	[tilespmem:s4+$0xFFFFFFF0] =	vst v2;
	s4 =	smov.u32 s7  }
0x268: {  	[tilespmem:s7+$0xFFFFFF80] =	vst v0;
	v0 =	vadd.f32 $8.000000000e+00, v6;
	v2 =	vld [tilespmem:s7+$0x0]  }
0x269: {  	[tilespmem:s7+$0xFFFFFF90] =	vst v1;
	v1 =	vadd.f32 $8.000000000e+00, v3;
	v3 =	vld [tilespmem:s7+$0x10]  }
0x26a: {  	s6 =	sadd.s32 $0x4, s6;
	[tilespmem:s7+$0xFFFFFFA0] =	vst v0;
	v0 =	vadd.f32 $8.000000000e+00, v4;
	v4 =	vld [tilespmem:s7+$0x20]  }
0x26b: {  	p0 =	slt.u32 s6, $0x27C;
	[tilespmem:s7+$0xFFFFFFB0] =	vst v1;
	v1 =	vadd.f32 $8.000000000e+00, v7;
	v6 =	vld [tilespmem:s7+$0x30]  }
.Ltmp8:
0x26c: {  	[tilespmem:s7+$0xFFFFFFC0] =	vst v0;
	v5 =	vadd.f32 $8.000000000e+00, v5;
	v0 =	vld [tilespmem:s7+$0x40];
	(pc) =	sbr.rel @p0 .LBB2_18-.Ltmp8, $4  }
0x26d: {  	[tilespmem:s7+$0xFFFFFFD0] =	vst v1;
	v2 =	vadd.f32 $8.000000000e+00, v2;
	v1 =	vld [tilespmem:s7+$0x50]  }
0x26e: {  	[tilespmem:s7+$0xFFFFFFE0] =	vst v5;
	v7 =	vadd.f32 $8.000000000e+00, v3;
	v3 =	vld [tilespmem:s7+$0x60]  }
0x26f: {  	[tilespmem:s7+$0x0] =	vst v2;
	v5 =	vadd.f32 $8.000000000e+00, v4;
	v4 =	vld [tilespmem:s7+$0x70]  }
0x270: {  	s7 =	sadd.s32 $0x100, s7;
	v2 =	vld [tilespmem:s4+$0xFFFFFFF0];
	[tilespmem:s4+$0x10] =	vst v7;
	v6 =	vadd.f32 $8.000000000e+00, v6  }
0x271: {  	[tilespmem:s4+$0x20] =	vst v5;
	v0 =	vadd.f32 $8.000000000e+00, v0  }
0x272: {  	[tilespmem:s4+$0x30] =	vst v6;
	v1 =	vadd.f32 $8.000000000e+00, v1  }
0x273: {  	[tilespmem:s4+$0x40] =	vst v0;
	v0 =	vadd.f32 $8.000000000e+00, v3  }
0x274: {  	[tilespmem:s4+$0x50] =	vst v1;
	v1 =	vadd.f32 $8.000000000e+00, v4  }
0x275: {  	v2 =	vadd.f32 $8.000000000e+00, v2;
	[tilespmem:s4+$0x60] =	vst v0  }
0x276: {  	[tilespmem:s4+$0x70] =	vst v1  }
0x277: {  	[tilespmem:s4+$0xFFFFFFF0] =	vst v2  }
0x278: {  	[hbm4b:s13+s2] =	stream.linear.scatter [tilespmem:s18], [sflag:$0x3], $0xA000, $0x38;
	[tilespmem:$0x15900] =	vst v63  }
0x279: {  	_ =	swait.ge [sflag:s22], $0x2000  }
0x27a: {  	[sflag:s22] =	ssyncset.done $0x0  }
0x27b: {  	[sflag:s22] =	ssyncadd.s32 $0xFFFFE000  }
0x27c: {  	_ =	swait.ge [sflag:s22], $0x2000  }
0x27d: {  	[sflag:s22] =	ssyncset.done $0x0  }
0x27e: {  	[sflag:s22] =	ssyncadd.s32 $0xFFFFE000  }
0x27f: {  	_ =	swait.ge [sflag:s22], $0x2000  }
0x280: {  	[sflag:s22] =	ssyncset.done $0x0  }
0x281: {  	[sflag:s22] =	ssyncadd.s32 $0xFFFFE000  }
0x282: {  	_ =	swait.ge [sflag:s22], $0x2000  }
0x283: {  	[sflag:s22] =	ssyncset.done $0x0  }
0x284: {  	[sflag:s22] =	ssyncadd.s32 $0xFFFFE000  }
0x285: {  	_ =	swait.ge [sflag:s22], $0x2000  }
0x286: {  	[sflag:s22] =	ssyncset.done $0x0  }
0x287: {  	s4 =	simm.s32 $0xB980;
	[sflag:s22] =	ssyncadd.s32 $0xFFFFE000  }
0x288: {  	v0 =	vld [tilespmem:s4+$0xFFFFFF80]  }
0x289: {  	v1 =	vld [tilespmem:s4+$0xFFFFFF90]  }
0x28a: {  	v2 =	vld [tilespmem:s4+$0xFFFFFFA0]  }
0x28b: {  	v3 =	vld [tilespmem:s4+$0xFFFFFFB0]  }
0x28c: {  	v4 =	vld [tilespmem:s4+$0xFFFFFFC0]  }
0x28d: {  	v5 =	vld [tilespmem:s4+$0xFFFFFFD0];
	v0 =	vadd.f32 $8.000000000e+00, v0  }
0x28e: {  	v6 =	vld [tilespmem:s4+$0xFFFFFFE0];
	v1 =	vadd.f32 $8.000000000e+00, v1  }
0x28f: {  	[tilespmem:s4+$0xFFFFFF80] =	vst v0;
	v0 =	vadd.f32 $8.000000000e+00, v2;
	v2 =	vld [tilespmem:s4+$0x0]  }
0x290: {  	[tilespmem:s4+$0xFFFFFF90] =	vst v1;
	v1 =	vadd.f32 $8.000000000e+00, v3;
	v3 =	vld [tilespmem:s4+$0x10]  }
0x291: {  	[tilespmem:s4+$0xFFFFFFA0] =	vst v0;
	v0 =	vadd.f32 $8.000000000e+00, v4;
	v4 =	vld [tilespmem:s4+$0x20]  }
0x292: {  	v7 =	vld [tilespmem:s4+$0x30];
	[tilespmem:s4+$0xFFFFFFB0] =	vst v1;
	v1 =	vadd.f32 $8.000000000e+00, v5  }
0x293: {  	v5 =	vadd.f32 $8.000000000e+00, v6;
	[tilespmem:s4+$0xFFFFFFC0] =	vst v0;
	v0 =	vld [tilespmem:s4+$0x40]  }
0x294: {  	[tilespmem:s4+$0xFFFFFFD0] =	vst v1;
	v1 =	vld [tilespmem:s4+$0x50];
	v2 =	vadd.f32 $8.000000000e+00, v2  }
0x295: {  	[tilespmem:s4+$0xFFFFFFE0] =	vst v5;
	v6 =	vadd.f32 $8.000000000e+00, v3;
	v3 =	vld [tilespmem:s4+$0x60]  }
0x296: {  	[tilespmem:s4+$0x0] =	vst v2;
	v5 =	vadd.f32 $8.000000000e+00, v4;
	v4 =	vld [tilespmem:s4+$0x70]  }
0x297: {  	s6 =	simm.s32 $0x0;
	s7 =	simm.s32 $0xBA80;
	v2 =	vld [tilespmem:s4+$0xFFFFFFF0];
	[tilespmem:s4+$0x10] =	vst v6;
	v6 =	vadd.f32 $8.000000000e+00, v7  }
.LBB2_20:
0x298: {  	v7 =	vld [tilespmem:s7+$0xFFFFFF80];
	[tilespmem:s4+$0x20] =	vst v5;
	v0 =	vadd.f32 $8.000000000e+00, v0  }
0x299: {  	v5 =	vld [tilespmem:s7+$0xFFFFFF90];
	[tilespmem:s4+$0x30] =	vst v6;
	v1 =	vadd.f32 $8.000000000e+00, v1  }
0x29a: {  	v6 =	vld [tilespmem:s7+$0xFFFFFFA0];
	[tilespmem:s4+$0x40] =	vst v0;
	v0 =	vadd.f32 $8.000000000e+00, v3  }
0x29b: {  	v3 =	vld [tilespmem:s7+$0xFFFFFFB0];
	[tilespmem:s4+$0x50] =	vst v1;
	v1 =	vadd.f32 $8.000000000e+00, v4  }
0x29c: {  	v4 =	vld [tilespmem:s7+$0xFFFFFFC0];
	v2 =	vadd.f32 $8.000000000e+00, v2;
	[tilespmem:s4+$0x60] =	vst v0  }
0x29d: {  	v0 =	vadd.f32 $8.000000000e+00, v7;
	v7 =	vld [tilespmem:s7+$0xFFFFFFD0];
	[tilespmem:s4+$0x70] =	vst v1  }
0x29e: {  	v1 =	vadd.f32 $8.000000000e+00, v5;
	v5 =	vld [tilespmem:s7+$0xFFFFFFE0];
	[tilespmem:s4+$0xFFFFFFF0] =	vst v2;
	s4 =	smov.u32 s7  }
0x29f: {  	[tilespmem:s7+$0xFFFFFF80] =	vst v0;
	v0 =	vadd.f32 $8.000000000e+00, v6;
	v2 =	vld [tilespmem:s7+$0x0]  }
0x2a0: {  	[tilespmem:s7+$0xFFFFFF90] =	vst v1;
	v1 =	vadd.f32 $8.000000000e+00, v3;
	v3 =	vld [tilespmem:s7+$0x10]  }
0x2a1: {  	s6 =	sadd.s32 $0x4, s6;
	[tilespmem:s7+$0xFFFFFFA0] =	vst v0;
	v0 =	vadd.f32 $8.000000000e+00, v4;
	v4 =	vld [tilespmem:s7+$0x20]  }
0x2a2: {  	p0 =	slt.u32 s6, $0x27C;
	[tilespmem:s7+$0xFFFFFFB0] =	vst v1;
	v1 =	vadd.f32 $8.000000000e+00, v7;
	v6 =	vld [tilespmem:s7+$0x30]  }
.Ltmp9:
0x2a3: {  	[tilespmem:s7+$0xFFFFFFC0] =	vst v0;
	v5 =	vadd.f32 $8.000000000e+00, v5;
	v0 =	vld [tilespmem:s7+$0x40];
	(pc) =	sbr.rel @p0 .LBB2_20-.Ltmp9, $4  }
0x2a4: {  	[tilespmem:s7+$0xFFFFFFD0] =	vst v1;
	v2 =	vadd.f32 $8.000000000e+00, v2;
	v1 =	vld [tilespmem:s7+$0x50]  }
0x2a5: {  	[tilespmem:s7+$0xFFFFFFE0] =	vst v5;
	v7 =	vadd.f32 $8.000000000e+00, v3;
	v3 =	vld [tilespmem:s7+$0x60]  }
0x2a6: {  	[tilespmem:s7+$0x0] =	vst v2;
	v5 =	vadd.f32 $8.000000000e+00, v4;
	v4 =	vld [tilespmem:s7+$0x70]  }
0x2a7: {  	s7 =	sadd.s32 $0x100, s7;
	v2 =	vld [tilespmem:s4+$0xFFFFFFF0];
	[tilespmem:s4+$0x10] =	vst v7;
	v6 =	vadd.f32 $8.000000000e+00, v6  }
0x2a8: {  	[tilespmem:s4+$0x20] =	vst v5;
	v0 =	vadd.f32 $8.000000000e+00, v0  }
0x2a9: {  	[tilespmem:s4+$0x30] =	vst v6;
	v1 =	vadd.f32 $8.000000000e+00, v1  }
0x2aa: {  	[tilespmem:s4+$0x40] =	vst v0;
	v62 =	vadd.f32 $8.000000000e+00, v3  }
0x2ab: {  	[tilespmem:s4+$0x50] =	vst v1;
	v63 =	vadd.f32 $8.000000000e+00, v4  }
0x2ac: {  	v2 =	vadd.f32 $8.000000000e+00, v2;
	[tilespmem:s4+$0x60] =	vst v62  }
0x2ad: {  	[tilespmem:s4+$0x70] =	vst v63  }
0x2ae: {  	s0 =	sadd.s32 $0x1, s0;
	[tilespmem:s4+$0xFFFFFFF0] =	vst v2  }
0x2af: {  	[hbm4b:s14+s2] =	stream.linear.scatter [tilespmem:s28], [sflag:$0x4], $0xA000, $0x38;
	[tilespmem:$0x15900] =	vst v63  }
0x2b0: {  	p0 =	sne.s32 s0, s15;
	_ =	swait.ge [sflag:s29], $0xA000  }
.Ltmp10:
0x2b1: {  	[sflag:s29] =	ssyncset.done $0x0;
	(pc) =	sbr.rel @p0 .LBB2_1-.Ltmp10, $4  }
0x2b2: {  	[sflag:s29] =	ssyncadd.s32 $0xFFFF6000  }
0x2b3: {  	_ =	swait.ge [sflag:s31], $0xA000  }
0x2b4: {  	[sflag:s31] =	ssyncset.done $0x0  }
0x2b5: {  	[sflag:s31] =	ssyncadd.s32 $0xFFFF6000  }
0x2b6: {  	_ =	sfence.sel $0x180000  }
0x2b7: {  	[bflag:$0x0] =	sbarrier.arrive $0xFFFF  }
0x2b8: {  	_ =	strace $0x90000047  }
0x2b9: {  	s0 =	stileid.u32;
	[bflag:$0x2] =	sbarrier.arrive $0xFFFF  }
0x2ba: {  	p0 =	sne.s32 s0, $0x0;
	s0 =	rddreg [dreg:$0x3]  }
0x2bb: {  	s0 =	sadd.s32 @!p0 $0x100000, s0  }
0x2bc: {  	[sflag:s0] =	ssyncadd.tile.s32 @!p0 $0x1;
	_ =	shalt  }
.Lfunc_end2:
_tile_overlayer_lowered:
.L_overlay_start_2:
0x2bd: {  	(tag) =	ssettag $0x2  }
0x2be: {  	s0 =	rddreg [dreg:$0x0];
	s2 =	stileid.u32  }
0x2bf: {  	s1 =	rddreg [dreg:$0x1];
	p0 =	sne.s32 s2, $0x0  }
0x2c0: {  	s3 =	rddreg [dreg:$0x2];
	[bflag:$0x3] =	sbarrier.arrive $0xFFFF;
	s2 =	simm.s32 @!p0 $0x1C05  }
0x2c1: {  	[timem:s3], [sflag:s2] =	dma.local @!p0 [hbm:s0], s1  }
0x2c2: {  	s0 =	simm.s32 @!p0 $0x5  }
0x2c3: {  	_ =	swait.ge @!p0 [sflag:s0], s1  }
0x2c4: {  	s1 =	ssub.s32 @!p0 $0x0, s1;
	[sflag:s0] =	ssyncset.done @!p0 $0x0  }
0x2c5: {  	[sflag:s0] =	ssyncadd.s32 @!p0 s1  }
0x2c6: {  	[bflag:$0x3] =	sbarrier.arrive $0xFFFF  }
0x2c7: {  	_ =	shalt  }

// kernel: sparse-core-data-format-call.cloned.1.call-start
scs
called_computation_lowered:
.L_overlay_start_0:
0x0: {  	s2 =	sld [smem:$0x3FD9]  }
0x1: {  	s3 =	sld [smem:$0x3FFE];
	_ =	sdelay $0x1  }
0x2: {  	s1 =	srdreg.scid  }
0x3: {  	s0 =	sand.u32 $0x1, s1  }
0x4: {  	s18 =	sshll.u32 s0, $0xA;
	s2 =	sadd.s32 s3, s2  }
0x5: {  	s2 =	sadd.s32 s2, s18  }
0x6: {  	[smem:$0x3FC6] =	sst s2  }
0x7: {  	_ = 	snop  }
0x8: {  	s2 =	sld [smem:$0x3FD0];
	(tm) =	ssettm $0x1  }
0x9: {  	s19 =	sld [smem:$0x3FFB];
	_ =	sdelay $0x3  }
0xa: {  	_ =	strace s19  }
0xb: {  	s3 =	sld [smem:$0x3FFC];
	_ =	sdelay $0x3  }
0xc: {  	_ =	strace s3  }
0xd: {  	s3 =	sld [smem:$0x3FFD];
	_ =	sdelay $0x3  }
0xe: {  	_ =	strace s3  }
0xf: {  	_ =	strace $0x8FFFFFFF  }
0x10: {  	s20 =	sld [smem:$0x3FDB];
	_ =	sdelay $0x1  }
0x11: {  	s4 =	simm.s32 $_scs_section_size  }
0x12: {  	s5 =	simm.s32 $_size__tile_overlayer_lowered;
	s6 =	simm.s32 $_tile_overlayer_lowered  }
0x13: {  	s23 =	simm.s32 $0x1BFF;
	s22 =	sshll.u32 s6, $0x1;
	s3 =	sadd.s32 s4, s20  }
0x14: {  	s7 =	simm.s32 $0x0;
	s21 =	sshll.u32 s5, $0x1;
	s5 =	sadd.s32 s22, s3  }
0x15: {  	[timem:s7], [sflag:s23] =	dma.local [hbm:s5], s21  }
0x16: {  	_ =	swait.ge [sflag:s23], s21  }
0x17: {  	s4 =	ssub.s32 $0x0, s21;
	[sflag:s23] =	ssyncset.done $0x0  }
0x18: {  	[sflag:s23] =	ssyncadd.s32 s4;
	_ =	sdelay $0x1  }
0x19: {  	s24 =	simm.s32 $0x1B8B  }
0x1a: {  	_ =	swait.ge [sflag:s24], $0x1  }
0x1b: {  	[sflag:s24] =	ssyncset.done $0x0  }
0x1c: {  	s26 =	simm.s32 $0x1B8E;
	s25 =	sld [smem:$0x3FFE];
	[sflag:s24] =	ssyncadd.s32 $0xFFFFFFFF  }
0x1d: {  	s27 =	simm.s32 $execute0_lowered;
	[smem:$0x3FD2] =	sst s26  }
0x1e: {  	s5 =	sshll.u32 s27, $0x1;
	_ =	strace $0x80000049;
	[dreg:$0x1] =	wrdreg $0xFFFFFFFF  }
0x1f: {  	s28 =	simm.s32 $_size_execute0_lowered;
	s3 =	sadd.s32 s3, s5;
	[dreg:$0x0] =	wrdreg $0x0  }
0x20: {  	s5 =	sshll.u32 s28, $0x1;
	[dreg:$0x2] =	wrdreg s3  }
0x21: {  	[dreg:$0x3] =	wrdreg s5  }
0x22: {  	[dreg:$0x4] =	wrdreg $0xC0  }
0x23: {  	_ =	task [dreg:s7], $0x5FFFF  }
0x24: {  	[dreg:$0x1] =	wrdreg $0xFFFFFFFF  }
0x25: {  	[dreg:$0x0] =	wrdreg $0x60  }
0x26: {  	[dreg:$0x2] =	wrdreg s25  }
0x27: {  	[dreg:$0x3] =	wrdreg s2  }
0x28: {  	[dreg:$0x4] =	wrdreg $0x9  }
0x29: {  	_ =	task.clear_ibuf [dreg:s7], $0x5FFFF;
	_ =	strace $0x90000049  }
0x2a: {  	s29 =	simm.s32 $0x9;
	_ =	strace $0x8000004B  }
0x2b: {  	_ =	swait.ge [sflag:s29], $0x1  }
0x2c: {  	[sflag:s29] =	ssyncadd.s32 $0xFFFFFFFF  }
0x2d: {  	_ =	strace $0x9000004B  }
0x2e: {  	_ =	sfence  }
0x2f: {  	s30 =	sld [smem:$0x0];
	_ =	sdelay $0x2  }
0x30: {  	s31 =	sshll.u32 s1, $0xD;
	s1 =	sshrl.u32 s1, $0x2  }
0x31: {  	s3 =	sand.u32 $0x4000, s31;
	s1 =	sadd.s32 s1, s30  }
0x32: {  	s0 =	sor.u32 s3, s0;
	s1 =	sshll.u32 s1, $0x11  }
0x33: {  	s0 =	sor.u32 s1, s0  }
0x34: {  	s0 =	sadd.s32 $0x8F2B, s0  }
0x35: {  	[sflag:s0] =	ssyncadd.remote.s32 $0x1  }
0x36: {  	_ =	sfence.sel $0xFFFF  }
0x37: {  	[dreg:$0x0] =	wrdreg $0xFFFFFFFF;
	(pc) =	sbr.abs _section_cstart, $3  }
0x38: {  	[dreg:$0x1] =	wrdreg $0xFFFFFFFF  }
0x39: {  	_ =	task.clear_ibuf [dreg:s7], $0x2FFFF;
	_ =	strace $0x9FFFFFFF  }
0x3a: {  	(tm) =	ssettm $0x7FFFFFFF  }
0x3b: {  	_ =	shalt  }
tec
execute0_lowered:
.L_overlay_start_1:
0x0: {  	(tag) =	ssettag $0x1  }
0x1: {  	s0 =	srdreg.scid  }
0x2: {  	s1 =	sshll.u32 s0, $0x4  }
0x3: {  	s4 =	rddreg [dreg:$0x0];
	s0 =	stileid.u32;
	s1 =	sand.u32 $0x10, s1  }
0x4: {  	s2 =	rddreg [dreg:$0x1];
	s7 =	simm.s32 $0x1;
	s1 =	sor.u32 s0, s1  }
0x5: {  	s8 =	simm.s32 $0x2;
	s11 =	simm.s32 $0x0;
	s3 =	sshll.u32 s1, $0x7  }
0x6: {  	s10 =	simm.s32 $0x0;
	s4 =	sadd.s32 $0x800, s4;
	s6 =	ssub.s32 $0x32000, s3  }
.Ltmp0:
0x7: {  	s1 =	rddreg [dreg:$0x2];
	s5 =	sand.u32 $0xF80, s6;
	(pc) =	sbr.rel .LBB1_1-.Ltmp0, $4  }
0x8: {  	_ =	strace $0x8000004A;
	s9 =	smov.u32 s3;
	p0 =	sne.s32 s5, $0x0  }
0x9: {  	s6 =	sshrl.u32 s6, $0xC;
	s5 =	simm.s32 $0x1;
	s7 =	simm.s32 @!p0 $0x0  }
0xa: {  	[sflag:s5] =	ssyncpa.u1 $0x0;
	p0 =	por $0x0, $0x0;
	s6 =	sadd.s32 s7, s6  }
0xb: {  	[sflag:s8] =	ssyncpa.u1 $0x0;
	s8 =	simm.s32 $0x190000;
	s7 =	sadd.s32 $0x1, s6  }
.LBB1_4:
0xc: {  	s14 =	sshll.u32 s11, $0x3  }
0xd: {  	s30 =	sand.u32 $0x7F, s11;
	s15 =	sand.u32 $0xFFFFFC00, s14  }
0xe: {  	s11 =	sor.u32 s30, s15  }
0xf: {  	s15 =	smulhi.u32 $0x51EB851F, s11  }
0x10: {  	s14 =	smulhi.u32 $0x51EB851F, s14  }
0x11: {  	s15 =	sshrl.u32 s15, $0x10  }
0x12: {  	s14 =	sshrl.u32 s14, $0x10;
	s15 =	smul.u32 $0x32000, s15  }
0x13: {  	s14 =	sand.u32 $0x3F, s14  }
0x14: {  	s14 =	smul.u32 $0x6400, s14;
	s11 =	ssub.s32 s11, s15  }
0x15: {  	[tilespmem:s13+$0x810 ss:$0x81] =	vst.msk $0xffff, v2;
	s15 =	sand.u32 $0x7, s11  }
0x16: {  	[tilespmem:s13+$0x1020 ss:$0x81] =	vst.msk $0xffff, v0;
	s14 =	sadd.s32 s2, s14;
	s11 =	sshrl.u32 s11, $0x3;
	s15 =	sshll.u32 s15, $0x12  }
0x17: {  	[tilespmem:s13+$0x0 ss:$0x81] =	vst.msk $0xffff, v1;
	s11 =	sadd.s32 s11, s14;
	s31 =	sor.u32 $0x400, s15  }
0x18: {  	[hbm4b:s11+s31] =	stream.strided.scatter [tilespmem:s12], [sflag:$0x2], $0x2000, s8, s31, $0x20;
	[tilespmem:$0x8080] =	vst v63  }
.LBB1_5:
0x19: {  	s13 =	sadd.s32 $0x1000, s9  }
0x1a: {  	p2 =	sgt.s32 s13, $0x31FFF  }
0x1b: {  	s13 =	smov.u32 @p2 s3;
	p2 =	sne.s32 s10, s7  }
.Ltmp1:
0x1c: {  	p1 =	slt.u32 s10, $0x2;
	(pc) =	sbr.rel @!p2 .LBB1_6-.Ltmp1, $4  }
0x1d: {  	s12 =	simm.s32 @!p1 $0x2  }
0x1e: {  	s14 =	sadd.s32 $0x1, s10;
	_ =	swait.ge @!p1 [sflag:s12], $0x2000  }
0x1f: {  	s11 =	smov.u32 s9;
	p0 =	por !p0, !p0;
	[sflag:s12] =	ssyncset.done @!p1 $0x0  }
0x20: {  	s10 =	smov.u32 s14;
	s9 =	smov.u32 s13;
	[sflag:s12] =	ssyncadd.s32 @!p1 $0xFFFFE000  }
.LBB1_1:
0x21: {  	p1 =	sge.u32 s10, s6  }
0x22: {  	s12 =	sand.u32 @!p1 $0x1FFFFFF, s9  }
0x23: {  	s13 =	smulhi.u32 @!p1 $0x147AE15, s12;
	_ =	sdelay $0x1  }
0x24: {  	s13 =	sshrl.u32 @!p1 s13, $0xA  }
0x25: {  	s13 =	smul.u32 @!p1 $0x32000, s13;
	_ =	sdelay $0x1  }
0x26: {  	s31 =	sadd.s32 $0xFFFFFFFF, s10;
	s14 =	sxor.u32 @!p1 $0xFFFFFFFF, s10;
	s12 =	ssub.s32 @!p1 s12, s13  }
0x27: {  	s15 =	simm.s32 @!p1 $0x80;
	s14 =	sshll.u32 @!p1 s14, $0xD;
	s12 =	sshll.u32 @!p1 s12, $0x4  }
0x28: {  	s13 =	sand.u32 @!p1 $0x2000, s14;
	s14 =	simm.s32 @!p1 $0x40;
	s12 =	sadd.s32 @!p1 s4, s12  }
0x29: {  	[tilespmem:s13], [sflag:$0x1] =	stream.strided.gather @!p1 [hbm4b:s12+s14], $0x2000, s15, s14, $0x38;
	[tilespmem:$0x8080] =	vst v63  }
0x2a: {  	p1 =	sge.u32 s31, s6  }
.Ltmp2:
0x2b: {  	_ = 	snop;
	(pc) =	sbr.rel @p1 .LBB1_5-.Ltmp2, $1  }
0x2c: {  	_ =	sdelay $0x3  }
0x2d: {  	s12 =	simm.s32 $0x1  }
0x2e: {  	_ =	swait.ge [sflag:s5], $0x2000;
	s12 =	simm.s32 @!p0 $0x0  }
0x2f: {  	[sflag:s5] =	ssyncset.done $0x0;
	s13 =	sshll.u32 s12, $0xD  }
0x30: {  	[sflag:s5] =	ssyncadd.s32 $0xFFFFE000;
	s16 =	sor.u32 $0x20, s13  }
0x31: {  	s12 =	smul.u32 $0x8100, s12;
	v3 =	vld [tilespmem:s16+$0x10]  }
0x32: {  	s30 =	sand.u32 $0x1, s10;
	v2 =	vld [tilespmem:s16+$0xFFFFFFF0]  }
0x33: {  	s13 =	smul.u32 $0x8100, s30;
	s12 =	sshrl.u32 s12, $0x2;
	v0 =	vld [tilespmem:s16+$0x0]  }
0x34: {  	v1 =	vld [tilespmem:s16+$0xFFFFFFE0];
	s14 =	sor.u32 $0x4000, s12  }
0x35: {  	s31 =	sshrl.u32 s13, $0x2;
	s13 =	sadd.s32 $0x0, s14  }
0x36: {  	s15 =	simm.s32 $0x4;
	s16 =	sadd.s32 $0x40, s16;
	s12 =	sor.u32 $0x4000, s31;
	[tilespmem:s13+$0x1830 ss:$0x81] =	vst.msk $0xffff, v3  }
.LBB1_3:
0x37: {  	v3 =	vld [tilespmem:s16+$0x10];
	p1 =	sne.s32 s15, $0x1FC;
	[tilespmem:s13+$0x810 ss:$0x81] =	vst.msk $0xffff, v2;
	s17 =	smov.u32 s15;
	s15 =	sadd.s32 $0x4, s15  }
.Ltmp3:
0x38: {  	v2 =	vld [tilespmem:s16+$0xFFFFFFF0];
	[tilespmem:s13+$0x1020 ss:$0x81] =	vst.msk $0xffff, v0;
	(pc) =	sbr.rel @p1 .LBB1_3-.Ltmp3, $4  }
0x39: {  	v0 =	vld [tilespmem:s16+$0x0];
	[tilespmem:s13+$0x0 ss:$0x81] =	vst.msk $0xffff, v1  }
0x3a: {  	s13 =	sshra.s32 s17, $0x2;
	v1 =	vld [tilespmem:s16+$0xFFFFFFE0]  }
0x3b: {  	s13 =	sadd.s32 s13, s14  }
0x3c: {  	s16 =	sadd.s32 $0x40, s16;
	[tilespmem:s13+$0x1830 ss:$0x81] =	vst.msk $0xffff, v3  }
.Ltmp4:
0x3d: {  	_ = 	snop;
	(pc) =	sbr.rel .LBB1_4-.Ltmp4, $1  }
0x3e: {  	_ =	sdelay $0x3  }
.LBB1_6:
0x3f: {  	_ =	sfence.sel $0x180000  }
0x40: {  	s2 =	simm.s32 $0x1;
	[bflag:$0x0] =	sbarrier.arrive $0xFFFF  }
0x41: {  	s31 =	simm.s32 $0x2;
	[sflag:s2] =	ssyncpa.u1 $0x1  }
0x42: {  	[sflag:s31] =	ssyncpa.u1 $0x1  }
0x43: {  	p0 =	sne.s32 s0, $0x0;
	_ =	strace $0x9000004A  }
0x44: {  	s0 =	sadd.s32 @!p0 $0x100000, s1;
	[bflag:$0x2] =	sbarrier.arrive $0xFFFF  }
0x45: {  	[sflag:s0] =	ssyncadd.tile.s32 @!p0 $0x1;
	_ =	shalt  }
.Lfunc_end1:
_tile_overlayer_lowered:
.L_overlay_start_2:
0x46: {  	(tag) =	ssettag $0x2  }
0x47: {  	s0 =	rddreg [dreg:$0x0];
	s2 =	stileid.u32  }
0x48: {  	s1 =	rddreg [dreg:$0x1];
	p0 =	sne.s32 s2, $0x0  }
0x49: {  	s3 =	rddreg [dreg:$0x2];
	[bflag:$0x3] =	sbarrier.arrive $0xFFFF;
	s2 =	simm.s32 @!p0 $0x1C01  }
0x4a: {  	[timem:s3], [sflag:s2] =	dma.local @!p0 [hbm:s0], s1  }
0x4b: {  	s0 =	simm.s32 @!p0 $0x1  }
0x4c: {  	_ =	swait.ge @!p0 [sflag:s0], s1  }
0x4d: {  	s1 =	ssub.s32 @!p0 $0x0, s1;
	[sflag:s0] =	ssyncset.done @!p0 $0x0  }
0x4e: {  	[sflag:s0] =	ssyncadd.s32 @!p0 s1  }
0x4f: {  	[bflag:$0x3] =	sbarrier.arrive $0xFFFF  }
0x50: {  	_ =	shalt  }

</sc_bundles>
